<compile_context>
chip_gen: v7x
topology: tpu7x:2x2x1
jax: 0.10.2.dev20260603
libtpu: 0.0.44.dev20260713+nightly
codegen_flags: <defaults>
</compile_context>

<pallas_src>
import functools

import jax
import jax.numpy as jnp
from jax import lax
from jax.experimental import pallas as pl
from jax.experimental.pallas import tpu as pltpu
from jax.experimental.pallas import tpu_sc as plsc

LANES = 16
CSTRIP = 16


def _iota16():
    return lax.iota(jnp.int32, LANES)


def _make_scan(rows, cols, num_cores, num_subcores, chunk_rows):
    chalf = cols // num_cores
    rpw = rows // num_subcores
    nchunks = rpw // chunk_rows
    ngroups = chalf // LANES

    mesh = plsc.VectorSubcoreMesh(core_axis_name="c", subcore_axis_name="s")

    @functools.partial(
        pl.kernel,
        out_type=jax.ShapeDtypeStruct((rows, cols), jnp.float32),
        mesh=mesh,
        scratch_types=[
            pltpu.VMEM((chunk_rows, chalf), jnp.float32),
            pltpu.VMEM((chunk_rows, chalf), jnp.float32),
            pltpu.VMEM((chunk_rows, chalf), jnp.float32),
            pltpu.VMEM((chunk_rows, chalf), jnp.float32),
            pltpu.VMEM((num_subcores * chalf,), jnp.float32),
            pltpu.VMEM((chalf,), jnp.float32),
            pltpu.VMEM_SHARED((num_subcores * chalf,), jnp.float32),
            pltpu.SemaphoreType.DMA,
            pltpu.SemaphoreType.DMA,
            pltpu.SemaphoreType.DMA,
            pltpu.SemaphoreType.DMA,
        ],
        compiler_params=pltpu.CompilerParams(needs_layout_passes=False),
    )
    def scan(
        x_hbm, out_hbm, xbuf0, xbuf1, obuf0, obuf1, sums_buf, carry, shared,
        si0, si1, so0, so1,
    ):
        cid = lax.axis_index("c")
        sid = lax.axis_index("s")
        row_base = sid * rpw
        col_base = cid * chalf

        def in_copy(c, buf, sem):
            return pltpu.make_async_copy(
                x_hbm.at[
                    pl.ds(row_base + c * chunk_rows, chunk_rows),
                    pl.ds(col_base, chalf),
                ],
                buf,
                sem,
            )

        def out_copy(c, buf, sem):
            return pltpu.make_async_copy(
                buf,
                out_hbm.at[
                    pl.ds(row_base + c * chunk_rows, chunk_rows),
                    pl.ds(col_base, chalf),
                ],
                sem,
            )

        def compute_a(xbuf, first):
            for cg in range(ngroups // CSTRIP):
                col0 = cg * CSTRIP * LANES
                cidx = [_iota16() + (col0 + g * LANES) for g in range(CSTRIP)]
                cs = [
                    jnp.where(
                        first,
                        jnp.zeros((LANES,), jnp.float32),
                        carry[pl.ds(col0 + g * LANES, LANES)],
                    )
                    for g in range(CSTRIP)
                ]

                def row_body(r, cs, _cidx=cidx):
                    ridx = jnp.full((LANES,), r, jnp.int32)
                    return tuple(
                        cs[g] + plsc.load_gather(xbuf, [ridx, _cidx[g]])
                        for g in range(CSTRIP)
                    )

                cs = lax.fori_loop(0, chunk_rows, row_body, tuple(cs), unroll=2)
                for g in range(CSTRIP):
                    carry[pl.ds(col0 + g * LANES, LANES)] = cs[g]

        def compute_b(xbuf, obuf):
            for cg in range(ngroups // CSTRIP):
                col0 = cg * CSTRIP * LANES
                cidx = [_iota16() + (col0 + g * LANES) for g in range(CSTRIP)]
                cs = [
                    carry[pl.ds(col0 + g * LANES, LANES)] for g in range(CSTRIP)
                ]

                def row_body(r, cs, _cidx=cidx):
                    ridx = jnp.full((LANES,), r, jnp.int32)
                    new_cs = []
                    for g in range(CSTRIP):
                        plsc.store_scatter(obuf, [ridx, _cidx[g]], cs[g])
                        new_cs.append(
                            cs[g] + plsc.load_gather(xbuf, [ridx, _cidx[g]])
                        )
                    return tuple(new_cs)

                cs = lax.fori_loop(0, chunk_rows, row_body, tuple(cs), unroll=2)
                for g in range(CSTRIP):
                    carry[pl.ds(col0 + g * LANES, LANES)] = cs[g]

        in_copy(0, xbuf0, si0).start()
        in_copy(1, xbuf1, si1).start()

        def pair_a(i, _):
            c0 = 2 * i
            in_copy(c0, xbuf0, si0).wait()
            compute_a(xbuf0, c0 == 0)

            @pl.when(c0 + 2 < nchunks)
            def _():
                in_copy(c0 + 2, xbuf0, si0).start()

            in_copy(c0 + 1, xbuf1, si1).wait()
            compute_a(xbuf1, False)

            @pl.when(c0 + 3 < nchunks)
            def _():
                in_copy(c0 + 3, xbuf1, si1).start()

            return 0

        lax.fori_loop(0, nchunks // 2, pair_a, 0)

        in_copy(0, xbuf0, si0).start()
        in_copy(1, xbuf1, si1).start()

        pltpu.sync_copy(carry, shared.at[pl.ds(sid * chalf, chalf)])
        plsc.subcore_barrier()
        pltpu.sync_copy(shared, sums_buf)

        for gg in range(ngroups):
            carry[pl.ds(gg * LANES, LANES)] = jnp.zeros((LANES,), jnp.float32)

        def pref_body(v, _):
            vb = v * chalf
            for gg in range(ngroups):
                off = gg * LANES
                carry[pl.ds(off, LANES)] = (
                    carry[pl.ds(off, LANES)] + sums_buf[pl.ds(vb + off, LANES)]
                )
            return 0

        lax.fori_loop(0, sid, pref_body, 0)

        def pair_b(i, _):
            c0 = 2 * i
            in_copy(c0, xbuf0, si0).wait()

            @pl.when(i > 0)
            def _():
                out_copy(c0, obuf0, so0).wait()

            compute_b(xbuf0, obuf0)
            out_copy(c0, obuf0, so0).start()

            @pl.when(c0 + 2 < nchunks)
            def _():
                in_copy(c0 + 2, xbuf0, si0).start()

            in_copy(c0 + 1, xbuf1, si1).wait()

            @pl.when(i > 0)
            def _():
                out_copy(c0 + 1, obuf1, so1).wait()

            compute_b(xbuf1, obuf1)
            out_copy(c0 + 1, obuf1, so1).start()

            @pl.when(c0 + 3 < nchunks)
            def _():
                in_copy(c0 + 3, xbuf1, si1).start()

            return 0

        lax.fori_loop(0, nchunks // 2, pair_b, 0)
        out_copy(0, obuf0, so0).wait()
        out_copy(1, obuf1, so1).wait()

    return scan


@jax.jit
def kernel(x):
    rows, cols = x.shape
    info = plsc.get_sparse_core_info()
    fn = _make_scan(rows, cols, info.num_cores, info.num_subcores, 32)
    return fn(x)

# --- scband reference (transcript-rebuilt; emitter-appended) ---
"""Pipeline reference for scband-model-new-4810363372005 (READ-ONLY COPY).

The authoritative reference and input builder live on the scoring server;
editing this copy changes nothing except your own understanding.
"""

import jax, jax.numpy as jnp
import numpy as np

DIM = 0

def setup_inputs(seed: int = 0) -> dict:
    key = jax.random.key(seed)
    x = jax.random.normal(key, (32768, 1024), dtype=jnp.float32)
    return {"x": x}

def reference(x):
    # Exclusive cumsum along DIM: out[i] = sum_{j < i} x[j]
    # Equivalent to inclusive cumsum minus the element itself.
    return jnp.cumsum(x, axis=DIM) - x

if __name__ == "__main__":
    import jax
    _d = setup_inputs()
    print(jax.jit(kernel)(*tuple(_d.values())))

</pallas_src>

<mosaic_0001>
#map = affine_map<(d0, d1) -> (0, 0)>
module attributes {stable_mosaic.version = 14 : i64} {
  func.func @scan(%arg0: i32, %arg1: i32, %arg2: memref<32768x1024xf32, #tpu.memory_space<hbm>>, %arg3: memref<32768x1024xf32, #tpu.memory_space<hbm>>, %arg4: memref<32x512xf32, #tpu.memory_space<vmem>>, %arg5: memref<32x512xf32, #tpu.memory_space<vmem>>, %arg6: memref<32x512xf32, #tpu.memory_space<vmem>>, %arg7: memref<32x512xf32, #tpu.memory_space<vmem>>, %arg8: memref<8192xf32, #tpu.memory_space<vmem>>, %arg9: memref<512xf32, #tpu.memory_space<vmem>>, %arg10: memref<8192xf32, #tpu.memory_space<vmem_shared>>, %arg11: memref<!tpu.dma_semaphore, #tpu.memory_space<semaphore_mem>>, %arg12: memref<!tpu.dma_semaphore, #tpu.memory_space<semaphore_mem>>, %arg13: memref<!tpu.dma_semaphore, #tpu.memory_space<semaphore_mem>>, %arg14: memref<!tpu.dma_semaphore, #tpu.memory_space<semaphore_mem>>) attributes {dimension_semantics = [#tpu.dimension_semantics<core_parallel>, #tpu.dimension_semantics<subcore_parallel>], iteration_bounds = array<i64: 2, 16>, scalar_prefetch = 0 : i64, scratch_operands = 11 : i64, tpu.core_type = #tpu.core_type<sc_vector_subcore>, window_params = [{transform_indices = #map}, {transform_indices = #map}]} {
    %mul3A = arith.constant 2048 : i32
    %mul3A_0 = arith.muli %arg1, %mul3A : i32
    %mul3A_1 = arith.constant 512 : i32
    %mul3A_2 = arith.muli %arg0, %mul3A_1 : i32
    %add3A = arith.constant 0 : i32
    %add3A_3 = arith.addi %mul3A_0, %add3A : i32
    %dma_start3A = tpu.memref_slice %arg2[%add3A_3, %mul3A_2] : memref<32768x1024xf32, #tpu.memory_space<hbm>> -> memref<32x512xf32, #tpu.memory_space<hbm>>
    %dma_start3A_4 = tpu.memref_slice %arg2[%add3A_3, %mul3A_2] : memref<32768x1024xf32, #tpu.memory_space<hbm>> -> memref<32x512xf32, #tpu.memory_space<hbm>>
    tpu.enqueue_dma source(%dma_start3A_4 : memref<32x512xf32, #tpu.memory_space<hbm>>) target(%arg4 : memref<32x512xf32, #tpu.memory_space<vmem>>) target_semaphore(%arg11 : memref<!tpu.dma_semaphore, #tpu.memory_space<semaphore_mem>>)
    %add3A_5 = arith.constant 32 : i32
    %add3A_6 = arith.addi %mul3A_0, %add3A_5 : i32
    %dma_start3A_7 = tpu.memref_slice %arg2[%add3A_6, %mul3A_2] : memref<32768x1024xf32, #tpu.memory_space<hbm>> -> memref<32x512xf32, #tpu.memory_space<hbm>>
    %dma_start3A_8 = tpu.memref_slice %arg2[%add3A_6, %mul3A_2] : memref<32768x1024xf32, #tpu.memory_space<hbm>> -> memref<32x512xf32, #tpu.memory_space<hbm>>
    tpu.enqueue_dma source(%dma_start3A_8 : memref<32x512xf32, #tpu.memory_space<hbm>>) target(%arg5 : memref<32x512xf32, #tpu.memory_space<vmem>>) target_semaphore(%arg12 : memref<!tpu.dma_semaphore, #tpu.memory_space<semaphore_mem>>)
    %scan3A = arith.constant 0 : i32
    %scan3A_9 = arith.constant 0 : i32
    %scan3A_10 = arith.constant 32 : i32
    %scan3A_11 = arith.addi %scan3A_9, %scan3A_10 : i32
    %scan3A_12 = arith.constant 1 : i32
    %scan3A_13 = scf.for %scan3A_176 = %scan3A_9 to %scan3A_11 step %scan3A_12 iter_args(%scan3A_177 = %scan3A) -> (i32)  : i32 {
      %mul3A_178 = arith.constant 2 : i32
      %mul3A_179 = arith.muli %mul3A_178, %scan3A_176 : i32
      %mul3A_180 = arith.constant 32 : i32
      %mul3A_181 = arith.muli %mul3A_179, %mul3A_180 : i32
      %add3A_182 = arith.addi %mul3A_0, %mul3A_181 : i32
      %dma_wait3A_183 = tpu.memref_slice %arg2[%add3A_182, %mul3A_2] : memref<32768x1024xf32, #tpu.memory_space<hbm>> -> memref<32x512xf32, #tpu.memory_space<hbm>>
      %dma_wait3A_184 = tpu.memref_slice %arg2[%add3A_182, %mul3A_2] : memref<32768x1024xf32, #tpu.memory_space<hbm>> -> memref<32x512xf32, #tpu.memory_space<hbm>>
      tpu.wait_dma2 semaphore(%arg11 : memref<!tpu.dma_semaphore, #tpu.memory_space<semaphore_mem>>) src(%dma_wait3A_184 : memref<32x512xf32, #tpu.memory_space<hbm>>) dst(%arg4 : memref<32x512xf32, #tpu.memory_space<vmem>>)
      %eq3A = arith.constant 0 : i32
      %eq3A_185 = arith.cmpi eq, %mul3A_179, %eq3A : i32
      %iota3A = tpu.iota {dimensions = array<i32: 0>} : vector<16xi32>
      %add3A_186 = arith.constant 0 : i32
      %add3A_187 = vector.broadcast %add3A_186 : i32 to vector<16xi32>
      %add3A_188 = arith.addi %iota3A, %add3A_187 : vector<16xi32>
      %iota3A_189 = tpu.iota {dimensions = array<i32: 0>} : vector<16xi32>
      %add3A_190 = arith.constant 16 : i32
      %add3A_191 = vector.broadcast %add3A_190 : i32 to vector<16xi32>
      %add3A_192 = arith.addi %iota3A_189, %add3A_191 : vector<16xi32>
      %iota3A_193 = tpu.iota {dimensions = array<i32: 0>} : vector<16xi32>
      %add3A_194 = arith.constant 32 : i32
      %add3A_195 = vector.broadcast %add3A_194 : i32 to vector<16xi32>
      %add3A_196 = arith.addi %iota3A_193, %add3A_195 : vector<16xi32>
      %iota3A_197 = tpu.iota {dimensions = array<i32: 0>} : vector<16xi32>
      %add3A_198 = arith.constant 48 : i32
      %add3A_199 = vector.broadcast %add3A_198 : i32 to vector<16xi32>
      %add3A_200 = arith.addi %iota3A_197, %add3A_199 : vector<16xi32>
      %iota3A_201 = tpu.iota {dimensions = array<i32: 0>} : vector<16xi32>
      %add3A_202 = arith.constant 64 : i32
      %add3A_203 = vector.broadcast %add3A_202 : i32 to vector<16xi32>
      %add3A_204 = arith.addi %iota3A_201, %add3A_203 : vector<16xi32>
      %iota3A_205 = tpu.iota {dimensions = array<i32: 0>} : vector<16xi32>
      %add3A_206 = arith.constant 80 : i32
      %add3A_207 = vector.broadcast %add3A_206 : i32 to vector<16xi32>
      %add3A_208 = arith.addi %iota3A_205, %add3A_207 : vector<16xi32>
      %iota3A_209 = tpu.iota {dimensions = array<i32: 0>} : vector<16xi32>
      %add3A_210 = arith.constant 96 : i32
      %add3A_211 = vector.broadcast %add3A_210 : i32 to vector<16xi32>
      %add3A_212 = arith.addi %iota3A_209, %add3A_211 : vector<16xi32>
      %iota3A_213 = tpu.iota {dimensions = array<i32: 0>} : vector<16xi32>
      %add3A_214 = arith.constant 112 : i32
      %add3A_215 = vector.broadcast %add3A_214 : i32 to vector<16xi32>
      %add3A_216 = arith.addi %iota3A_213, %add3A_215 : vector<16xi32>
      %iota3A_217 = tpu.iota {dimensions = array<i32: 0>} : vector<16xi32>
      %add3A_218 = arith.constant 128 : i32
      %add3A_219 = vector.broadcast %add3A_218 : i32 to vector<16xi32>
      %add3A_220 = arith.addi %iota3A_217, %add3A_219 : vector<16xi32>
      %iota3A_221 = tpu.iota {dimensions = array<i32: 0>} : vector<16xi32>
      %add3A_222 = arith.constant 144 : i32
      %add3A_223 = vector.broadcast %add3A_222 : i32 to vector<16xi32>
      %add3A_224 = arith.addi %iota3A_221, %add3A_223 : vector<16xi32>
      %iota3A_225 = tpu.iota {dimensions = array<i32: 0>} : vector<16xi32>
      %add3A_226 = arith.constant 160 : i32
      %add3A_227 = vector.broadcast %add3A_226 : i32 to vector<16xi32>
      %add3A_228 = arith.addi %iota3A_225, %add3A_227 : vector<16xi32>
      %iota3A_229 = tpu.iota {dimensions = array<i32: 0>} : vector<16xi32>
      %add3A_230 = arith.constant 176 : i32
      %add3A_231 = vector.broadcast %add3A_230 : i32 to vector<16xi32>
      %add3A_232 = arith.addi %iota3A_229, %add3A_231 : vector<16xi32>
      %iota3A_233 = tpu.iota {dimensions = array<i32: 0>} : vector<16xi32>
      %add3A_234 = arith.constant 192 : i32
      %add3A_235 = vector.broadcast %add3A_234 : i32 to vector<16xi32>
      %add3A_236 = arith.addi %iota3A_233, %add3A_235 : vector<16xi32>
      %iota3A_237 = tpu.iota {dimensions = array<i32: 0>} : vector<16xi32>
      %add3A_238 = arith.constant 208 : i32
      %add3A_239 = vector.broadcast %add3A_238 : i32 to vector<16xi32>
      %add3A_240 = arith.addi %iota3A_237, %add3A_239 : vector<16xi32>
      %iota3A_241 = tpu.iota {dimensions = array<i32: 0>} : vector<16xi32>
      %add3A_242 = arith.constant 224 : i32
      %add3A_243 = vector.broadcast %add3A_242 : i32 to vector<16xi32>
      %add3A_244 = arith.addi %iota3A_241, %add3A_243 : vector<16xi32>
      %iota3A_245 = tpu.iota {dimensions = array<i32: 0>} : vector<16xi32>
      %add3A_246 = arith.constant 240 : i32
      %add3A_247 = vector.broadcast %add3A_246 : i32 to vector<16xi32>
      %add3A_248 = arith.addi %iota3A_245, %add3A_247 : vector<16xi32>
      %broadcast_in_dim3A_249 = arith.constant 0.000000e+00 : f32
      %broadcast_in_dim3A_250 = vector.broadcast %broadcast_in_dim3A_249 : f32 to vector<16xf32>
      %get3A = arith.constant 0 : index
      %get3A_251 = tpu.vector_load %arg9[%get3A] {strides = array<i32>} : memref<512xf32, #tpu.memory_space<vmem>>, vector<16xf32>,
      %select_n3A = arith.select %eq3A_185, %broadcast_in_dim3A_250, %get3A_251 : vector<16xf32>
      %broadcast_in_dim3A_252 = arith.constant 0.000000e+00 : f32
      %broadcast_in_dim3A_253 = vector.broadcast %broadcast_in_dim3A_252 : f32 to vector<16xf32>
      %get3A_254 = arith.constant 16 : index
      %get3A_255 = tpu.vector_load %arg9[%get3A_254] {strides = array<i32>} : memref<512xf32, #tpu.memory_space<vmem>>, vector<16xf32>,
      %select_n3A_256 = arith.select %eq3A_185, %broadcast_in_dim3A_253, %get3A_255 : vector<16xf32>
      %broadcast_in_dim3A_257 = arith.constant 0.000000e+00 : f32
      %broadcast_in_dim3A_258 = vector.broadcast %broadcast_in_dim3A_257 : f32 to vector<16xf32>
      %get3A_259 = arith.constant 32 : index
      %get3A_260 = tpu.vector_load %arg9[%get3A_259] {strides = array<i32>} : memref<512xf32, #tpu.memory_space<vmem>>, vector<16xf32>,
      %select_n3A_261 = arith.select %eq3A_185, %broadcast_in_dim3A_258, %get3A_260 : vector<16xf32>
      %broadcast_in_dim3A_262 = arith.constant 0.000000e+00 : f32
      %broadcast_in_dim3A_263 = vector.broadcast %broadcast_in_dim3A_262 : f32 to vector<16xf32>
      %get3A_264 = arith.constant 48 : index
      %get3A_265 = tpu.vector_load %arg9[%get3A_264] {strides = array<i32>} : memref<512xf32, #tpu.memory_space<vmem>>, vector<16xf32>,
      %select_n3A_266 = arith.select %eq3A_185, %broadcast_in_dim3A_263, %get3A_265 : vector<16xf32>
      %broadcast_in_dim3A_267 = arith.constant 0.000000e+00 : f32
      %broadcast_in_dim3A_268 = vector.broadcast %broadcast_in_dim3A_267 : f32 to vector<16xf32>
      %get3A_269 = arith.constant 64 : index
      %get3A_270 = tpu.vector_load %arg9[%get3A_269] {strides = array<i32>} : memref<512xf32, #tpu.memory_space<vmem>>, vector<16xf32>,
      %select_n3A_271 = arith.select %eq3A_185, %broadcast_in_dim3A_268, %get3A_270 : vector<16xf32>
      %broadcast_in_dim3A_272 = arith.constant 0.000000e+00 : f32
      %broadcast_in_dim3A_273 = vector.broadcast %broadcast_in_dim3A_272 : f32 to vector<16xf32>
      %get3A_274 = arith.constant 80 : index
      %get3A_275 = tpu.vector_load %arg9[%get3A_274] {strides = array<i32>} : memref<512xf32, #tpu.memory_space<vmem>>, vector<16xf32>,
      %select_n3A_276 = arith.select %eq3A_185, %broadcast_in_dim3A_273, %get3A_275 : vector<16xf32>
      %broadcast_in_dim3A_277 = arith.constant 0.000000e+00 : f32
      %broadcast_in_dim3A_278 = vector.broadcast %broadcast_in_dim3A_277 : f32 to vector<16xf32>
      %get3A_279 = arith.constant 96 : index
      %get3A_280 = tpu.vector_load %arg9[%get3A_279] {strides = array<i32>} : memref<512xf32, #tpu.memory_space<vmem>>, vector<16xf32>,
      %select_n3A_281 = arith.select %eq3A_185, %broadcast_in_dim3A_278, %get3A_280 : vector<16xf32>
      %broadcast_in_dim3A_282 = arith.constant 0.000000e+00 : f32
      %broadcast_in_dim3A_283 = vector.broadcast %broadcast_in_dim3A_282 : f32 to vector<16xf32>
      %get3A_284 = arith.constant 112 : index
      %get3A_285 = tpu.vector_load %arg9[%get3A_284] {strides = array<i32>} : memref<512xf32, #tpu.memory_space<vmem>>, vector<16xf32>,
      %select_n3A_286 = arith.select %eq3A_185, %broadcast_in_dim3A_283, %get3A_285 : vector<16xf32>
      %broadcast_in_dim3A_287 = arith.constant 0.000000e+00 : f32
      %broadcast_in_dim3A_288 = vector.broadcast %broadcast_in_dim3A_287 : f32 to vector<16xf32>
      %get3A_289 = arith.constant 128 : index
      %get3A_290 = tpu.vector_load %arg9[%get3A_289] {strides = array<i32>} : memref<512xf32, #tpu.memory_space<vmem>>, vector<16xf32>,
      %select_n3A_291 = arith.select %eq3A_185, %broadcast_in_dim3A_288, %get3A_290 : vector<16xf32>
      %broadcast_in_dim3A_292 = arith.constant 0.000000e+00 : f32
      %broadcast_in_dim3A_293 = vector.broadcast %broadcast_in_dim3A_292 : f32 to vector<16xf32>
      %get3A_294 = arith.constant 144 : index
      %get3A_295 = tpu.vector_load %arg9[%get3A_294] {strides = array<i32>} : memref<512xf32, #tpu.memory_space<vmem>>, vector<16xf32>,
      %select_n3A_296 = arith.select %eq3A_185, %broadcast_in_dim3A_293, %get3A_295 : vector<16xf32>
      %broadcast_in_dim3A_297 = arith.constant 0.000000e+00 : f32
      %broadcast_in_dim3A_298 = vector.broadcast %broadcast_in_dim3A_297 : f32 to vector<16xf32>
      %get3A_299 = arith.constant 160 : index
      %get3A_300 = tpu.vector_load %arg9[%get3A_299] {strides = array<i32>} : memref<512xf32, #tpu.memory_space<vmem>>, vector<16xf32>,
      %select_n3A_301 = arith.select %eq3A_185, %broadcast_in_dim3A_298, %get3A_300 : vector<16xf32>
      %broadcast_in_dim3A_302 = arith.constant 0.000000e+00 : f32
      %broadcast_in_dim3A_303 = vector.broadcast %broadcast_in_dim3A_302 : f32 to vector<16xf32>
      %get3A_304 = arith.constant 176 : index
      %get3A_305 = tpu.vector_load %arg9[%get3A_304] {strides = array<i32>} : memref<512xf32, #tpu.memory_space<vmem>>, vector<16xf32>,
      %select_n3A_306 = arith.select %eq3A_185, %broadcast_in_dim3A_303, %get3A_305 : vector<16xf32>
      %broadcast_in_dim3A_307 = arith.constant 0.000000e+00 : f32
      %broadcast_in_dim3A_308 = vector.broadcast %broadcast_in_dim3A_307 : f32 to vector<16xf32>
      %get3A_309 = arith.constant 192 : index
      %get3A_310 = tpu.vector_load %arg9[%get3A_309] {strides = array<i32>} : memref<512xf32, #tpu.memory_space<vmem>>, vector<16xf32>,
      %select_n3A_311 = arith.select %eq3A_185, %broadcast_in_dim3A_308, %get3A_310 : vector<16xf32>
      %broadcast_in_dim3A_312 = arith.constant 0.000000e+00 : f32
      %broadcast_in_dim3A_313 = vector.broadcast %broadcast_in_dim3A_312 : f32 to vector<16xf32>
      %get3A_314 = arith.constant 208 : index
      %get3A_315 = tpu.vector_load %arg9[%get3A_314] {strides = array<i32>} : memref<512xf32, #tpu.memory_space<vmem>>, vector<16xf32>,
      %select_n3A_316 = arith.select %eq3A_185, %broadcast_in_dim3A_313, %get3A_315 : vector<16xf32>
      %broadcast_in_dim3A_317 = arith.constant 0.000000e+00 : f32
      %broadcast_in_dim3A_318 = vector.broadcast %broadcast_in_dim3A_317 : f32 to vector<16xf32>
      %get3A_319 = arith.constant 224 : index
      %get3A_320 = tpu.vector_load %arg9[%get3A_319] {strides = array<i32>} : memref<512xf32, #tpu.memory_space<vmem>>, vector<16xf32>,
      %select_n3A_321 = arith.select %eq3A_185, %broadcast_in_dim3A_318, %get3A_320 : vector<16xf32>
      %broadcast_in_dim3A_322 = arith.constant 0.000000e+00 : f32
      %broadcast_in_dim3A_323 = vector.broadcast %broadcast_in_dim3A_322 : f32 to vector<16xf32>
      %get3A_324 = arith.constant 240 : index
      %get3A_325 = tpu.vector_load %arg9[%get3A_324] {strides = array<i32>} : memref<512xf32, #tpu.memory_space<vmem>>, vector<16xf32>,
      %select_n3A_326 = arith.select %eq3A_185, %broadcast_in_dim3A_323, %get3A_325 : vector<16xf32>
      %scan3A_327 = arith.constant 0 : i32
      %scan3A_328 = arith.constant 32 : i32
      %scan3A_329 = arith.addi %scan3A_327, %scan3A_328 : i32
      %scan3A_330 = arith.constant 2 : i32
      %scan3A_331:16 = scf.for %scan3A_961 = %scan3A_327 to %scan3A_329 step %scan3A_330 iter_args(%scan3A_962 = %select_n3A, %scan3A_963 = %select_n3A_256, %scan3A_964 = %select_n3A_261, %scan3A_965 = %select_n3A_266, %scan3A_966 = %select_n3A_271, %scan3A_967 = %select_n3A_276, %scan3A_968 = %select_n3A_281, %scan3A_969 = %select_n3A_286, %scan3A_970 = %select_n3A_291, %scan3A_971 = %select_n3A_296, %scan3A_972 = %select_n3A_301, %scan3A_973 = %select_n3A_306, %scan3A_974 = %select_n3A_311, %scan3A_975 = %select_n3A_316, %scan3A_976 = %select_n3A_321, %scan3A_977 = %select_n3A_326) -> (vector<16xf32>, vector<16xf32>, vector<16xf32>, vector<16xf32>, vector<16xf32>, vector<16xf32>, vector<16xf32>, vector<16xf32>, vector<16xf32>, vector<16xf32>, vector<16xf32>, vector<16xf32>, vector<16xf32>, vector<16xf32>, vector<16xf32>, vector<16xf32>)  : i32 {
        %broadcast_in_dim3A_978 = vector.broadcast %scan3A_961 : i32 to vector<16xi32>
        %gather3A = tpu.vector_load_idx %arg4[%broadcast_in_dim3A_978, %add3A_188] : memref<32x512xf32, #tpu.memory_space<vmem>>[vector<16xi32>, vector<16xi32>], vector<16xf32>,
        %add3A_979 = arith.addf %scan3A_962, %gather3A : vector<16xf32>
        %gather3A_980 = tpu.vector_load_idx %arg4[%broadcast_in_dim3A_978, %add3A_192] : memref<32x512xf32, #tpu.memory_space<vmem>>[vector<16xi32>, vector<16xi32>], vector<16xf32>,
        %add3A_981 = arith.addf %scan3A_963, %gather3A_980 : vector<16xf32>
        %gather3A_982 = tpu.vector_load_idx %arg4[%broadcast_in_dim3A_978, %add3A_196] : memref<32x512xf32, #tpu.memory_space<vmem>>[vector<16xi32>, vector<16xi32>], vector<16xf32>,
        %add3A_983 = arith.addf %scan3A_964, %gather3A_982 : vector<16xf32>
        %gather3A_984 = tpu.vector_load_idx %arg4[%broadcast_in_dim3A_978, %add3A_200] : memref<32x512xf32, #tpu.memory_space<vmem>>[vector<16xi32>, vector<16xi32>], vector<16xf32>,
        %add3A_985 = arith.addf %scan3A_965, %gather3A_984 : vector<16xf32>
        %gather3A_986 = tpu.vector_load_idx %arg4[%broadcast_in_dim3A_978, %add3A_204] : memref<32x512xf32, #tpu.memory_space<vmem>>[vector<16xi32>, vector<16xi32>], vector<16xf32>,
        %add3A_987 = arith.addf %scan3A_966, %gather3A_986 : vector<16xf32>
        %gather3A_988 = tpu.vector_load_idx %arg4[%broadcast_in_dim3A_978, %add3A_208] : memref<32x512xf32, #tpu.memory_space<vmem>>[vector<16xi32>, vector<16xi32>], vector<16xf32>,
        %add3A_989 = arith.addf %scan3A_967, %gather3A_988 : vector<16xf32>
        %gather3A_990 = tpu.vector_load_idx %arg4[%broadcast_in_dim3A_978, %add3A_212] : memref<32x512xf32, #tpu.memory_space<vmem>>[vector<16xi32>, vector<16xi32>], vector<16xf32>,
        %add3A_991 = arith.addf %scan3A_968, %gather3A_990 : vector<16xf32>
        %gather3A_992 = tpu.vector_load_idx %arg4[%broadcast_in_dim3A_978, %add3A_216] : memref<32x512xf32, #tpu.memory_space<vmem>>[vector<16xi32>, vector<16xi32>], vector<16xf32>,
        %add3A_993 = arith.addf %scan3A_969, %gather3A_992 : vector<16xf32>
        %gather3A_994 = tpu.vector_load_idx %arg4[%broadcast_in_dim3A_978, %add3A_220] : memref<32x512xf32, #tpu.memory_space<vmem>>[vector<16xi32>, vector<16xi32>], vector<16xf32>,
        %add3A_995 = arith.addf %scan3A_970, %gather3A_994 : vector<16xf32>
        %gather3A_996 = tpu.vector_load_idx %arg4[%broadcast_in_dim3A_978, %add3A_224] : memref<32x512xf32, #tpu.memory_space<vmem>>[vector<16xi32>, vector<16xi32>], vector<16xf32>,
        %add3A_997 = arith.addf %scan3A_971, %gather3A_996 : vector<16xf32>
        %gather3A_998 = tpu.vector_load_idx %arg4[%broadcast_in_dim3A_978, %add3A_228] : memref<32x512xf32, #tpu.memory_space<vmem>>[vector<16xi32>, vector<16xi32>], vector<16xf32>,
        %add3A_999 = arith.addf %scan3A_972, %gather3A_998 : vector<16xf32>
        %gather3A_1000 = tpu.vector_load_idx %arg4[%broadcast_in_dim3A_978, %add3A_232] : memref<32x512xf32, #tpu.memory_space<vmem>>[vector<16xi32>, vector<16xi32>], vector<16xf32>,
        %add3A_1001 = arith.addf %scan3A_973, %gather3A_1000 : vector<16xf32>
        %gather3A_1002 = tpu.vector_load_idx %arg4[%broadcast_in_dim3A_978, %add3A_236] : memref<32x512xf32, #tpu.memory_space<vmem>>[vector<16xi32>, vector<16xi32>], vector<16xf32>,
        %add3A_1003 = arith.addf %scan3A_974, %gather3A_1002 : vector<16xf32>
        %gather3A_1004 = tpu.vector_load_idx %arg4[%broadcast_in_dim3A_978, %add3A_240] : memref<32x512xf32, #tpu.memory_space<vmem>>[vector<16xi32>, vector<16xi32>], vector<16xf32>,
        %add3A_1005 = arith.addf %scan3A_975, %gather3A_1004 : vector<16xf32>
        %gather3A_1006 = tpu.vector_load_idx %arg4[%broadcast_in_dim3A_978, %add3A_244] : memref<32x512xf32, #tpu.memory_space<vmem>>[vector<16xi32>, vector<16xi32>], vector<16xf32>,
        %add3A_1007 = arith.addf %scan3A_976, %gather3A_1006 : vector<16xf32>
        %gather3A_1008 = tpu.vector_load_idx %arg4[%broadcast_in_dim3A_978, %add3A_248] : memref<32x512xf32, #tpu.memory_space<vmem>>[vector<16xi32>, vector<16xi32>], vector<16xf32>,
        %add3A_1009 = arith.addf %scan3A_977, %gather3A_1008 : vector<16xf32>
        %scan3A_1010 = arith.constant 1 : i32
        %scan3A_1011 = arith.addi %scan3A_961, %scan3A_1010 : i32
        %broadcast_in_dim3A_1012 = vector.broadcast %scan3A_1011 : i32 to vector<16xi32>
        %gather3A_1013 = tpu.vector_load_idx %arg4[%broadcast_in_dim3A_1012, %add3A_188] : memref<32x512xf32, #tpu.memory_space<vmem>>[vector<16xi32>, vector<16xi32>], vector<16xf32>,
        %add3A_1014 = arith.addf %add3A_979, %gather3A_1013 : vector<16xf32>
        %gather3A_1015 = tpu.vector_load_idx %arg4[%broadcast_in_dim3A_1012, %add3A_192] : memref<32x512xf32, #tpu.memory_space<vmem>>[vector<16xi32>, vector<16xi32>], vector<16xf32>,
        %add3A_1016 = arith.addf %add3A_981, %gather3A_1015 : vector<16xf32>
        %gather3A_1017 = tpu.vector_load_idx %arg4[%broadcast_in_dim3A_1012, %add3A_196] : memref<32x512xf32, #tpu.memory_space<vmem>>[vector<16xi32>, vector<16xi32>], vector<16xf32>,
        %add3A_1018 = arith.addf %add3A_983, %gather3A_1017 : vector<16xf32>
        %gather3A_1019 = tpu.vector_load_idx %arg4[%broadcast_in_dim3A_1012, %add3A_200] : memref<32x512xf32, #tpu.memory_space<vmem>>[vector<16xi32>, vector<16xi32>], vector<16xf32>,
        %add3A_1020 = arith.addf %add3A_985, %gather3A_1019 : vector<16xf32>
        %gather3A_1021 = tpu.vector_load_idx %arg4[%broadcast_in_dim3A_1012, %add3A_204] : memref<32x512xf32, #tpu.memory_space<vmem>>[vector<16xi32>, vector<16xi32>], vector<16xf32>,
        %add3A_1022 = arith.addf %add3A_987, %gather3A_1021 : vector<16xf32>
        %gather3A_1023 = tpu.vector_load_idx %arg4[%broadcast_in_dim3A_1012, %add3A_208] : memref<32x512xf32, #tpu.memory_space<vmem>>[vector<16xi32>, vector<16xi32>], vector<16xf32>,
        %add3A_1024 = arith.addf %add3A_989, %gather3A_1023 : vector<16xf32>
        %gather3A_1025 = tpu.vector_load_idx %arg4[%broadcast_in_dim3A_1012, %add3A_212] : memref<32x512xf32, #tpu.memory_space<vmem>>[vector<16xi32>, vector<16xi32>], vector<16xf32>,
        %add3A_1026 = arith.addf %add3A_991, %gather3A_1025 : vector<16xf32>
        %gather3A_1027 = tpu.vector_load_idx %arg4[%broadcast_in_dim3A_1012, %add3A_216] : memref<32x512xf32, #tpu.memory_space<vmem>>[vector<16xi32>, vector<16xi32>], vector<16xf32>,
        %add3A_1028 = arith.addf %add3A_993, %gather3A_1027 : vector<16xf32>
        %gather3A_1029 = tpu.vector_load_idx %arg4[%broadcast_in_dim3A_1012, %add3A_220] : memref<32x512xf32, #tpu.memory_space<vmem>>[vector<16xi32>, vector<16xi32>], vector<16xf32>,
        %add3A_1030 = arith.addf %add3A_995, %gather3A_1029 : vector<16xf32>
        %gather3A_1031 = tpu.vector_load_idx %arg4[%broadcast_in_dim3A_1012, %add3A_224] : memref<32x512xf32, #tpu.memory_space<vmem>>[vector<16xi32>, vector<16xi32>], vector<16xf32>,
        %add3A_1032 = arith.addf %add3A_997, %gather3A_1031 : vector<16xf32>
        %gather3A_1033 = tpu.vector_load_idx %arg4[%broadcast_in_dim3A_1012, %add3A_228] : memref<32x512xf32, #tpu.memory_space<vmem>>[vector<16xi32>, vector<16xi32>], vector<16xf32>,
        %add3A_1034 = arith.addf %add3A_999, %gather3A_1033 : vector<16xf32>
        %gather3A_1035 = tpu.vector_load_idx %arg4[%broadcast_in_dim3A_1012, %add3A_232] : memref<32x512xf32, #tpu.memory_space<vmem>>[vector<16xi32>, vector<16xi32>], vector<16xf32>,
        %add3A_1036 = arith.addf %add3A_1001, %gather3A_1035 : vector<16xf32>
        %gather3A_1037 = tpu.vector_load_idx %arg4[%broadcast_in_dim3A_1012, %add3A_236] : memref<32x512xf32, #tpu.memory_space<vmem>>[vector<16xi32>, vector<16xi32>], vector<16xf32>,
        %add3A_1038 = arith.addf %add3A_1003, %gather3A_1037 : vector<16xf32>
        %gather3A_1039 = tpu.vector_load_idx %arg4[%broadcast_in_dim3A_1012, %add3A_240] : memref<32x512xf32, #tpu.memory_space<vmem>>[vector<16xi32>, vector<16xi32>], vector<16xf32>,
        %add3A_1040 = arith.addf %add3A_1005, %gather3A_1039 : vector<16xf32>
        %gather3A_1041 = tpu.vector_load_idx %arg4[%broadcast_in_dim3A_1012, %add3A_244] : memref<32x512xf32, #tpu.memory_space<vmem>>[vector<16xi32>, vector<16xi32>], vector<16xf32>,
        %add3A_1042 = arith.addf %add3A_1007, %gather3A_1041 : vector<16xf32>
        %gather3A_1043 = tpu.vector_load_idx %arg4[%broadcast_in_dim3A_1012, %add3A_248] : memref<32x512xf32, #tpu.memory_space<vmem>>[vector<16xi32>, vector<16xi32>], vector<16xf32>,
        %add3A_1044 = arith.addf %add3A_1009, %gather3A_1043 : vector<16xf32>
        scf.yield %add3A_1014, %add3A_1016, %add3A_1018, %add3A_1020, %add3A_1022, %add3A_1024, %add3A_1026, %add3A_1028, %add3A_1030, %add3A_1032, %add3A_1034, %add3A_1036, %add3A_1038, %add3A_1040, %add3A_1042, %add3A_1044 : vector<16xf32>, vector<16xf32>, vector<16xf32>, vector<16xf32>, vector<16xf32>, vector<16xf32>, vector<16xf32>, vector<16xf32>, vector<16xf32>, vector<16xf32>, vector<16xf32>, vector<16xf32>, vector<16xf32>, vector<16xf32>, vector<16xf32>, vector<16xf32>
      }
      %scan3A_332 = arith.constant 32 : i32
      %swap3A_333 = arith.constant 0 : index
      %swap3A_334 = tpu.vector_load %arg9[%swap3A_333] {strides = array<i32>} : memref<512xf32, #tpu.memory_space<vmem>>, vector<16xf32>,
      tpu.vector_store %arg9[%swap3A_333], %scan3A_331#0 {strides = array<i32>} : memref<512xf32, #tpu.memory_space<vmem>>, vector<16xf32>,
      %swap3A_335 = arith.constant 16 : index
      %swap3A_336 = tpu.vector_load %arg9[%swap3A_335] {strides = array<i32>} : memref<512xf32, #tpu.memory_space<vmem>>, vector<16xf32>,
      tpu.vector_store %arg9[%swap3A_335], %scan3A_331#1 {strides = array<i32>} : memref<512xf32, #tpu.memory_space<vmem>>, vector<16xf32>,
      %swap3A_337 = arith.constant 32 : index
      %swap3A_338 = tpu.vector_load %arg9[%swap3A_337] {strides = array<i32>} : memref<512xf32, #tpu.memory_space<vmem>>, vector<16xf32>,
      tpu.vector_store %arg9[%swap3A_337], %scan3A_331#2 {strides = array<i32>} : memref<512xf32, #tpu.memory_space<vmem>>, vector<16xf32>,
      %swap3A_339 = arith.constant 48 : index
      %swap3A_340 = tpu.vector_load %arg9[%swap3A_339] {strides = array<i32>} : memref<512xf32, #tpu.memory_space<vmem>>, vector<16xf32>,
      tpu.vector_store %arg9[%swap3A_339], %scan3A_331#3 {strides = array<i32>} : memref<512xf32, #tpu.memory_space<vmem>>, vector<16xf32>,
      %swap3A_341 = arith.constant 64 : index
      %swap3A_342 = tpu.vector_load %arg9[%swap3A_341] {strides = array<i32>} : memref<512xf32, #tpu.memory_space<vmem>>, vector<16xf32>,
      tpu.vector_store %arg9[%swap3A_341], %scan3A_331#4 {strides = array<i32>} : memref<512xf32, #tpu.memory_space<vmem>>, vector<16xf32>,
      %swap3A_343 = arith.constant 80 : index
      %swap3A_344 = tpu.vector_load %arg9[%swap3A_343] {strides = array<i32>} : memref<512xf32, #tpu.memory_space<vmem>>, vector<16xf32>,
      tpu.vector_store %arg9[%swap3A_343], %scan3A_331#5 {strides = array<i32>} : memref<512xf32, #tpu.memory_space<vmem>>, vector<16xf32>,
      %swap3A_345 = arith.constant 96 : index
      %swap3A_346 = tpu.vector_load %arg9[%swap3A_345] {strides = array<i32>} : memref<512xf32, #tpu.memory_space<vmem>>, vector<16xf32>,
      tpu.vector_store %arg9[%swap3A_345], %scan3A_331#6 {strides = array<i32>} : memref<512xf32, #tpu.memory_space<vmem>>, vector<16xf32>,
      %swap3A_347 = arith.constant 112 : index
      %swap3A_348 = tpu.vector_load %arg9[%swap3A_347] {strides = array<i32>} : memref<512xf32, #tpu.memory_space<vmem>>, vector<16xf32>,
      tpu.vector_store %arg9[%swap3A_347], %scan3A_331#7 {strides = array<i32>} : memref<512xf32, #tpu.memory_space<vmem>>, vector<16xf32>,
      %swap3A_349 = arith.constant 128 : index
      %swap3A_350 = tpu.vector_load %arg9[%swap3A_349] {strides = array<i32>} : memref<512xf32, #tpu.memory_space<vmem>>, vector<16xf32>,
      tpu.vector_store %arg9[%swap3A_349], %scan3A_331#8 {strides = array<i32>} : memref<512xf32, #tpu.memory_space<vmem>>, vector<16xf32>,
      %swap3A_351 = arith.constant 144 : index
      %swap3A_352 = tpu.vector_load %arg9[%swap3A_351] {strides = array<i32>} : memref<512xf32, #tpu.memory_space<vmem>>, vector<16xf32>,
      tpu.vector_store %arg9[%swap3A_351], %scan3A_331#9 {strides = array<i32>} : memref<512xf32, #tpu.memory_space<vmem>>, vector<16xf32>,
      %swap3A_353 = arith.constant 160 : index
      %swap3A_354 = tpu.vector_load %arg9[%swap3A_353] {strides = array<i32>} : memref<512xf32, #tpu.memory_space<vmem>>, vector<16xf32>,
      tpu.vector_store %arg9[%swap3A_353], %scan3A_331#10 {strides = array<i32>} : memref<512xf32, #tpu.memory_space<vmem>>, vector<16xf32>,
      %swap3A_355 = arith.constant 176 : index
      %swap3A_356 = tpu.vector_load %arg9[%swap3A_355] {strides = array<i32>} : memref<512xf32, #tpu.memory_space<vmem>>, vector<16xf32>,
      tpu.vector_store %arg9[%swap3A_355], %scan3A_331#11 {strides = array<i32>} : memref<512xf32, #tpu.memory_space<vmem>>, vector<16xf32>,
      %swap3A_357 = arith.constant 192 : index
      %swap3A_358 = tpu.vector_load %arg9[%swap3A_357] {strides = array<i32>} : memref<512xf32, #tpu.memory_space<vmem>>, vector<16xf32>,
      tpu.vector_store %arg9[%swap3A_357], %scan3A_331#12 {strides = array<i32>} : memref<512xf32, #tpu.memory_space<vmem>>, vector<16xf32>,
      %swap3A_359 = arith.constant 208 : index
      %swap3A_360 = tpu.vector_load %arg9[%swap3A_359] {strides = array<i32>} : memref<512xf32, #tpu.memory_space<vmem>>, vector<16xf32>,
      tpu.vector_store %arg9[%swap3A_359], %scan3A_331#13 {strides = array<i32>} : memref<512xf32, #tpu.memory_space<vmem>>, vector<16xf32>,
      %swap3A_361 = arith.constant 224 : index
      %swap3A_362 = tpu.vector_load %arg9[%swap3A_361] {strides = array<i32>} : memref<512xf32, #tpu.memory_space<vmem>>, vector<16xf32>,
      tpu.vector_store %arg9[%swap3A_361], %scan3A_331#14 {strides = array<i32>} : memref<512xf32, #tpu.memory_space<vmem>>, vector<16xf32>,
      %swap3A_363 = arith.constant 240 : index
      %swap3A_364 = tpu.vector_load %arg9[%swap3A_363] {strides = array<i32>} : memref<512xf32, #tpu.memory_space<vmem>>, vector<16xf32>,
      tpu.vector_store %arg9[%swap3A_363], %scan3A_331#15 {strides = array<i32>} : memref<512xf32, #tpu.memory_space<vmem>>, vector<16xf32>,
      %iota3A_365 = tpu.iota {dimensions = array<i32: 0>} : vector<16xi32>
      %add3A_366 = arith.constant 256 : i32
      %add3A_367 = vector.broadcast %add3A_366 : i32 to vector<16xi32>
      %add3A_368 = arith.addi %iota3A_365, %add3A_367 : vector<16xi32>
      %iota3A_369 = tpu.iota {dimensions = array<i32: 0>} : vector<16xi32>
      %add3A_370 = arith.constant 272 : i32
      %add3A_371 = vector.broadcast %add3A_370 : i32 to vector<16xi32>
      %add3A_372 = arith.addi %iota3A_369, %add3A_371 : vector<16xi32>
      %iota3A_373 = tpu.iota {dimensions = array<i32: 0>} : vector<16xi32>
      %add3A_374 = arith.constant 288 : i32
      %add3A_375 = vector.broadcast %add3A_374 : i32 to vector<16xi32>
      %add3A_376 = arith.addi %iota3A_373, %add3A_375 : vector<16xi32>
      %iota3A_377 = tpu.iota {dimensions = array<i32: 0>} : vector<16xi32>
      %add3A_378 = arith.constant 304 : i32
      %add3A_379 = vector.broadcast %add3A_378 : i32 to vector<16xi32>
      %add3A_380 = arith.addi %iota3A_377, %add3A_379 : vector<16xi32>
      %iota3A_381 = tpu.iota {dimensions = array<i32: 0>} : vector<16xi32>
      %add3A_382 = arith.constant 320 : i32
      %add3A_383 = vector.broadcast %add3A_382 : i32 to vector<16xi32>
      %add3A_384 = arith.addi %iota3A_381, %add3A_383 : vector<16xi32>
      %iota3A_385 = tpu.iota {dimensions = array<i32: 0>} : vector<16xi32>
      %add3A_386 = arith.constant 336 : i32
      %add3A_387 = vector.broadcast %add3A_386 : i32 to vector<16xi32>
      %add3A_388 = arith.addi %iota3A_385, %add3A_387 : vector<16xi32>
      %iota3A_389 = tpu.iota {dimensions = array<i32: 0>} : vector<16xi32>
      %add3A_390 = arith.constant 352 : i32
      %add3A_391 = vector.broadcast %add3A_390 : i32 to vector<16xi32>
      %add3A_392 = arith.addi %iota3A_389, %add3A_391 : vector<16xi32>
      %iota3A_393 = tpu.iota {dimensions = array<i32: 0>} : vector<16xi32>
      %add3A_394 = arith.constant 368 : i32
      %add3A_395 = vector.broadcast %add3A_394 : i32 to vector<16xi32>
      %add3A_396 = arith.addi %iota3A_393, %add3A_395 : vector<16xi32>
      %iota3A_397 = tpu.iota {dimensions = array<i32: 0>} : vector<16xi32>
      %add3A_398 = arith.constant 384 : i32
      %add3A_399 = vector.broadcast %add3A_398 : i32 to vector<16xi32>
      %add3A_400 = arith.addi %iota3A_397, %add3A_399 : vector<16xi32>
      %iota3A_401 = tpu.iota {dimensions = array<i32: 0>} : vector<16xi32>
      %add3A_402 = arith.constant 400 : i32
      %add3A_403 = vector.broadcast %add3A_402 : i32 to vector<16xi32>
      %add3A_404 = arith.addi %iota3A_401, %add3A_403 : vector<16xi32>
      %iota3A_405 = tpu.iota {dimensions = array<i32: 0>} : vector<16xi32>
      %add3A_406 = arith.constant 416 : i32
      %add3A_407 = vector.broadcast %add3A_406 : i32 to vector<16xi32>
      %add3A_408 = arith.addi %iota3A_405, %add3A_407 : vector<16xi32>
      %iota3A_409 = tpu.iota {dimensions = array<i32: 0>} : vector<16xi32>
      %add3A_410 = arith.constant 432 : i32
      %add3A_411 = vector.broadcast %add3A_410 : i32 to vector<16xi32>
      %add3A_412 = arith.addi %iota3A_409, %add3A_411 : vector<16xi32>
      %iota3A_413 = tpu.iota {dimensions = array<i32: 0>} : vector<16xi32>
      %add3A_414 = arith.constant 448 : i32
      %add3A_415 = vector.broadcast %add3A_414 : i32 to vector<16xi32>
      %add3A_416 = arith.addi %iota3A_413, %add3A_415 : vector<16xi32>
      %iota3A_417 = tpu.iota {dimensions = array<i32: 0>} : vector<16xi32>
      %add3A_418 = arith.constant 464 : i32
      %add3A_419 = vector.broadcast %add3A_418 : i32 to vector<16xi32>
      %add3A_420 = arith.addi %iota3A_417, %add3A_419 : vector<16xi32>
      %iota3A_421 = tpu.iota {dimensions = array<i32: 0>} : vector<16xi32>
      %add3A_422 = arith.constant 480 : i32
      %add3A_423 = vector.broadcast %add3A_422 : i32 to vector<16xi32>
      %add3A_424 = arith.addi %iota3A_421, %add3A_423 : vector<16xi32>
      %iota3A_425 = tpu.iota {dimensions = array<i32: 0>} : vector<16xi32>
      %add3A_426 = arith.constant 496 : i32
      %add3A_427 = vector.broadcast %add3A_426 : i32 to vector<16xi32>
      %add3A_428 = arith.addi %iota3A_425, %add3A_427 : vector<16xi32>
      %broadcast_in_dim3A_429 = arith.constant 0.000000e+00 : f32
      %broadcast_in_dim3A_430 = vector.broadcast %broadcast_in_dim3A_429 : f32 to vector<16xf32>
      %get3A_431 = arith.constant 256 : index
      %get3A_432 = tpu.vector_load %arg9[%get3A_431] {strides = array<i32>} : memref<512xf32, #tpu.memory_space<vmem>>, vector<16xf32>,
      %select_n3A_433 = arith.select %eq3A_185, %broadcast_in_dim3A_430, %get3A_432 : vector<16xf32>
      %broadcast_in_dim3A_434 = arith.constant 0.000000e+00 : f32
      %broadcast_in_dim3A_435 = vector.broadcast %broadcast_in_dim3A_434 : f32 to vector<16xf32>
      %get3A_436 = arith.constant 272 : index
      %get3A_437 = tpu.vector_load %arg9[%get3A_436] {strides = array<i32>} : memref<512xf32, #tpu.memory_space<vmem>>, vector<16xf32>,
      %select_n3A_438 = arith.select %eq3A_185, %broadcast_in_dim3A_435, %get3A_437 : vector<16xf32>
      %broadcast_in_dim3A_439 = arith.constant 0.000000e+00 : f32
      %broadcast_in_dim3A_440 = vector.broadcast %broadcast_in_dim3A_439 : f32 to vector<16xf32>
      %get3A_441 = arith.constant 288 : index
      %get3A_442 = tpu.vector_load %arg9[%get3A_441] {strides = array<i32>} : memref<512xf32, #tpu.memory_space<vmem>>, vector<16xf32>,
      %select_n3A_443 = arith.select %eq3A_185, %broadcast_in_dim3A_440, %get3A_442 : vector<16xf32>
      %broadcast_in_dim3A_444 = arith.constant 0.000000e+00 : f32
      %broadcast_in_dim3A_445 = vector.broadcast %broadcast_in_dim3A_444 : f32 to vector<16xf32>
      %get3A_446 = arith.constant 304 : index
      %get3A_447 = tpu.vector_load %arg9[%get3A_446] {strides = array<i32>} : memref<512xf32, #tpu.memory_space<vmem>>, vector<16xf32>,
      %select_n3A_448 = arith.select %eq3A_185, %broadcast_in_dim3A_445, %get3A_447 : vector<16xf32>
      %broadcast_in_dim3A_449 = arith.constant 0.000000e+00 : f32
      %broadcast_in_dim3A_450 = vector.broadcast %broadcast_in_dim3A_449 : f32 to vector<16xf32>
      %get3A_451 = arith.constant 320 : index
      %get3A_452 = tpu.vector_load %arg9[%get3A_451] {strides = array<i32>} : memref<512xf32, #tpu.memory_space<vmem>>, vector<16xf32>,
      %select_n3A_453 = arith.select %eq3A_185, %broadcast_in_dim3A_450, %get3A_452 : vector<16xf32>
      %broadcast_in_dim3A_454 = arith.constant 0.000000e+00 : f32
      %broadcast_in_dim3A_455 = vector.broadcast %broadcast_in_dim3A_454 : f32 to vector<16xf32>
      %get3A_456 = arith.constant 336 : index
      %get3A_457 = tpu.vector_load %arg9[%get3A_456] {strides = array<i32>} : memref<512xf32, #tpu.memory_space<vmem>>, vector<16xf32>,
      %select_n3A_458 = arith.select %eq3A_185, %broadcast_in_dim3A_455, %get3A_457 : vector<16xf32>
      %broadcast_in_dim3A_459 = arith.constant 0.000000e+00 : f32
      %broadcast_in_dim3A_460 = vector.broadcast %broadcast_in_dim3A_459 : f32 to vector<16xf32>
      %get3A_461 = arith.constant 352 : index
      %get3A_462 = tpu.vector_load %arg9[%get3A_461] {strides = array<i32>} : memref<512xf32, #tpu.memory_space<vmem>>, vector<16xf32>,
      %select_n3A_463 = arith.select %eq3A_185, %broadcast_in_dim3A_460, %get3A_462 : vector<16xf32>
      %broadcast_in_dim3A_464 = arith.constant 0.000000e+00 : f32
      %broadcast_in_dim3A_465 = vector.broadcast %broadcast_in_dim3A_464 : f32 to vector<16xf32>
      %get3A_466 = arith.constant 368 : index
      %get3A_467 = tpu.vector_load %arg9[%get3A_466] {strides = array<i32>} : memref<512xf32, #tpu.memory_space<vmem>>, vector<16xf32>,
      %select_n3A_468 = arith.select %eq3A_185, %broadcast_in_dim3A_465, %get3A_467 : vector<16xf32>
      %broadcast_in_dim3A_469 = arith.constant 0.000000e+00 : f32
      %broadcast_in_dim3A_470 = vector.broadcast %broadcast_in_dim3A_469 : f32 to vector<16xf32>
      %get3A_471 = arith.constant 384 : index
      %get3A_472 = tpu.vector_load %arg9[%get3A_471] {strides = array<i32>} : memref<512xf32, #tpu.memory_space<vmem>>, vector<16xf32>,
      %select_n3A_473 = arith.select %eq3A_185, %broadcast_in_dim3A_470, %get3A_472 : vector<16xf32>
      %broadcast_in_dim3A_474 = arith.constant 0.000000e+00 : f32
      %broadcast_in_dim3A_475 = vector.broadcast %broadcast_in_dim3A_474 : f32 to vector<16xf32>
      %get3A_476 = arith.constant 400 : index
      %get3A_477 = tpu.vector_load %arg9[%get3A_476] {strides = array<i32>} : memref<512xf32, #tpu.memory_space<vmem>>, vector<16xf32>,
      %select_n3A_478 = arith.select %eq3A_185, %broadcast_in_dim3A_475, %get3A_477 : vector<16xf32>
      %broadcast_in_dim3A_479 = arith.constant 0.000000e+00 : f32
      %broadcast_in_dim3A_480 = vector.broadcast %broadcast_in_dim3A_479 : f32 to vector<16xf32>
      %get3A_481 = arith.constant 416 : index
      %get3A_482 = tpu.vector_load %arg9[%get3A_481] {strides = array<i32>} : memref<512xf32, #tpu.memory_space<vmem>>, vector<16xf32>,
      %select_n3A_483 = arith.select %eq3A_185, %broadcast_in_dim3A_480, %get3A_482 : vector<16xf32>
      %broadcast_in_dim3A_484 = arith.constant 0.000000e+00 : f32
      %broadcast_in_dim3A_485 = vector.broadcast %broadcast_in_dim3A_484 : f32 to vector<16xf32>
      %get3A_486 = arith.constant 432 : index
      %get3A_487 = tpu.vector_load %arg9[%get3A_486] {strides = array<i32>} : memref<512xf32, #tpu.memory_space<vmem>>, vector<16xf32>,
      %select_n3A_488 = arith.select %eq3A_185, %broadcast_in_dim3A_485, %get3A_487 : vector<16xf32>
      %broadcast_in_dim3A_489 = arith.constant 0.000000e+00 : f32
      %broadcast_in_dim3A_490 = vector.broadcast %broadcast_in_dim3A_489 : f32 to vector<16xf32>
      %get3A_491 = arith.constant 448 : index
      %get3A_492 = tpu.vector_load %arg9[%get3A_491] {strides = array<i32>} : memref<512xf32, #tpu.memory_space<vmem>>, vector<16xf32>,
      %select_n3A_493 = arith.select %eq3A_185, %broadcast_in_dim3A_490, %get3A_492 : vector<16xf32>
      %broadcast_in_dim3A_494 = arith.constant 0.000000e+00 : f32
      %broadcast_in_dim3A_495 = vector.broadcast %broadcast_in_dim3A_494 : f32 to vector<16xf32>
      %get3A_496 = arith.constant 464 : index
      %get3A_497 = tpu.vector_load %arg9[%get3A_496] {strides = array<i32>} : memref<512xf32, #tpu.memory_space<vmem>>, vector<16xf32>,
      %select_n3A_498 = arith.select %eq3A_185, %broadcast_in_dim3A_495, %get3A_497 : vector<16xf32>
      %broadcast_in_dim3A_499 = arith.constant 0.000000e+00 : f32
      %broadcast_in_dim3A_500 = vector.broadcast %broadcast_in_dim3A_499 : f32 to vector<16xf32>
      %get3A_501 = arith.constant 480 : index
      %get3A_502 = tpu.vector_load %arg9[%get3A_501] {strides = array<i32>} : memref<512xf32, #tpu.memory_space<vmem>>, vector<16xf32>,
      %select_n3A_503 = arith.select %eq3A_185, %broadcast_in_dim3A_500, %get3A_502 : vector<16xf32>
      %broadcast_in_dim3A_504 = arith.constant 0.000000e+00 : f32
      %broadcast_in_dim3A_505 = vector.broadcast %broadcast_in_dim3A_504 : f32 to vector<16xf32>
      %get3A_506 = arith.constant 496 : index
      %get3A_507 = tpu.vector_load %arg9[%get3A_506] {strides = array<i32>} : memref<512xf32, #tpu.memory_space<vmem>>, vector<16xf32>,
      %select_n3A_508 = arith.select %eq3A_185, %broadcast_in_dim3A_505, %get3A_507 : vector<16xf32>
      %scan3A_509 = arith.constant 0 : i32
      %scan3A_510 = arith.constant 32 : i32
      %scan3A_511 = arith.addi %scan3A_509, %scan3A_510 : i32
      %scan3A_512 = arith.constant 2 : i32
      %scan3A_513:16 = scf.for %scan3A_961 = %scan3A_509 to %scan3A_511 step %scan3A_512 iter_args(%scan3A_962 = %select_n3A_433, %scan3A_963 = %select_n3A_438, %scan3A_964 = %select_n3A_443, %scan3A_965 = %select_n3A_448, %scan3A_966 = %select_n3A_453, %scan3A_967 = %select_n3A_458, %scan3A_968 = %select_n3A_463, %scan3A_969 = %select_n3A_468, %scan3A_970 = %select_n3A_473, %scan3A_971 = %select_n3A_478, %scan3A_972 = %select_n3A_483, %scan3A_973 = %select_n3A_488, %scan3A_974 = %select_n3A_493, %scan3A_975 = %select_n3A_498, %scan3A_976 = %select_n3A_503, %scan3A_977 = %select_n3A_508) -> (vector<16xf32>, vector<16xf32>, vector<16xf32>, vector<16xf32>, vector<16xf32>, vector<16xf32>, vector<16xf32>, vector<16xf32>, vector<16xf32>, vector<16xf32>, vector<16xf32>, vector<16xf32>, vector<16xf32>, vector<16xf32>, vector<16xf32>, vector<16xf32>)  : i32 {
        %broadcast_in_dim3A_978 = vector.broadcast %scan3A_961 : i32 to vector<16xi32>
        %gather3A = tpu.vector_load_idx %arg4[%broadcast_in_dim3A_978, %add3A_368] : memref<32x512xf32, #tpu.memory_space<vmem>>[vector<16xi32>, vector<16xi32>], vector<16xf32>,
        %add3A_979 = arith.addf %scan3A_962, %gather3A : vector<16xf32>
        %gather3A_980 = tpu.vector_load_idx %arg4[%broadcast_in_dim3A_978, %add3A_372] : memref<32x512xf32, #tpu.memory_space<vmem>>[vector<16xi32>, vector<16xi32>], vector<16xf32>,
        %add3A_981 = arith.addf %scan3A_963, %gather3A_980 : vector<16xf32>
        %gather3A_982 = tpu.vector_load_idx %arg4[%broadcast_in_dim3A_978, %add3A_376] : memref<32x512xf32, #tpu.memory_space<vmem>>[vector<16xi32>, vector<16xi32>], vector<16xf32>,
        %add3A_983 = arith.addf %scan3A_964, %gather3A_982 : vector<16xf32>
        %gather3A_984 = tpu.vector_load_idx %arg4[%broadcast_in_dim3A_978, %add3A_380] : memref<32x512xf32, #tpu.memory_space<vmem>>[vector<16xi32>, vector<16xi32>], vector<16xf32>,
        %add3A_985 = arith.addf %scan3A_965, %gather3A_984 : vector<16xf32>
        %gather3A_986 = tpu.vector_load_idx %arg4[%broadcast_in_dim3A_978, %add3A_384] : memref<32x512xf32, #tpu.memory_space<vmem>>[vector<16xi32>, vector<16xi32>], vector<16xf32>,
        %add3A_987 = arith.addf %scan3A_966, %gather3A_986 : vector<16xf32>
        %gather3A_988 = tpu.vector_load_idx %arg4[%broadcast_in_dim3A_978, %add3A_388] : memref<32x512xf32, #tpu.memory_space<vmem>>[vector<16xi32>, vector<16xi32>], vector<16xf32>,
        %add3A_989 = arith.addf %scan3A_967, %gather3A_988 : vector<16xf32>
        %gather3A_990 = tpu.vector_load_idx %arg4[%broadcast_in_dim3A_978, %add3A_392] : memref<32x512xf32, #tpu.memory_space<vmem>>[vector<16xi32>, vector<16xi32>], vector<16xf32>,
        %add3A_991 = arith.addf %scan3A_968, %gather3A_990 : vector<16xf32>
        %gather3A_992 = tpu.vector_load_idx %arg4[%broadcast_in_dim3A_978, %add3A_396] : memref<32x512xf32, #tpu.memory_space<vmem>>[vector<16xi32>, vector<16xi32>], vector<16xf32>,
        %add3A_993 = arith.addf %scan3A_969, %gather3A_992 : vector<16xf32>
        %gather3A_994 = tpu.vector_load_idx %arg4[%broadcast_in_dim3A_978, %add3A_400] : memref<32x512xf32, #tpu.memory_space<vmem>>[vector<16xi32>, vector<16xi32>], vector<16xf32>,
        %add3A_995 = arith.addf %scan3A_970, %gather3A_994 : vector<16xf32>
        %gather3A_996 = tpu.vector_load_idx %arg4[%broadcast_in_dim3A_978, %add3A_404] : memref<32x512xf32, #tpu.memory_space<vmem>>[vector<16xi32>, vector<16xi32>], vector<16xf32>,
        %add3A_997 = arith.addf %scan3A_971, %gather3A_996 : vector<16xf32>
        %gather3A_998 = tpu.vector_load_idx %arg4[%broadcast_in_dim3A_978, %add3A_408] : memref<32x512xf32, #tpu.memory_space<vmem>>[vector<16xi32>, vector<16xi32>], vector<16xf32>,
        %add3A_999 = arith.addf %scan3A_972, %gather3A_998 : vector<16xf32>
        %gather3A_1000 = tpu.vector_load_idx %arg4[%broadcast_in_dim3A_978, %add3A_412] : memref<32x512xf32, #tpu.memory_space<vmem>>[vector<16xi32>, vector<16xi32>], vector<16xf32>,
        %add3A_1001 = arith.addf %scan3A_973, %gather3A_1000 : vector<16xf32>
        %gather3A_1002 = tpu.vector_load_idx %arg4[%broadcast_in_dim3A_978, %add3A_416] : memref<32x512xf32, #tpu.memory_space<vmem>>[vector<16xi32>, vector<16xi32>], vector<16xf32>,
        %add3A_1003 = arith.addf %scan3A_974, %gather3A_1002 : vector<16xf32>
        %gather3A_1004 = tpu.vector_load_idx %arg4[%broadcast_in_dim3A_978, %add3A_420] : memref<32x512xf32, #tpu.memory_space<vmem>>[vector<16xi32>, vector<16xi32>], vector<16xf32>,
        %add3A_1005 = arith.addf %scan3A_975, %gather3A_1004 : vector<16xf32>
        %gather3A_1006 = tpu.vector_load_idx %arg4[%broadcast_in_dim3A_978, %add3A_424] : memref<32x512xf32, #tpu.memory_space<vmem>>[vector<16xi32>, vector<16xi32>], vector<16xf32>,
        %add3A_1007 = arith.addf %scan3A_976, %gather3A_1006 : vector<16xf32>
        %gather3A_1008 = tpu.vector_load_idx %arg4[%broadcast_in_dim3A_978, %add3A_428] : memref<32x512xf32, #tpu.memory_space<vmem>>[vector<16xi32>, vector<16xi32>], vector<16xf32>,
        %add3A_1009 = arith.addf %scan3A_977, %gather3A_1008 : vector<16xf32>
        %scan3A_1010 = arith.constant 1 : i32
        %scan3A_1011 = arith.addi %scan3A_961, %scan3A_1010 : i32
        %broadcast_in_dim3A_1012 = vector.broadcast %scan3A_1011 : i32 to vector<16xi32>
        %gather3A_1013 = tpu.vector_load_idx %arg4[%broadcast_in_dim3A_1012, %add3A_368] : memref<32x512xf32, #tpu.memory_space<vmem>>[vector<16xi32>, vector<16xi32>], vector<16xf32>,
        %add3A_1014 = arith.addf %add3A_979, %gather3A_1013 : vector<16xf32>
        %gather3A_1015 = tpu.vector_load_idx %arg4[%broadcast_in_dim3A_1012, %add3A_372] : memref<32x512xf32, #tpu.memory_space<vmem>>[vector<16xi32>, vector<16xi32>], vector<16xf32>,
        %add3A_1016 = arith.addf %add3A_981, %gather3A_1015 : vector<16xf32>
        %gather3A_1017 = tpu.vector_load_idx %arg4[%broadcast_in_dim3A_1012, %add3A_376] : memref<32x512xf32, #tpu.memory_space<vmem>>[vector<16xi32>, vector<16xi32>], vector<16xf32>,
        %add3A_1018 = arith.addf %add3A_983, %gather3A_1017 : vector<16xf32>
        %gather3A_1019 = tpu.vector_load_idx %arg4[%broadcast_in_dim3A_1012, %add3A_380] : memref<32x512xf32, #tpu.memory_space<vmem>>[vector<16xi32>, vector<16xi32>], vector<16xf32>,
        %add3A_1020 = arith.addf %add3A_985, %gather3A_1019 : vector<16xf32>
        %gather3A_1021 = tpu.vector_load_idx %arg4[%broadcast_in_dim3A_1012, %add3A_384] : memref<32x512xf32, #tpu.memory_space<vmem>>[vector<16xi32>, vector<16xi32>], vector<16xf32>,
        %add3A_1022 = arith.addf %add3A_987, %gather3A_1021 : vector<16xf32>
        %gather3A_1023 = tpu.vector_load_idx %arg4[%broadcast_in_dim3A_1012, %add3A_388] : memref<32x512xf32, #tpu.memory_space<vmem>>[vector<16xi32>, vector<16xi32>], vector<16xf32>,
        %add3A_1024 = arith.addf %add3A_989, %gather3A_1023 : vector<16xf32>
        %gather3A_1025 = tpu.vector_load_idx %arg4[%broadcast_in_dim3A_1012, %add3A_392] : memref<32x512xf32, #tpu.memory_space<vmem>>[vector<16xi32>, vector<16xi32>], vector<16xf32>,
        %add3A_1026 = arith.addf %add3A_991, %gather3A_1025 : vector<16xf32>
        %gather3A_1027 = tpu.vector_load_idx %arg4[%broadcast_in_dim3A_1012, %add3A_396] : memref<32x512xf32, #tpu.memory_space<vmem>>[vector<16xi32>, vector<16xi32>], vector<16xf32>,
        %add3A_1028 = arith.addf %add3A_993, %gather3A_1027 : vector<16xf32>
        %gather3A_1029 = tpu.vector_load_idx %arg4[%broadcast_in_dim3A_1012, %add3A_400] : memref<32x512xf32, #tpu.memory_space<vmem>>[vector<16xi32>, vector<16xi32>], vector<16xf32>,
        %add3A_1030 = arith.addf %add3A_995, %gather3A_1029 : vector<16xf32>
        %gather3A_1031 = tpu.vector_load_idx %arg4[%broadcast_in_dim3A_1012, %add3A_404] : memref<32x512xf32, #tpu.memory_space<vmem>>[vector<16xi32>, vector<16xi32>], vector<16xf32>,
        %add3A_1032 = arith.addf %add3A_997, %gather3A_1031 : vector<16xf32>
        %gather3A_1033 = tpu.vector_load_idx %arg4[%broadcast_in_dim3A_1012, %add3A_408] : memref<32x512xf32, #tpu.memory_space<vmem>>[vector<16xi32>, vector<16xi32>], vector<16xf32>,
        %add3A_1034 = arith.addf %add3A_999, %gather3A_1033 : vector<16xf32>
        %gather3A_1035 = tpu.vector_load_idx %arg4[%broadcast_in_dim3A_1012, %add3A_412] : memref<32x512xf32, #tpu.memory_space<vmem>>[vector<16xi32>, vector<16xi32>], vector<16xf32>,
        %add3A_1036 = arith.addf %add3A_1001, %gather3A_1035 : vector<16xf32>
        %gather3A_1037 = tpu.vector_load_idx %arg4[%broadcast_in_dim3A_1012, %add3A_416] : memref<32x512xf32, #tpu.memory_space<vmem>>[vector<16xi32>, vector<16xi32>], vector<16xf32>,
        %add3A_1038 = arith.addf %add3A_1003, %gather3A_1037 : vector<16xf32>
        %gather3A_1039 = tpu.vector_load_idx %arg4[%broadcast_in_dim3A_1012, %add3A_420] : memref<32x512xf32, #tpu.memory_space<vmem>>[vector<16xi32>, vector<16xi32>], vector<16xf32>,
        %add3A_1040 = arith.addf %add3A_1005, %gather3A_1039 : vector<16xf32>
        %gather3A_1041 = tpu.vector_load_idx %arg4[%broadcast_in_dim3A_1012, %add3A_424] : memref<32x512xf32, #tpu.memory_space<vmem>>[vector<16xi32>, vector<16xi32>], vector<16xf32>,
        %add3A_1042 = arith.addf %add3A_1007, %gather3A_1041 : vector<16xf32>
        %gather3A_1043 = tpu.vector_load_idx %arg4[%broadcast_in_dim3A_1012, %add3A_428] : memref<32x512xf32, #tpu.memory_space<vmem>>[vector<16xi32>, vector<16xi32>], vector<16xf32>,
        %add3A_1044 = arith.addf %add3A_1009, %gather3A_1043 : vector<16xf32>
        scf.yield %add3A_1014, %add3A_1016, %add3A_1018, %add3A_1020, %add3A_1022, %add3A_1024, %add3A_1026, %add3A_1028, %add3A_1030, %add3A_1032, %add3A_1034, %add3A_1036, %add3A_1038, %add3A_1040, %add3A_1042, %add3A_1044 : vector<16xf32>, vector<16xf32>, vector<16xf32>, vector<16xf32>, vector<16xf32>, vector<16xf32>, vector<16xf32>, vector<16xf32>, vector<16xf32>, vector<16xf32>, vector<16xf32>, vector<16xf32>, vector<16xf32>, vector<16xf32>, vector<16xf32>, vector<16xf32>
      }
      %scan3A_514 = arith.constant 32 : i32
      %swap3A_515 = arith.constant 256 : index
      %swap3A_516 = tpu.vector_load %arg9[%swap3A_515] {strides = array<i32>} : memref<512xf32, #tpu.memory_space<vmem>>, vector<16xf32>,
      tpu.vector_store %arg9[%swap3A_515], %scan3A_513#0 {strides = array<i32>} : memref<512xf32, #tpu.memory_space<vmem>>, vector<16xf32>,
      %swap3A_517 = arith.constant 272 : index
      %swap3A_518 = tpu.vector_load %arg9[%swap3A_517] {strides = array<i32>} : memref<512xf32, #tpu.memory_space<vmem>>, vector<16xf32>,
      tpu.vector_store %arg9[%swap3A_517], %scan3A_513#1 {strides = array<i32>} : memref<512xf32, #tpu.memory_space<vmem>>, vector<16xf32>,
      %swap3A_519 = arith.constant 288 : index
      %swap3A_520 = tpu.vector_load %arg9[%swap3A_519] {strides = array<i32>} : memref<512xf32, #tpu.memory_space<vmem>>, vector<16xf32>,
      tpu.vector_store %arg9[%swap3A_519], %scan3A_513#2 {strides = array<i32>} : memref<512xf32, #tpu.memory_space<vmem>>, vector<16xf32>,
      %swap3A_521 = arith.constant 304 : index
      %swap3A_522 = tpu.vector_load %arg9[%swap3A_521] {strides = array<i32>} : memref<512xf32, #tpu.memory_space<vmem>>, vector<16xf32>,
      tpu.vector_store %arg9[%swap3A_521], %scan3A_513#3 {strides = array<i32>} : memref<512xf32, #tpu.memory_space<vmem>>, vector<16xf32>,
      %swap3A_523 = arith.constant 320 : index
      %swap3A_524 = tpu.vector_load %arg9[%swap3A_523] {strides = array<i32>} : memref<512xf32, #tpu.memory_space<vmem>>, vector<16xf32>,
      tpu.vector_store %arg9[%swap3A_523], %scan3A_513#4 {strides = array<i32>} : memref<512xf32, #tpu.memory_space<vmem>>, vector<16xf32>,
      %swap3A_525 = arith.constant 336 : index
      %swap3A_526 = tpu.vector_load %arg9[%swap3A_525] {strides = array<i32>} : memref<512xf32, #tpu.memory_space<vmem>>, vector<16xf32>,
      tpu.vector_store %arg9[%swap3A_525], %scan3A_513#5 {strides = array<i32>} : memref<512xf32, #tpu.memory_space<vmem>>, vector<16xf32>,
      %swap3A_527 = arith.constant 352 : index
      %swap3A_528 = tpu.vector_load %arg9[%swap3A_527] {strides = array<i32>} : memref<512xf32, #tpu.memory_space<vmem>>, vector<16xf32>,
      tpu.vector_store %arg9[%swap3A_527], %scan3A_513#6 {strides = array<i32>} : memref<512xf32, #tpu.memory_space<vmem>>, vector<16xf32>,
      %swap3A_529 = arith.constant 368 : index
      %swap3A_530 = tpu.vector_load %arg9[%swap3A_529] {strides = array<i32>} : memref<512xf32, #tpu.memory_space<vmem>>, vector<16xf32>,
      tpu.vector_store %arg9[%swap3A_529], %scan3A_513#7 {strides = array<i32>} : memref<512xf32, #tpu.memory_space<vmem>>, vector<16xf32>,
      %swap3A_531 = arith.constant 384 : index
      %swap3A_532 = tpu.vector_load %arg9[%swap3A_531] {strides = array<i32>} : memref<512xf32, #tpu.memory_space<vmem>>, vector<16xf32>,
      tpu.vector_store %arg9[%swap3A_531], %scan3A_513#8 {strides = array<i32>} : memref<512xf32, #tpu.memory_space<vmem>>, vector<16xf32>,
      %swap3A_533 = arith.constant 400 : index
      %swap3A_534 = tpu.vector_load %arg9[%swap3A_533] {strides = array<i32>} : memref<512xf32, #tpu.memory_space<vmem>>, vector<16xf32>,
      tpu.vector_store %arg9[%swap3A_533], %scan3A_513#9 {strides = array<i32>} : memref<512xf32, #tpu.memory_space<vmem>>, vector<16xf32>,
      %swap3A_535 = arith.constant 416 : index
      %swap3A_536 = tpu.vector_load %arg9[%swap3A_535] {strides = array<i32>} : memref<512xf32, #tpu.memory_space<vmem>>, vector<16xf32>,
      tpu.vector_store %arg9[%swap3A_535], %scan3A_513#10 {strides = array<i32>} : memref<512xf32, #tpu.memory_space<vmem>>, vector<16xf32>,
      %swap3A_537 = arith.constant 432 : index
      %swap3A_538 = tpu.vector_load %arg9[%swap3A_537] {strides = array<i32>} : memref<512xf32, #tpu.memory_space<vmem>>, vector<16xf32>,
      tpu.vector_store %arg9[%swap3A_537], %scan3A_513#11 {strides = array<i32>} : memref<512xf32, #tpu.memory_space<vmem>>, vector<16xf32>,
      %swap3A_539 = arith.constant 448 : index
      %swap3A_540 = tpu.vector_load %arg9[%swap3A_539] {strides = array<i32>} : memref<512xf32, #tpu.memory_space<vmem>>, vector<16xf32>,
      tpu.vector_store %arg9[%swap3A_539], %scan3A_513#12 {strides = array<i32>} : memref<512xf32, #tpu.memory_space<vmem>>, vector<16xf32>,
      %swap3A_541 = arith.constant 464 : index
      %swap3A_542 = tpu.vector_load %arg9[%swap3A_541] {strides = array<i32>} : memref<512xf32, #tpu.memory_space<vmem>>, vector<16xf32>,
      tpu.vector_store %arg9[%swap3A_541], %scan3A_513#13 {strides = array<i32>} : memref<512xf32, #tpu.memory_space<vmem>>, vector<16xf32>,
      %swap3A_543 = arith.constant 480 : index
      %swap3A_544 = tpu.vector_load %arg9[%swap3A_543] {strides = array<i32>} : memref<512xf32, #tpu.memory_space<vmem>>, vector<16xf32>,
      tpu.vector_store %arg9[%swap3A_543], %scan3A_513#14 {strides = array<i32>} : memref<512xf32, #tpu.memory_space<vmem>>, vector<16xf32>,
      %swap3A_545 = arith.constant 496 : index
      %swap3A_546 = tpu.vector_load %arg9[%swap3A_545] {strides = array<i32>} : memref<512xf32, #tpu.memory_space<vmem>>, vector<16xf32>,
      tpu.vector_store %arg9[%swap3A_545], %scan3A_513#15 {strides = array<i32>} : memref<512xf32, #tpu.memory_space<vmem>>, vector<16xf32>,
      %add3A_547 = arith.constant 2 : i32
      %add3A_548 = arith.addi %mul3A_179, %add3A_547 : i32
      %lt3A = arith.constant 64 : i32
      %lt3A_549 = arith.cmpi slt, %add3A_548, %lt3A : i32
      %convert_element_type3A = arith.extui %lt3A_549 : i1 to i32
      %cond3A = arith.constant 0 : i32
      %cond3A_550 = arith.cmpi ne, %convert_element_type3A, %cond3A : i32
      scf.if %cond3A_550 {
        %add3A_961 = arith.constant 2 : i32
        %add3A_962 = arith.addi %mul3A_179, %add3A_961 : i32
        %mul3A_963 = arith.constant 32 : i32
        %mul3A_964 = arith.muli %add3A_962, %mul3A_963 : i32
        %add3A_965 = arith.addi %mul3A_0, %mul3A_964 : i32
        %dma_start3A_966 = tpu.memref_slice %arg2[%add3A_965, %mul3A_2] : memref<32768x1024xf32, #tpu.memory_space<hbm>> -> memref<32x512xf32, #tpu.memory_space<hbm>>
        %dma_start3A_967 = tpu.memref_slice %arg2[%add3A_965, %mul3A_2] : memref<32768x1024xf32, #tpu.memory_space<hbm>> -> memref<32x512xf32, #tpu.memory_space<hbm>>
        tpu.enqueue_dma source(%dma_start3A_967 : memref<32x512xf32, #tpu.memory_space<hbm>>) target(%arg4 : memref<32x512xf32, #tpu.memory_space<vmem>>) target_semaphore(%arg11 : memref<!tpu.dma_semaphore, #tpu.memory_space<semaphore_mem>>)
      } else {
      }
      %add3A_551 = arith.constant 1 : i32
      %add3A_552 = arith.addi %mul3A_179, %add3A_551 : i32
      %mul3A_553 = arith.constant 32 : i32
      %mul3A_554 = arith.muli %add3A_552, %mul3A_553 : i32
      %add3A_555 = arith.addi %mul3A_0, %mul3A_554 : i32
      %dma_wait3A_556 = tpu.memref_slice %arg2[%add3A_555, %mul3A_2] : memref<32768x1024xf32, #tpu.memory_space<hbm>> -> memref<32x512xf32, #tpu.memory_space<hbm>>
      %dma_wait3A_557 = tpu.memref_slice %arg2[%add3A_555, %mul3A_2] : memref<32768x1024xf32, #tpu.memory_space<hbm>> -> memref<32x512xf32, #tpu.memory_space<hbm>>
      tpu.wait_dma2 semaphore(%arg12 : memref<!tpu.dma_semaphore, #tpu.memory_space<semaphore_mem>>) src(%dma_wait3A_557 : memref<32x512xf32, #tpu.memory_space<hbm>>) dst(%arg5 : memref<32x512xf32, #tpu.memory_space<vmem>>)
      %iota3A_558 = tpu.iota {dimensions = array<i32: 0>} : vector<16xi32>
      %add3A_559 = arith.constant 0 : i32
      %add3A_560 = vector.broadcast %add3A_559 : i32 to vector<16xi32>
      %add3A_561 = arith.addi %iota3A_558, %add3A_560 : vector<16xi32>
      %iota3A_562 = tpu.iota {dimensions = array<i32: 0>} : vector<16xi32>
      %add3A_563 = arith.constant 16 : i32
      %add3A_564 = vector.broadcast %add3A_563 : i32 to vector<16xi32>
      %add3A_565 = arith.addi %iota3A_562, %add3A_564 : vector<16xi32>
      %iota3A_566 = tpu.iota {dimensions = array<i32: 0>} : vector<16xi32>
      %add3A_567 = arith.constant 32 : i32
      %add3A_568 = vector.broadcast %add3A_567 : i32 to vector<16xi32>
      %add3A_569 = arith.addi %iota3A_566, %add3A_568 : vector<16xi32>
      %iota3A_570 = tpu.iota {dimensions = array<i32: 0>} : vector<16xi32>
      %add3A_571 = arith.constant 48 : i32
      %add3A_572 = vector.broadcast %add3A_571 : i32 to vector<16xi32>
      %add3A_573 = arith.addi %iota3A_570, %add3A_572 : vector<16xi32>
      %iota3A_574 = tpu.iota {dimensions = array<i32: 0>} : vector<16xi32>
      %add3A_575 = arith.constant 64 : i32
      %add3A_576 = vector.broadcast %add3A_575 : i32 to vector<16xi32>
      %add3A_577 = arith.addi %iota3A_574, %add3A_576 : vector<16xi32>
      %iota3A_578 = tpu.iota {dimensions = array<i32: 0>} : vector<16xi32>
      %add3A_579 = arith.constant 80 : i32
      %add3A_580 = vector.broadcast %add3A_579 : i32 to vector<16xi32>
      %add3A_581 = arith.addi %iota3A_578, %add3A_580 : vector<16xi32>
      %iota3A_582 = tpu.iota {dimensions = array<i32: 0>} : vector<16xi32>
      %add3A_583 = arith.constant 96 : i32
      %add3A_584 = vector.broadcast %add3A_583 : i32 to vector<16xi32>
      %add3A_585 = arith.addi %iota3A_582, %add3A_584 : vector<16xi32>
      %iota3A_586 = tpu.iota {dimensions = array<i32: 0>} : vector<16xi32>
      %add3A_587 = arith.constant 112 : i32
      %add3A_588 = vector.broadcast %add3A_587 : i32 to vector<16xi32>
      %add3A_589 = arith.addi %iota3A_586, %add3A_588 : vector<16xi32>
      %iota3A_590 = tpu.iota {dimensions = array<i32: 0>} : vector<16xi32>
      %add3A_591 = arith.constant 128 : i32
      %add3A_592 = vector.broadcast %add3A_591 : i32 to vector<16xi32>
      %add3A_593 = arith.addi %iota3A_590, %add3A_592 : vector<16xi32>
      %iota3A_594 = tpu.iota {dimensions = array<i32: 0>} : vector<16xi32>
      %add3A_595 = arith.constant 144 : i32
      %add3A_596 = vector.broadcast %add3A_595 : i32 to vector<16xi32>
      %add3A_597 = arith.addi %iota3A_594, %add3A_596 : vector<16xi32>
      %iota3A_598 = tpu.iota {dimensions = array<i32: 0>} : vector<16xi32>
      %add3A_599 = arith.constant 160 : i32
      %add3A_600 = vector.broadcast %add3A_599 : i32 to vector<16xi32>
      %add3A_601 = arith.addi %iota3A_598, %add3A_600 : vector<16xi32>
      %iota3A_602 = tpu.iota {dimensions = array<i32: 0>} : vector<16xi32>
      %add3A_603 = arith.constant 176 : i32
      %add3A_604 = vector.broadcast %add3A_603 : i32 to vector<16xi32>
      %add3A_605 = arith.addi %iota3A_602, %add3A_604 : vector<16xi32>
      %iota3A_606 = tpu.iota {dimensions = array<i32: 0>} : vector<16xi32>
      %add3A_607 = arith.constant 192 : i32
      %add3A_608 = vector.broadcast %add3A_607 : i32 to vector<16xi32>
      %add3A_609 = arith.addi %iota3A_606, %add3A_608 : vector<16xi32>
      %iota3A_610 = tpu.iota {dimensions = array<i32: 0>} : vector<16xi32>
      %add3A_611 = arith.constant 208 : i32
      %add3A_612 = vector.broadcast %add3A_611 : i32 to vector<16xi32>
      %add3A_613 = arith.addi %iota3A_610, %add3A_612 : vector<16xi32>
      %iota3A_614 = tpu.iota {dimensions = array<i32: 0>} : vector<16xi32>
      %add3A_615 = arith.constant 224 : i32
      %add3A_616 = vector.broadcast %add3A_615 : i32 to vector<16xi32>
      %add3A_617 = arith.addi %iota3A_614, %add3A_616 : vector<16xi32>
      %iota3A_618 = tpu.iota {dimensions = array<i32: 0>} : vector<16xi32>
      %add3A_619 = arith.constant 240 : i32
      %add3A_620 = vector.broadcast %add3A_619 : i32 to vector<16xi32>
      %add3A_621 = arith.addi %iota3A_618, %add3A_620 : vector<16xi32>
      %broadcast_in_dim3A_622 = arith.constant 0.000000e+00 : f32
      %broadcast_in_dim3A_623 = vector.broadcast %broadcast_in_dim3A_622 : f32 to vector<16xf32>
      %get3A_624 = arith.constant 0 : index
      %get3A_625 = tpu.vector_load %arg9[%get3A_624] {strides = array<i32>} : memref<512xf32, #tpu.memory_space<vmem>>, vector<16xf32>,
      %jit3A = arith.constant false
      %select_n3A_626 = arith.select %jit3A, %broadcast_in_dim3A_623, %get3A_625 : vector<16xf32>
      %broadcast_in_dim3A_627 = arith.constant 0.000000e+00 : f32
      %broadcast_in_dim3A_628 = vector.broadcast %broadcast_in_dim3A_627 : f32 to vector<16xf32>
      %get3A_629 = arith.constant 16 : index
      %get3A_630 = tpu.vector_load %arg9[%get3A_629] {strides = array<i32>} : memref<512xf32, #tpu.memory_space<vmem>>, vector<16xf32>,
      %jit3A_631 = arith.constant false
      %select_n3A_632 = arith.select %jit3A_631, %broadcast_in_dim3A_628, %get3A_630 : vector<16xf32>
      %broadcast_in_dim3A_633 = arith.constant 0.000000e+00 : f32
      %broadcast_in_dim3A_634 = vector.broadcast %broadcast_in_dim3A_633 : f32 to vector<16xf32>
      %get3A_635 = arith.constant 32 : index
      %get3A_636 = tpu.vector_load %arg9[%get3A_635] {strides = array<i32>} : memref<512xf32, #tpu.memory_space<vmem>>, vector<16xf32>,
      %jit3A_637 = arith.constant false
      %select_n3A_638 = arith.select %jit3A_637, %broadcast_in_dim3A_634, %get3A_636 : vector<16xf32>
      %broadcast_in_dim3A_639 = arith.constant 0.000000e+00 : f32
      %broadcast_in_dim3A_640 = vector.broadcast %broadcast_in_dim3A_639 : f32 to vector<16xf32>
      %get3A_641 = arith.constant 48 : index
      %get3A_642 = tpu.vector_load %arg9[%get3A_641] {strides = array<i32>} : memref<512xf32, #tpu.memory_space<vmem>>, vector<16xf32>,
      %jit3A_643 = arith.constant false
      %select_n3A_644 = arith.select %jit3A_643, %broadcast_in_dim3A_640, %get3A_642 : vector<16xf32>
      %broadcast_in_dim3A_645 = arith.constant 0.000000e+00 : f32
      %broadcast_in_dim3A_646 = vector.broadcast %broadcast_in_dim3A_645 : f32 to vector<16xf32>
      %get3A_647 = arith.constant 64 : index
      %get3A_648 = tpu.vector_load %arg9[%get3A_647] {strides = array<i32>} : memref<512xf32, #tpu.memory_space<vmem>>, vector<16xf32>,
      %jit3A_649 = arith.constant false
      %select_n3A_650 = arith.select %jit3A_649, %broadcast_in_dim3A_646, %get3A_648 : vector<16xf32>
      %broadcast_in_dim3A_651 = arith.constant 0.000000e+00 : f32
      %broadcast_in_dim3A_652 = vector.broadcast %broadcast_in_dim3A_651 : f32 to vector<16xf32>
      %get3A_653 = arith.constant 80 : index
      %get3A_654 = tpu.vector_load %arg9[%get3A_653] {strides = array<i32>} : memref<512xf32, #tpu.memory_space<vmem>>, vector<16xf32>,
      %jit3A_655 = arith.constant false
      %select_n3A_656 = arith.select %jit3A_655, %broadcast_in_dim3A_652, %get3A_654 : vector<16xf32>
      %broadcast_in_dim3A_657 = arith.constant 0.000000e+00 : f32
      %broadcast_in_dim3A_658 = vector.broadcast %broadcast_in_dim3A_657 : f32 to vector<16xf32>
      %get3A_659 = arith.constant 96 : index
      %get3A_660 = tpu.vector_load %arg9[%get3A_659] {strides = array<i32>} : memref<512xf32, #tpu.memory_space<vmem>>, vector<16xf32>,
      %jit3A_661 = arith.constant false
      %select_n3A_662 = arith.select %jit3A_661, %broadcast_in_dim3A_658, %get3A_660 : vector<16xf32>
      %broadcast_in_dim3A_663 = arith.constant 0.000000e+00 : f32
      %broadcast_in_dim3A_664 = vector.broadcast %broadcast_in_dim3A_663 : f32 to vector<16xf32>
      %get3A_665 = arith.constant 112 : index
      %get3A_666 = tpu.vector_load %arg9[%get3A_665] {strides = array<i32>} : memref<512xf32, #tpu.memory_space<vmem>>, vector<16xf32>,
      %jit3A_667 = arith.constant false
      %select_n3A_668 = arith.select %jit3A_667, %broadcast_in_dim3A_664, %get3A_666 : vector<16xf32>
      %broadcast_in_dim3A_669 = arith.constant 0.000000e+00 : f32
      %broadcast_in_dim3A_670 = vector.broadcast %broadcast_in_dim3A_669 : f32 to vector<16xf32>
      %get3A_671 = arith.constant 128 : index
      %get3A_672 = tpu.vector_load %arg9[%get3A_671] {strides = array<i32>} : memref<512xf32, #tpu.memory_space<vmem>>, vector<16xf32>,
      %jit3A_673 = arith.constant false
      %select_n3A_674 = arith.select %jit3A_673, %broadcast_in_dim3A_670, %get3A_672 : vector<16xf32>
      %broadcast_in_dim3A_675 = arith.constant 0.000000e+00 : f32
      %broadcast_in_dim3A_676 = vector.broadcast %broadcast_in_dim3A_675 : f32 to vector<16xf32>
      %get3A_677 = arith.constant 144 : index
      %get3A_678 = tpu.vector_load %arg9[%get3A_677] {strides = array<i32>} : memref<512xf32, #tpu.memory_space<vmem>>, vector<16xf32>,
      %jit3A_679 = arith.constant false
      %select_n3A_680 = arith.select %jit3A_679, %broadcast_in_dim3A_676, %get3A_678 : vector<16xf32>
      %broadcast_in_dim3A_681 = arith.constant 0.000000e+00 : f32
      %broadcast_in_dim3A_682 = vector.broadcast %broadcast_in_dim3A_681 : f32 to vector<16xf32>
      %get3A_683 = arith.constant 160 : index
      %get3A_684 = tpu.vector_load %arg9[%get3A_683] {strides = array<i32>} : memref<512xf32, #tpu.memory_space<vmem>>, vector<16xf32>,
      %jit3A_685 = arith.constant false
      %select_n3A_686 = arith.select %jit3A_685, %broadcast_in_dim3A_682, %get3A_684 : vector<16xf32>
      %broadcast_in_dim3A_687 = arith.constant 0.000000e+00 : f32
      %broadcast_in_dim3A_688 = vector.broadcast %broadcast_in_dim3A_687 : f32 to vector<16xf32>
      %get3A_689 = arith.constant 176 : index
      %get3A_690 = tpu.vector_load %arg9[%get3A_689] {strides = array<i32>} : memref<512xf32, #tpu.memory_space<vmem>>, vector<16xf32>,
      %jit3A_691 = arith.constant false
      %select_n3A_692 = arith.select %jit3A_691, %broadcast_in_dim3A_688, %get3A_690 : vector<16xf32>
      %broadcast_in_dim3A_693 = arith.constant 0.000000e+00 : f32
      %broadcast_in_dim3A_694 = vector.broadcast %broadcast_in_dim3A_693 : f32 to vector<16xf32>
      %get3A_695 = arith.constant 192 : index
      %get3A_696 = tpu.vector_load %arg9[%get3A_695] {strides = array<i32>} : memref<512xf32, #tpu.memory_space<vmem>>, vector<16xf32>,
      %jit3A_697 = arith.constant false
      %select_n3A_698 = arith.select %jit3A_697, %broadcast_in_dim3A_694, %get3A_696 : vector<16xf32>
      %broadcast_in_dim3A_699 = arith.constant 0.000000e+00 : f32
      %broadcast_in_dim3A_700 = vector.broadcast %broadcast_in_dim3A_699 : f32 to vector<16xf32>
      %get3A_701 = arith.constant 208 : index
      %get3A_702 = tpu.vector_load %arg9[%get3A_701] {strides = array<i32>} : memref<512xf32, #tpu.memory_space<vmem>>, vector<16xf32>,
      %jit3A_703 = arith.constant false
      %select_n3A_704 = arith.select %jit3A_703, %broadcast_in_dim3A_700, %get3A_702 : vector<16xf32>
      %broadcast_in_dim3A_705 = arith.constant 0.000000e+00 : f32
      %broadcast_in_dim3A_706 = vector.broadcast %broadcast_in_dim3A_705 : f32 to vector<16xf32>
      %get3A_707 = arith.constant 224 : index
      %get3A_708 = tpu.vector_load %arg9[%get3A_707] {strides = array<i32>} : memref<512xf32, #tpu.memory_space<vmem>>, vector<16xf32>,
      %jit3A_709 = arith.constant false
      %select_n3A_710 = arith.select %jit3A_709, %broadcast_in_dim3A_706, %get3A_708 : vector<16xf32>
      %broadcast_in_dim3A_711 = arith.constant 0.000000e+00 : f32
      %broadcast_in_dim3A_712 = vector.broadcast %broadcast_in_dim3A_711 : f32 to vector<16xf32>
      %get3A_713 = arith.constant 240 : index
      %get3A_714 = tpu.vector_load %arg9[%get3A_713] {strides = array<i32>} : memref<512xf32, #tpu.memory_space<vmem>>, vector<16xf32>,
      %jit3A_715 = arith.constant false
      %select_n3A_716 = arith.select %jit3A_715, %broadcast_in_dim3A_712, %get3A_714 : vector<16xf32>
      %scan3A_717 = arith.constant 0 : i32
      %scan3A_718 = arith.constant 32 : i32
      %scan3A_719 = arith.addi %scan3A_717, %scan3A_718 : i32
      %scan3A_720 = arith.constant 2 : i32
      %scan3A_721:16 = scf.for %scan3A_961 = %scan3A_717 to %scan3A_719 step %scan3A_720 iter_args(%scan3A_962 = %select_n3A_626, %scan3A_963 = %select_n3A_632, %scan3A_964 = %select_n3A_638, %scan3A_965 = %select_n3A_644, %scan3A_966 = %select_n3A_650, %scan3A_967 = %select_n3A_656, %scan3A_968 = %select_n3A_662, %scan3A_969 = %select_n3A_668, %scan3A_970 = %select_n3A_674, %scan3A_971 = %select_n3A_680, %scan3A_972 = %select_n3A_686, %scan3A_973 = %select_n3A_692, %scan3A_974 = %select_n3A_698, %scan3A_975 = %select_n3A_704, %scan3A_976 = %select_n3A_710, %scan3A_977 = %select_n3A_716) -> (vector<16xf32>, vector<16xf32>, vector<16xf32>, vector<16xf32>, vector<16xf32>, vector<16xf32>, vector<16xf32>, vector<16xf32>, vector<16xf32>, vector<16xf32>, vector<16xf32>, vector<16xf32>, vector<16xf32>, vector<16xf32>, vector<16xf32>, vector<16xf32>)  : i32 {
        %broadcast_in_dim3A_978 = vector.broadcast %scan3A_961 : i32 to vector<16xi32>
        %gather3A = tpu.vector_load_idx %arg5[%broadcast_in_dim3A_978, %add3A_561] : memref<32x512xf32, #tpu.memory_space<vmem>>[vector<16xi32>, vector<16xi32>], vector<16xf32>,
        %add3A_979 = arith.addf %scan3A_962, %gather3A : vector<16xf32>
        %gather3A_980 = tpu.vector_load_idx %arg5[%broadcast_in_dim3A_978, %add3A_565] : memref<32x512xf32, #tpu.memory_space<vmem>>[vector<16xi32>, vector<16xi32>], vector<16xf32>,
        %add3A_981 = arith.addf %scan3A_963, %gather3A_980 : vector<16xf32>
        %gather3A_982 = tpu.vector_load_idx %arg5[%broadcast_in_dim3A_978, %add3A_569] : memref<32x512xf32, #tpu.memory_space<vmem>>[vector<16xi32>, vector<16xi32>], vector<16xf32>,
        %add3A_983 = arith.addf %scan3A_964, %gather3A_982 : vector<16xf32>
        %gather3A_984 = tpu.vector_load_idx %arg5[%broadcast_in_dim3A_978, %add3A_573] : memref<32x512xf32, #tpu.memory_space<vmem>>[vector<16xi32>, vector<16xi32>], vector<16xf32>,
        %add3A_985 = arith.addf %scan3A_965, %gather3A_984 : vector<16xf32>
        %gather3A_986 = tpu.vector_load_idx %arg5[%broadcast_in_dim3A_978, %add3A_577] : memref<32x512xf32, #tpu.memory_space<vmem>>[vector<16xi32>, vector<16xi32>], vector<16xf32>,
        %add3A_987 = arith.addf %scan3A_966, %gather3A_986 : vector<16xf32>
        %gather3A_988 = tpu.vector_load_idx %arg5[%broadcast_in_dim3A_978, %add3A_581] : memref<32x512xf32, #tpu.memory_space<vmem>>[vector<16xi32>, vector<16xi32>], vector<16xf32>,
        %add3A_989 = arith.addf %scan3A_967, %gather3A_988 : vector<16xf32>
        %gather3A_990 = tpu.vector_load_idx %arg5[%broadcast_in_dim3A_978, %add3A_585] : memref<32x512xf32, #tpu.memory_space<vmem>>[vector<16xi32>, vector<16xi32>], vector<16xf32>,
        %add3A_991 = arith.addf %scan3A_968, %gather3A_990 : vector<16xf32>
        %gather3A_992 = tpu.vector_load_idx %arg5[%broadcast_in_dim3A_978, %add3A_589] : memref<32x512xf32, #tpu.memory_space<vmem>>[vector<16xi32>, vector<16xi32>], vector<16xf32>,
        %add3A_993 = arith.addf %scan3A_969, %gather3A_992 : vector<16xf32>
        %gather3A_994 = tpu.vector_load_idx %arg5[%broadcast_in_dim3A_978, %add3A_593] : memref<32x512xf32, #tpu.memory_space<vmem>>[vector<16xi32>, vector<16xi32>], vector<16xf32>,
        %add3A_995 = arith.addf %scan3A_970, %gather3A_994 : vector<16xf32>
        %gather3A_996 = tpu.vector_load_idx %arg5[%broadcast_in_dim3A_978, %add3A_597] : memref<32x512xf32, #tpu.memory_space<vmem>>[vector<16xi32>, vector<16xi32>], vector<16xf32>,
        %add3A_997 = arith.addf %scan3A_971, %gather3A_996 : vector<16xf32>
        %gather3A_998 = tpu.vector_load_idx %arg5[%broadcast_in_dim3A_978, %add3A_601] : memref<32x512xf32, #tpu.memory_space<vmem>>[vector<16xi32>, vector<16xi32>], vector<16xf32>,
        %add3A_999 = arith.addf %scan3A_972, %gather3A_998 : vector<16xf32>
        %gather3A_1000 = tpu.vector_load_idx %arg5[%broadcast_in_dim3A_978, %add3A_605] : memref<32x512xf32, #tpu.memory_space<vmem>>[vector<16xi32>, vector<16xi32>], vector<16xf32>,
        %add3A_1001 = arith.addf %scan3A_973, %gather3A_1000 : vector<16xf32>
        %gather3A_1002 = tpu.vector_load_idx %arg5[%broadcast_in_dim3A_978, %add3A_609] : memref<32x512xf32, #tpu.memory_space<vmem>>[vector<16xi32>, vector<16xi32>], vector<16xf32>,
        %add3A_1003 = arith.addf %scan3A_974, %gather3A_1002 : vector<16xf32>
        %gather3A_1004 = tpu.vector_load_idx %arg5[%broadcast_in_dim3A_978, %add3A_613] : memref<32x512xf32, #tpu.memory_space<vmem>>[vector<16xi32>, vector<16xi32>], vector<16xf32>,
        %add3A_1005 = arith.addf %scan3A_975, %gather3A_1004 : vector<16xf32>
        %gather3A_1006 = tpu.vector_load_idx %arg5[%broadcast_in_dim3A_978, %add3A_617] : memref<32x512xf32, #tpu.memory_space<vmem>>[vector<16xi32>, vector<16xi32>], vector<16xf32>,
        %add3A_1007 = arith.addf %scan3A_976, %gather3A_1006 : vector<16xf32>
        %gather3A_1008 = tpu.vector_load_idx %arg5[%broadcast_in_dim3A_978, %add3A_621] : memref<32x512xf32, #tpu.memory_space<vmem>>[vector<16xi32>, vector<16xi32>], vector<16xf32>,
        %add3A_1009 = arith.addf %scan3A_977, %gather3A_1008 : vector<16xf32>
        %scan3A_1010 = arith.constant 1 : i32
        %scan3A_1011 = arith.addi %scan3A_961, %scan3A_1010 : i32
        %broadcast_in_dim3A_1012 = vector.broadcast %scan3A_1011 : i32 to vector<16xi32>
        %gather3A_1013 = tpu.vector_load_idx %arg5[%broadcast_in_dim3A_1012, %add3A_561] : memref<32x512xf32, #tpu.memory_space<vmem>>[vector<16xi32>, vector<16xi32>], vector<16xf32>,
        %add3A_1014 = arith.addf %add3A_979, %gather3A_1013 : vector<16xf32>
        %gather3A_1015 = tpu.vector_load_idx %arg5[%broadcast_in_dim3A_1012, %add3A_565] : memref<32x512xf32, #tpu.memory_space<vmem>>[vector<16xi32>, vector<16xi32>], vector<16xf32>,
        %add3A_1016 = arith.addf %add3A_981, %gather3A_1015 : vector<16xf32>
        %gather3A_1017 = tpu.vector_load_idx %arg5[%broadcast_in_dim3A_1012, %add3A_569] : memref<32x512xf32, #tpu.memory_space<vmem>>[vector<16xi32>, vector<16xi32>], vector<16xf32>,
        %add3A_1018 = arith.addf %add3A_983, %gather3A_1017 : vector<16xf32>
        %gather3A_1019 = tpu.vector_load_idx %arg5[%broadcast_in_dim3A_1012, %add3A_573] : memref<32x512xf32, #tpu.memory_space<vmem>>[vector<16xi32>, vector<16xi32>], vector<16xf32>,
        %add3A_1020 = arith.addf %add3A_985, %gather3A_1019 : vector<16xf32>
        %gather3A_1021 = tpu.vector_load_idx %arg5[%broadcast_in_dim3A_1012, %add3A_577] : memref<32x512xf32, #tpu.memory_space<vmem>>[vector<16xi32>, vector<16xi32>], vector<16xf32>,
        %add3A_1022 = arith.addf %add3A_987, %gather3A_1021 : vector<16xf32>
        %gather3A_1023 = tpu.vector_load_idx %arg5[%broadcast_in_dim3A_1012, %add3A_581] : memref<32x512xf32, #tpu.memory_space<vmem>>[vector<16xi32>, vector<16xi32>], vector<16xf32>,
        %add3A_1024 = arith.addf %add3A_989, %gather3A_1023 : vector<16xf32>
        %gather3A_1025 = tpu.vector_load_idx %arg5[%broadcast_in_dim3A_1012, %add3A_585] : memref<32x512xf32, #tpu.memory_space<vmem>>[vector<16xi32>, vector<16xi32>], vector<16xf32>,
        %add3A_1026 = arith.addf %add3A_991, %gather3A_1025 : vector<16xf32>
        %gather3A_1027 = tpu.vector_load_idx %arg5[%broadcast_in_dim3A_1012, %add3A_589] : memref<32x512xf32, #tpu.memory_space<vmem>>[vector<16xi32>, vector<16xi32>], vector<16xf32>,
        %add3A_1028 = arith.addf %add3A_993, %gather3A_1027 : vector<16xf32>
        %gather3A_1029 = tpu.vector_load_idx %arg5[%broadcast_in_dim3A_1012, %add3A_593] : memref<32x512xf32, #tpu.memory_space<vmem>>[vector<16xi32>, vector<16xi32>], vector<16xf32>,
        %add3A_1030 = arith.addf %add3A_995, %gather3A_1029 : vector<16xf32>
        %gather3A_1031 = tpu.vector_load_idx %arg5[%broadcast_in_dim3A_1012, %add3A_597] : memref<32x512xf32, #tpu.memory_space<vmem>>[vector<16xi32>, vector<16xi32>], vector<16xf32>,
        %add3A_1032 = arith.addf %add3A_997, %gather3A_1031 : vector<16xf32>
        %gather3A_1033 = tpu.vector_load_idx %arg5[%broadcast_in_dim3A_1012, %add3A_601] : memref<32x512xf32, #tpu.memory_space<vmem>>[vector<16xi32>, vector<16xi32>], vector<16xf32>,
        %add3A_1034 = arith.addf %add3A_999, %gather3A_1033 : vector<16xf32>
        %gather3A_1035 = tpu.vector_load_idx %arg5[%broadcast_in_dim3A_1012, %add3A_605] : memref<32x512xf32, #tpu.memory_space<vmem>>[vector<16xi32>, vector<16xi32>], vector<16xf32>,
        %add3A_1036 = arith.addf %add3A_1001, %gather3A_1035 : vector<16xf32>
        %gather3A_1037 = tpu.vector_load_idx %arg5[%broadcast_in_dim3A_1012, %add3A_609] : memref<32x512xf32, #tpu.memory_space<vmem>>[vector<16xi32>, vector<16xi32>], vector<16xf32>,
        %add3A_1038 = arith.addf %add3A_1003, %gather3A_1037 : vector<16xf32>
        %gather3A_1039 = tpu.vector_load_idx %arg5[%broadcast_in_dim3A_1012, %add3A_613] : memref<32x512xf32, #tpu.memory_space<vmem>>[vector<16xi32>, vector<16xi32>], vector<16xf32>,
        %add3A_1040 = arith.addf %add3A_1005, %gather3A_1039 : vector<16xf32>
        %gather3A_1041 = tpu.vector_load_idx %arg5[%broadcast_in_dim3A_1012, %add3A_617] : memref<32x512xf32, #tpu.memory_space<vmem>>[vector<16xi32>, vector<16xi32>], vector<16xf32>,
        %add3A_1042 = arith.addf %add3A_1007, %gather3A_1041 : vector<16xf32>
        %gather3A_1043 = tpu.vector_load_idx %arg5[%broadcast_in_dim3A_1012, %add3A_621] : memref<32x512xf32, #tpu.memory_space<vmem>>[vector<16xi32>, vector<16xi32>], vector<16xf32>,
        %add3A_1044 = arith.addf %add3A_1009, %gather3A_1043 : vector<16xf32>
        scf.yield %add3A_1014, %add3A_1016, %add3A_1018, %add3A_1020, %add3A_1022, %add3A_1024, %add3A_1026, %add3A_1028, %add3A_1030, %add3A_1032, %add3A_1034, %add3A_1036, %add3A_1038, %add3A_1040, %add3A_1042, %add3A_1044 : vector<16xf32>, vector<16xf32>, vector<16xf32>, vector<16xf32>, vector<16xf32>, vector<16xf32>, vector<16xf32>, vector<16xf32>, vector<16xf32>, vector<16xf32>, vector<16xf32>, vector<16xf32>, vector<16xf32>, vector<16xf32>, vector<16xf32>, vector<16xf32>
      }
      %scan3A_722 = arith.constant 32 : i32
      %swap3A_723 = arith.constant 0 : index
      %swap3A_724 = tpu.vector_load %arg9[%swap3A_723] {strides = array<i32>} : memref<512xf32, #tpu.memory_space<vmem>>, vector<16xf32>,
      tpu.vector_store %arg9[%swap3A_723], %scan3A_721#0 {strides = array<i32>} : memref<512xf32, #tpu.memory_space<vmem>>, vector<16xf32>,
      %swap3A_725 = arith.constant 16 : index
      %swap3A_726 = tpu.vector_load %arg9[%swap3A_725] {strides = array<i32>} : memref<512xf32, #tpu.memory_space<vmem>>, vector<16xf32>,
      tpu.vector_store %arg9[%swap3A_725], %scan3A_721#1 {strides = array<i32>} : memref<512xf32, #tpu.memory_space<vmem>>, vector<16xf32>,
      %swap3A_727 = arith.constant 32 : index
      %swap3A_728 = tpu.vector_load %arg9[%swap3A_727] {strides = array<i32>} : memref<512xf32, #tpu.memory_space<vmem>>, vector<16xf32>,
      tpu.vector_store %arg9[%swap3A_727], %scan3A_721#2 {strides = array<i32>} : memref<512xf32, #tpu.memory_space<vmem>>, vector<16xf32>,
      %swap3A_729 = arith.constant 48 : index
      %swap3A_730 = tpu.vector_load %arg9[%swap3A_729] {strides = array<i32>} : memref<512xf32, #tpu.memory_space<vmem>>, vector<16xf32>,
      tpu.vector_store %arg9[%swap3A_729], %scan3A_721#3 {strides = array<i32>} : memref<512xf32, #tpu.memory_space<vmem>>, vector<16xf32>,
      %swap3A_731 = arith.constant 64 : index
      %swap3A_732 = tpu.vector_load %arg9[%swap3A_731] {strides = array<i32>} : memref<512xf32, #tpu.memory_space<vmem>>, vector<16xf32>,
      tpu.vector_store %arg9[%swap3A_731], %scan3A_721#4 {strides = array<i32>} : memref<512xf32, #tpu.memory_space<vmem>>, vector<16xf32>,
      %swap3A_733 = arith.constant 80 : index
      %swap3A_734 = tpu.vector_load %arg9[%swap3A_733] {strides = array<i32>} : memref<512xf32, #tpu.memory_space<vmem>>, vector<16xf32>,
      tpu.vector_store %arg9[%swap3A_733], %scan3A_721#5 {strides = array<i32>} : memref<512xf32, #tpu.memory_space<vmem>>, vector<16xf32>,
      %swap3A_735 = arith.constant 96 : index
      %swap3A_736 = tpu.vector_load %arg9[%swap3A_735] {strides = array<i32>} : memref<512xf32, #tpu.memory_space<vmem>>, vector<16xf32>,
      tpu.vector_store %arg9[%swap3A_735], %scan3A_721#6 {strides = array<i32>} : memref<512xf32, #tpu.memory_space<vmem>>, vector<16xf32>,
      %swap3A_737 = arith.constant 112 : index
      %swap3A_738 = tpu.vector_load %arg9[%swap3A_737] {strides = array<i32>} : memref<512xf32, #tpu.memory_space<vmem>>, vector<16xf32>,
      tpu.vector_store %arg9[%swap3A_737], %scan3A_721#7 {strides = array<i32>} : memref<512xf32, #tpu.memory_space<vmem>>, vector<16xf32>,
      %swap3A_739 = arith.constant 128 : index
      %swap3A_740 = tpu.vector_load %arg9[%swap3A_739] {strides = array<i32>} : memref<512xf32, #tpu.memory_space<vmem>>, vector<16xf32>,
      tpu.vector_store %arg9[%swap3A_739], %scan3A_721#8 {strides = array<i32>} : memref<512xf32, #tpu.memory_space<vmem>>, vector<16xf32>,
      %swap3A_741 = arith.constant 144 : index
      %swap3A_742 = tpu.vector_load %arg9[%swap3A_741] {strides = array<i32>} : memref<512xf32, #tpu.memory_space<vmem>>, vector<16xf32>,
      tpu.vector_store %arg9[%swap3A_741], %scan3A_721#9 {strides = array<i32>} : memref<512xf32, #tpu.memory_space<vmem>>, vector<16xf32>,
      %swap3A_743 = arith.constant 160 : index
      %swap3A_744 = tpu.vector_load %arg9[%swap3A_743] {strides = array<i32>} : memref<512xf32, #tpu.memory_space<vmem>>, vector<16xf32>,
      tpu.vector_store %arg9[%swap3A_743], %scan3A_721#10 {strides = array<i32>} : memref<512xf32, #tpu.memory_space<vmem>>, vector<16xf32>,
      %swap3A_745 = arith.constant 176 : index
      %swap3A_746 = tpu.vector_load %arg9[%swap3A_745] {strides = array<i32>} : memref<512xf32, #tpu.memory_space<vmem>>, vector<16xf32>,
      tpu.vector_store %arg9[%swap3A_745], %scan3A_721#11 {strides = array<i32>} : memref<512xf32, #tpu.memory_space<vmem>>, vector<16xf32>,
      %swap3A_747 = arith.constant 192 : index
      %swap3A_748 = tpu.vector_load %arg9[%swap3A_747] {strides = array<i32>} : memref<512xf32, #tpu.memory_space<vmem>>, vector<16xf32>,
      tpu.vector_store %arg9[%swap3A_747], %scan3A_721#12 {strides = array<i32>} : memref<512xf32, #tpu.memory_space<vmem>>, vector<16xf32>,
      %swap3A_749 = arith.constant 208 : index
      %swap3A_750 = tpu.vector_load %arg9[%swap3A_749] {strides = array<i32>} : memref<512xf32, #tpu.memory_space<vmem>>, vector<16xf32>,
      tpu.vector_store %arg9[%swap3A_749], %scan3A_721#13 {strides = array<i32>} : memref<512xf32, #tpu.memory_space<vmem>>, vector<16xf32>,
      %swap3A_751 = arith.constant 224 : index
      %swap3A_752 = tpu.vector_load %arg9[%swap3A_751] {strides = array<i32>} : memref<512xf32, #tpu.memory_space<vmem>>, vector<16xf32>,
      tpu.vector_store %arg9[%swap3A_751], %scan3A_721#14 {strides = array<i32>} : memref<512xf32, #tpu.memory_space<vmem>>, vector<16xf32>,
      %swap3A_753 = arith.constant 240 : index
      %swap3A_754 = tpu.vector_load %arg9[%swap3A_753] {strides = array<i32>} : memref<512xf32, #tpu.memory_space<vmem>>, vector<16xf32>,
      tpu.vector_store %arg9[%swap3A_753], %scan3A_721#15 {strides = array<i32>} : memref<512xf32, #tpu.memory_space<vmem>>, vector<16xf32>,
      %iota3A_755 = tpu.iota {dimensions = array<i32: 0>} : vector<16xi32>
      %add3A_756 = arith.constant 256 : i32
      %add3A_757 = vector.broadcast %add3A_756 : i32 to vector<16xi32>
      %add3A_758 = arith.addi %iota3A_755, %add3A_757 : vector<16xi32>
      %iota3A_759 = tpu.iota {dimensions = array<i32: 0>} : vector<16xi32>
      %add3A_760 = arith.constant 272 : i32
      %add3A_761 = vector.broadcast %add3A_760 : i32 to vector<16xi32>
      %add3A_762 = arith.addi %iota3A_759, %add3A_761 : vector<16xi32>
      %iota3A_763 = tpu.iota {dimensions = array<i32: 0>} : vector<16xi32>
      %add3A_764 = arith.constant 288 : i32
      %add3A_765 = vector.broadcast %add3A_764 : i32 to vector<16xi32>
      %add3A_766 = arith.addi %iota3A_763, %add3A_765 : vector<16xi32>
      %iota3A_767 = tpu.iota {dimensions = array<i32: 0>} : vector<16xi32>
      %add3A_768 = arith.constant 304 : i32
      %add3A_769 = vector.broadcast %add3A_768 : i32 to vector<16xi32>
      %add3A_770 = arith.addi %iota3A_767, %add3A_769 : vector<16xi32>
      %iota3A_771 = tpu.iota {dimensions = array<i32: 0>} : vector<16xi32>
      %add3A_772 = arith.constant 320 : i32
      %add3A_773 = vector.broadcast %add3A_772 : i32 to vector<16xi32>
      %add3A_774 = arith.addi %iota3A_771, %add3A_773 : vector<16xi32>
      %iota3A_775 = tpu.iota {dimensions = array<i32: 0>} : vector<16xi32>
      %add3A_776 = arith.constant 336 : i32
      %add3A_777 = vector.broadcast %add3A_776 : i32 to vector<16xi32>
      %add3A_778 = arith.addi %iota3A_775, %add3A_777 : vector<16xi32>
      %iota3A_779 = tpu.iota {dimensions = array<i32: 0>} : vector<16xi32>
      %add3A_780 = arith.constant 352 : i32
      %add3A_781 = vector.broadcast %add3A_780 : i32 to vector<16xi32>
      %add3A_782 = arith.addi %iota3A_779, %add3A_781 : vector<16xi32>
      %iota3A_783 = tpu.iota {dimensions = array<i32: 0>} : vector<16xi32>
      %add3A_784 = arith.constant 368 : i32
      %add3A_785 = vector.broadcast %add3A_784 : i32 to vector<16xi32>
      %add3A_786 = arith.addi %iota3A_783, %add3A_785 : vector<16xi32>
      %iota3A_787 = tpu.iota {dimensions = array<i32: 0>} : vector<16xi32>
      %add3A_788 = arith.constant 384 : i32
      %add3A_789 = vector.broadcast %add3A_788 : i32 to vector<16xi32>
      %add3A_790 = arith.addi %iota3A_787, %add3A_789 : vector<16xi32>
      %iota3A_791 = tpu.iota {dimensions = array<i32: 0>} : vector<16xi32>
      %add3A_792 = arith.constant 400 : i32
      %add3A_793 = vector.broadcast %add3A_792 : i32 to vector<16xi32>
      %add3A_794 = arith.addi %iota3A_791, %add3A_793 : vector<16xi32>
      %iota3A_795 = tpu.iota {dimensions = array<i32: 0>} : vector<16xi32>
      %add3A_796 = arith.constant 416 : i32
      %add3A_797 = vector.broadcast %add3A_796 : i32 to vector<16xi32>
      %add3A_798 = arith.addi %iota3A_795, %add3A_797 : vector<16xi32>
      %iota3A_799 = tpu.iota {dimensions = array<i32: 0>} : vector<16xi32>
      %add3A_800 = arith.constant 432 : i32
      %add3A_801 = vector.broadcast %add3A_800 : i32 to vector<16xi32>
      %add3A_802 = arith.addi %iota3A_799, %add3A_801 : vector<16xi32>
      %iota3A_803 = tpu.iota {dimensions = array<i32: 0>} : vector<16xi32>
      %add3A_804 = arith.constant 448 : i32
      %add3A_805 = vector.broadcast %add3A_804 : i32 to vector<16xi32>
      %add3A_806 = arith.addi %iota3A_803, %add3A_805 : vector<16xi32>
      %iota3A_807 = tpu.iota {dimensions = array<i32: 0>} : vector<16xi32>
      %add3A_808 = arith.constant 464 : i32
      %add3A_809 = vector.broadcast %add3A_808 : i32 to vector<16xi32>
      %add3A_810 = arith.addi %iota3A_807, %add3A_809 : vector<16xi32>
      %iota3A_811 = tpu.iota {dimensions = array<i32: 0>} : vector<16xi32>
      %add3A_812 = arith.constant 480 : i32
      %add3A_813 = vector.broadcast %add3A_812 : i32 to vector<16xi32>
      %add3A_814 = arith.addi %iota3A_811, %add3A_813 : vector<16xi32>
      %iota3A_815 = tpu.iota {dimensions = array<i32: 0>} : vector<16xi32>
      %add3A_816 = arith.constant 496 : i32
      %add3A_817 = vector.broadcast %add3A_816 : i32 to vector<16xi32>
      %add3A_818 = arith.addi %iota3A_815, %add3A_817 : vector<16xi32>
      %broadcast_in_dim3A_819 = arith.constant 0.000000e+00 : f32
      %broadcast_in_dim3A_820 = vector.broadcast %broadcast_in_dim3A_819 : f32 to vector<16xf32>
      %get3A_821 = arith.constant 256 : index
      %get3A_822 = tpu.vector_load %arg9[%get3A_821] {strides = array<i32>} : memref<512xf32, #tpu.memory_space<vmem>>, vector<16xf32>,
      %jit3A_823 = arith.constant false
      %select_n3A_824 = arith.select %jit3A_823, %broadcast_in_dim3A_820, %get3A_822 : vector<16xf32>
      %broadcast_in_dim3A_825 = arith.constant 0.000000e+00 : f32
      %broadcast_in_dim3A_826 = vector.broadcast %broadcast_in_dim3A_825 : f32 to vector<16xf32>
      %get3A_827 = arith.constant 272 : index
      %get3A_828 = tpu.vector_load %arg9[%get3A_827] {strides = array<i32>} : memref<512xf32, #tpu.memory_space<vmem>>, vector<16xf32>,
      %jit3A_829 = arith.constant false
      %select_n3A_830 = arith.select %jit3A_829, %broadcast_in_dim3A_826, %get3A_828 : vector<16xf32>
      %broadcast_in_dim3A_831 = arith.constant 0.000000e+00 : f32
      %broadcast_in_dim3A_832 = vector.broadcast %broadcast_in_dim3A_831 : f32 to vector<16xf32>
      %get3A_833 = arith.constant 288 : index
      %get3A_834 = tpu.vector_load %arg9[%get3A_833] {strides = array<i32>} : memref<512xf32, #tpu.memory_space<vmem>>, vector<16xf32>,
      %jit3A_835 = arith.constant false
      %select_n3A_836 = arith.select %jit3A_835, %broadcast_in_dim3A_832, %get3A_834 : vector<16xf32>
      %broadcast_in_dim3A_837 = arith.constant 0.000000e+00 : f32
      %broadcast_in_dim3A_838 = vector.broadcast %broadcast_in_dim3A_837 : f32 to vector<16xf32>
      %get3A_839 = arith.constant 304 : index
      %get3A_840 = tpu.vector_load %arg9[%get3A_839] {strides = array<i32>} : memref<512xf32, #tpu.memory_space<vmem>>, vector<16xf32>,
      %jit3A_841 = arith.constant false
      %select_n3A_842 = arith.select %jit3A_841, %broadcast_in_dim3A_838, %get3A_840 : vector<16xf32>
      %broadcast_in_dim3A_843 = arith.constant 0.000000e+00 : f32
      %broadcast_in_dim3A_844 = vector.broadcast %broadcast_in_dim3A_843 : f32 to vector<16xf32>
      %get3A_845 = arith.constant 320 : index
      %get3A_846 = tpu.vector_load %arg9[%get3A_845] {strides = array<i32>} : memref<512xf32, #tpu.memory_space<vmem>>, vector<16xf32>,
      %jit3A_847 = arith.constant false
      %select_n3A_848 = arith.select %jit3A_847, %broadcast_in_dim3A_844, %get3A_846 : vector<16xf32>
      %broadcast_in_dim3A_849 = arith.constant 0.000000e+00 : f32
      %broadcast_in_dim3A_850 = vector.broadcast %broadcast_in_dim3A_849 : f32 to vector<16xf32>
      %get3A_851 = arith.constant 336 : index
      %get3A_852 = tpu.vector_load %arg9[%get3A_851] {strides = array<i32>} : memref<512xf32, #tpu.memory_space<vmem>>, vector<16xf32>,
      %jit3A_853 = arith.constant false
      %select_n3A_854 = arith.select %jit3A_853, %broadcast_in_dim3A_850, %get3A_852 : vector<16xf32>
      %broadcast_in_dim3A_855 = arith.constant 0.000000e+00 : f32
      %broadcast_in_dim3A_856 = vector.broadcast %broadcast_in_dim3A_855 : f32 to vector<16xf32>
      %get3A_857 = arith.constant 352 : index
      %get3A_858 = tpu.vector_load %arg9[%get3A_857] {strides = array<i32>} : memref<512xf32, #tpu.memory_space<vmem>>, vector<16xf32>,
      %jit3A_859 = arith.constant false
      %select_n3A_860 = arith.select %jit3A_859, %broadcast_in_dim3A_856, %get3A_858 : vector<16xf32>
      %broadcast_in_dim3A_861 = arith.constant 0.000000e+00 : f32
      %broadcast_in_dim3A_862 = vector.broadcast %broadcast_in_dim3A_861 : f32 to vector<16xf32>
      %get3A_863 = arith.constant 368 : index
      %get3A_864 = tpu.vector_load %arg9[%get3A_863] {strides = array<i32>} : memref<512xf32, #tpu.memory_space<vmem>>, vector<16xf32>,
      %jit3A_865 = arith.constant false
      %select_n3A_866 = arith.select %jit3A_865, %broadcast_in_dim3A_862, %get3A_864 : vector<16xf32>
      %broadcast_in_dim3A_867 = arith.constant 0.000000e+00 : f32
      %broadcast_in_dim3A_868 = vector.broadcast %broadcast_in_dim3A_867 : f32 to vector<16xf32>
      %get3A_869 = arith.constant 384 : index
      %get3A_870 = tpu.vector_load %arg9[%get3A_869] {strides = array<i32>} : memref<512xf32, #tpu.memory_space<vmem>>, vector<16xf32>,
      %jit3A_871 = arith.constant false
      %select_n3A_872 = arith.select %jit3A_871, %broadcast_in_dim3A_868, %get3A_870 : vector<16xf32>
      %broadcast_in_dim3A_873 = arith.constant 0.000000e+00 : f32
      %broadcast_in_dim3A_874 = vector.broadcast %broadcast_in_dim3A_873 : f32 to vector<16xf32>
      %get3A_875 = arith.constant 400 : index
      %get3A_876 = tpu.vector_load %arg9[%get3A_875] {strides = array<i32>} : memref<512xf32, #tpu.memory_space<vmem>>, vector<16xf32>,
      %jit3A_877 = arith.constant false
      %select_n3A_878 = arith.select %jit3A_877, %broadcast_in_dim3A_874, %get3A_876 : vector<16xf32>
      %broadcast_in_dim3A_879 = arith.constant 0.000000e+00 : f32
      %broadcast_in_dim3A_880 = vector.broadcast %broadcast_in_dim3A_879 : f32 to vector<16xf32>
      %get3A_881 = arith.constant 416 : index
      %get3A_882 = tpu.vector_load %arg9[%get3A_881] {strides = array<i32>} : memref<512xf32, #tpu.memory_space<vmem>>, vector<16xf32>,
      %jit3A_883 = arith.constant false
      %select_n3A_884 = arith.select %jit3A_883, %broadcast_in_dim3A_880, %get3A_882 : vector<16xf32>
      %broadcast_in_dim3A_885 = arith.constant 0.000000e+00 : f32
      %broadcast_in_dim3A_886 = vector.broadcast %broadcast_in_dim3A_885 : f32 to vector<16xf32>
      %get3A_887 = arith.constant 432 : index
      %get3A_888 = tpu.vector_load %arg9[%get3A_887] {strides = array<i32>} : memref<512xf32, #tpu.memory_space<vmem>>, vector<16xf32>,
      %jit3A_889 = arith.constant false
      %select_n3A_890 = arith.select %jit3A_889, %broadcast_in_dim3A_886, %get3A_888 : vector<16xf32>
      %broadcast_in_dim3A_891 = arith.constant 0.000000e+00 : f32
      %broadcast_in_dim3A_892 = vector.broadcast %broadcast_in_dim3A_891 : f32 to vector<16xf32>
      %get3A_893 = arith.constant 448 : index
      %get3A_894 = tpu.vector_load %arg9[%get3A_893] {strides = array<i32>} : memref<512xf32, #tpu.memory_space<vmem>>, vector<16xf32>,
      %jit3A_895 = arith.constant false
      %select_n3A_896 = arith.select %jit3A_895, %broadcast_in_dim3A_892, %get3A_894 : vector<16xf32>
      %broadcast_in_dim3A_897 = arith.constant 0.000000e+00 : f32
      %broadcast_in_dim3A_898 = vector.broadcast %broadcast_in_dim3A_897 : f32 to vector<16xf32>
      %get3A_899 = arith.constant 464 : index
      %get3A_900 = tpu.vector_load %arg9[%get3A_899] {strides = array<i32>} : memref<512xf32, #tpu.memory_space<vmem>>, vector<16xf32>,
      %jit3A_901 = arith.constant false
      %select_n3A_902 = arith.select %jit3A_901, %broadcast_in_dim3A_898, %get3A_900 : vector<16xf32>
      %broadcast_in_dim3A_903 = arith.constant 0.000000e+00 : f32
      %broadcast_in_dim3A_904 = vector.broadcast %broadcast_in_dim3A_903 : f32 to vector<16xf32>
      %get3A_905 = arith.constant 480 : index
      %get3A_906 = tpu.vector_load %arg9[%get3A_905] {strides = array<i32>} : memref<512xf32, #tpu.memory_space<vmem>>, vector<16xf32>,
      %jit3A_907 = arith.constant false
      %select_n3A_908 = arith.select %jit3A_907, %broadcast_in_dim3A_904, %get3A_906 : vector<16xf32>
      %broadcast_in_dim3A_909 = arith.constant 0.000000e+00 : f32
      %broadcast_in_dim3A_910 = vector.broadcast %broadcast_in_dim3A_909 : f32 to vector<16xf32>
      %get3A_911 = arith.constant 496 : index
      %get3A_912 = tpu.vector_load %arg9[%get3A_911] {strides = array<i32>} : memref<512xf32, #tpu.memory_space<vmem>>, vector<16xf32>,
      %jit3A_913 = arith.constant false
      %select_n3A_914 = arith.select %jit3A_913, %broadcast_in_dim3A_910, %get3A_912 : vector<16xf32>
      %scan3A_915 = arith.constant 0 : i32
      %scan3A_916 = arith.constant 32 : i32
      %scan3A_917 = arith.addi %scan3A_915, %scan3A_916 : i32
      %scan3A_918 = arith.constant 2 : i32
      %scan3A_919:16 = scf.for %scan3A_961 = %scan3A_915 to %scan3A_917 step %scan3A_918 iter_args(%scan3A_962 = %select_n3A_824, %scan3A_963 = %select_n3A_830, %scan3A_964 = %select_n3A_836, %scan3A_965 = %select_n3A_842, %scan3A_966 = %select_n3A_848, %scan3A_967 = %select_n3A_854, %scan3A_968 = %select_n3A_860, %scan3A_969 = %select_n3A_866, %scan3A_970 = %select_n3A_872, %scan3A_971 = %select_n3A_878, %scan3A_972 = %select_n3A_884, %scan3A_973 = %select_n3A_890, %scan3A_974 = %select_n3A_896, %scan3A_975 = %select_n3A_902, %scan3A_976 = %select_n3A_908, %scan3A_977 = %select_n3A_914) -> (vector<16xf32>, vector<16xf32>, vector<16xf32>, vector<16xf32>, vector<16xf32>, vector<16xf32>, vector<16xf32>, vector<16xf32>, vector<16xf32>, vector<16xf32>, vector<16xf32>, vector<16xf32>, vector<16xf32>, vector<16xf32>, vector<16xf32>, vector<16xf32>)  : i32 {
        %broadcast_in_dim3A_978 = vector.broadcast %scan3A_961 : i32 to vector<16xi32>
        %gather3A = tpu.vector_load_idx %arg5[%broadcast_in_dim3A_978, %add3A_758] : memref<32x512xf32, #tpu.memory_space<vmem>>[vector<16xi32>, vector<16xi32>], vector<16xf32>,
        %add3A_979 = arith.addf %scan3A_962, %gather3A : vector<16xf32>
        %gather3A_980 = tpu.vector_load_idx %arg5[%broadcast_in_dim3A_978, %add3A_762] : memref<32x512xf32, #tpu.memory_space<vmem>>[vector<16xi32>, vector<16xi32>], vector<16xf32>,
        %add3A_981 = arith.addf %scan3A_963, %gather3A_980 : vector<16xf32>
        %gather3A_982 = tpu.vector_load_idx %arg5[%broadcast_in_dim3A_978, %add3A_766] : memref<32x512xf32, #tpu.memory_space<vmem>>[vector<16xi32>, vector<16xi32>], vector<16xf32>,
        %add3A_983 = arith.addf %scan3A_964, %gather3A_982 : vector<16xf32>
        %gather3A_984 = tpu.vector_load_idx %arg5[%broadcast_in_dim3A_978, %add3A_770] : memref<32x512xf32, #tpu.memory_space<vmem>>[vector<16xi32>, vector<16xi32>], vector<16xf32>,
        %add3A_985 = arith.addf %scan3A_965, %gather3A_984 : vector<16xf32>
        %gather3A_986 = tpu.vector_load_idx %arg5[%broadcast_in_dim3A_978, %add3A_774] : memref<32x512xf32, #tpu.memory_space<vmem>>[vector<16xi32>, vector<16xi32>], vector<16xf32>,
        %add3A_987 = arith.addf %scan3A_966, %gather3A_986 : vector<16xf32>
        %gather3A_988 = tpu.vector_load_idx %arg5[%broadcast_in_dim3A_978, %add3A_778] : memref<32x512xf32, #tpu.memory_space<vmem>>[vector<16xi32>, vector<16xi32>], vector<16xf32>,
        %add3A_989 = arith.addf %scan3A_967, %gather3A_988 : vector<16xf32>
        %gather3A_990 = tpu.vector_load_idx %arg5[%broadcast_in_dim3A_978, %add3A_782] : memref<32x512xf32, #tpu.memory_space<vmem>>[vector<16xi32>, vector<16xi32>], vector<16xf32>,
        %add3A_991 = arith.addf %scan3A_968, %gather3A_990 : vector<16xf32>
        %gather3A_992 = tpu.vector_load_idx %arg5[%broadcast_in_dim3A_978, %add3A_786] : memref<32x512xf32, #tpu.memory_space<vmem>>[vector<16xi32>, vector<16xi32>], vector<16xf32>,
        %add3A_993 = arith.addf %scan3A_969, %gather3A_992 : vector<16xf32>
        %gather3A_994 = tpu.vector_load_idx %arg5[%broadcast_in_dim3A_978, %add3A_790] : memref<32x512xf32, #tpu.memory_space<vmem>>[vector<16xi32>, vector<16xi32>], vector<16xf32>,
        %add3A_995 = arith.addf %scan3A_970, %gather3A_994 : vector<16xf32>
        %gather3A_996 = tpu.vector_load_idx %arg5[%broadcast_in_dim3A_978, %add3A_794] : memref<32x512xf32, #tpu.memory_space<vmem>>[vector<16xi32>, vector<16xi32>], vector<16xf32>,
        %add3A_997 = arith.addf %scan3A_971, %gather3A_996 : vector<16xf32>
        %gather3A_998 = tpu.vector_load_idx %arg5[%broadcast_in_dim3A_978, %add3A_798] : memref<32x512xf32, #tpu.memory_space<vmem>>[vector<16xi32>, vector<16xi32>], vector<16xf32>,
        %add3A_999 = arith.addf %scan3A_972, %gather3A_998 : vector<16xf32>
        %gather3A_1000 = tpu.vector_load_idx %arg5[%broadcast_in_dim3A_978, %add3A_802] : memref<32x512xf32, #tpu.memory_space<vmem>>[vector<16xi32>, vector<16xi32>], vector<16xf32>,
        %add3A_1001 = arith.addf %scan3A_973, %gather3A_1000 : vector<16xf32>
        %gather3A_1002 = tpu.vector_load_idx %arg5[%broadcast_in_dim3A_978, %add3A_806] : memref<32x512xf32, #tpu.memory_space<vmem>>[vector<16xi32>, vector<16xi32>], vector<16xf32>,
        %add3A_1003 = arith.addf %scan3A_974, %gather3A_1002 : vector<16xf32>
        %gather3A_1004 = tpu.vector_load_idx %arg5[%broadcast_in_dim3A_978, %add3A_810] : memref<32x512xf32, #tpu.memory_space<vmem>>[vector<16xi32>, vector<16xi32>], vector<16xf32>,
        %add3A_1005 = arith.addf %scan3A_975, %gather3A_1004 : vector<16xf32>
        %gather3A_1006 = tpu.vector_load_idx %arg5[%broadcast_in_dim3A_978, %add3A_814] : memref<32x512xf32, #tpu.memory_space<vmem>>[vector<16xi32>, vector<16xi32>], vector<16xf32>,
        %add3A_1007 = arith.addf %scan3A_976, %gather3A_1006 : vector<16xf32>
        %gather3A_1008 = tpu.vector_load_idx %arg5[%broadcast_in_dim3A_978, %add3A_818] : memref<32x512xf32, #tpu.memory_space<vmem>>[vector<16xi32>, vector<16xi32>], vector<16xf32>,
        %add3A_1009 = arith.addf %scan3A_977, %gather3A_1008 : vector<16xf32>
        %scan3A_1010 = arith.constant 1 : i32
        %scan3A_1011 = arith.addi %scan3A_961, %scan3A_1010 : i32
        %broadcast_in_dim3A_1012 = vector.broadcast %scan3A_1011 : i32 to vector<16xi32>
        %gather3A_1013 = tpu.vector_load_idx %arg5[%broadcast_in_dim3A_1012, %add3A_758] : memref<32x512xf32, #tpu.memory_space<vmem>>[vector<16xi32>, vector<16xi32>], vector<16xf32>,
        %add3A_1014 = arith.addf %add3A_979, %gather3A_1013 : vector<16xf32>
        %gather3A_1015 = tpu.vector_load_idx %arg5[%broadcast_in_dim3A_1012, %add3A_762] : memref<32x512xf32, #tpu.memory_space<vmem>>[vector<16xi32>, vector<16xi32>], vector<16xf32>,
        %add3A_1016 = arith.addf %add3A_981, %gather3A_1015 : vector<16xf32>
        %gather3A_1017 = tpu.vector_load_idx %arg5[%broadcast_in_dim3A_1012, %add3A_766] : memref<32x512xf32, #tpu.memory_space<vmem>>[vector<16xi32>, vector<16xi32>], vector<16xf32>,
        %add3A_1018 = arith.addf %add3A_983, %gather3A_1017 : vector<16xf32>
        %gather3A_1019 = tpu.vector_load_idx %arg5[%broadcast_in_dim3A_1012, %add3A_770] : memref<32x512xf32, #tpu.memory_space<vmem>>[vector<16xi32>, vector<16xi32>], vector<16xf32>,
        %add3A_1020 = arith.addf %add3A_985, %gather3A_1019 : vector<16xf32>
        %gather3A_1021 = tpu.vector_load_idx %arg5[%broadcast_in_dim3A_1012, %add3A_774] : memref<32x512xf32, #tpu.memory_space<vmem>>[vector<16xi32>, vector<16xi32>], vector<16xf32>,
        %add3A_1022 = arith.addf %add3A_987, %gather3A_1021 : vector<16xf32>
        %gather3A_1023 = tpu.vector_load_idx %arg5[%broadcast_in_dim3A_1012, %add3A_778] : memref<32x512xf32, #tpu.memory_space<vmem>>[vector<16xi32>, vector<16xi32>], vector<16xf32>,
        %add3A_1024 = arith.addf %add3A_989, %gather3A_1023 : vector<16xf32>
        %gather3A_1025 = tpu.vector_load_idx %arg5[%broadcast_in_dim3A_1012, %add3A_782] : memref<32x512xf32, #tpu.memory_space<vmem>>[vector<16xi32>, vector<16xi32>], vector<16xf32>,
        %add3A_1026 = arith.addf %add3A_991, %gather3A_1025 : vector<16xf32>
        %gather3A_1027 = tpu.vector_load_idx %arg5[%broadcast_in_dim3A_1012, %add3A_786] : memref<32x512xf32, #tpu.memory_space<vmem>>[vector<16xi32>, vector<16xi32>], vector<16xf32>,
        %add3A_1028 = arith.addf %add3A_993, %gather3A_1027 : vector<16xf32>
        %gather3A_1029 = tpu.vector_load_idx %arg5[%broadcast_in_dim3A_1012, %add3A_790] : memref<32x512xf32, #tpu.memory_space<vmem>>[vector<16xi32>, vector<16xi32>], vector<16xf32>,
        %add3A_1030 = arith.addf %add3A_995, %gather3A_1029 : vector<16xf32>
        %gather3A_1031 = tpu.vector_load_idx %arg5[%broadcast_in_dim3A_1012, %add3A_794] : memref<32x512xf32, #tpu.memory_space<vmem>>[vector<16xi32>, vector<16xi32>], vector<16xf32>,
        %add3A_1032 = arith.addf %add3A_997, %gather3A_1031 : vector<16xf32>
        %gather3A_1033 = tpu.vector_load_idx %arg5[%broadcast_in_dim3A_1012, %add3A_798] : memref<32x512xf32, #tpu.memory_space<vmem>>[vector<16xi32>, vector<16xi32>], vector<16xf32>,
        %add3A_1034 = arith.addf %add3A_999, %gather3A_1033 : vector<16xf32>
        %gather3A_1035 = tpu.vector_load_idx %arg5[%broadcast_in_dim3A_1012, %add3A_802] : memref<32x512xf32, #tpu.memory_space<vmem>>[vector<16xi32>, vector<16xi32>], vector<16xf32>,
        %add3A_1036 = arith.addf %add3A_1001, %gather3A_1035 : vector<16xf32>
        %gather3A_1037 = tpu.vector_load_idx %arg5[%broadcast_in_dim3A_1012, %add3A_806] : memref<32x512xf32, #tpu.memory_space<vmem>>[vector<16xi32>, vector<16xi32>], vector<16xf32>,
        %add3A_1038 = arith.addf %add3A_1003, %gather3A_1037 : vector<16xf32>
        %gather3A_1039 = tpu.vector_load_idx %arg5[%broadcast_in_dim3A_1012, %add3A_810] : memref<32x512xf32, #tpu.memory_space<vmem>>[vector<16xi32>, vector<16xi32>], vector<16xf32>,
        %add3A_1040 = arith.addf %add3A_1005, %gather3A_1039 : vector<16xf32>
        %gather3A_1041 = tpu.vector_load_idx %arg5[%broadcast_in_dim3A_1012, %add3A_814] : memref<32x512xf32, #tpu.memory_space<vmem>>[vector<16xi32>, vector<16xi32>], vector<16xf32>,
        %add3A_1042 = arith.addf %add3A_1007, %gather3A_1041 : vector<16xf32>
        %gather3A_1043 = tpu.vector_load_idx %arg5[%broadcast_in_dim3A_1012, %add3A_818] : memref<32x512xf32, #tpu.memory_space<vmem>>[vector<16xi32>, vector<16xi32>], vector<16xf32>,
        %add3A_1044 = arith.addf %add3A_1009, %gather3A_1043 : vector<16xf32>
        scf.yield %add3A_1014, %add3A_1016, %add3A_1018, %add3A_1020, %add3A_1022, %add3A_1024, %add3A_1026, %add3A_1028, %add3A_1030, %add3A_1032, %add3A_1034, %add3A_1036, %add3A_1038, %add3A_1040, %add3A_1042, %add3A_1044 : vector<16xf32>, vector<16xf32>, vector<16xf32>, vector<16xf32>, vector<16xf32>, vector<16xf32>, vector<16xf32>, vector<16xf32>, vector<16xf32>, vector<16xf32>, vector<16xf32>, vector<16xf32>, vector<16xf32>, vector<16xf32>, vector<16xf32>, vector<16xf32>
      }
      %scan3A_920 = arith.constant 32 : i32
      %swap3A_921 = arith.constant 256 : index
      %swap3A_922 = tpu.vector_load %arg9[%swap3A_921] {strides = array<i32>} : memref<512xf32, #tpu.memory_space<vmem>>, vector<16xf32>,
      tpu.vector_store %arg9[%swap3A_921], %scan3A_919#0 {strides = array<i32>} : memref<512xf32, #tpu.memory_space<vmem>>, vector<16xf32>,
      %swap3A_923 = arith.constant 272 : index
      %swap3A_924 = tpu.vector_load %arg9[%swap3A_923] {strides = array<i32>} : memref<512xf32, #tpu.memory_space<vmem>>, vector<16xf32>,
      tpu.vector_store %arg9[%swap3A_923], %scan3A_919#1 {strides = array<i32>} : memref<512xf32, #tpu.memory_space<vmem>>, vector<16xf32>,
      %swap3A_925 = arith.constant 288 : index
      %swap3A_926 = tpu.vector_load %arg9[%swap3A_925] {strides = array<i32>} : memref<512xf32, #tpu.memory_space<vmem>>, vector<16xf32>,
      tpu.vector_store %arg9[%swap3A_925], %scan3A_919#2 {strides = array<i32>} : memref<512xf32, #tpu.memory_space<vmem>>, vector<16xf32>,
      %swap3A_927 = arith.constant 304 : index
      %swap3A_928 = tpu.vector_load %arg9[%swap3A_927] {strides = array<i32>} : memref<512xf32, #tpu.memory_space<vmem>>, vector<16xf32>,
      tpu.vector_store %arg9[%swap3A_927], %scan3A_919#3 {strides = array<i32>} : memref<512xf32, #tpu.memory_space<vmem>>, vector<16xf32>,
      %swap3A_929 = arith.constant 320 : index
      %swap3A_930 = tpu.vector_load %arg9[%swap3A_929] {strides = array<i32>} : memref<512xf32, #tpu.memory_space<vmem>>, vector<16xf32>,
      tpu.vector_store %arg9[%swap3A_929], %scan3A_919#4 {strides = array<i32>} : memref<512xf32, #tpu.memory_space<vmem>>, vector<16xf32>,
      %swap3A_931 = arith.constant 336 : index
      %swap3A_932 = tpu.vector_load %arg9[%swap3A_931] {strides = array<i32>} : memref<512xf32, #tpu.memory_space<vmem>>, vector<16xf32>,
      tpu.vector_store %arg9[%swap3A_931], %scan3A_919#5 {strides = array<i32>} : memref<512xf32, #tpu.memory_space<vmem>>, vector<16xf32>,
      %swap3A_933 = arith.constant 352 : index
      %swap3A_934 = tpu.vector_load %arg9[%swap3A_933] {strides = array<i32>} : memref<512xf32, #tpu.memory_space<vmem>>, vector<16xf32>,
      tpu.vector_store %arg9[%swap3A_933], %scan3A_919#6 {strides = array<i32>} : memref<512xf32, #tpu.memory_space<vmem>>, vector<16xf32>,
      %swap3A_935 = arith.constant 368 : index
      %swap3A_936 = tpu.vector_load %arg9[%swap3A_935] {strides = array<i32>} : memref<512xf32, #tpu.memory_space<vmem>>, vector<16xf32>,
      tpu.vector_store %arg9[%swap3A_935], %scan3A_919#7 {strides = array<i32>} : memref<512xf32, #tpu.memory_space<vmem>>, vector<16xf32>,
      %swap3A_937 = arith.constant 384 : index
      %swap3A_938 = tpu.vector_load %arg9[%swap3A_937] {strides = array<i32>} : memref<512xf32, #tpu.memory_space<vmem>>, vector<16xf32>,
      tpu.vector_store %arg9[%swap3A_937], %scan3A_919#8 {strides = array<i32>} : memref<512xf32, #tpu.memory_space<vmem>>, vector<16xf32>,
      %swap3A_939 = arith.constant 400 : index
      %swap3A_940 = tpu.vector_load %arg9[%swap3A_939] {strides = array<i32>} : memref<512xf32, #tpu.memory_space<vmem>>, vector<16xf32>,
      tpu.vector_store %arg9[%swap3A_939], %scan3A_919#9 {strides = array<i32>} : memref<512xf32, #tpu.memory_space<vmem>>, vector<16xf32>,
      %swap3A_941 = arith.constant 416 : index
      %swap3A_942 = tpu.vector_load %arg9[%swap3A_941] {strides = array<i32>} : memref<512xf32, #tpu.memory_space<vmem>>, vector<16xf32>,
      tpu.vector_store %arg9[%swap3A_941], %scan3A_919#10 {strides = array<i32>} : memref<512xf32, #tpu.memory_space<vmem>>, vector<16xf32>,
      %swap3A_943 = arith.constant 432 : index
      %swap3A_944 = tpu.vector_load %arg9[%swap3A_943] {strides = array<i32>} : memref<512xf32, #tpu.memory_space<vmem>>, vector<16xf32>,
      tpu.vector_store %arg9[%swap3A_943], %scan3A_919#11 {strides = array<i32>} : memref<512xf32, #tpu.memory_space<vmem>>, vector<16xf32>,
      %swap3A_945 = arith.constant 448 : index
      %swap3A_946 = tpu.vector_load %arg9[%swap3A_945] {strides = array<i32>} : memref<512xf32, #tpu.memory_space<vmem>>, vector<16xf32>,
      tpu.vector_store %arg9[%swap3A_945], %scan3A_919#12 {strides = array<i32>} : memref<512xf32, #tpu.memory_space<vmem>>, vector<16xf32>,
      %swap3A_947 = arith.constant 464 : index
      %swap3A_948 = tpu.vector_load %arg9[%swap3A_947] {strides = array<i32>} : memref<512xf32, #tpu.memory_space<vmem>>, vector<16xf32>,
      tpu.vector_store %arg9[%swap3A_947], %scan3A_919#13 {strides = array<i32>} : memref<512xf32, #tpu.memory_space<vmem>>, vector<16xf32>,
      %swap3A_949 = arith.constant 480 : index
      %swap3A_950 = tpu.vector_load %arg9[%swap3A_949] {strides = array<i32>} : memref<512xf32, #tpu.memory_space<vmem>>, vector<16xf32>,
      tpu.vector_store %arg9[%swap3A_949], %scan3A_919#14 {strides = array<i32>} : memref<512xf32, #tpu.memory_space<vmem>>, vector<16xf32>,
      %swap3A_951 = arith.constant 496 : index
      %swap3A_952 = tpu.vector_load %arg9[%swap3A_951] {strides = array<i32>} : memref<512xf32, #tpu.memory_space<vmem>>, vector<16xf32>,
      tpu.vector_store %arg9[%swap3A_951], %scan3A_919#15 {strides = array<i32>} : memref<512xf32, #tpu.memory_space<vmem>>, vector<16xf32>,
      %add3A_953 = arith.constant 3 : i32
      %add3A_954 = arith.addi %mul3A_179, %add3A_953 : i32
      %lt3A_955 = arith.constant 64 : i32
      %lt3A_956 = arith.cmpi slt, %add3A_954, %lt3A_955 : i32
      %convert_element_type3A_957 = arith.extui %lt3A_956 : i1 to i32
      %cond3A_958 = arith.constant 0 : i32
      %cond3A_959 = arith.cmpi ne, %convert_element_type3A_957, %cond3A_958 : i32
      scf.if %cond3A_959 {
        %add3A_961 = arith.constant 3 : i32
        %add3A_962 = arith.addi %mul3A_179, %add3A_961 : i32
        %mul3A_963 = arith.constant 32 : i32
        %mul3A_964 = arith.muli %add3A_962, %mul3A_963 : i32
        %add3A_965 = arith.addi %mul3A_0, %mul3A_964 : i32
        %dma_start3A_966 = tpu.memref_slice %arg2[%add3A_965, %mul3A_2] : memref<32768x1024xf32, #tpu.memory_space<hbm>> -> memref<32x512xf32, #tpu.memory_space<hbm>>
        %dma_start3A_967 = tpu.memref_slice %arg2[%add3A_965, %mul3A_2] : memref<32768x1024xf32, #tpu.memory_space<hbm>> -> memref<32x512xf32, #tpu.memory_space<hbm>>
        tpu.enqueue_dma source(%dma_start3A_967 : memref<32x512xf32, #tpu.memory_space<hbm>>) target(%arg5 : memref<32x512xf32, #tpu.memory_space<vmem>>) target_semaphore(%arg12 : memref<!tpu.dma_semaphore, #tpu.memory_space<semaphore_mem>>)
      } else {
      }
      %scan3A_960 = arith.constant 0 : i32
      scf.yield %scan3A_960 : i32
    }
    %scan3A_14 = arith.constant 32 : i32
    %add3A_15 = arith.constant 0 : i32
    %add3A_16 = arith.addi %mul3A_0, %add3A_15 : i32
    %dma_start3A_17 = tpu.memref_slice %arg2[%add3A_16, %mul3A_2] : memref<32768x1024xf32, #tpu.memory_space<hbm>> -> memref<32x512xf32, #tpu.memory_space<hbm>>
    %dma_start3A_18 = tpu.memref_slice %arg2[%add3A_16, %mul3A_2] : memref<32768x1024xf32, #tpu.memory_space<hbm>> -> memref<32x512xf32, #tpu.memory_space<hbm>>
    tpu.enqueue_dma source(%dma_start3A_18 : memref<32x512xf32, #tpu.memory_space<hbm>>) target(%arg4 : memref<32x512xf32, #tpu.memory_space<vmem>>) target_semaphore(%arg11 : memref<!tpu.dma_semaphore, #tpu.memory_space<semaphore_mem>>)
    %add3A_19 = arith.constant 32 : i32
    %add3A_20 = arith.addi %mul3A_0, %add3A_19 : i32
    %dma_start3A_21 = tpu.memref_slice %arg2[%add3A_20, %mul3A_2] : memref<32768x1024xf32, #tpu.memory_space<hbm>> -> memref<32x512xf32, #tpu.memory_space<hbm>>
    %dma_start3A_22 = tpu.memref_slice %arg2[%add3A_20, %mul3A_2] : memref<32768x1024xf32, #tpu.memory_space<hbm>> -> memref<32x512xf32, #tpu.memory_space<hbm>>
    tpu.enqueue_dma source(%dma_start3A_22 : memref<32x512xf32, #tpu.memory_space<hbm>>) target(%arg5 : memref<32x512xf32, #tpu.memory_space<vmem>>) target_semaphore(%arg12 : memref<!tpu.dma_semaphore, #tpu.memory_space<semaphore_mem>>)
    %mul3A_23 = arith.constant 512 : i32
    %mul3A_24 = arith.muli %arg1, %mul3A_23 : i32
    "tpu.region"() ({
      %run_scoped3A = tpu.sem_alloc : memref<!tpu.dma_semaphore, #tpu.memory_space<semaphore_mem>>
      %dma_start3A_176 = tpu.memref_slice %arg10[%mul3A_24] : memref<8192xf32, #tpu.memory_space<vmem_shared>> -> memref<512xf32, #tpu.memory_space<vmem_shared>>
      %dma_start3A_177 = tpu.memref_slice %arg10[%mul3A_24] : memref<8192xf32, #tpu.memory_space<vmem_shared>> -> memref<512xf32, #tpu.memory_space<vmem_shared>>
      tpu.enqueue_dma source(%arg9 : memref<512xf32, #tpu.memory_space<vmem>>) target(%dma_start3A_177 : memref<512xf32, #tpu.memory_space<vmem_shared>>) target_semaphore(%run_scoped3A : memref<!tpu.dma_semaphore, #tpu.memory_space<semaphore_mem>>)
      %dma_wait3A_178 = tpu.memref_slice %arg10[%mul3A_24] : memref<8192xf32, #tpu.memory_space<vmem_shared>> -> memref<512xf32, #tpu.memory_space<vmem_shared>>
      %dma_wait3A_179 = tpu.memref_slice %arg10[%mul3A_24] : memref<8192xf32, #tpu.memory_space<vmem_shared>> -> memref<512xf32, #tpu.memory_space<vmem_shared>>
      tpu.wait_dma2 semaphore(%run_scoped3A : memref<!tpu.dma_semaphore, #tpu.memory_space<semaphore_mem>>) src(%arg9 : memref<512xf32, #tpu.memory_space<vmem>>) dst(%dma_wait3A_179 : memref<512xf32, #tpu.memory_space<vmem_shared>>)
      tpu.yield
    }) : () -> ()
    %barrier3A = arith.constant 0 : index
    tpu.barrier barrier_id(%barrier3A)
    "tpu.region"() ({
      %run_scoped3A = tpu.sem_alloc : memref<!tpu.dma_semaphore, #tpu.memory_space<semaphore_mem>>
      tpu.enqueue_dma source(%arg10 : memref<8192xf32, #tpu.memory_space<vmem_shared>>) target(%arg8 : memref<8192xf32, #tpu.memory_space<vmem>>) target_semaphore(%run_scoped3A : memref<!tpu.dma_semaphore, #tpu.memory_space<semaphore_mem>>)
      tpu.wait_dma2 semaphore(%run_scoped3A : memref<!tpu.dma_semaphore, #tpu.memory_space<semaphore_mem>>) src(%arg10 : memref<8192xf32, #tpu.memory_space<vmem_shared>>) dst(%arg8 : memref<8192xf32, #tpu.memory_space<vmem>>)
      tpu.yield
    }) : () -> ()
    %broadcast_in_dim3A = arith.constant 0.000000e+00 : f32
    %broadcast_in_dim3A_25 = vector.broadcast %broadcast_in_dim3A : f32 to vector<16xf32>
    %swap3A = arith.constant 0 : index
    %swap3A_26 = tpu.vector_load %arg9[%swap3A] {strides = array<i32>} : memref<512xf32, #tpu.memory_space<vmem>>, vector<16xf32>,
    tpu.vector_store %arg9[%swap3A], %broadcast_in_dim3A_25 {strides = array<i32>} : memref<512xf32, #tpu.memory_space<vmem>>, vector<16xf32>,
    %broadcast_in_dim3A_27 = arith.constant 0.000000e+00 : f32
    %broadcast_in_dim3A_28 = vector.broadcast %broadcast_in_dim3A_27 : f32 to vector<16xf32>
    %swap3A_29 = arith.constant 16 : index
    %swap3A_30 = tpu.vector_load %arg9[%swap3A_29] {strides = array<i32>} : memref<512xf32, #tpu.memory_space<vmem>>, vector<16xf32>,
    tpu.vector_store %arg9[%swap3A_29], %broadcast_in_dim3A_28 {strides = array<i32>} : memref<512xf32, #tpu.memory_space<vmem>>, vector<16xf32>,
    %broadcast_in_dim3A_31 = arith.constant 0.000000e+00 : f32
    %broadcast_in_dim3A_32 = vector.broadcast %broadcast_in_dim3A_31 : f32 to vector<16xf32>
    %swap3A_33 = arith.constant 32 : index
    %swap3A_34 = tpu.vector_load %arg9[%swap3A_33] {strides = array<i32>} : memref<512xf32, #tpu.memory_space<vmem>>, vector<16xf32>,
    tpu.vector_store %arg9[%swap3A_33], %broadcast_in_dim3A_32 {strides = array<i32>} : memref<512xf32, #tpu.memory_space<vmem>>, vector<16xf32>,
    %broadcast_in_dim3A_35 = arith.constant 0.000000e+00 : f32
    %broadcast_in_dim3A_36 = vector.broadcast %broadcast_in_dim3A_35 : f32 to vector<16xf32>
    %swap3A_37 = arith.constant 48 : index
    %swap3A_38 = tpu.vector_load %arg9[%swap3A_37] {strides = array<i32>} : memref<512xf32, #tpu.memory_space<vmem>>, vector<16xf32>,
    tpu.vector_store %arg9[%swap3A_37], %broadcast_in_dim3A_36 {strides = array<i32>} : memref<512xf32, #tpu.memory_space<vmem>>, vector<16xf32>,
    %broadcast_in_dim3A_39 = arith.constant 0.000000e+00 : f32
    %broadcast_in_dim3A_40 = vector.broadcast %broadcast_in_dim3A_39 : f32 to vector<16xf32>
    %swap3A_41 = arith.constant 64 : index
    %swap3A_42 = tpu.vector_load %arg9[%swap3A_41] {strides = array<i32>} : memref<512xf32, #tpu.memory_space<vmem>>, vector<16xf32>,
    tpu.vector_store %arg9[%swap3A_41], %broadcast_in_dim3A_40 {strides = array<i32>} : memref<512xf32, #tpu.memory_space<vmem>>, vector<16xf32>,
    %broadcast_in_dim3A_43 = arith.constant 0.000000e+00 : f32
    %broadcast_in_dim3A_44 = vector.broadcast %broadcast_in_dim3A_43 : f32 to vector<16xf32>
    %swap3A_45 = arith.constant 80 : index
    %swap3A_46 = tpu.vector_load %arg9[%swap3A_45] {strides = array<i32>} : memref<512xf32, #tpu.memory_space<vmem>>, vector<16xf32>,
    tpu.vector_store %arg9[%swap3A_45], %broadcast_in_dim3A_44 {strides = array<i32>} : memref<512xf32, #tpu.memory_space<vmem>>, vector<16xf32>,
    %broadcast_in_dim3A_47 = arith.constant 0.000000e+00 : f32
    %broadcast_in_dim3A_48 = vector.broadcast %broadcast_in_dim3A_47 : f32 to vector<16xf32>
    %swap3A_49 = arith.constant 96 : index
    %swap3A_50 = tpu.vector_load %arg9[%swap3A_49] {strides = array<i32>} : memref<512xf32, #tpu.memory_space<vmem>>, vector<16xf32>,
    tpu.vector_store %arg9[%swap3A_49], %broadcast_in_dim3A_48 {strides = array<i32>} : memref<512xf32, #tpu.memory_space<vmem>>, vector<16xf32>,
    %broadcast_in_dim3A_51 = arith.constant 0.000000e+00 : f32
    %broadcast_in_dim3A_52 = vector.broadcast %broadcast_in_dim3A_51 : f32 to vector<16xf32>
    %swap3A_53 = arith.constant 112 : index
    %swap3A_54 = tpu.vector_load %arg9[%swap3A_53] {strides = array<i32>} : memref<512xf32, #tpu.memory_space<vmem>>, vector<16xf32>,
    tpu.vector_store %arg9[%swap3A_53], %broadcast_in_dim3A_52 {strides = array<i32>} : memref<512xf32, #tpu.memory_space<vmem>>, vector<16xf32>,
    %broadcast_in_dim3A_55 = arith.constant 0.000000e+00 : f32
    %broadcast_in_dim3A_56 = vector.broadcast %broadcast_in_dim3A_55 : f32 to vector<16xf32>
    %swap3A_57 = arith.constant 128 : index
    %swap3A_58 = tpu.vector_load %arg9[%swap3A_57] {strides = array<i32>} : memref<512xf32, #tpu.memory_space<vmem>>, vector<16xf32>,
    tpu.vector_store %arg9[%swap3A_57], %broadcast_in_dim3A_56 {strides = array<i32>} : memref<512xf32, #tpu.memory_space<vmem>>, vector<16xf32>,
    %broadcast_in_dim3A_59 = arith.constant 0.000000e+00 : f32
    %broadcast_in_dim3A_60 = vector.broadcast %broadcast_in_dim3A_59 : f32 to vector<16xf32>
    %swap3A_61 = arith.constant 144 : index
    %swap3A_62 = tpu.vector_load %arg9[%swap3A_61] {strides = array<i32>} : memref<512xf32, #tpu.memory_space<vmem>>, vector<16xf32>,
    tpu.vector_store %arg9[%swap3A_61], %broadcast_in_dim3A_60 {strides = array<i32>} : memref<512xf32, #tpu.memory_space<vmem>>, vector<16xf32>,
    %broadcast_in_dim3A_63 = arith.constant 0.000000e+00 : f32
    %broadcast_in_dim3A_64 = vector.broadcast %broadcast_in_dim3A_63 : f32 to vector<16xf32>
    %swap3A_65 = arith.constant 160 : index
    %swap3A_66 = tpu.vector_load %arg9[%swap3A_65] {strides = array<i32>} : memref<512xf32, #tpu.memory_space<vmem>>, vector<16xf32>,
    tpu.vector_store %arg9[%swap3A_65], %broadcast_in_dim3A_64 {strides = array<i32>} : memref<512xf32, #tpu.memory_space<vmem>>, vector<16xf32>,
    %broadcast_in_dim3A_67 = arith.constant 0.000000e+00 : f32
    %broadcast_in_dim3A_68 = vector.broadcast %broadcast_in_dim3A_67 : f32 to vector<16xf32>
    %swap3A_69 = arith.constant 176 : index
    %swap3A_70 = tpu.vector_load %arg9[%swap3A_69] {strides = array<i32>} : memref<512xf32, #tpu.memory_space<vmem>>, vector<16xf32>,
    tpu.vector_store %arg9[%swap3A_69], %broadcast_in_dim3A_68 {strides = array<i32>} : memref<512xf32, #tpu.memory_space<vmem>>, vector<16xf32>,
    %broadcast_in_dim3A_71 = arith.constant 0.000000e+00 : f32
    %broadcast_in_dim3A_72 = vector.broadcast %broadcast_in_dim3A_71 : f32 to vector<16xf32>
    %swap3A_73 = arith.constant 192 : index
    %swap3A_74 = tpu.vector_load %arg9[%swap3A_73] {strides = array<i32>} : memref<512xf32, #tpu.memory_space<vmem>>, vector<16xf32>,
    tpu.vector_store %arg9[%swap3A_73], %broadcast_in_dim3A_72 {strides = array<i32>} : memref<512xf32, #tpu.memory_space<vmem>>, vector<16xf32>,
    %broadcast_in_dim3A_75 = arith.constant 0.000000e+00 : f32
    %broadcast_in_dim3A_76 = vector.broadcast %broadcast_in_dim3A_75 : f32 to vector<16xf32>
    %swap3A_77 = arith.constant 208 : index
    %swap3A_78 = tpu.vector_load %arg9[%swap3A_77] {strides = array<i32>} : memref<512xf32, #tpu.memory_space<vmem>>, vector<16xf32>,
    tpu.vector_store %arg9[%swap3A_77], %broadcast_in_dim3A_76 {strides = array<i32>} : memref<512xf32, #tpu.memory_space<vmem>>, vector<16xf32>,
    %broadcast_in_dim3A_79 = arith.constant 0.000000e+00 : f32
    %broadcast_in_dim3A_80 = vector.broadcast %broadcast_in_dim3A_79 : f32 to vector<16xf32>
    %swap3A_81 = arith.constant 224 : index
    %swap3A_82 = tpu.vector_load %arg9[%swap3A_81] {strides = array<i32>} : memref<512xf32, #tpu.memory_space<vmem>>, vector<16xf32>,
    tpu.vector_store %arg9[%swap3A_81], %broadcast_in_dim3A_80 {strides = array<i32>} : memref<512xf32, #tpu.memory_space<vmem>>, vector<16xf32>,
    %broadcast_in_dim3A_83 = arith.constant 0.000000e+00 : f32
    %broadcast_in_dim3A_84 = vector.broadcast %broadcast_in_dim3A_83 : f32 to vector<16xf32>
    %swap3A_85 = arith.constant 240 : index
    %swap3A_86 = tpu.vector_load %arg9[%swap3A_85] {strides = array<i32>} : memref<512xf32, #tpu.memory_space<vmem>>, vector<16xf32>,
    tpu.vector_store %arg9[%swap3A_85], %broadcast_in_dim3A_84 {strides = array<i32>} : memref<512xf32, #tpu.memory_space<vmem>>, vector<16xf32>,
    %broadcast_in_dim3A_87 = arith.constant 0.000000e+00 : f32
    %broadcast_in_dim3A_88 = vector.broadcast %broadcast_in_dim3A_87 : f32 to vector<16xf32>
    %swap3A_89 = arith.constant 256 : index
    %swap3A_90 = tpu.vector_load %arg9[%swap3A_89] {strides = array<i32>} : memref<512xf32, #tpu.memory_space<vmem>>, vector<16xf32>,
    tpu.vector_store %arg9[%swap3A_89], %broadcast_in_dim3A_88 {strides = array<i32>} : memref<512xf32, #tpu.memory_space<vmem>>, vector<16xf32>,
    %broadcast_in_dim3A_91 = arith.constant 0.000000e+00 : f32
    %broadcast_in_dim3A_92 = vector.broadcast %broadcast_in_dim3A_91 : f32 to vector<16xf32>
    %swap3A_93 = arith.constant 272 : index
    %swap3A_94 = tpu.vector_load %arg9[%swap3A_93] {strides = array<i32>} : memref<512xf32, #tpu.memory_space<vmem>>, vector<16xf32>,
    tpu.vector_store %arg9[%swap3A_93], %broadcast_in_dim3A_92 {strides = array<i32>} : memref<512xf32, #tpu.memory_space<vmem>>, vector<16xf32>,
    %broadcast_in_dim3A_95 = arith.constant 0.000000e+00 : f32
    %broadcast_in_dim3A_96 = vector.broadcast %broadcast_in_dim3A_95 : f32 to vector<16xf32>
    %swap3A_97 = arith.constant 288 : index
    %swap3A_98 = tpu.vector_load %arg9[%swap3A_97] {strides = array<i32>} : memref<512xf32, #tpu.memory_space<vmem>>, vector<16xf32>,
    tpu.vector_store %arg9[%swap3A_97], %broadcast_in_dim3A_96 {strides = array<i32>} : memref<512xf32, #tpu.memory_space<vmem>>, vector<16xf32>,
    %broadcast_in_dim3A_99 = arith.constant 0.000000e+00 : f32
    %broadcast_in_dim3A_100 = vector.broadcast %broadcast_in_dim3A_99 : f32 to vector<16xf32>
    %swap3A_101 = arith.constant 304 : index
    %swap3A_102 = tpu.vector_load %arg9[%swap3A_101] {strides = array<i32>} : memref<512xf32, #tpu.memory_space<vmem>>, vector<16xf32>,
    tpu.vector_store %arg9[%swap3A_101], %broadcast_in_dim3A_100 {strides = array<i32>} : memref<512xf32, #tpu.memory_space<vmem>>, vector<16xf32>,
    %broadcast_in_dim3A_103 = arith.constant 0.000000e+00 : f32
    %broadcast_in_dim3A_104 = vector.broadcast %broadcast_in_dim3A_103 : f32 to vector<16xf32>
    %swap3A_105 = arith.constant 320 : index
    %swap3A_106 = tpu.vector_load %arg9[%swap3A_105] {strides = array<i32>} : memref<512xf32, #tpu.memory_space<vmem>>, vector<16xf32>,
    tpu.vector_store %arg9[%swap3A_105], %broadcast_in_dim3A_104 {strides = array<i32>} : memref<512xf32, #tpu.memory_space<vmem>>, vector<16xf32>,
    %broadcast_in_dim3A_107 = arith.constant 0.000000e+00 : f32
    %broadcast_in_dim3A_108 = vector.broadcast %broadcast_in_dim3A_107 : f32 to vector<16xf32>
    %swap3A_109 = arith.constant 336 : index
    %swap3A_110 = tpu.vector_load %arg9[%swap3A_109] {strides = array<i32>} : memref<512xf32, #tpu.memory_space<vmem>>, vector<16xf32>,
    tpu.vector_store %arg9[%swap3A_109], %broadcast_in_dim3A_108 {strides = array<i32>} : memref<512xf32, #tpu.memory_space<vmem>>, vector<16xf32>,
    %broadcast_in_dim3A_111 = arith.constant 0.000000e+00 : f32
    %broadcast_in_dim3A_112 = vector.broadcast %broadcast_in_dim3A_111 : f32 to vector<16xf32>
    %swap3A_113 = arith.constant 352 : index
    %swap3A_114 = tpu.vector_load %arg9[%swap3A_113] {strides = array<i32>} : memref<512xf32, #tpu.memory_space<vmem>>, vector<16xf32>,
    tpu.vector_store %arg9[%swap3A_113], %broadcast_in_dim3A_112 {strides = array<i32>} : memref<512xf32, #tpu.memory_space<vmem>>, vector<16xf32>,
    %broadcast_in_dim3A_115 = arith.constant 0.000000e+00 : f32
    %broadcast_in_dim3A_116 = vector.broadcast %broadcast_in_dim3A_115 : f32 to vector<16xf32>
    %swap3A_117 = arith.constant 368 : index
    %swap3A_118 = tpu.vector_load %arg9[%swap3A_117] {strides = array<i32>} : memref<512xf32, #tpu.memory_space<vmem>>, vector<16xf32>,
    tpu.vector_store %arg9[%swap3A_117], %broadcast_in_dim3A_116 {strides = array<i32>} : memref<512xf32, #tpu.memory_space<vmem>>, vector<16xf32>,
    %broadcast_in_dim3A_119 = arith.constant 0.000000e+00 : f32
    %broadcast_in_dim3A_120 = vector.broadcast %broadcast_in_dim3A_119 : f32 to vector<16xf32>
    %swap3A_121 = arith.constant 384 : index
    %swap3A_122 = tpu.vector_load %arg9[%swap3A_121] {strides = array<i32>} : memref<512xf32, #tpu.memory_space<vmem>>, vector<16xf32>,
    tpu.vector_store %arg9[%swap3A_121], %broadcast_in_dim3A_120 {strides = array<i32>} : memref<512xf32, #tpu.memory_space<vmem>>, vector<16xf32>,
    %broadcast_in_dim3A_123 = arith.constant 0.000000e+00 : f32
    %broadcast_in_dim3A_124 = vector.broadcast %broadcast_in_dim3A_123 : f32 to vector<16xf32>
    %swap3A_125 = arith.constant 400 : index
    %swap3A_126 = tpu.vector_load %arg9[%swap3A_125] {strides = array<i32>} : memref<512xf32, #tpu.memory_space<vmem>>, vector<16xf32>,
    tpu.vector_store %arg9[%swap3A_125], %broadcast_in_dim3A_124 {strides = array<i32>} : memref<512xf32, #tpu.memory_space<vmem>>, vector<16xf32>,
    %broadcast_in_dim3A_127 = arith.constant 0.000000e+00 : f32
    %broadcast_in_dim3A_128 = vector.broadcast %broadcast_in_dim3A_127 : f32 to vector<16xf32>
    %swap3A_129 = arith.constant 416 : index
    %swap3A_130 = tpu.vector_load %arg9[%swap3A_129] {strides = array<i32>} : memref<512xf32, #tpu.memory_space<vmem>>, vector<16xf32>,
    tpu.vector_store %arg9[%swap3A_129], %broadcast_in_dim3A_128 {strides = array<i32>} : memref<512xf32, #tpu.memory_space<vmem>>, vector<16xf32>,
    %broadcast_in_dim3A_131 = arith.constant 0.000000e+00 : f32
    %broadcast_in_dim3A_132 = vector.broadcast %broadcast_in_dim3A_131 : f32 to vector<16xf32>
    %swap3A_133 = arith.constant 432 : index
    %swap3A_134 = tpu.vector_load %arg9[%swap3A_133] {strides = array<i32>} : memref<512xf32, #tpu.memory_space<vmem>>, vector<16xf32>,
    tpu.vector_store %arg9[%swap3A_133], %broadcast_in_dim3A_132 {strides = array<i32>} : memref<512xf32, #tpu.memory_space<vmem>>, vector<16xf32>,
    %broadcast_in_dim3A_135 = arith.constant 0.000000e+00 : f32
    %broadcast_in_dim3A_136 = vector.broadcast %broadcast_in_dim3A_135 : f32 to vector<16xf32>
    %swap3A_137 = arith.constant 448 : index
    %swap3A_138 = tpu.vector_load %arg9[%swap3A_137] {strides = array<i32>} : memref<512xf32, #tpu.memory_space<vmem>>, vector<16xf32>,
    tpu.vector_store %arg9[%swap3A_137], %broadcast_in_dim3A_136 {strides = array<i32>} : memref<512xf32, #tpu.memory_space<vmem>>, vector<16xf32>,
    %broadcast_in_dim3A_139 = arith.constant 0.000000e+00 : f32
    %broadcast_in_dim3A_140 = vector.broadcast %broadcast_in_dim3A_139 : f32 to vector<16xf32>
    %swap3A_141 = arith.constant 464 : index
    %swap3A_142 = tpu.vector_load %arg9[%swap3A_141] {strides = array<i32>} : memref<512xf32, #tpu.memory_space<vmem>>, vector<16xf32>,
    tpu.vector_store %arg9[%swap3A_141], %broadcast_in_dim3A_140 {strides = array<i32>} : memref<512xf32, #tpu.memory_space<vmem>>, vector<16xf32>,
    %broadcast_in_dim3A_143 = arith.constant 0.000000e+00 : f32
    %broadcast_in_dim3A_144 = vector.broadcast %broadcast_in_dim3A_143 : f32 to vector<16xf32>
    %swap3A_145 = arith.constant 480 : index
    %swap3A_146 = tpu.vector_load %arg9[%swap3A_145] {strides = array<i32>} : memref<512xf32, #tpu.memory_space<vmem>>, vector<16xf32>,
    tpu.vector_store %arg9[%swap3A_145], %broadcast_in_dim3A_144 {strides = array<i32>} : memref<512xf32, #tpu.memory_space<vmem>>, vector<16xf32>,
    %broadcast_in_dim3A_147 = arith.constant 0.000000e+00 : f32
    %broadcast_in_dim3A_148 = vector.broadcast %broadcast_in_dim3A_147 : f32 to vector<16xf32>
    %swap3A_149 = arith.constant 496 : index
    %swap3A_150 = tpu.vector_load %arg9[%swap3A_149] {strides = array<i32>} : memref<512xf32, #tpu.memory_space<vmem>>, vector<16xf32>,
    tpu.vector_store %arg9[%swap3A_149], %broadcast_in_dim3A_148 {strides = array<i32>} : memref<512xf32, #tpu.memory_space<vmem>>, vector<16xf32>,
    %while3A = arith.constant 0 : i32
    %while3A_151 = arith.constant 0 : i32
    %while3A_152 = arith.subi %arg1, %while3A : i32
    %while3A_153 = arith.addi %while3A, %while3A_152 : i32
    %while3A_154 = arith.constant 1 : i32
    %while3A_155 = arith.divsi %while3A_152, %while3A_154 : i32
    %while3A_156 = arith.muli %while3A_155, %while3A_154 : i32
    %while3A_157 = arith.addi %while3A, %while3A_156 : i32
    %while3A_158 = arith.constant 1 : i32
    %while3A_159 = scf.for %while3A_176 = %while3A to %while3A_157 step %while3A_158 iter_args(%while3A_177 = %while3A_151) -> (i32)  : i32 {
      %mul3A_178 = arith.constant 512 : i32
      %mul3A_179 = arith.muli %while3A_176, %mul3A_178 : i32
      %get3A = arith.constant 0 : index
      %get3A_180 = tpu.vector_load %arg9[%get3A] {strides = array<i32>} : memref<512xf32, #tpu.memory_space<vmem>>, vector<16xf32>,
      %add3A_181 = arith.constant 0 : i32
      %add3A_182 = arith.addi %mul3A_179, %add3A_181 : i32
      %get3A_183 = arith.index_cast %add3A_182 : i32 to index
      %get3A_184 = tpu.vector_load %arg8[%get3A_183] {strides = array<i32>} : memref<8192xf32, #tpu.memory_space<vmem>>, vector<16xf32>,
      %add3A_185 = arith.addf %get3A_180, %get3A_184 : vector<16xf32>
      %swap3A_186 = arith.constant 0 : index
      %swap3A_187 = tpu.vector_load %arg9[%swap3A_186] {strides = array<i32>} : memref<512xf32, #tpu.memory_space<vmem>>, vector<16xf32>,
      tpu.vector_store %arg9[%swap3A_186], %add3A_185 {strides = array<i32>} : memref<512xf32, #tpu.memory_space<vmem>>, vector<16xf32>,
      %get3A_188 = arith.constant 16 : index
      %get3A_189 = tpu.vector_load %arg9[%get3A_188] {strides = array<i32>} : memref<512xf32, #tpu.memory_space<vmem>>, vector<16xf32>,
      %add3A_190 = arith.constant 16 : i32
      %add3A_191 = arith.addi %mul3A_179, %add3A_190 : i32
      %get3A_192 = arith.index_cast %add3A_191 : i32 to index
      %get3A_193 = tpu.vector_load %arg8[%get3A_192] {strides = array<i32>} : memref<8192xf32, #tpu.memory_space<vmem>>, vector<16xf32>,
      %add3A_194 = arith.addf %get3A_189, %get3A_193 : vector<16xf32>
      %swap3A_195 = arith.constant 16 : index
      %swap3A_196 = tpu.vector_load %arg9[%swap3A_195] {strides = array<i32>} : memref<512xf32, #tpu.memory_space<vmem>>, vector<16xf32>,
      tpu.vector_store %arg9[%swap3A_195], %add3A_194 {strides = array<i32>} : memref<512xf32, #tpu.memory_space<vmem>>, vector<16xf32>,
      %get3A_197 = arith.constant 32 : index
      %get3A_198 = tpu.vector_load %arg9[%get3A_197] {strides = array<i32>} : memref<512xf32, #tpu.memory_space<vmem>>, vector<16xf32>,
      %add3A_199 = arith.constant 32 : i32
      %add3A_200 = arith.addi %mul3A_179, %add3A_199 : i32
      %get3A_201 = arith.index_cast %add3A_200 : i32 to index
      %get3A_202 = tpu.vector_load %arg8[%get3A_201] {strides = array<i32>} : memref<8192xf32, #tpu.memory_space<vmem>>, vector<16xf32>,
      %add3A_203 = arith.addf %get3A_198, %get3A_202 : vector<16xf32>
      %swap3A_204 = arith.constant 32 : index
      %swap3A_205 = tpu.vector_load %arg9[%swap3A_204] {strides = array<i32>} : memref<512xf32, #tpu.memory_space<vmem>>, vector<16xf32>,
      tpu.vector_store %arg9[%swap3A_204], %add3A_203 {strides = array<i32>} : memref<512xf32, #tpu.memory_space<vmem>>, vector<16xf32>,
      %get3A_206 = arith.constant 48 : index
      %get3A_207 = tpu.vector_load %arg9[%get3A_206] {strides = array<i32>} : memref<512xf32, #tpu.memory_space<vmem>>, vector<16xf32>,
      %add3A_208 = arith.constant 48 : i32
      %add3A_209 = arith.addi %mul3A_179, %add3A_208 : i32
      %get3A_210 = arith.index_cast %add3A_209 : i32 to index
      %get3A_211 = tpu.vector_load %arg8[%get3A_210] {strides = array<i32>} : memref<8192xf32, #tpu.memory_space<vmem>>, vector<16xf32>,
      %add3A_212 = arith.addf %get3A_207, %get3A_211 : vector<16xf32>
      %swap3A_213 = arith.constant 48 : index
      %swap3A_214 = tpu.vector_load %arg9[%swap3A_213] {strides = array<i32>} : memref<512xf32, #tpu.memory_space<vmem>>, vector<16xf32>,
      tpu.vector_store %arg9[%swap3A_213], %add3A_212 {strides = array<i32>} : memref<512xf32, #tpu.memory_space<vmem>>, vector<16xf32>,
      %get3A_215 = arith.constant 64 : index
      %get3A_216 = tpu.vector_load %arg9[%get3A_215] {strides = array<i32>} : memref<512xf32, #tpu.memory_space<vmem>>, vector<16xf32>,
      %add3A_217 = arith.constant 64 : i32
      %add3A_218 = arith.addi %mul3A_179, %add3A_217 : i32
      %get3A_219 = arith.index_cast %add3A_218 : i32 to index
      %get3A_220 = tpu.vector_load %arg8[%get3A_219] {strides = array<i32>} : memref<8192xf32, #tpu.memory_space<vmem>>, vector<16xf32>,
      %add3A_221 = arith.addf %get3A_216, %get3A_220 : vector<16xf32>
      %swap3A_222 = arith.constant 64 : index
      %swap3A_223 = tpu.vector_load %arg9[%swap3A_222] {strides = array<i32>} : memref<512xf32, #tpu.memory_space<vmem>>, vector<16xf32>,
      tpu.vector_store %arg9[%swap3A_222], %add3A_221 {strides = array<i32>} : memref<512xf32, #tpu.memory_space<vmem>>, vector<16xf32>,
      %get3A_224 = arith.constant 80 : index
      %get3A_225 = tpu.vector_load %arg9[%get3A_224] {strides = array<i32>} : memref<512xf32, #tpu.memory_space<vmem>>, vector<16xf32>,
      %add3A_226 = arith.constant 80 : i32
      %add3A_227 = arith.addi %mul3A_179, %add3A_226 : i32
      %get3A_228 = arith.index_cast %add3A_227 : i32 to index
      %get3A_229 = tpu.vector_load %arg8[%get3A_228] {strides = array<i32>} : memref<8192xf32, #tpu.memory_space<vmem>>, vector<16xf32>,
      %add3A_230 = arith.addf %get3A_225, %get3A_229 : vector<16xf32>
      %swap3A_231 = arith.constant 80 : index
      %swap3A_232 = tpu.vector_load %arg9[%swap3A_231] {strides = array<i32>} : memref<512xf32, #tpu.memory_space<vmem>>, vector<16xf32>,
      tpu.vector_store %arg9[%swap3A_231], %add3A_230 {strides = array<i32>} : memref<512xf32, #tpu.memory_space<vmem>>, vector<16xf32>,
      %get3A_233 = arith.constant 96 : index
      %get3A_234 = tpu.vector_load %arg9[%get3A_233] {strides = array<i32>} : memref<512xf32, #tpu.memory_space<vmem>>, vector<16xf32>,
      %add3A_235 = arith.constant 96 : i32
      %add3A_236 = arith.addi %mul3A_179, %add3A_235 : i32
      %get3A_237 = arith.index_cast %add3A_236 : i32 to index
      %get3A_238 = tpu.vector_load %arg8[%get3A_237] {strides = array<i32>} : memref<8192xf32, #tpu.memory_space<vmem>>, vector<16xf32>,
      %add3A_239 = arith.addf %get3A_234, %get3A_238 : vector<16xf32>
      %swap3A_240 = arith.constant 96 : index
      %swap3A_241 = tpu.vector_load %arg9[%swap3A_240] {strides = array<i32>} : memref<512xf32, #tpu.memory_space<vmem>>, vector<16xf32>,
      tpu.vector_store %arg9[%swap3A_240], %add3A_239 {strides = array<i32>} : memref<512xf32, #tpu.memory_space<vmem>>, vector<16xf32>,
      %get3A_242 = arith.constant 112 : index
      %get3A_243 = tpu.vector_load %arg9[%get3A_242] {strides = array<i32>} : memref<512xf32, #tpu.memory_space<vmem>>, vector<16xf32>,
      %add3A_244 = arith.constant 112 : i32
      %add3A_245 = arith.addi %mul3A_179, %add3A_244 : i32
      %get3A_246 = arith.index_cast %add3A_245 : i32 to index
      %get3A_247 = tpu.vector_load %arg8[%get3A_246] {strides = array<i32>} : memref<8192xf32, #tpu.memory_space<vmem>>, vector<16xf32>,
      %add3A_248 = arith.addf %get3A_243, %get3A_247 : vector<16xf32>
      %swap3A_249 = arith.constant 112 : index
      %swap3A_250 = tpu.vector_load %arg9[%swap3A_249] {strides = array<i32>} : memref<512xf32, #tpu.memory_space<vmem>>, vector<16xf32>,
      tpu.vector_store %arg9[%swap3A_249], %add3A_248 {strides = array<i32>} : memref<512xf32, #tpu.memory_space<vmem>>, vector<16xf32>,
      %get3A_251 = arith.constant 128 : index
      %get3A_252 = tpu.vector_load %arg9[%get3A_251] {strides = array<i32>} : memref<512xf32, #tpu.memory_space<vmem>>, vector<16xf32>,
      %add3A_253 = arith.constant 128 : i32
      %add3A_254 = arith.addi %mul3A_179, %add3A_253 : i32
      %get3A_255 = arith.index_cast %add3A_254 : i32 to index
      %get3A_256 = tpu.vector_load %arg8[%get3A_255] {strides = array<i32>} : memref<8192xf32, #tpu.memory_space<vmem>>, vector<16xf32>,
      %add3A_257 = arith.addf %get3A_252, %get3A_256 : vector<16xf32>
      %swap3A_258 = arith.constant 128 : index
      %swap3A_259 = tpu.vector_load %arg9[%swap3A_258] {strides = array<i32>} : memref<512xf32, #tpu.memory_space<vmem>>, vector<16xf32>,
      tpu.vector_store %arg9[%swap3A_258], %add3A_257 {strides = array<i32>} : memref<512xf32, #tpu.memory_space<vmem>>, vector<16xf32>,
      %get3A_260 = arith.constant 144 : index
      %get3A_261 = tpu.vector_load %arg9[%get3A_260] {strides = array<i32>} : memref<512xf32, #tpu.memory_space<vmem>>, vector<16xf32>,
      %add3A_262 = arith.constant 144 : i32
      %add3A_263 = arith.addi %mul3A_179, %add3A_262 : i32
      %get3A_264 = arith.index_cast %add3A_263 : i32 to index
      %get3A_265 = tpu.vector_load %arg8[%get3A_264] {strides = array<i32>} : memref<8192xf32, #tpu.memory_space<vmem>>, vector<16xf32>,
      %add3A_266 = arith.addf %get3A_261, %get3A_265 : vector<16xf32>
      %swap3A_267 = arith.constant 144 : index
      %swap3A_268 = tpu.vector_load %arg9[%swap3A_267] {strides = array<i32>} : memref<512xf32, #tpu.memory_space<vmem>>, vector<16xf32>,
      tpu.vector_store %arg9[%swap3A_267], %add3A_266 {strides = array<i32>} : memref<512xf32, #tpu.memory_space<vmem>>, vector<16xf32>,
      %get3A_269 = arith.constant 160 : index
      %get3A_270 = tpu.vector_load %arg9[%get3A_269] {strides = array<i32>} : memref<512xf32, #tpu.memory_space<vmem>>, vector<16xf32>,
      %add3A_271 = arith.constant 160 : i32
      %add3A_272 = arith.addi %mul3A_179, %add3A_271 : i32
      %get3A_273 = arith.index_cast %add3A_272 : i32 to index
      %get3A_274 = tpu.vector_load %arg8[%get3A_273] {strides = array<i32>} : memref<8192xf32, #tpu.memory_space<vmem>>, vector<16xf32>,
      %add3A_275 = arith.addf %get3A_270, %get3A_274 : vector<16xf32>
      %swap3A_276 = arith.constant 160 : index
      %swap3A_277 = tpu.vector_load %arg9[%swap3A_276] {strides = array<i32>} : memref<512xf32, #tpu.memory_space<vmem>>, vector<16xf32>,
      tpu.vector_store %arg9[%swap3A_276], %add3A_275 {strides = array<i32>} : memref<512xf32, #tpu.memory_space<vmem>>, vector<16xf32>,
      %get3A_278 = arith.constant 176 : index
      %get3A_279 = tpu.vector_load %arg9[%get3A_278] {strides = array<i32>} : memref<512xf32, #tpu.memory_space<vmem>>, vector<16xf32>,
      %add3A_280 = arith.constant 176 : i32
      %add3A_281 = arith.addi %mul3A_179, %add3A_280 : i32
      %get3A_282 = arith.index_cast %add3A_281 : i32 to index
      %get3A_283 = tpu.vector_load %arg8[%get3A_282] {strides = array<i32>} : memref<8192xf32, #tpu.memory_space<vmem>>, vector<16xf32>,
      %add3A_284 = arith.addf %get3A_279, %get3A_283 : vector<16xf32>
      %swap3A_285 = arith.constant 176 : index
      %swap3A_286 = tpu.vector_load %arg9[%swap3A_285] {strides = array<i32>} : memref<512xf32, #tpu.memory_space<vmem>>, vector<16xf32>,
      tpu.vector_store %arg9[%swap3A_285], %add3A_284 {strides = array<i32>} : memref<512xf32, #tpu.memory_space<vmem>>, vector<16xf32>,
      %get3A_287 = arith.constant 192 : index
      %get3A_288 = tpu.vector_load %arg9[%get3A_287] {strides = array<i32>} : memref<512xf32, #tpu.memory_space<vmem>>, vector<16xf32>,
      %add3A_289 = arith.constant 192 : i32
      %add3A_290 = arith.addi %mul3A_179, %add3A_289 : i32
      %get3A_291 = arith.index_cast %add3A_290 : i32 to index
      %get3A_292 = tpu.vector_load %arg8[%get3A_291] {strides = array<i32>} : memref<8192xf32, #tpu.memory_space<vmem>>, vector<16xf32>,
      %add3A_293 = arith.addf %get3A_288, %get3A_292 : vector<16xf32>
      %swap3A_294 = arith.constant 192 : index
      %swap3A_295 = tpu.vector_load %arg9[%swap3A_294] {strides = array<i32>} : memref<512xf32, #tpu.memory_space<vmem>>, vector<16xf32>,
      tpu.vector_store %arg9[%swap3A_294], %add3A_293 {strides = array<i32>} : memref<512xf32, #tpu.memory_space<vmem>>, vector<16xf32>,
      %get3A_296 = arith.constant 208 : index
      %get3A_297 = tpu.vector_load %arg9[%get3A_296] {strides = array<i32>} : memref<512xf32, #tpu.memory_space<vmem>>, vector<16xf32>,
      %add3A_298 = arith.constant 208 : i32
      %add3A_299 = arith.addi %mul3A_179, %add3A_298 : i32
      %get3A_300 = arith.index_cast %add3A_299 : i32 to index
      %get3A_301 = tpu.vector_load %arg8[%get3A_300] {strides = array<i32>} : memref<8192xf32, #tpu.memory_space<vmem>>, vector<16xf32>,
      %add3A_302 = arith.addf %get3A_297, %get3A_301 : vector<16xf32>
      %swap3A_303 = arith.constant 208 : index
      %swap3A_304 = tpu.vector_load %arg9[%swap3A_303] {strides = array<i32>} : memref<512xf32, #tpu.memory_space<vmem>>, vector<16xf32>,
      tpu.vector_store %arg9[%swap3A_303], %add3A_302 {strides = array<i32>} : memref<512xf32, #tpu.memory_space<vmem>>, vector<16xf32>,
      %get3A_305 = arith.constant 224 : index
      %get3A_306 = tpu.vector_load %arg9[%get3A_305] {strides = array<i32>} : memref<512xf32, #tpu.memory_space<vmem>>, vector<16xf32>,
      %add3A_307 = arith.constant 224 : i32
      %add3A_308 = arith.addi %mul3A_179, %add3A_307 : i32
      %get3A_309 = arith.index_cast %add3A_308 : i32 to index
      %get3A_310 = tpu.vector_load %arg8[%get3A_309] {strides = array<i32>} : memref<8192xf32, #tpu.memory_space<vmem>>, vector<16xf32>,
      %add3A_311 = arith.addf %get3A_306, %get3A_310 : vector<16xf32>
      %swap3A_312 = arith.constant 224 : index
      %swap3A_313 = tpu.vector_load %arg9[%swap3A_312] {strides = array<i32>} : memref<512xf32, #tpu.memory_space<vmem>>, vector<16xf32>,
      tpu.vector_store %arg9[%swap3A_312], %add3A_311 {strides = array<i32>} : memref<512xf32, #tpu.memory_space<vmem>>, vector<16xf32>,
      %get3A_314 = arith.constant 240 : index
      %get3A_315 = tpu.vector_load %arg9[%get3A_314] {strides = array<i32>} : memref<512xf32, #tpu.memory_space<vmem>>, vector<16xf32>,
      %add3A_316 = arith.constant 240 : i32
      %add3A_317 = arith.addi %mul3A_179, %add3A_316 : i32
      %get3A_318 = arith.index_cast %add3A_317 : i32 to index
      %get3A_319 = tpu.vector_load %arg8[%get3A_318] {strides = array<i32>} : memref<8192xf32, #tpu.memory_space<vmem>>, vector<16xf32>,
      %add3A_320 = arith.addf %get3A_315, %get3A_319 : vector<16xf32>
      %swap3A_321 = arith.constant 240 : index
      %swap3A_322 = tpu.vector_load %arg9[%swap3A_321] {strides = array<i32>} : memref<512xf32, #tpu.memory_space<vmem>>, vector<16xf32>,
      tpu.vector_store %arg9[%swap3A_321], %add3A_320 {strides = array<i32>} : memref<512xf32, #tpu.memory_space<vmem>>, vector<16xf32>,
      %get3A_323 = arith.constant 256 : index
      %get3A_324 = tpu.vector_load %arg9[%get3A_323] {strides = array<i32>} : memref<512xf32, #tpu.memory_space<vmem>>, vector<16xf32>,
      %add3A_325 = arith.constant 256 : i32
      %add3A_326 = arith.addi %mul3A_179, %add3A_325 : i32
      %get3A_327 = arith.index_cast %add3A_326 : i32 to index
      %get3A_328 = tpu.vector_load %arg8[%get3A_327] {strides = array<i32>} : memref<8192xf32, #tpu.memory_space<vmem>>, vector<16xf32>,
      %add3A_329 = arith.addf %get3A_324, %get3A_328 : vector<16xf32>
      %swap3A_330 = arith.constant 256 : index
      %swap3A_331 = tpu.vector_load %arg9[%swap3A_330] {strides = array<i32>} : memref<512xf32, #tpu.memory_space<vmem>>, vector<16xf32>,
      tpu.vector_store %arg9[%swap3A_330], %add3A_329 {strides = array<i32>} : memref<512xf32, #tpu.memory_space<vmem>>, vector<16xf32>,
      %get3A_332 = arith.constant 272 : index
      %get3A_333 = tpu.vector_load %arg9[%get3A_332] {strides = array<i32>} : memref<512xf32, #tpu.memory_space<vmem>>, vector<16xf32>,
      %add3A_334 = arith.constant 272 : i32
      %add3A_335 = arith.addi %mul3A_179, %add3A_334 : i32
      %get3A_336 = arith.index_cast %add3A_335 : i32 to index
      %get3A_337 = tpu.vector_load %arg8[%get3A_336] {strides = array<i32>} : memref<8192xf32, #tpu.memory_space<vmem>>, vector<16xf32>,
      %add3A_338 = arith.addf %get3A_333, %get3A_337 : vector<16xf32>
      %swap3A_339 = arith.constant 272 : index
      %swap3A_340 = tpu.vector_load %arg9[%swap3A_339] {strides = array<i32>} : memref<512xf32, #tpu.memory_space<vmem>>, vector<16xf32>,
      tpu.vector_store %arg9[%swap3A_339], %add3A_338 {strides = array<i32>} : memref<512xf32, #tpu.memory_space<vmem>>, vector<16xf32>,
      %get3A_341 = arith.constant 288 : index
      %get3A_342 = tpu.vector_load %arg9[%get3A_341] {strides = array<i32>} : memref<512xf32, #tpu.memory_space<vmem>>, vector<16xf32>,
      %add3A_343 = arith.constant 288 : i32
      %add3A_344 = arith.addi %mul3A_179, %add3A_343 : i32
      %get3A_345 = arith.index_cast %add3A_344 : i32 to index
      %get3A_346 = tpu.vector_load %arg8[%get3A_345] {strides = array<i32>} : memref<8192xf32, #tpu.memory_space<vmem>>, vector<16xf32>,
      %add3A_347 = arith.addf %get3A_342, %get3A_346 : vector<16xf32>
      %swap3A_348 = arith.constant 288 : index
      %swap3A_349 = tpu.vector_load %arg9[%swap3A_348] {strides = array<i32>} : memref<512xf32, #tpu.memory_space<vmem>>, vector<16xf32>,
      tpu.vector_store %arg9[%swap3A_348], %add3A_347 {strides = array<i32>} : memref<512xf32, #tpu.memory_space<vmem>>, vector<16xf32>,
      %get3A_350 = arith.constant 304 : index
      %get3A_351 = tpu.vector_load %arg9[%get3A_350] {strides = array<i32>} : memref<512xf32, #tpu.memory_space<vmem>>, vector<16xf32>,
      %add3A_352 = arith.constant 304 : i32
      %add3A_353 = arith.addi %mul3A_179, %add3A_352 : i32
      %get3A_354 = arith.index_cast %add3A_353 : i32 to index
      %get3A_355 = tpu.vector_load %arg8[%get3A_354] {strides = array<i32>} : memref<8192xf32, #tpu.memory_space<vmem>>, vector<16xf32>,
      %add3A_356 = arith.addf %get3A_351, %get3A_355 : vector<16xf32>
      %swap3A_357 = arith.constant 304 : index
      %swap3A_358 = tpu.vector_load %arg9[%swap3A_357] {strides = array<i32>} : memref<512xf32, #tpu.memory_space<vmem>>, vector<16xf32>,
      tpu.vector_store %arg9[%swap3A_357], %add3A_356 {strides = array<i32>} : memref<512xf32, #tpu.memory_space<vmem>>, vector<16xf32>,
      %get3A_359 = arith.constant 320 : index
      %get3A_360 = tpu.vector_load %arg9[%get3A_359] {strides = array<i32>} : memref<512xf32, #tpu.memory_space<vmem>>, vector<16xf32>,
      %add3A_361 = arith.constant 320 : i32
      %add3A_362 = arith.addi %mul3A_179, %add3A_361 : i32
      %get3A_363 = arith.index_cast %add3A_362 : i32 to index
      %get3A_364 = tpu.vector_load %arg8[%get3A_363] {strides = array<i32>} : memref<8192xf32, #tpu.memory_space<vmem>>, vector<16xf32>,
      %add3A_365 = arith.addf %get3A_360, %get3A_364 : vector<16xf32>
      %swap3A_366 = arith.constant 320 : index
      %swap3A_367 = tpu.vector_load %arg9[%swap3A_366] {strides = array<i32>} : memref<512xf32, #tpu.memory_space<vmem>>, vector<16xf32>,
      tpu.vector_store %arg9[%swap3A_366], %add3A_365 {strides = array<i32>} : memref<512xf32, #tpu.memory_space<vmem>>, vector<16xf32>,
      %get3A_368 = arith.constant 336 : index
      %get3A_369 = tpu.vector_load %arg9[%get3A_368] {strides = array<i32>} : memref<512xf32, #tpu.memory_space<vmem>>, vector<16xf32>,
      %add3A_370 = arith.constant 336 : i32
      %add3A_371 = arith.addi %mul3A_179, %add3A_370 : i32
      %get3A_372 = arith.index_cast %add3A_371 : i32 to index
      %get3A_373 = tpu.vector_load %arg8[%get3A_372] {strides = array<i32>} : memref<8192xf32, #tpu.memory_space<vmem>>, vector<16xf32>,
      %add3A_374 = arith.addf %get3A_369, %get3A_373 : vector<16xf32>
      %swap3A_375 = arith.constant 336 : index
      %swap3A_376 = tpu.vector_load %arg9[%swap3A_375] {strides = array<i32>} : memref<512xf32, #tpu.memory_space<vmem>>, vector<16xf32>,
      tpu.vector_store %arg9[%swap3A_375], %add3A_374 {strides = array<i32>} : memref<512xf32, #tpu.memory_space<vmem>>, vector<16xf32>,
      %get3A_377 = arith.constant 352 : index
      %get3A_378 = tpu.vector_load %arg9[%get3A_377] {strides = array<i32>} : memref<512xf32, #tpu.memory_space<vmem>>, vector<16xf32>,
      %add3A_379 = arith.constant 352 : i32
      %add3A_380 = arith.addi %mul3A_179, %add3A_379 : i32
      %get3A_381 = arith.index_cast %add3A_380 : i32 to index
      %get3A_382 = tpu.vector_load %arg8[%get3A_381] {strides = array<i32>} : memref<8192xf32, #tpu.memory_space<vmem>>, vector<16xf32>,
      %add3A_383 = arith.addf %get3A_378, %get3A_382 : vector<16xf32>
      %swap3A_384 = arith.constant 352 : index
      %swap3A_385 = tpu.vector_load %arg9[%swap3A_384] {strides = array<i32>} : memref<512xf32, #tpu.memory_space<vmem>>, vector<16xf32>,
      tpu.vector_store %arg9[%swap3A_384], %add3A_383 {strides = array<i32>} : memref<512xf32, #tpu.memory_space<vmem>>, vector<16xf32>,
      %get3A_386 = arith.constant 368 : index
      %get3A_387 = tpu.vector_load %arg9[%get3A_386] {strides = array<i32>} : memref<512xf32, #tpu.memory_space<vmem>>, vector<16xf32>,
      %add3A_388 = arith.constant 368 : i32
      %add3A_389 = arith.addi %mul3A_179, %add3A_388 : i32
      %get3A_390 = arith.index_cast %add3A_389 : i32 to index
      %get3A_391 = tpu.vector_load %arg8[%get3A_390] {strides = array<i32>} : memref<8192xf32, #tpu.memory_space<vmem>>, vector<16xf32>,
      %add3A_392 = arith.addf %get3A_387, %get3A_391 : vector<16xf32>
      %swap3A_393 = arith.constant 368 : index
      %swap3A_394 = tpu.vector_load %arg9[%swap3A_393] {strides = array<i32>} : memref<512xf32, #tpu.memory_space<vmem>>, vector<16xf32>,
      tpu.vector_store %arg9[%swap3A_393], %add3A_392 {strides = array<i32>} : memref<512xf32, #tpu.memory_space<vmem>>, vector<16xf32>,
      %get3A_395 = arith.constant 384 : index
      %get3A_396 = tpu.vector_load %arg9[%get3A_395] {strides = array<i32>} : memref<512xf32, #tpu.memory_space<vmem>>, vector<16xf32>,
      %add3A_397 = arith.constant 384 : i32
      %add3A_398 = arith.addi %mul3A_179, %add3A_397 : i32
      %get3A_399 = arith.index_cast %add3A_398 : i32 to index
      %get3A_400 = tpu.vector_load %arg8[%get3A_399] {strides = array<i32>} : memref<8192xf32, #tpu.memory_space<vmem>>, vector<16xf32>,
      %add3A_401 = arith.addf %get3A_396, %get3A_400 : vector<16xf32>
      %swap3A_402 = arith.constant 384 : index
      %swap3A_403 = tpu.vector_load %arg9[%swap3A_402] {strides = array<i32>} : memref<512xf32, #tpu.memory_space<vmem>>, vector<16xf32>,
      tpu.vector_store %arg9[%swap3A_402], %add3A_401 {strides = array<i32>} : memref<512xf32, #tpu.memory_space<vmem>>, vector<16xf32>,
      %get3A_404 = arith.constant 400 : index
      %get3A_405 = tpu.vector_load %arg9[%get3A_404] {strides = array<i32>} : memref<512xf32, #tpu.memory_space<vmem>>, vector<16xf32>,
      %add3A_406 = arith.constant 400 : i32
      %add3A_407 = arith.addi %mul3A_179, %add3A_406 : i32
      %get3A_408 = arith.index_cast %add3A_407 : i32 to index
      %get3A_409 = tpu.vector_load %arg8[%get3A_408] {strides = array<i32>} : memref<8192xf32, #tpu.memory_space<vmem>>, vector<16xf32>,
      %add3A_410 = arith.addf %get3A_405, %get3A_409 : vector<16xf32>
      %swap3A_411 = arith.constant 400 : index
      %swap3A_412 = tpu.vector_load %arg9[%swap3A_411] {strides = array<i32>} : memref<512xf32, #tpu.memory_space<vmem>>, vector<16xf32>,
      tpu.vector_store %arg9[%swap3A_411], %add3A_410 {strides = array<i32>} : memref<512xf32, #tpu.memory_space<vmem>>, vector<16xf32>,
      %get3A_413 = arith.constant 416 : index
      %get3A_414 = tpu.vector_load %arg9[%get3A_413] {strides = array<i32>} : memref<512xf32, #tpu.memory_space<vmem>>, vector<16xf32>,
      %add3A_415 = arith.constant 416 : i32
      %add3A_416 = arith.addi %mul3A_179, %add3A_415 : i32
      %get3A_417 = arith.index_cast %add3A_416 : i32 to index
      %get3A_418 = tpu.vector_load %arg8[%get3A_417] {strides = array<i32>} : memref<8192xf32, #tpu.memory_space<vmem>>, vector<16xf32>,
      %add3A_419 = arith.addf %get3A_414, %get3A_418 : vector<16xf32>
      %swap3A_420 = arith.constant 416 : index
      %swap3A_421 = tpu.vector_load %arg9[%swap3A_420] {strides = array<i32>} : memref<512xf32, #tpu.memory_space<vmem>>, vector<16xf32>,
      tpu.vector_store %arg9[%swap3A_420], %add3A_419 {strides = array<i32>} : memref<512xf32, #tpu.memory_space<vmem>>, vector<16xf32>,
      %get3A_422 = arith.constant 432 : index
      %get3A_423 = tpu.vector_load %arg9[%get3A_422] {strides = array<i32>} : memref<512xf32, #tpu.memory_space<vmem>>, vector<16xf32>,
      %add3A_424 = arith.constant 432 : i32
      %add3A_425 = arith.addi %mul3A_179, %add3A_424 : i32
      %get3A_426 = arith.index_cast %add3A_425 : i32 to index
      %get3A_427 = tpu.vector_load %arg8[%get3A_426] {strides = array<i32>} : memref<8192xf32, #tpu.memory_space<vmem>>, vector<16xf32>,
      %add3A_428 = arith.addf %get3A_423, %get3A_427 : vector<16xf32>
      %swap3A_429 = arith.constant 432 : index
      %swap3A_430 = tpu.vector_load %arg9[%swap3A_429] {strides = array<i32>} : memref<512xf32, #tpu.memory_space<vmem>>, vector<16xf32>,
      tpu.vector_store %arg9[%swap3A_429], %add3A_428 {strides = array<i32>} : memref<512xf32, #tpu.memory_space<vmem>>, vector<16xf32>,
      %get3A_431 = arith.constant 448 : index
      %get3A_432 = tpu.vector_load %arg9[%get3A_431] {strides = array<i32>} : memref<512xf32, #tpu.memory_space<vmem>>, vector<16xf32>,
      %add3A_433 = arith.constant 448 : i32
      %add3A_434 = arith.addi %mul3A_179, %add3A_433 : i32
      %get3A_435 = arith.index_cast %add3A_434 : i32 to index
      %get3A_436 = tpu.vector_load %arg8[%get3A_435] {strides = array<i32>} : memref<8192xf32, #tpu.memory_space<vmem>>, vector<16xf32>,
      %add3A_437 = arith.addf %get3A_432, %get3A_436 : vector<16xf32>
      %swap3A_438 = arith.constant 448 : index
      %swap3A_439 = tpu.vector_load %arg9[%swap3A_438] {strides = array<i32>} : memref<512xf32, #tpu.memory_space<vmem>>, vector<16xf32>,
      tpu.vector_store %arg9[%swap3A_438], %add3A_437 {strides = array<i32>} : memref<512xf32, #tpu.memory_space<vmem>>, vector<16xf32>,
      %get3A_440 = arith.constant 464 : index
      %get3A_441 = tpu.vector_load %arg9[%get3A_440] {strides = array<i32>} : memref<512xf32, #tpu.memory_space<vmem>>, vector<16xf32>,
      %add3A_442 = arith.constant 464 : i32
      %add3A_443 = arith.addi %mul3A_179, %add3A_442 : i32
      %get3A_444 = arith.index_cast %add3A_443 : i32 to index
      %get3A_445 = tpu.vector_load %arg8[%get3A_444] {strides = array<i32>} : memref<8192xf32, #tpu.memory_space<vmem>>, vector<16xf32>,
      %add3A_446 = arith.addf %get3A_441, %get3A_445 : vector<16xf32>
      %swap3A_447 = arith.constant 464 : index
      %swap3A_448 = tpu.vector_load %arg9[%swap3A_447] {strides = array<i32>} : memref<512xf32, #tpu.memory_space<vmem>>, vector<16xf32>,
      tpu.vector_store %arg9[%swap3A_447], %add3A_446 {strides = array<i32>} : memref<512xf32, #tpu.memory_space<vmem>>, vector<16xf32>,
      %get3A_449 = arith.constant 480 : index
      %get3A_450 = tpu.vector_load %arg9[%get3A_449] {strides = array<i32>} : memref<512xf32, #tpu.memory_space<vmem>>, vector<16xf32>,
      %add3A_451 = arith.constant 480 : i32
      %add3A_452 = arith.addi %mul3A_179, %add3A_451 : i32
      %get3A_453 = arith.index_cast %add3A_452 : i32 to index
      %get3A_454 = tpu.vector_load %arg8[%get3A_453] {strides = array<i32>} : memref<8192xf32, #tpu.memory_space<vmem>>, vector<16xf32>,
      %add3A_455 = arith.addf %get3A_450, %get3A_454 : vector<16xf32>
      %swap3A_456 = arith.constant 480 : index
      %swap3A_457 = tpu.vector_load %arg9[%swap3A_456] {strides = array<i32>} : memref<512xf32, #tpu.memory_space<vmem>>, vector<16xf32>,
      tpu.vector_store %arg9[%swap3A_456], %add3A_455 {strides = array<i32>} : memref<512xf32, #tpu.memory_space<vmem>>, vector<16xf32>,
      %get3A_458 = arith.constant 496 : index
      %get3A_459 = tpu.vector_load %arg9[%get3A_458] {strides = array<i32>} : memref<512xf32, #tpu.memory_space<vmem>>, vector<16xf32>,
      %add3A_460 = arith.constant 496 : i32
      %add3A_461 = arith.addi %mul3A_179, %add3A_460 : i32
      %get3A_462 = arith.index_cast %add3A_461 : i32 to index
      %get3A_463 = tpu.vector_load %arg8[%get3A_462] {strides = array<i32>} : memref<8192xf32, #tpu.memory_space<vmem>>, vector<16xf32>,
      %add3A_464 = arith.addf %get3A_459, %get3A_463 : vector<16xf32>
      %swap3A_465 = arith.constant 496 : index
      %swap3A_466 = tpu.vector_load %arg9[%swap3A_465] {strides = array<i32>} : memref<512xf32, #tpu.memory_space<vmem>>, vector<16xf32>,
      tpu.vector_store %arg9[%swap3A_465], %add3A_464 {strides = array<i32>} : memref<512xf32, #tpu.memory_space<vmem>>, vector<16xf32>,
      %while3A_467 = arith.constant 0 : i32
      scf.yield %while3A_467 : i32
    }
    %while3A_160 = arith.constant 1 : i32
    %while3A_161 = scf.for %while3A_176 = %while3A_157 to %while3A_153 step %while3A_160 iter_args(%while3A_177 = %while3A_159) -> (i32)  : i32 {
      %mul3A_178 = arith.constant 512 : i32
      %mul3A_179 = arith.muli %while3A_176, %mul3A_178 : i32
      %get3A = arith.constant 0 : index
      %get3A_180 = tpu.vector_load %arg9[%get3A] {strides = array<i32>} : memref<512xf32, #tpu.memory_space<vmem>>, vector<16xf32>,
      %add3A_181 = arith.constant 0 : i32
      %add3A_182 = arith.addi %mul3A_179, %add3A_181 : i32
      %get3A_183 = arith.index_cast %add3A_182 : i32 to index
      %get3A_184 = tpu.vector_load %arg8[%get3A_183] {strides = array<i32>} : memref<8192xf32, #tpu.memory_space<vmem>>, vector<16xf32>,
      %add3A_185 = arith.addf %get3A_180, %get3A_184 : vector<16xf32>
      %swap3A_186 = arith.constant 0 : index
      %swap3A_187 = tpu.vector_load %arg9[%swap3A_186] {strides = array<i32>} : memref<512xf32, #tpu.memory_space<vmem>>, vector<16xf32>,
      tpu.vector_store %arg9[%swap3A_186], %add3A_185 {strides = array<i32>} : memref<512xf32, #tpu.memory_space<vmem>>, vector<16xf32>,
      %get3A_188 = arith.constant 16 : index
      %get3A_189 = tpu.vector_load %arg9[%get3A_188] {strides = array<i32>} : memref<512xf32, #tpu.memory_space<vmem>>, vector<16xf32>,
      %add3A_190 = arith.constant 16 : i32
      %add3A_191 = arith.addi %mul3A_179, %add3A_190 : i32
      %get3A_192 = arith.index_cast %add3A_191 : i32 to index
      %get3A_193 = tpu.vector_load %arg8[%get3A_192] {strides = array<i32>} : memref<8192xf32, #tpu.memory_space<vmem>>, vector<16xf32>,
      %add3A_194 = arith.addf %get3A_189, %get3A_193 : vector<16xf32>
      %swap3A_195 = arith.constant 16 : index
      %swap3A_196 = tpu.vector_load %arg9[%swap3A_195] {strides = array<i32>} : memref<512xf32, #tpu.memory_space<vmem>>, vector<16xf32>,
      tpu.vector_store %arg9[%swap3A_195], %add3A_194 {strides = array<i32>} : memref<512xf32, #tpu.memory_space<vmem>>, vector<16xf32>,
      %get3A_197 = arith.constant 32 : index
      %get3A_198 = tpu.vector_load %arg9[%get3A_197] {strides = array<i32>} : memref<512xf32, #tpu.memory_space<vmem>>, vector<16xf32>,
      %add3A_199 = arith.constant 32 : i32
      %add3A_200 = arith.addi %mul3A_179, %add3A_199 : i32
      %get3A_201 = arith.index_cast %add3A_200 : i32 to index
      %get3A_202 = tpu.vector_load %arg8[%get3A_201] {strides = array<i32>} : memref<8192xf32, #tpu.memory_space<vmem>>, vector<16xf32>,
      %add3A_203 = arith.addf %get3A_198, %get3A_202 : vector<16xf32>
      %swap3A_204 = arith.constant 32 : index
      %swap3A_205 = tpu.vector_load %arg9[%swap3A_204] {strides = array<i32>} : memref<512xf32, #tpu.memory_space<vmem>>, vector<16xf32>,
      tpu.vector_store %arg9[%swap3A_204], %add3A_203 {strides = array<i32>} : memref<512xf32, #tpu.memory_space<vmem>>, vector<16xf32>,
      %get3A_206 = arith.constant 48 : index
      %get3A_207 = tpu.vector_load %arg9[%get3A_206] {strides = array<i32>} : memref<512xf32, #tpu.memory_space<vmem>>, vector<16xf32>,
      %add3A_208 = arith.constant 48 : i32
      %add3A_209 = arith.addi %mul3A_179, %add3A_208 : i32
      %get3A_210 = arith.index_cast %add3A_209 : i32 to index
      %get3A_211 = tpu.vector_load %arg8[%get3A_210] {strides = array<i32>} : memref<8192xf32, #tpu.memory_space<vmem>>, vector<16xf32>,
      %add3A_212 = arith.addf %get3A_207, %get3A_211 : vector<16xf32>
      %swap3A_213 = arith.constant 48 : index
      %swap3A_214 = tpu.vector_load %arg9[%swap3A_213] {strides = array<i32>} : memref<512xf32, #tpu.memory_space<vmem>>, vector<16xf32>,
      tpu.vector_store %arg9[%swap3A_213], %add3A_212 {strides = array<i32>} : memref<512xf32, #tpu.memory_space<vmem>>, vector<16xf32>,
      %get3A_215 = arith.constant 64 : index
      %get3A_216 = tpu.vector_load %arg9[%get3A_215] {strides = array<i32>} : memref<512xf32, #tpu.memory_space<vmem>>, vector<16xf32>,
      %add3A_217 = arith.constant 64 : i32
      %add3A_218 = arith.addi %mul3A_179, %add3A_217 : i32
      %get3A_219 = arith.index_cast %add3A_218 : i32 to index
      %get3A_220 = tpu.vector_load %arg8[%get3A_219] {strides = array<i32>} : memref<8192xf32, #tpu.memory_space<vmem>>, vector<16xf32>,
      %add3A_221 = arith.addf %get3A_216, %get3A_220 : vector<16xf32>
      %swap3A_222 = arith.constant 64 : index
      %swap3A_223 = tpu.vector_load %arg9[%swap3A_222] {strides = array<i32>} : memref<512xf32, #tpu.memory_space<vmem>>, vector<16xf32>,
      tpu.vector_store %arg9[%swap3A_222], %add3A_221 {strides = array<i32>} : memref<512xf32, #tpu.memory_space<vmem>>, vector<16xf32>,
      %get3A_224 = arith.constant 80 : index
      %get3A_225 = tpu.vector_load %arg9[%get3A_224] {strides = array<i32>} : memref<512xf32, #tpu.memory_space<vmem>>, vector<16xf32>,
      %add3A_226 = arith.constant 80 : i32
      %add3A_227 = arith.addi %mul3A_179, %add3A_226 : i32
      %get3A_228 = arith.index_cast %add3A_227 : i32 to index
      %get3A_229 = tpu.vector_load %arg8[%get3A_228] {strides = array<i32>} : memref<8192xf32, #tpu.memory_space<vmem>>, vector<16xf32>,
      %add3A_230 = arith.addf %get3A_225, %get3A_229 : vector<16xf32>
      %swap3A_231 = arith.constant 80 : index
      %swap3A_232 = tpu.vector_load %arg9[%swap3A_231] {strides = array<i32>} : memref<512xf32, #tpu.memory_space<vmem>>, vector<16xf32>,
      tpu.vector_store %arg9[%swap3A_231], %add3A_230 {strides = array<i32>} : memref<512xf32, #tpu.memory_space<vmem>>, vector<16xf32>,
      %get3A_233 = arith.constant 96 : index
      %get3A_234 = tpu.vector_load %arg9[%get3A_233] {strides = array<i32>} : memref<512xf32, #tpu.memory_space<vmem>>, vector<16xf32>,
      %add3A_235 = arith.constant 96 : i32
      %add3A_236 = arith.addi %mul3A_179, %add3A_235 : i32
      %get3A_237 = arith.index_cast %add3A_236 : i32 to index
      %get3A_238 = tpu.vector_load %arg8[%get3A_237] {strides = array<i32>} : memref<8192xf32, #tpu.memory_space<vmem>>, vector<16xf32>,
      %add3A_239 = arith.addf %get3A_234, %get3A_238 : vector<16xf32>
      %swap3A_240 = arith.constant 96 : index
      %swap3A_241 = tpu.vector_load %arg9[%swap3A_240] {strides = array<i32>} : memref<512xf32, #tpu.memory_space<vmem>>, vector<16xf32>,
      tpu.vector_store %arg9[%swap3A_240], %add3A_239 {strides = array<i32>} : memref<512xf32, #tpu.memory_space<vmem>>, vector<16xf32>,
      %get3A_242 = arith.constant 112 : index
      %get3A_243 = tpu.vector_load %arg9[%get3A_242] {strides = array<i32>} : memref<512xf32, #tpu.memory_space<vmem>>, vector<16xf32>,
      %add3A_244 = arith.constant 112 : i32
      %add3A_245 = arith.addi %mul3A_179, %add3A_244 : i32
      %get3A_246 = arith.index_cast %add3A_245 : i32 to index
      %get3A_247 = tpu.vector_load %arg8[%get3A_246] {strides = array<i32>} : memref<8192xf32, #tpu.memory_space<vmem>>, vector<16xf32>,
      %add3A_248 = arith.addf %get3A_243, %get3A_247 : vector<16xf32>
      %swap3A_249 = arith.constant 112 : index
      %swap3A_250 = tpu.vector_load %arg9[%swap3A_249] {strides = array<i32>} : memref<512xf32, #tpu.memory_space<vmem>>, vector<16xf32>,
      tpu.vector_store %arg9[%swap3A_249], %add3A_248 {strides = array<i32>} : memref<512xf32, #tpu.memory_space<vmem>>, vector<16xf32>,
      %get3A_251 = arith.constant 128 : index
      %get3A_252 = tpu.vector_load %arg9[%get3A_251] {strides = array<i32>} : memref<512xf32, #tpu.memory_space<vmem>>, vector<16xf32>,
      %add3A_253 = arith.constant 128 : i32
      %add3A_254 = arith.addi %mul3A_179, %add3A_253 : i32
      %get3A_255 = arith.index_cast %add3A_254 : i32 to index
      %get3A_256 = tpu.vector_load %arg8[%get3A_255] {strides = array<i32>} : memref<8192xf32, #tpu.memory_space<vmem>>, vector<16xf32>,
      %add3A_257 = arith.addf %get3A_252, %get3A_256 : vector<16xf32>
      %swap3A_258 = arith.constant 128 : index
      %swap3A_259 = tpu.vector_load %arg9[%swap3A_258] {strides = array<i32>} : memref<512xf32, #tpu.memory_space<vmem>>, vector<16xf32>,
      tpu.vector_store %arg9[%swap3A_258], %add3A_257 {strides = array<i32>} : memref<512xf32, #tpu.memory_space<vmem>>, vector<16xf32>,
      %get3A_260 = arith.constant 144 : index
      %get3A_261 = tpu.vector_load %arg9[%get3A_260] {strides = array<i32>} : memref<512xf32, #tpu.memory_space<vmem>>, vector<16xf32>,
      %add3A_262 = arith.constant 144 : i32
      %add3A_263 = arith.addi %mul3A_179, %add3A_262 : i32
      %get3A_264 = arith.index_cast %add3A_263 : i32 to index
      %get3A_265 = tpu.vector_load %arg8[%get3A_264] {strides = array<i32>} : memref<8192xf32, #tpu.memory_space<vmem>>, vector<16xf32>,
      %add3A_266 = arith.addf %get3A_261, %get3A_265 : vector<16xf32>
      %swap3A_267 = arith.constant 144 : index
      %swap3A_268 = tpu.vector_load %arg9[%swap3A_267] {strides = array<i32>} : memref<512xf32, #tpu.memory_space<vmem>>, vector<16xf32>,
      tpu.vector_store %arg9[%swap3A_267], %add3A_266 {strides = array<i32>} : memref<512xf32, #tpu.memory_space<vmem>>, vector<16xf32>,
      %get3A_269 = arith.constant 160 : index
      %get3A_270 = tpu.vector_load %arg9[%get3A_269] {strides = array<i32>} : memref<512xf32, #tpu.memory_space<vmem>>, vector<16xf32>,
      %add3A_271 = arith.constant 160 : i32
      %add3A_272 = arith.addi %mul3A_179, %add3A_271 : i32
      %get3A_273 = arith.index_cast %add3A_272 : i32 to index
      %get3A_274 = tpu.vector_load %arg8[%get3A_273] {strides = array<i32>} : memref<8192xf32, #tpu.memory_space<vmem>>, vector<16xf32>,
      %add3A_275 = arith.addf %get3A_270, %get3A_274 : vector<16xf32>
      %swap3A_276 = arith.constant 160 : index
      %swap3A_277 = tpu.vector_load %arg9[%swap3A_276] {strides = array<i32>} : memref<512xf32, #tpu.memory_space<vmem>>, vector<16xf32>,
      tpu.vector_store %arg9[%swap3A_276], %add3A_275 {strides = array<i32>} : memref<512xf32, #tpu.memory_space<vmem>>, vector<16xf32>,
      %get3A_278 = arith.constant 176 : index
      %get3A_279 = tpu.vector_load %arg9[%get3A_278] {strides = array<i32>} : memref<512xf32, #tpu.memory_space<vmem>>, vector<16xf32>,
      %add3A_280 = arith.constant 176 : i32
      %add3A_281 = arith.addi %mul3A_179, %add3A_280 : i32
      %get3A_282 = arith.index_cast %add3A_281 : i32 to index
      %get3A_283 = tpu.vector_load %arg8[%get3A_282] {strides = array<i32>} : memref<8192xf32, #tpu.memory_space<vmem>>, vector<16xf32>,
      %add3A_284 = arith.addf %get3A_279, %get3A_283 : vector<16xf32>
      %swap3A_285 = arith.constant 176 : index
      %swap3A_286 = tpu.vector_load %arg9[%swap3A_285] {strides = array<i32>} : memref<512xf32, #tpu.memory_space<vmem>>, vector<16xf32>,
      tpu.vector_store %arg9[%swap3A_285], %add3A_284 {strides = array<i32>} : memref<512xf32, #tpu.memory_space<vmem>>, vector<16xf32>,
      %get3A_287 = arith.constant 192 : index
      %get3A_288 = tpu.vector_load %arg9[%get3A_287] {strides = array<i32>} : memref<512xf32, #tpu.memory_space<vmem>>, vector<16xf32>,
      %add3A_289 = arith.constant 192 : i32
      %add3A_290 = arith.addi %mul3A_179, %add3A_289 : i32
      %get3A_291 = arith.index_cast %add3A_290 : i32 to index
      %get3A_292 = tpu.vector_load %arg8[%get3A_291] {strides = array<i32>} : memref<8192xf32, #tpu.memory_space<vmem>>, vector<16xf32>,
      %add3A_293 = arith.addf %get3A_288, %get3A_292 : vector<16xf32>
      %swap3A_294 = arith.constant 192 : index
      %swap3A_295 = tpu.vector_load %arg9[%swap3A_294] {strides = array<i32>} : memref<512xf32, #tpu.memory_space<vmem>>, vector<16xf32>,
      tpu.vector_store %arg9[%swap3A_294], %add3A_293 {strides = array<i32>} : memref<512xf32, #tpu.memory_space<vmem>>, vector<16xf32>,
      %get3A_296 = arith.constant 208 : index
      %get3A_297 = tpu.vector_load %arg9[%get3A_296] {strides = array<i32>} : memref<512xf32, #tpu.memory_space<vmem>>, vector<16xf32>,
      %add3A_298 = arith.constant 208 : i32
      %add3A_299 = arith.addi %mul3A_179, %add3A_298 : i32
      %get3A_300 = arith.index_cast %add3A_299 : i32 to index
      %get3A_301 = tpu.vector_load %arg8[%get3A_300] {strides = array<i32>} : memref<8192xf32, #tpu.memory_space<vmem>>, vector<16xf32>,
      %add3A_302 = arith.addf %get3A_297, %get3A_301 : vector<16xf32>
      %swap3A_303 = arith.constant 208 : index
      %swap3A_304 = tpu.vector_load %arg9[%swap3A_303] {strides = array<i32>} : memref<512xf32, #tpu.memory_space<vmem>>, vector<16xf32>,
      tpu.vector_store %arg9[%swap3A_303], %add3A_302 {strides = array<i32>} : memref<512xf32, #tpu.memory_space<vmem>>, vector<16xf32>,
      %get3A_305 = arith.constant 224 : index
      %get3A_306 = tpu.vector_load %arg9[%get3A_305] {strides = array<i32>} : memref<512xf32, #tpu.memory_space<vmem>>, vector<16xf32>,
      %add3A_307 = arith.constant 224 : i32
      %add3A_308 = arith.addi %mul3A_179, %add3A_307 : i32
      %get3A_309 = arith.index_cast %add3A_308 : i32 to index
      %get3A_310 = tpu.vector_load %arg8[%get3A_309] {strides = array<i32>} : memref<8192xf32, #tpu.memory_space<vmem>>, vector<16xf32>,
      %add3A_311 = arith.addf %get3A_306, %get3A_310 : vector<16xf32>
      %swap3A_312 = arith.constant 224 : index
      %swap3A_313 = tpu.vector_load %arg9[%swap3A_312] {strides = array<i32>} : memref<512xf32, #tpu.memory_space<vmem>>, vector<16xf32>,
      tpu.vector_store %arg9[%swap3A_312], %add3A_311 {strides = array<i32>} : memref<512xf32, #tpu.memory_space<vmem>>, vector<16xf32>,
      %get3A_314 = arith.constant 240 : index
      %get3A_315 = tpu.vector_load %arg9[%get3A_314] {strides = array<i32>} : memref<512xf32, #tpu.memory_space<vmem>>, vector<16xf32>,
      %add3A_316 = arith.constant 240 : i32
      %add3A_317 = arith.addi %mul3A_179, %add3A_316 : i32
      %get3A_318 = arith.index_cast %add3A_317 : i32 to index
      %get3A_319 = tpu.vector_load %arg8[%get3A_318] {strides = array<i32>} : memref<8192xf32, #tpu.memory_space<vmem>>, vector<16xf32>,
      %add3A_320 = arith.addf %get3A_315, %get3A_319 : vector<16xf32>
      %swap3A_321 = arith.constant 240 : index
      %swap3A_322 = tpu.vector_load %arg9[%swap3A_321] {strides = array<i32>} : memref<512xf32, #tpu.memory_space<vmem>>, vector<16xf32>,
      tpu.vector_store %arg9[%swap3A_321], %add3A_320 {strides = array<i32>} : memref<512xf32, #tpu.memory_space<vmem>>, vector<16xf32>,
      %get3A_323 = arith.constant 256 : index
      %get3A_324 = tpu.vector_load %arg9[%get3A_323] {strides = array<i32>} : memref<512xf32, #tpu.memory_space<vmem>>, vector<16xf32>,
      %add3A_325 = arith.constant 256 : i32
      %add3A_326 = arith.addi %mul3A_179, %add3A_325 : i32
      %get3A_327 = arith.index_cast %add3A_326 : i32 to index
      %get3A_328 = tpu.vector_load %arg8[%get3A_327] {strides = array<i32>} : memref<8192xf32, #tpu.memory_space<vmem>>, vector<16xf32>,
      %add3A_329 = arith.addf %get3A_324, %get3A_328 : vector<16xf32>
      %swap3A_330 = arith.constant 256 : index
      %swap3A_331 = tpu.vector_load %arg9[%swap3A_330] {strides = array<i32>} : memref<512xf32, #tpu.memory_space<vmem>>, vector<16xf32>,
      tpu.vector_store %arg9[%swap3A_330], %add3A_329 {strides = array<i32>} : memref<512xf32, #tpu.memory_space<vmem>>, vector<16xf32>,
      %get3A_332 = arith.constant 272 : index
      %get3A_333 = tpu.vector_load %arg9[%get3A_332] {strides = array<i32>} : memref<512xf32, #tpu.memory_space<vmem>>, vector<16xf32>,
      %add3A_334 = arith.constant 272 : i32
      %add3A_335 = arith.addi %mul3A_179, %add3A_334 : i32
      %get3A_336 = arith.index_cast %add3A_335 : i32 to index
      %get3A_337 = tpu.vector_load %arg8[%get3A_336] {strides = array<i32>} : memref<8192xf32, #tpu.memory_space<vmem>>, vector<16xf32>,
      %add3A_338 = arith.addf %get3A_333, %get3A_337 : vector<16xf32>
      %swap3A_339 = arith.constant 272 : index
      %swap3A_340 = tpu.vector_load %arg9[%swap3A_339] {strides = array<i32>} : memref<512xf32, #tpu.memory_space<vmem>>, vector<16xf32>,
      tpu.vector_store %arg9[%swap3A_339], %add3A_338 {strides = array<i32>} : memref<512xf32, #tpu.memory_space<vmem>>, vector<16xf32>,
      %get3A_341 = arith.constant 288 : index
      %get3A_342 = tpu.vector_load %arg9[%get3A_341] {strides = array<i32>} : memref<512xf32, #tpu.memory_space<vmem>>, vector<16xf32>,
      %add3A_343 = arith.constant 288 : i32
      %add3A_344 = arith.addi %mul3A_179, %add3A_343 : i32
      %get3A_345 = arith.index_cast %add3A_344 : i32 to index
      %get3A_346 = tpu.vector_load %arg8[%get3A_345] {strides = array<i32>} : memref<8192xf32, #tpu.memory_space<vmem>>, vector<16xf32>,
      %add3A_347 = arith.addf %get3A_342, %get3A_346 : vector<16xf32>
      %swap3A_348 = arith.constant 288 : index
      %swap3A_349 = tpu.vector_load %arg9[%swap3A_348] {strides = array<i32>} : memref<512xf32, #tpu.memory_space<vmem>>, vector<16xf32>,
      tpu.vector_store %arg9[%swap3A_348], %add3A_347 {strides = array<i32>} : memref<512xf32, #tpu.memory_space<vmem>>, vector<16xf32>,
      %get3A_350 = arith.constant 304 : index
      %get3A_351 = tpu.vector_load %arg9[%get3A_350] {strides = array<i32>} : memref<512xf32, #tpu.memory_space<vmem>>, vector<16xf32>,
      %add3A_352 = arith.constant 304 : i32
      %add3A_353 = arith.addi %mul3A_179, %add3A_352 : i32
      %get3A_354 = arith.index_cast %add3A_353 : i32 to index
      %get3A_355 = tpu.vector_load %arg8[%get3A_354] {strides = array<i32>} : memref<8192xf32, #tpu.memory_space<vmem>>, vector<16xf32>,
      %add3A_356 = arith.addf %get3A_351, %get3A_355 : vector<16xf32>
      %swap3A_357 = arith.constant 304 : index
      %swap3A_358 = tpu.vector_load %arg9[%swap3A_357] {strides = array<i32>} : memref<512xf32, #tpu.memory_space<vmem>>, vector<16xf32>,
      tpu.vector_store %arg9[%swap3A_357], %add3A_356 {strides = array<i32>} : memref<512xf32, #tpu.memory_space<vmem>>, vector<16xf32>,
      %get3A_359 = arith.constant 320 : index
      %get3A_360 = tpu.vector_load %arg9[%get3A_359] {strides = array<i32>} : memref<512xf32, #tpu.memory_space<vmem>>, vector<16xf32>,
      %add3A_361 = arith.constant 320 : i32
      %add3A_362 = arith.addi %mul3A_179, %add3A_361 : i32
      %get3A_363 = arith.index_cast %add3A_362 : i32 to index
      %get3A_364 = tpu.vector_load %arg8[%get3A_363] {strides = array<i32>} : memref<8192xf32, #tpu.memory_space<vmem>>, vector<16xf32>,
      %add3A_365 = arith.addf %get3A_360, %get3A_364 : vector<16xf32>
      %swap3A_366 = arith.constant 320 : index
      %swap3A_367 = tpu.vector_load %arg9[%swap3A_366] {strides = array<i32>} : memref<512xf32, #tpu.memory_space<vmem>>, vector<16xf32>,
      tpu.vector_store %arg9[%swap3A_366], %add3A_365 {strides = array<i32>} : memref<512xf32, #tpu.memory_space<vmem>>, vector<16xf32>,
      %get3A_368 = arith.constant 336 : index
      %get3A_369 = tpu.vector_load %arg9[%get3A_368] {strides = array<i32>} : memref<512xf32, #tpu.memory_space<vmem>>, vector<16xf32>,
      %add3A_370 = arith.constant 336 : i32
      %add3A_371 = arith.addi %mul3A_179, %add3A_370 : i32
      %get3A_372 = arith.index_cast %add3A_371 : i32 to index
      %get3A_373 = tpu.vector_load %arg8[%get3A_372] {strides = array<i32>} : memref<8192xf32, #tpu.memory_space<vmem>>, vector<16xf32>,
      %add3A_374 = arith.addf %get3A_369, %get3A_373 : vector<16xf32>
      %swap3A_375 = arith.constant 336 : index
      %swap3A_376 = tpu.vector_load %arg9[%swap3A_375] {strides = array<i32>} : memref<512xf32, #tpu.memory_space<vmem>>, vector<16xf32>,
      tpu.vector_store %arg9[%swap3A_375], %add3A_374 {strides = array<i32>} : memref<512xf32, #tpu.memory_space<vmem>>, vector<16xf32>,
      %get3A_377 = arith.constant 352 : index
      %get3A_378 = tpu.vector_load %arg9[%get3A_377] {strides = array<i32>} : memref<512xf32, #tpu.memory_space<vmem>>, vector<16xf32>,
      %add3A_379 = arith.constant 352 : i32
      %add3A_380 = arith.addi %mul3A_179, %add3A_379 : i32
      %get3A_381 = arith.index_cast %add3A_380 : i32 to index
      %get3A_382 = tpu.vector_load %arg8[%get3A_381] {strides = array<i32>} : memref<8192xf32, #tpu.memory_space<vmem>>, vector<16xf32>,
      %add3A_383 = arith.addf %get3A_378, %get3A_382 : vector<16xf32>
      %swap3A_384 = arith.constant 352 : index
      %swap3A_385 = tpu.vector_load %arg9[%swap3A_384] {strides = array<i32>} : memref<512xf32, #tpu.memory_space<vmem>>, vector<16xf32>,
      tpu.vector_store %arg9[%swap3A_384], %add3A_383 {strides = array<i32>} : memref<512xf32, #tpu.memory_space<vmem>>, vector<16xf32>,
      %get3A_386 = arith.constant 368 : index
      %get3A_387 = tpu.vector_load %arg9[%get3A_386] {strides = array<i32>} : memref<512xf32, #tpu.memory_space<vmem>>, vector<16xf32>,
      %add3A_388 = arith.constant 368 : i32
      %add3A_389 = arith.addi %mul3A_179, %add3A_388 : i32
      %get3A_390 = arith.index_cast %add3A_389 : i32 to index
      %get3A_391 = tpu.vector_load %arg8[%get3A_390] {strides = array<i32>} : memref<8192xf32, #tpu.memory_space<vmem>>, vector<16xf32>,
      %add3A_392 = arith.addf %get3A_387, %get3A_391 : vector<16xf32>
      %swap3A_393 = arith.constant 368 : index
      %swap3A_394 = tpu.vector_load %arg9[%swap3A_393] {strides = array<i32>} : memref<512xf32, #tpu.memory_space<vmem>>, vector<16xf32>,
      tpu.vector_store %arg9[%swap3A_393], %add3A_392 {strides = array<i32>} : memref<512xf32, #tpu.memory_space<vmem>>, vector<16xf32>,
      %get3A_395 = arith.constant 384 : index
      %get3A_396 = tpu.vector_load %arg9[%get3A_395] {strides = array<i32>} : memref<512xf32, #tpu.memory_space<vmem>>, vector<16xf32>,
      %add3A_397 = arith.constant 384 : i32
      %add3A_398 = arith.addi %mul3A_179, %add3A_397 : i32
      %get3A_399 = arith.index_cast %add3A_398 : i32 to index
      %get3A_400 = tpu.vector_load %arg8[%get3A_399] {strides = array<i32>} : memref<8192xf32, #tpu.memory_space<vmem>>, vector<16xf32>,
      %add3A_401 = arith.addf %get3A_396, %get3A_400 : vector<16xf32>
      %swap3A_402 = arith.constant 384 : index
      %swap3A_403 = tpu.vector_load %arg9[%swap3A_402] {strides = array<i32>} : memref<512xf32, #tpu.memory_space<vmem>>, vector<16xf32>,
      tpu.vector_store %arg9[%swap3A_402], %add3A_401 {strides = array<i32>} : memref<512xf32, #tpu.memory_space<vmem>>, vector<16xf32>,
      %get3A_404 = arith.constant 400 : index
      %get3A_405 = tpu.vector_load %arg9[%get3A_404] {strides = array<i32>} : memref<512xf32, #tpu.memory_space<vmem>>, vector<16xf32>,
      %add3A_406 = arith.constant 400 : i32
      %add3A_407 = arith.addi %mul3A_179, %add3A_406 : i32
      %get3A_408 = arith.index_cast %add3A_407 : i32 to index
      %get3A_409 = tpu.vector_load %arg8[%get3A_408] {strides = array<i32>} : memref<8192xf32, #tpu.memory_space<vmem>>, vector<16xf32>,
      %add3A_410 = arith.addf %get3A_405, %get3A_409 : vector<16xf32>
      %swap3A_411 = arith.constant 400 : index
      %swap3A_412 = tpu.vector_load %arg9[%swap3A_411] {strides = array<i32>} : memref<512xf32, #tpu.memory_space<vmem>>, vector<16xf32>,
      tpu.vector_store %arg9[%swap3A_411], %add3A_410 {strides = array<i32>} : memref<512xf32, #tpu.memory_space<vmem>>, vector<16xf32>,
      %get3A_413 = arith.constant 416 : index
      %get3A_414 = tpu.vector_load %arg9[%get3A_413] {strides = array<i32>} : memref<512xf32, #tpu.memory_space<vmem>>, vector<16xf32>,
      %add3A_415 = arith.constant 416 : i32
      %add3A_416 = arith.addi %mul3A_179, %add3A_415 : i32
      %get3A_417 = arith.index_cast %add3A_416 : i32 to index
      %get3A_418 = tpu.vector_load %arg8[%get3A_417] {strides = array<i32>} : memref<8192xf32, #tpu.memory_space<vmem>>, vector<16xf32>,
      %add3A_419 = arith.addf %get3A_414, %get3A_418 : vector<16xf32>
      %swap3A_420 = arith.constant 416 : index
      %swap3A_421 = tpu.vector_load %arg9[%swap3A_420] {strides = array<i32>} : memref<512xf32, #tpu.memory_space<vmem>>, vector<16xf32>,
      tpu.vector_store %arg9[%swap3A_420], %add3A_419 {strides = array<i32>} : memref<512xf32, #tpu.memory_space<vmem>>, vector<16xf32>,
      %get3A_422 = arith.constant 432 : index
      %get3A_423 = tpu.vector_load %arg9[%get3A_422] {strides = array<i32>} : memref<512xf32, #tpu.memory_space<vmem>>, vector<16xf32>,
      %add3A_424 = arith.constant 432 : i32
      %add3A_425 = arith.addi %mul3A_179, %add3A_424 : i32
      %get3A_426 = arith.index_cast %add3A_425 : i32 to index
      %get3A_427 = tpu.vector_load %arg8[%get3A_426] {strides = array<i32>} : memref<8192xf32, #tpu.memory_space<vmem>>, vector<16xf32>,
      %add3A_428 = arith.addf %get3A_423, %get3A_427 : vector<16xf32>
      %swap3A_429 = arith.constant 432 : index
      %swap3A_430 = tpu.vector_load %arg9[%swap3A_429] {strides = array<i32>} : memref<512xf32, #tpu.memory_space<vmem>>, vector<16xf32>,
      tpu.vector_store %arg9[%swap3A_429], %add3A_428 {strides = array<i32>} : memref<512xf32, #tpu.memory_space<vmem>>, vector<16xf32>,
      %get3A_431 = arith.constant 448 : index
      %get3A_432 = tpu.vector_load %arg9[%get3A_431] {strides = array<i32>} : memref<512xf32, #tpu.memory_space<vmem>>, vector<16xf32>,
      %add3A_433 = arith.constant 448 : i32
      %add3A_434 = arith.addi %mul3A_179, %add3A_433 : i32
      %get3A_435 = arith.index_cast %add3A_434 : i32 to index
      %get3A_436 = tpu.vector_load %arg8[%get3A_435] {strides = array<i32>} : memref<8192xf32, #tpu.memory_space<vmem>>, vector<16xf32>,
      %add3A_437 = arith.addf %get3A_432, %get3A_436 : vector<16xf32>
      %swap3A_438 = arith.constant 448 : index
      %swap3A_439 = tpu.vector_load %arg9[%swap3A_438] {strides = array<i32>} : memref<512xf32, #tpu.memory_space<vmem>>, vector<16xf32>,
      tpu.vector_store %arg9[%swap3A_438], %add3A_437 {strides = array<i32>} : memref<512xf32, #tpu.memory_space<vmem>>, vector<16xf32>,
      %get3A_440 = arith.constant 464 : index
      %get3A_441 = tpu.vector_load %arg9[%get3A_440] {strides = array<i32>} : memref<512xf32, #tpu.memory_space<vmem>>, vector<16xf32>,
      %add3A_442 = arith.constant 464 : i32
      %add3A_443 = arith.addi %mul3A_179, %add3A_442 : i32
      %get3A_444 = arith.index_cast %add3A_443 : i32 to index
      %get3A_445 = tpu.vector_load %arg8[%get3A_444] {strides = array<i32>} : memref<8192xf32, #tpu.memory_space<vmem>>, vector<16xf32>,
      %add3A_446 = arith.addf %get3A_441, %get3A_445 : vector<16xf32>
      %swap3A_447 = arith.constant 464 : index
      %swap3A_448 = tpu.vector_load %arg9[%swap3A_447] {strides = array<i32>} : memref<512xf32, #tpu.memory_space<vmem>>, vector<16xf32>,
      tpu.vector_store %arg9[%swap3A_447], %add3A_446 {strides = array<i32>} : memref<512xf32, #tpu.memory_space<vmem>>, vector<16xf32>,
      %get3A_449 = arith.constant 480 : index
      %get3A_450 = tpu.vector_load %arg9[%get3A_449] {strides = array<i32>} : memref<512xf32, #tpu.memory_space<vmem>>, vector<16xf32>,
      %add3A_451 = arith.constant 480 : i32
      %add3A_452 = arith.addi %mul3A_179, %add3A_451 : i32
      %get3A_453 = arith.index_cast %add3A_452 : i32 to index
      %get3A_454 = tpu.vector_load %arg8[%get3A_453] {strides = array<i32>} : memref<8192xf32, #tpu.memory_space<vmem>>, vector<16xf32>,
      %add3A_455 = arith.addf %get3A_450, %get3A_454 : vector<16xf32>
      %swap3A_456 = arith.constant 480 : index
      %swap3A_457 = tpu.vector_load %arg9[%swap3A_456] {strides = array<i32>} : memref<512xf32, #tpu.memory_space<vmem>>, vector<16xf32>,
      tpu.vector_store %arg9[%swap3A_456], %add3A_455 {strides = array<i32>} : memref<512xf32, #tpu.memory_space<vmem>>, vector<16xf32>,
      %get3A_458 = arith.constant 496 : index
      %get3A_459 = tpu.vector_load %arg9[%get3A_458] {strides = array<i32>} : memref<512xf32, #tpu.memory_space<vmem>>, vector<16xf32>,
      %add3A_460 = arith.constant 496 : i32
      %add3A_461 = arith.addi %mul3A_179, %add3A_460 : i32
      %get3A_462 = arith.index_cast %add3A_461 : i32 to index
      %get3A_463 = tpu.vector_load %arg8[%get3A_462] {strides = array<i32>} : memref<8192xf32, #tpu.memory_space<vmem>>, vector<16xf32>,
      %add3A_464 = arith.addf %get3A_459, %get3A_463 : vector<16xf32>
      %swap3A_465 = arith.constant 496 : index
      %swap3A_466 = tpu.vector_load %arg9[%swap3A_465] {strides = array<i32>} : memref<512xf32, #tpu.memory_space<vmem>>, vector<16xf32>,
      tpu.vector_store %arg9[%swap3A_465], %add3A_464 {strides = array<i32>} : memref<512xf32, #tpu.memory_space<vmem>>, vector<16xf32>,
      %while3A_467 = arith.constant 0 : i32
      scf.yield %while3A_467 : i32
    }
    %scan3A_162 = arith.constant 0 : i32
    %scan3A_163 = arith.constant 0 : i32
    %scan3A_164 = arith.constant 32 : i32
    %scan3A_165 = arith.addi %scan3A_163, %scan3A_164 : i32
    %scan3A_166 = arith.constant 1 : i32
    %scan3A_167 = scf.for %scan3A_176 = %scan3A_163 to %scan3A_165 step %scan3A_166 iter_args(%scan3A_177 = %scan3A_162) -> (i32)  : i32 {
      %mul3A_178 = arith.constant 2 : i32
      %mul3A_179 = arith.muli %mul3A_178, %scan3A_176 : i32
      %mul3A_180 = arith.constant 32 : i32
      %mul3A_181 = arith.muli %mul3A_179, %mul3A_180 : i32
      %add3A_182 = arith.addi %mul3A_0, %mul3A_181 : i32
      %dma_wait3A_183 = tpu.memref_slice %arg2[%add3A_182, %mul3A_2] : memref<32768x1024xf32, #tpu.memory_space<hbm>> -> memref<32x512xf32, #tpu.memory_space<hbm>>
      %dma_wait3A_184 = tpu.memref_slice %arg2[%add3A_182, %mul3A_2] : memref<32768x1024xf32, #tpu.memory_space<hbm>> -> memref<32x512xf32, #tpu.memory_space<hbm>>
      tpu.wait_dma2 semaphore(%arg11 : memref<!tpu.dma_semaphore, #tpu.memory_space<semaphore_mem>>) src(%dma_wait3A_184 : memref<32x512xf32, #tpu.memory_space<hbm>>) dst(%arg4 : memref<32x512xf32, #tpu.memory_space<vmem>>)
      %gt3A = arith.constant 0 : i32
      %gt3A_185 = arith.cmpi sgt, %scan3A_176, %gt3A : i32
      %convert_element_type3A = arith.extui %gt3A_185 : i1 to i32
      %cond3A = arith.constant 0 : i32
      %cond3A_186 = arith.cmpi ne, %convert_element_type3A, %cond3A : i32
      scf.if %cond3A_186 {
        %mul3A_759 = arith.constant 32 : i32
        %mul3A_760 = arith.muli %mul3A_179, %mul3A_759 : i32
        %add3A_761 = arith.addi %mul3A_0, %mul3A_760 : i32
        %dma_wait3A_762 = tpu.memref_slice %arg3[%add3A_761, %mul3A_2] : memref<32768x1024xf32, #tpu.memory_space<hbm>> -> memref<32x512xf32, #tpu.memory_space<hbm>>
        %dma_wait3A_763 = tpu.memref_slice %arg3[%add3A_761, %mul3A_2] : memref<32768x1024xf32, #tpu.memory_space<hbm>> -> memref<32x512xf32, #tpu.memory_space<hbm>>
        tpu.wait_dma2 semaphore(%arg13 : memref<!tpu.dma_semaphore, #tpu.memory_space<semaphore_mem>>) src(%arg6 : memref<32x512xf32, #tpu.memory_space<vmem>>) dst(%dma_wait3A_763 : memref<32x512xf32, #tpu.memory_space<hbm>>)
      } else {
      }
      %iota3A = tpu.iota {dimensions = array<i32: 0>} : vector<16xi32>
      %add3A_187 = arith.constant 0 : i32
      %add3A_188 = vector.broadcast %add3A_187 : i32 to vector<16xi32>
      %add3A_189 = arith.addi %iota3A, %add3A_188 : vector<16xi32>
      %iota3A_190 = tpu.iota {dimensions = array<i32: 0>} : vector<16xi32>
      %add3A_191 = arith.constant 16 : i32
      %add3A_192 = vector.broadcast %add3A_191 : i32 to vector<16xi32>
      %add3A_193 = arith.addi %iota3A_190, %add3A_192 : vector<16xi32>
      %iota3A_194 = tpu.iota {dimensions = array<i32: 0>} : vector<16xi32>
      %add3A_195 = arith.constant 32 : i32
      %add3A_196 = vector.broadcast %add3A_195 : i32 to vector<16xi32>
      %add3A_197 = arith.addi %iota3A_194, %add3A_196 : vector<16xi32>
      %iota3A_198 = tpu.iota {dimensions = array<i32: 0>} : vector<16xi32>
      %add3A_199 = arith.constant 48 : i32
      %add3A_200 = vector.broadcast %add3A_199 : i32 to vector<16xi32>
      %add3A_201 = arith.addi %iota3A_198, %add3A_200 : vector<16xi32>
      %iota3A_202 = tpu.iota {dimensions = array<i32: 0>} : vector<16xi32>
      %add3A_203 = arith.constant 64 : i32
      %add3A_204 = vector.broadcast %add3A_203 : i32 to vector<16xi32>
      %add3A_205 = arith.addi %iota3A_202, %add3A_204 : vector<16xi32>
      %iota3A_206 = tpu.iota {dimensions = array<i32: 0>} : vector<16xi32>
      %add3A_207 = arith.constant 80 : i32
      %add3A_208 = vector.broadcast %add3A_207 : i32 to vector<16xi32>
      %add3A_209 = arith.addi %iota3A_206, %add3A_208 : vector<16xi32>
      %iota3A_210 = tpu.iota {dimensions = array<i32: 0>} : vector<16xi32>
      %add3A_211 = arith.constant 96 : i32
      %add3A_212 = vector.broadcast %add3A_211 : i32 to vector<16xi32>
      %add3A_213 = arith.addi %iota3A_210, %add3A_212 : vector<16xi32>
      %iota3A_214 = tpu.iota {dimensions = array<i32: 0>} : vector<16xi32>
      %add3A_215 = arith.constant 112 : i32
      %add3A_216 = vector.broadcast %add3A_215 : i32 to vector<16xi32>
      %add3A_217 = arith.addi %iota3A_214, %add3A_216 : vector<16xi32>
      %iota3A_218 = tpu.iota {dimensions = array<i32: 0>} : vector<16xi32>
      %add3A_219 = arith.constant 128 : i32
      %add3A_220 = vector.broadcast %add3A_219 : i32 to vector<16xi32>
      %add3A_221 = arith.addi %iota3A_218, %add3A_220 : vector<16xi32>
      %iota3A_222 = tpu.iota {dimensions = array<i32: 0>} : vector<16xi32>
      %add3A_223 = arith.constant 144 : i32
      %add3A_224 = vector.broadcast %add3A_223 : i32 to vector<16xi32>
      %add3A_225 = arith.addi %iota3A_222, %add3A_224 : vector<16xi32>
      %iota3A_226 = tpu.iota {dimensions = array<i32: 0>} : vector<16xi32>
      %add3A_227 = arith.constant 160 : i32
      %add3A_228 = vector.broadcast %add3A_227 : i32 to vector<16xi32>
      %add3A_229 = arith.addi %iota3A_226, %add3A_228 : vector<16xi32>
      %iota3A_230 = tpu.iota {dimensions = array<i32: 0>} : vector<16xi32>
      %add3A_231 = arith.constant 176 : i32
      %add3A_232 = vector.broadcast %add3A_231 : i32 to vector<16xi32>
      %add3A_233 = arith.addi %iota3A_230, %add3A_232 : vector<16xi32>
      %iota3A_234 = tpu.iota {dimensions = array<i32: 0>} : vector<16xi32>
      %add3A_235 = arith.constant 192 : i32
      %add3A_236 = vector.broadcast %add3A_235 : i32 to vector<16xi32>
      %add3A_237 = arith.addi %iota3A_234, %add3A_236 : vector<16xi32>
      %iota3A_238 = tpu.iota {dimensions = array<i32: 0>} : vector<16xi32>
      %add3A_239 = arith.constant 208 : i32
      %add3A_240 = vector.broadcast %add3A_239 : i32 to vector<16xi32>
      %add3A_241 = arith.addi %iota3A_238, %add3A_240 : vector<16xi32>
      %iota3A_242 = tpu.iota {dimensions = array<i32: 0>} : vector<16xi32>
      %add3A_243 = arith.constant 224 : i32
      %add3A_244 = vector.broadcast %add3A_243 : i32 to vector<16xi32>
      %add3A_245 = arith.addi %iota3A_242, %add3A_244 : vector<16xi32>
      %iota3A_246 = tpu.iota {dimensions = array<i32: 0>} : vector<16xi32>
      %add3A_247 = arith.constant 240 : i32
      %add3A_248 = vector.broadcast %add3A_247 : i32 to vector<16xi32>
      %add3A_249 = arith.addi %iota3A_246, %add3A_248 : vector<16xi32>
      %get3A = arith.constant 0 : index
      %get3A_250 = tpu.vector_load %arg9[%get3A] {strides = array<i32>} : memref<512xf32, #tpu.memory_space<vmem>>, vector<16xf32>,
      %get3A_251 = arith.constant 16 : index
      %get3A_252 = tpu.vector_load %arg9[%get3A_251] {strides = array<i32>} : memref<512xf32, #tpu.memory_space<vmem>>, vector<16xf32>,
      %get3A_253 = arith.constant 32 : index
      %get3A_254 = tpu.vector_load %arg9[%get3A_253] {strides = array<i32>} : memref<512xf32, #tpu.memory_space<vmem>>, vector<16xf32>,
      %get3A_255 = arith.constant 48 : index
      %get3A_256 = tpu.vector_load %arg9[%get3A_255] {strides = array<i32>} : memref<512xf32, #tpu.memory_space<vmem>>, vector<16xf32>,
      %get3A_257 = arith.constant 64 : index
      %get3A_258 = tpu.vector_load %arg9[%get3A_257] {strides = array<i32>} : memref<512xf32, #tpu.memory_space<vmem>>, vector<16xf32>,
      %get3A_259 = arith.constant 80 : index
      %get3A_260 = tpu.vector_load %arg9[%get3A_259] {strides = array<i32>} : memref<512xf32, #tpu.memory_space<vmem>>, vector<16xf32>,
      %get3A_261 = arith.constant 96 : index
      %get3A_262 = tpu.vector_load %arg9[%get3A_261] {strides = array<i32>} : memref<512xf32, #tpu.memory_space<vmem>>, vector<16xf32>,
      %get3A_263 = arith.constant 112 : index
      %get3A_264 = tpu.vector_load %arg9[%get3A_263] {strides = array<i32>} : memref<512xf32, #tpu.memory_space<vmem>>, vector<16xf32>,
      %get3A_265 = arith.constant 128 : index
      %get3A_266 = tpu.vector_load %arg9[%get3A_265] {strides = array<i32>} : memref<512xf32, #tpu.memory_space<vmem>>, vector<16xf32>,
      %get3A_267 = arith.constant 144 : index
      %get3A_268 = tpu.vector_load %arg9[%get3A_267] {strides = array<i32>} : memref<512xf32, #tpu.memory_space<vmem>>, vector<16xf32>,
      %get3A_269 = arith.constant 160 : index
      %get3A_270 = tpu.vector_load %arg9[%get3A_269] {strides = array<i32>} : memref<512xf32, #tpu.memory_space<vmem>>, vector<16xf32>,
      %get3A_271 = arith.constant 176 : index
      %get3A_272 = tpu.vector_load %arg9[%get3A_271] {strides = array<i32>} : memref<512xf32, #tpu.memory_space<vmem>>, vector<16xf32>,
      %get3A_273 = arith.constant 192 : index
      %get3A_274 = tpu.vector_load %arg9[%get3A_273] {strides = array<i32>} : memref<512xf32, #tpu.memory_space<vmem>>, vector<16xf32>,
      %get3A_275 = arith.constant 208 : index
      %get3A_276 = tpu.vector_load %arg9[%get3A_275] {strides = array<i32>} : memref<512xf32, #tpu.memory_space<vmem>>, vector<16xf32>,
      %get3A_277 = arith.constant 224 : index
      %get3A_278 = tpu.vector_load %arg9[%get3A_277] {strides = array<i32>} : memref<512xf32, #tpu.memory_space<vmem>>, vector<16xf32>,
      %get3A_279 = arith.constant 240 : index
      %get3A_280 = tpu.vector_load %arg9[%get3A_279] {strides = array<i32>} : memref<512xf32, #tpu.memory_space<vmem>>, vector<16xf32>,
      %scan3A_281 = arith.constant 0 : i32
      %scan3A_282 = arith.constant 32 : i32
      %scan3A_283 = arith.addi %scan3A_281, %scan3A_282 : i32
      %scan3A_284 = arith.constant 2 : i32
      %scan3A_285:16 = scf.for %scan3A_759 = %scan3A_281 to %scan3A_283 step %scan3A_284 iter_args(%scan3A_760 = %get3A_250, %scan3A_761 = %get3A_252, %scan3A_762 = %get3A_254, %scan3A_763 = %get3A_256, %scan3A_764 = %get3A_258, %scan3A_765 = %get3A_260, %scan3A_766 = %get3A_262, %scan3A_767 = %get3A_264, %scan3A_768 = %get3A_266, %scan3A_769 = %get3A_268, %scan3A_770 = %get3A_270, %scan3A_771 = %get3A_272, %scan3A_772 = %get3A_274, %scan3A_773 = %get3A_276, %scan3A_774 = %get3A_278, %scan3A_775 = %get3A_280) -> (vector<16xf32>, vector<16xf32>, vector<16xf32>, vector<16xf32>, vector<16xf32>, vector<16xf32>, vector<16xf32>, vector<16xf32>, vector<16xf32>, vector<16xf32>, vector<16xf32>, vector<16xf32>, vector<16xf32>, vector<16xf32>, vector<16xf32>, vector<16xf32>)  : i32 {
        %broadcast_in_dim3A_776 = vector.broadcast %scan3A_759 : i32 to vector<16xi32>
        tpu.vector_store_idx %arg6[%broadcast_in_dim3A_776, %add3A_189], %scan3A_760 : memref<32x512xf32, #tpu.memory_space<vmem>>[vector<16xi32>, vector<16xi32>], vector<16xf32>,
        %gather3A = tpu.vector_load_idx %arg4[%broadcast_in_dim3A_776, %add3A_189] : memref<32x512xf32, #tpu.memory_space<vmem>>[vector<16xi32>, vector<16xi32>], vector<16xf32>,
        %add3A_777 = arith.addf %scan3A_760, %gather3A : vector<16xf32>
        tpu.vector_store_idx %arg6[%broadcast_in_dim3A_776, %add3A_193], %scan3A_761 : memref<32x512xf32, #tpu.memory_space<vmem>>[vector<16xi32>, vector<16xi32>], vector<16xf32>,
        %gather3A_778 = tpu.vector_load_idx %arg4[%broadcast_in_dim3A_776, %add3A_193] : memref<32x512xf32, #tpu.memory_space<vmem>>[vector<16xi32>, vector<16xi32>], vector<16xf32>,
        %add3A_779 = arith.addf %scan3A_761, %gather3A_778 : vector<16xf32>
        tpu.vector_store_idx %arg6[%broadcast_in_dim3A_776, %add3A_197], %scan3A_762 : memref<32x512xf32, #tpu.memory_space<vmem>>[vector<16xi32>, vector<16xi32>], vector<16xf32>,
        %gather3A_780 = tpu.vector_load_idx %arg4[%broadcast_in_dim3A_776, %add3A_197] : memref<32x512xf32, #tpu.memory_space<vmem>>[vector<16xi32>, vector<16xi32>], vector<16xf32>,
        %add3A_781 = arith.addf %scan3A_762, %gather3A_780 : vector<16xf32>
        tpu.vector_store_idx %arg6[%broadcast_in_dim3A_776, %add3A_201], %scan3A_763 : memref<32x512xf32, #tpu.memory_space<vmem>>[vector<16xi32>, vector<16xi32>], vector<16xf32>,
        %gather3A_782 = tpu.vector_load_idx %arg4[%broadcast_in_dim3A_776, %add3A_201] : memref<32x512xf32, #tpu.memory_space<vmem>>[vector<16xi32>, vector<16xi32>], vector<16xf32>,
        %add3A_783 = arith.addf %scan3A_763, %gather3A_782 : vector<16xf32>
        tpu.vector_store_idx %arg6[%broadcast_in_dim3A_776, %add3A_205], %scan3A_764 : memref<32x512xf32, #tpu.memory_space<vmem>>[vector<16xi32>, vector<16xi32>], vector<16xf32>,
        %gather3A_784 = tpu.vector_load_idx %arg4[%broadcast_in_dim3A_776, %add3A_205] : memref<32x512xf32, #tpu.memory_space<vmem>>[vector<16xi32>, vector<16xi32>], vector<16xf32>,
        %add3A_785 = arith.addf %scan3A_764, %gather3A_784 : vector<16xf32>
        tpu.vector_store_idx %arg6[%broadcast_in_dim3A_776, %add3A_209], %scan3A_765 : memref<32x512xf32, #tpu.memory_space<vmem>>[vector<16xi32>, vector<16xi32>], vector<16xf32>,
        %gather3A_786 = tpu.vector_load_idx %arg4[%broadcast_in_dim3A_776, %add3A_209] : memref<32x512xf32, #tpu.memory_space<vmem>>[vector<16xi32>, vector<16xi32>], vector<16xf32>,
        %add3A_787 = arith.addf %scan3A_765, %gather3A_786 : vector<16xf32>
        tpu.vector_store_idx %arg6[%broadcast_in_dim3A_776, %add3A_213], %scan3A_766 : memref<32x512xf32, #tpu.memory_space<vmem>>[vector<16xi32>, vector<16xi32>], vector<16xf32>,
        %gather3A_788 = tpu.vector_load_idx %arg4[%broadcast_in_dim3A_776, %add3A_213] : memref<32x512xf32, #tpu.memory_space<vmem>>[vector<16xi32>, vector<16xi32>], vector<16xf32>,
        %add3A_789 = arith.addf %scan3A_766, %gather3A_788 : vector<16xf32>
        tpu.vector_store_idx %arg6[%broadcast_in_dim3A_776, %add3A_217], %scan3A_767 : memref<32x512xf32, #tpu.memory_space<vmem>>[vector<16xi32>, vector<16xi32>], vector<16xf32>,
        %gather3A_790 = tpu.vector_load_idx %arg4[%broadcast_in_dim3A_776, %add3A_217] : memref<32x512xf32, #tpu.memory_space<vmem>>[vector<16xi32>, vector<16xi32>], vector<16xf32>,
        %add3A_791 = arith.addf %scan3A_767, %gather3A_790 : vector<16xf32>
        tpu.vector_store_idx %arg6[%broadcast_in_dim3A_776, %add3A_221], %scan3A_768 : memref<32x512xf32, #tpu.memory_space<vmem>>[vector<16xi32>, vector<16xi32>], vector<16xf32>,
        %gather3A_792 = tpu.vector_load_idx %arg4[%broadcast_in_dim3A_776, %add3A_221] : memref<32x512xf32, #tpu.memory_space<vmem>>[vector<16xi32>, vector<16xi32>], vector<16xf32>,
        %add3A_793 = arith.addf %scan3A_768, %gather3A_792 : vector<16xf32>
        tpu.vector_store_idx %arg6[%broadcast_in_dim3A_776, %add3A_225], %scan3A_769 : memref<32x512xf32, #tpu.memory_space<vmem>>[vector<16xi32>, vector<16xi32>], vector<16xf32>,
        %gather3A_794 = tpu.vector_load_idx %arg4[%broadcast_in_dim3A_776, %add3A_225] : memref<32x512xf32, #tpu.memory_space<vmem>>[vector<16xi32>, vector<16xi32>], vector<16xf32>,
        %add3A_795 = arith.addf %scan3A_769, %gather3A_794 : vector<16xf32>
        tpu.vector_store_idx %arg6[%broadcast_in_dim3A_776, %add3A_229], %scan3A_770 : memref<32x512xf32, #tpu.memory_space<vmem>>[vector<16xi32>, vector<16xi32>], vector<16xf32>,
        %gather3A_796 = tpu.vector_load_idx %arg4[%broadcast_in_dim3A_776, %add3A_229] : memref<32x512xf32, #tpu.memory_space<vmem>>[vector<16xi32>, vector<16xi32>], vector<16xf32>,
        %add3A_797 = arith.addf %scan3A_770, %gather3A_796 : vector<16xf32>
        tpu.vector_store_idx %arg6[%broadcast_in_dim3A_776, %add3A_233], %scan3A_771 : memref<32x512xf32, #tpu.memory_space<vmem>>[vector<16xi32>, vector<16xi32>], vector<16xf32>,
        %gather3A_798 = tpu.vector_load_idx %arg4[%broadcast_in_dim3A_776, %add3A_233] : memref<32x512xf32, #tpu.memory_space<vmem>>[vector<16xi32>, vector<16xi32>], vector<16xf32>,
        %add3A_799 = arith.addf %scan3A_771, %gather3A_798 : vector<16xf32>
        tpu.vector_store_idx %arg6[%broadcast_in_dim3A_776, %add3A_237], %scan3A_772 : memref<32x512xf32, #tpu.memory_space<vmem>>[vector<16xi32>, vector<16xi32>], vector<16xf32>,
        %gather3A_800 = tpu.vector_load_idx %arg4[%broadcast_in_dim3A_776, %add3A_237] : memref<32x512xf32, #tpu.memory_space<vmem>>[vector<16xi32>, vector<16xi32>], vector<16xf32>,
        %add3A_801 = arith.addf %scan3A_772, %gather3A_800 : vector<16xf32>
        tpu.vector_store_idx %arg6[%broadcast_in_dim3A_776, %add3A_241], %scan3A_773 : memref<32x512xf32, #tpu.memory_space<vmem>>[vector<16xi32>, vector<16xi32>], vector<16xf32>,
        %gather3A_802 = tpu.vector_load_idx %arg4[%broadcast_in_dim3A_776, %add3A_241] : memref<32x512xf32, #tpu.memory_space<vmem>>[vector<16xi32>, vector<16xi32>], vector<16xf32>,
        %add3A_803 = arith.addf %scan3A_773, %gather3A_802 : vector<16xf32>
        tpu.vector_store_idx %arg6[%broadcast_in_dim3A_776, %add3A_245], %scan3A_774 : memref<32x512xf32, #tpu.memory_space<vmem>>[vector<16xi32>, vector<16xi32>], vector<16xf32>,
        %gather3A_804 = tpu.vector_load_idx %arg4[%broadcast_in_dim3A_776, %add3A_245] : memref<32x512xf32, #tpu.memory_space<vmem>>[vector<16xi32>, vector<16xi32>], vector<16xf32>,
        %add3A_805 = arith.addf %scan3A_774, %gather3A_804 : vector<16xf32>
        tpu.vector_store_idx %arg6[%broadcast_in_dim3A_776, %add3A_249], %scan3A_775 : memref<32x512xf32, #tpu.memory_space<vmem>>[vector<16xi32>, vector<16xi32>], vector<16xf32>,
        %gather3A_806 = tpu.vector_load_idx %arg4[%broadcast_in_dim3A_776, %add3A_249] : memref<32x512xf32, #tpu.memory_space<vmem>>[vector<16xi32>, vector<16xi32>], vector<16xf32>,
        %add3A_807 = arith.addf %scan3A_775, %gather3A_806 : vector<16xf32>
        %scan3A_808 = arith.constant 1 : i32
        %scan3A_809 = arith.addi %scan3A_759, %scan3A_808 : i32
        %broadcast_in_dim3A_810 = vector.broadcast %scan3A_809 : i32 to vector<16xi32>
        tpu.vector_store_idx %arg6[%broadcast_in_dim3A_810, %add3A_189], %add3A_777 : memref<32x512xf32, #tpu.memory_space<vmem>>[vector<16xi32>, vector<16xi32>], vector<16xf32>,
        %gather3A_811 = tpu.vector_load_idx %arg4[%broadcast_in_dim3A_810, %add3A_189] : memref<32x512xf32, #tpu.memory_space<vmem>>[vector<16xi32>, vector<16xi32>], vector<16xf32>,
        %add3A_812 = arith.addf %add3A_777, %gather3A_811 : vector<16xf32>
        tpu.vector_store_idx %arg6[%broadcast_in_dim3A_810, %add3A_193], %add3A_779 : memref<32x512xf32, #tpu.memory_space<vmem>>[vector<16xi32>, vector<16xi32>], vector<16xf32>,
        %gather3A_813 = tpu.vector_load_idx %arg4[%broadcast_in_dim3A_810, %add3A_193] : memref<32x512xf32, #tpu.memory_space<vmem>>[vector<16xi32>, vector<16xi32>], vector<16xf32>,
        %add3A_814 = arith.addf %add3A_779, %gather3A_813 : vector<16xf32>
        tpu.vector_store_idx %arg6[%broadcast_in_dim3A_810, %add3A_197], %add3A_781 : memref<32x512xf32, #tpu.memory_space<vmem>>[vector<16xi32>, vector<16xi32>], vector<16xf32>,
        %gather3A_815 = tpu.vector_load_idx %arg4[%broadcast_in_dim3A_810, %add3A_197] : memref<32x512xf32, #tpu.memory_space<vmem>>[vector<16xi32>, vector<16xi32>], vector<16xf32>,
        %add3A_816 = arith.addf %add3A_781, %gather3A_815 : vector<16xf32>
        tpu.vector_store_idx %arg6[%broadcast_in_dim3A_810, %add3A_201], %add3A_783 : memref<32x512xf32, #tpu.memory_space<vmem>>[vector<16xi32>, vector<16xi32>], vector<16xf32>,
        %gather3A_817 = tpu.vector_load_idx %arg4[%broadcast_in_dim3A_810, %add3A_201] : memref<32x512xf32, #tpu.memory_space<vmem>>[vector<16xi32>, vector<16xi32>], vector<16xf32>,
        %add3A_818 = arith.addf %add3A_783, %gather3A_817 : vector<16xf32>
        tpu.vector_store_idx %arg6[%broadcast_in_dim3A_810, %add3A_205], %add3A_785 : memref<32x512xf32, #tpu.memory_space<vmem>>[vector<16xi32>, vector<16xi32>], vector<16xf32>,
        %gather3A_819 = tpu.vector_load_idx %arg4[%broadcast_in_dim3A_810, %add3A_205] : memref<32x512xf32, #tpu.memory_space<vmem>>[vector<16xi32>, vector<16xi32>], vector<16xf32>,
        %add3A_820 = arith.addf %add3A_785, %gather3A_819 : vector<16xf32>
        tpu.vector_store_idx %arg6[%broadcast_in_dim3A_810, %add3A_209], %add3A_787 : memref<32x512xf32, #tpu.memory_space<vmem>>[vector<16xi32>, vector<16xi32>], vector<16xf32>,
        %gather3A_821 = tpu.vector_load_idx %arg4[%broadcast_in_dim3A_810, %add3A_209] : memref<32x512xf32, #tpu.memory_space<vmem>>[vector<16xi32>, vector<16xi32>], vector<16xf32>,
        %add3A_822 = arith.addf %add3A_787, %gather3A_821 : vector<16xf32>
        tpu.vector_store_idx %arg6[%broadcast_in_dim3A_810, %add3A_213], %add3A_789 : memref<32x512xf32, #tpu.memory_space<vmem>>[vector<16xi32>, vector<16xi32>], vector<16xf32>,
        %gather3A_823 = tpu.vector_load_idx %arg4[%broadcast_in_dim3A_810, %add3A_213] : memref<32x512xf32, #tpu.memory_space<vmem>>[vector<16xi32>, vector<16xi32>], vector<16xf32>,
        %add3A_824 = arith.addf %add3A_789, %gather3A_823 : vector<16xf32>
        tpu.vector_store_idx %arg6[%broadcast_in_dim3A_810, %add3A_217], %add3A_791 : memref<32x512xf32, #tpu.memory_space<vmem>>[vector<16xi32>, vector<16xi32>], vector<16xf32>,
        %gather3A_825 = tpu.vector_load_idx %arg4[%broadcast_in_dim3A_810, %add3A_217] : memref<32x512xf32, #tpu.memory_space<vmem>>[vector<16xi32>, vector<16xi32>], vector<16xf32>,
        %add3A_826 = arith.addf %add3A_791, %gather3A_825 : vector<16xf32>
        tpu.vector_store_idx %arg6[%broadcast_in_dim3A_810, %add3A_221], %add3A_793 : memref<32x512xf32, #tpu.memory_space<vmem>>[vector<16xi32>, vector<16xi32>], vector<16xf32>,
        %gather3A_827 = tpu.vector_load_idx %arg4[%broadcast_in_dim3A_810, %add3A_221] : memref<32x512xf32, #tpu.memory_space<vmem>>[vector<16xi32>, vector<16xi32>], vector<16xf32>,
        %add3A_828 = arith.addf %add3A_793, %gather3A_827 : vector<16xf32>
        tpu.vector_store_idx %arg6[%broadcast_in_dim3A_810, %add3A_225], %add3A_795 : memref<32x512xf32, #tpu.memory_space<vmem>>[vector<16xi32>, vector<16xi32>], vector<16xf32>,
        %gather3A_829 = tpu.vector_load_idx %arg4[%broadcast_in_dim3A_810, %add3A_225] : memref<32x512xf32, #tpu.memory_space<vmem>>[vector<16xi32>, vector<16xi32>], vector<16xf32>,
        %add3A_830 = arith.addf %add3A_795, %gather3A_829 : vector<16xf32>
        tpu.vector_store_idx %arg6[%broadcast_in_dim3A_810, %add3A_229], %add3A_797 : memref<32x512xf32, #tpu.memory_space<vmem>>[vector<16xi32>, vector<16xi32>], vector<16xf32>,
        %gather3A_831 = tpu.vector_load_idx %arg4[%broadcast_in_dim3A_810, %add3A_229] : memref<32x512xf32, #tpu.memory_space<vmem>>[vector<16xi32>, vector<16xi32>], vector<16xf32>,
        %add3A_832 = arith.addf %add3A_797, %gather3A_831 : vector<16xf32>
        tpu.vector_store_idx %arg6[%broadcast_in_dim3A_810, %add3A_233], %add3A_799 : memref<32x512xf32, #tpu.memory_space<vmem>>[vector<16xi32>, vector<16xi32>], vector<16xf32>,
        %gather3A_833 = tpu.vector_load_idx %arg4[%broadcast_in_dim3A_810, %add3A_233] : memref<32x512xf32, #tpu.memory_space<vmem>>[vector<16xi32>, vector<16xi32>], vector<16xf32>,
        %add3A_834 = arith.addf %add3A_799, %gather3A_833 : vector<16xf32>
        tpu.vector_store_idx %arg6[%broadcast_in_dim3A_810, %add3A_237], %add3A_801 : memref<32x512xf32, #tpu.memory_space<vmem>>[vector<16xi32>, vector<16xi32>], vector<16xf32>,
        %gather3A_835 = tpu.vector_load_idx %arg4[%broadcast_in_dim3A_810, %add3A_237] : memref<32x512xf32, #tpu.memory_space<vmem>>[vector<16xi32>, vector<16xi32>], vector<16xf32>,
        %add3A_836 = arith.addf %add3A_801, %gather3A_835 : vector<16xf32>
        tpu.vector_store_idx %arg6[%broadcast_in_dim3A_810, %add3A_241], %add3A_803 : memref<32x512xf32, #tpu.memory_space<vmem>>[vector<16xi32>, vector<16xi32>], vector<16xf32>,
        %gather3A_837 = tpu.vector_load_idx %arg4[%broadcast_in_dim3A_810, %add3A_241] : memref<32x512xf32, #tpu.memory_space<vmem>>[vector<16xi32>, vector<16xi32>], vector<16xf32>,
        %add3A_838 = arith.addf %add3A_803, %gather3A_837 : vector<16xf32>
        tpu.vector_store_idx %arg6[%broadcast_in_dim3A_810, %add3A_245], %add3A_805 : memref<32x512xf32, #tpu.memory_space<vmem>>[vector<16xi32>, vector<16xi32>], vector<16xf32>,
        %gather3A_839 = tpu.vector_load_idx %arg4[%broadcast_in_dim3A_810, %add3A_245] : memref<32x512xf32, #tpu.memory_space<vmem>>[vector<16xi32>, vector<16xi32>], vector<16xf32>,
        %add3A_840 = arith.addf %add3A_805, %gather3A_839 : vector<16xf32>
        tpu.vector_store_idx %arg6[%broadcast_in_dim3A_810, %add3A_249], %add3A_807 : memref<32x512xf32, #tpu.memory_space<vmem>>[vector<16xi32>, vector<16xi32>], vector<16xf32>,
        %gather3A_841 = tpu.vector_load_idx %arg4[%broadcast_in_dim3A_810, %add3A_249] : memref<32x512xf32, #tpu.memory_space<vmem>>[vector<16xi32>, vector<16xi32>], vector<16xf32>,
        %add3A_842 = arith.addf %add3A_807, %gather3A_841 : vector<16xf32>
        scf.yield %add3A_812, %add3A_814, %add3A_816, %add3A_818, %add3A_820, %add3A_822, %add3A_824, %add3A_826, %add3A_828, %add3A_830, %add3A_832, %add3A_834, %add3A_836, %add3A_838, %add3A_840, %add3A_842 : vector<16xf32>, vector<16xf32>, vector<16xf32>, vector<16xf32>, vector<16xf32>, vector<16xf32>, vector<16xf32>, vector<16xf32>, vector<16xf32>, vector<16xf32>, vector<16xf32>, vector<16xf32>, vector<16xf32>, vector<16xf32>, vector<16xf32>, vector<16xf32>
      }
      %scan3A_286 = arith.constant 32 : i32
      %swap3A_287 = arith.constant 0 : index
      %swap3A_288 = tpu.vector_load %arg9[%swap3A_287] {strides = array<i32>} : memref<512xf32, #tpu.memory_space<vmem>>, vector<16xf32>,
      tpu.vector_store %arg9[%swap3A_287], %scan3A_285#0 {strides = array<i32>} : memref<512xf32, #tpu.memory_space<vmem>>, vector<16xf32>,
      %swap3A_289 = arith.constant 16 : index
      %swap3A_290 = tpu.vector_load %arg9[%swap3A_289] {strides = array<i32>} : memref<512xf32, #tpu.memory_space<vmem>>, vector<16xf32>,
      tpu.vector_store %arg9[%swap3A_289], %scan3A_285#1 {strides = array<i32>} : memref<512xf32, #tpu.memory_space<vmem>>, vector<16xf32>,
      %swap3A_291 = arith.constant 32 : index
      %swap3A_292 = tpu.vector_load %arg9[%swap3A_291] {strides = array<i32>} : memref<512xf32, #tpu.memory_space<vmem>>, vector<16xf32>,
      tpu.vector_store %arg9[%swap3A_291], %scan3A_285#2 {strides = array<i32>} : memref<512xf32, #tpu.memory_space<vmem>>, vector<16xf32>,
      %swap3A_293 = arith.constant 48 : index
      %swap3A_294 = tpu.vector_load %arg9[%swap3A_293] {strides = array<i32>} : memref<512xf32, #tpu.memory_space<vmem>>, vector<16xf32>,
      tpu.vector_store %arg9[%swap3A_293], %scan3A_285#3 {strides = array<i32>} : memref<512xf32, #tpu.memory_space<vmem>>, vector<16xf32>,
      %swap3A_295 = arith.constant 64 : index
      %swap3A_296 = tpu.vector_load %arg9[%swap3A_295] {strides = array<i32>} : memref<512xf32, #tpu.memory_space<vmem>>, vector<16xf32>,
      tpu.vector_store %arg9[%swap3A_295], %scan3A_285#4 {strides = array<i32>} : memref<512xf32, #tpu.memory_space<vmem>>, vector<16xf32>,
      %swap3A_297 = arith.constant 80 : index
      %swap3A_298 = tpu.vector_load %arg9[%swap3A_297] {strides = array<i32>} : memref<512xf32, #tpu.memory_space<vmem>>, vector<16xf32>,
      tpu.vector_store %arg9[%swap3A_297], %scan3A_285#5 {strides = array<i32>} : memref<512xf32, #tpu.memory_space<vmem>>, vector<16xf32>,
      %swap3A_299 = arith.constant 96 : index
      %swap3A_300 = tpu.vector_load %arg9[%swap3A_299] {strides = array<i32>} : memref<512xf32, #tpu.memory_space<vmem>>, vector<16xf32>,
      tpu.vector_store %arg9[%swap3A_299], %scan3A_285#6 {strides = array<i32>} : memref<512xf32, #tpu.memory_space<vmem>>, vector<16xf32>,
      %swap3A_301 = arith.constant 112 : index
      %swap3A_302 = tpu.vector_load %arg9[%swap3A_301] {strides = array<i32>} : memref<512xf32, #tpu.memory_space<vmem>>, vector<16xf32>,
      tpu.vector_store %arg9[%swap3A_301], %scan3A_285#7 {strides = array<i32>} : memref<512xf32, #tpu.memory_space<vmem>>, vector<16xf32>,
      %swap3A_303 = arith.constant 128 : index
      %swap3A_304 = tpu.vector_load %arg9[%swap3A_303] {strides = array<i32>} : memref<512xf32, #tpu.memory_space<vmem>>, vector<16xf32>,
      tpu.vector_store %arg9[%swap3A_303], %scan3A_285#8 {strides = array<i32>} : memref<512xf32, #tpu.memory_space<vmem>>, vector<16xf32>,
      %swap3A_305 = arith.constant 144 : index
      %swap3A_306 = tpu.vector_load %arg9[%swap3A_305] {strides = array<i32>} : memref<512xf32, #tpu.memory_space<vmem>>, vector<16xf32>,
      tpu.vector_store %arg9[%swap3A_305], %scan3A_285#9 {strides = array<i32>} : memref<512xf32, #tpu.memory_space<vmem>>, vector<16xf32>,
      %swap3A_307 = arith.constant 160 : index
      %swap3A_308 = tpu.vector_load %arg9[%swap3A_307] {strides = array<i32>} : memref<512xf32, #tpu.memory_space<vmem>>, vector<16xf32>,
      tpu.vector_store %arg9[%swap3A_307], %scan3A_285#10 {strides = array<i32>} : memref<512xf32, #tpu.memory_space<vmem>>, vector<16xf32>,
      %swap3A_309 = arith.constant 176 : index
      %swap3A_310 = tpu.vector_load %arg9[%swap3A_309] {strides = array<i32>} : memref<512xf32, #tpu.memory_space<vmem>>, vector<16xf32>,
      tpu.vector_store %arg9[%swap3A_309], %scan3A_285#11 {strides = array<i32>} : memref<512xf32, #tpu.memory_space<vmem>>, vector<16xf32>,
      %swap3A_311 = arith.constant 192 : index
      %swap3A_312 = tpu.vector_load %arg9[%swap3A_311] {strides = array<i32>} : memref<512xf32, #tpu.memory_space<vmem>>, vector<16xf32>,
      tpu.vector_store %arg9[%swap3A_311], %scan3A_285#12 {strides = array<i32>} : memref<512xf32, #tpu.memory_space<vmem>>, vector<16xf32>,
      %swap3A_313 = arith.constant 208 : index
      %swap3A_314 = tpu.vector_load %arg9[%swap3A_313] {strides = array<i32>} : memref<512xf32, #tpu.memory_space<vmem>>, vector<16xf32>,
      tpu.vector_store %arg9[%swap3A_313], %scan3A_285#13 {strides = array<i32>} : memref<512xf32, #tpu.memory_space<vmem>>, vector<16xf32>,
      %swap3A_315 = arith.constant 224 : index
      %swap3A_316 = tpu.vector_load %arg9[%swap3A_315] {strides = array<i32>} : memref<512xf32, #tpu.memory_space<vmem>>, vector<16xf32>,
      tpu.vector_store %arg9[%swap3A_315], %scan3A_285#14 {strides = array<i32>} : memref<512xf32, #tpu.memory_space<vmem>>, vector<16xf32>,
      %swap3A_317 = arith.constant 240 : index
      %swap3A_318 = tpu.vector_load %arg9[%swap3A_317] {strides = array<i32>} : memref<512xf32, #tpu.memory_space<vmem>>, vector<16xf32>,
      tpu.vector_store %arg9[%swap3A_317], %scan3A_285#15 {strides = array<i32>} : memref<512xf32, #tpu.memory_space<vmem>>, vector<16xf32>,
      %iota3A_319 = tpu.iota {dimensions = array<i32: 0>} : vector<16xi32>
      %add3A_320 = arith.constant 256 : i32
      %add3A_321 = vector.broadcast %add3A_320 : i32 to vector<16xi32>
      %add3A_322 = arith.addi %iota3A_319, %add3A_321 : vector<16xi32>
      %iota3A_323 = tpu.iota {dimensions = array<i32: 0>} : vector<16xi32>
      %add3A_324 = arith.constant 272 : i32
      %add3A_325 = vector.broadcast %add3A_324 : i32 to vector<16xi32>
      %add3A_326 = arith.addi %iota3A_323, %add3A_325 : vector<16xi32>
      %iota3A_327 = tpu.iota {dimensions = array<i32: 0>} : vector<16xi32>
      %add3A_328 = arith.constant 288 : i32
      %add3A_329 = vector.broadcast %add3A_328 : i32 to vector<16xi32>
      %add3A_330 = arith.addi %iota3A_327, %add3A_329 : vector<16xi32>
      %iota3A_331 = tpu.iota {dimensions = array<i32: 0>} : vector<16xi32>
      %add3A_332 = arith.constant 304 : i32
      %add3A_333 = vector.broadcast %add3A_332 : i32 to vector<16xi32>
      %add3A_334 = arith.addi %iota3A_331, %add3A_333 : vector<16xi32>
      %iota3A_335 = tpu.iota {dimensions = array<i32: 0>} : vector<16xi32>
      %add3A_336 = arith.constant 320 : i32
      %add3A_337 = vector.broadcast %add3A_336 : i32 to vector<16xi32>
      %add3A_338 = arith.addi %iota3A_335, %add3A_337 : vector<16xi32>
      %iota3A_339 = tpu.iota {dimensions = array<i32: 0>} : vector<16xi32>
      %add3A_340 = arith.constant 336 : i32
      %add3A_341 = vector.broadcast %add3A_340 : i32 to vector<16xi32>
      %add3A_342 = arith.addi %iota3A_339, %add3A_341 : vector<16xi32>
      %iota3A_343 = tpu.iota {dimensions = array<i32: 0>} : vector<16xi32>
      %add3A_344 = arith.constant 352 : i32
      %add3A_345 = vector.broadcast %add3A_344 : i32 to vector<16xi32>
      %add3A_346 = arith.addi %iota3A_343, %add3A_345 : vector<16xi32>
      %iota3A_347 = tpu.iota {dimensions = array<i32: 0>} : vector<16xi32>
      %add3A_348 = arith.constant 368 : i32
      %add3A_349 = vector.broadcast %add3A_348 : i32 to vector<16xi32>
      %add3A_350 = arith.addi %iota3A_347, %add3A_349 : vector<16xi32>
      %iota3A_351 = tpu.iota {dimensions = array<i32: 0>} : vector<16xi32>
      %add3A_352 = arith.constant 384 : i32
      %add3A_353 = vector.broadcast %add3A_352 : i32 to vector<16xi32>
      %add3A_354 = arith.addi %iota3A_351, %add3A_353 : vector<16xi32>
      %iota3A_355 = tpu.iota {dimensions = array<i32: 0>} : vector<16xi32>
      %add3A_356 = arith.constant 400 : i32
      %add3A_357 = vector.broadcast %add3A_356 : i32 to vector<16xi32>
      %add3A_358 = arith.addi %iota3A_355, %add3A_357 : vector<16xi32>
      %iota3A_359 = tpu.iota {dimensions = array<i32: 0>} : vector<16xi32>
      %add3A_360 = arith.constant 416 : i32
      %add3A_361 = vector.broadcast %add3A_360 : i32 to vector<16xi32>
      %add3A_362 = arith.addi %iota3A_359, %add3A_361 : vector<16xi32>
      %iota3A_363 = tpu.iota {dimensions = array<i32: 0>} : vector<16xi32>
      %add3A_364 = arith.constant 432 : i32
      %add3A_365 = vector.broadcast %add3A_364 : i32 to vector<16xi32>
      %add3A_366 = arith.addi %iota3A_363, %add3A_365 : vector<16xi32>
      %iota3A_367 = tpu.iota {dimensions = array<i32: 0>} : vector<16xi32>
      %add3A_368 = arith.constant 448 : i32
      %add3A_369 = vector.broadcast %add3A_368 : i32 to vector<16xi32>
      %add3A_370 = arith.addi %iota3A_367, %add3A_369 : vector<16xi32>
      %iota3A_371 = tpu.iota {dimensions = array<i32: 0>} : vector<16xi32>
      %add3A_372 = arith.constant 464 : i32
      %add3A_373 = vector.broadcast %add3A_372 : i32 to vector<16xi32>
      %add3A_374 = arith.addi %iota3A_371, %add3A_373 : vector<16xi32>
      %iota3A_375 = tpu.iota {dimensions = array<i32: 0>} : vector<16xi32>
      %add3A_376 = arith.constant 480 : i32
      %add3A_377 = vector.broadcast %add3A_376 : i32 to vector<16xi32>
      %add3A_378 = arith.addi %iota3A_375, %add3A_377 : vector<16xi32>
      %iota3A_379 = tpu.iota {dimensions = array<i32: 0>} : vector<16xi32>
      %add3A_380 = arith.constant 496 : i32
      %add3A_381 = vector.broadcast %add3A_380 : i32 to vector<16xi32>
      %add3A_382 = arith.addi %iota3A_379, %add3A_381 : vector<16xi32>
      %get3A_383 = arith.constant 256 : index
      %get3A_384 = tpu.vector_load %arg9[%get3A_383] {strides = array<i32>} : memref<512xf32, #tpu.memory_space<vmem>>, vector<16xf32>,
      %get3A_385 = arith.constant 272 : index
      %get3A_386 = tpu.vector_load %arg9[%get3A_385] {strides = array<i32>} : memref<512xf32, #tpu.memory_space<vmem>>, vector<16xf32>,
      %get3A_387 = arith.constant 288 : index
      %get3A_388 = tpu.vector_load %arg9[%get3A_387] {strides = array<i32>} : memref<512xf32, #tpu.memory_space<vmem>>, vector<16xf32>,
      %get3A_389 = arith.constant 304 : index
      %get3A_390 = tpu.vector_load %arg9[%get3A_389] {strides = array<i32>} : memref<512xf32, #tpu.memory_space<vmem>>, vector<16xf32>,
      %get3A_391 = arith.constant 320 : index
      %get3A_392 = tpu.vector_load %arg9[%get3A_391] {strides = array<i32>} : memref<512xf32, #tpu.memory_space<vmem>>, vector<16xf32>,
      %get3A_393 = arith.constant 336 : index
      %get3A_394 = tpu.vector_load %arg9[%get3A_393] {strides = array<i32>} : memref<512xf32, #tpu.memory_space<vmem>>, vector<16xf32>,
      %get3A_395 = arith.constant 352 : index
      %get3A_396 = tpu.vector_load %arg9[%get3A_395] {strides = array<i32>} : memref<512xf32, #tpu.memory_space<vmem>>, vector<16xf32>,
      %get3A_397 = arith.constant 368 : index
      %get3A_398 = tpu.vector_load %arg9[%get3A_397] {strides = array<i32>} : memref<512xf32, #tpu.memory_space<vmem>>, vector<16xf32>,
      %get3A_399 = arith.constant 384 : index
      %get3A_400 = tpu.vector_load %arg9[%get3A_399] {strides = array<i32>} : memref<512xf32, #tpu.memory_space<vmem>>, vector<16xf32>,
      %get3A_401 = arith.constant 400 : index
      %get3A_402 = tpu.vector_load %arg9[%get3A_401] {strides = array<i32>} : memref<512xf32, #tpu.memory_space<vmem>>, vector<16xf32>,
      %get3A_403 = arith.constant 416 : index
      %get3A_404 = tpu.vector_load %arg9[%get3A_403] {strides = array<i32>} : memref<512xf32, #tpu.memory_space<vmem>>, vector<16xf32>,
      %get3A_405 = arith.constant 432 : index
      %get3A_406 = tpu.vector_load %arg9[%get3A_405] {strides = array<i32>} : memref<512xf32, #tpu.memory_space<vmem>>, vector<16xf32>,
      %get3A_407 = arith.constant 448 : index
      %get3A_408 = tpu.vector_load %arg9[%get3A_407] {strides = array<i32>} : memref<512xf32, #tpu.memory_space<vmem>>, vector<16xf32>,
      %get3A_409 = arith.constant 464 : index
      %get3A_410 = tpu.vector_load %arg9[%get3A_409] {strides = array<i32>} : memref<512xf32, #tpu.memory_space<vmem>>, vector<16xf32>,
      %get3A_411 = arith.constant 480 : index
      %get3A_412 = tpu.vector_load %arg9[%get3A_411] {strides = array<i32>} : memref<512xf32, #tpu.memory_space<vmem>>, vector<16xf32>,
      %get3A_413 = arith.constant 496 : index
      %get3A_414 = tpu.vector_load %arg9[%get3A_413] {strides = array<i32>} : memref<512xf32, #tpu.memory_space<vmem>>, vector<16xf32>,
      %scan3A_415 = arith.constant 0 : i32
      %scan3A_416 = arith.constant 32 : i32
      %scan3A_417 = arith.addi %scan3A_415, %scan3A_416 : i32
      %scan3A_418 = arith.constant 2 : i32
      %scan3A_419:16 = scf.for %scan3A_759 = %scan3A_415 to %scan3A_417 step %scan3A_418 iter_args(%scan3A_760 = %get3A_384, %scan3A_761 = %get3A_386, %scan3A_762 = %get3A_388, %scan3A_763 = %get3A_390, %scan3A_764 = %get3A_392, %scan3A_765 = %get3A_394, %scan3A_766 = %get3A_396, %scan3A_767 = %get3A_398, %scan3A_768 = %get3A_400, %scan3A_769 = %get3A_402, %scan3A_770 = %get3A_404, %scan3A_771 = %get3A_406, %scan3A_772 = %get3A_408, %scan3A_773 = %get3A_410, %scan3A_774 = %get3A_412, %scan3A_775 = %get3A_414) -> (vector<16xf32>, vector<16xf32>, vector<16xf32>, vector<16xf32>, vector<16xf32>, vector<16xf32>, vector<16xf32>, vector<16xf32>, vector<16xf32>, vector<16xf32>, vector<16xf32>, vector<16xf32>, vector<16xf32>, vector<16xf32>, vector<16xf32>, vector<16xf32>)  : i32 {
        %broadcast_in_dim3A_776 = vector.broadcast %scan3A_759 : i32 to vector<16xi32>
        tpu.vector_store_idx %arg6[%broadcast_in_dim3A_776, %add3A_322], %scan3A_760 : memref<32x512xf32, #tpu.memory_space<vmem>>[vector<16xi32>, vector<16xi32>], vector<16xf32>,
        %gather3A = tpu.vector_load_idx %arg4[%broadcast_in_dim3A_776, %add3A_322] : memref<32x512xf32, #tpu.memory_space<vmem>>[vector<16xi32>, vector<16xi32>], vector<16xf32>,
        %add3A_777 = arith.addf %scan3A_760, %gather3A : vector<16xf32>
        tpu.vector_store_idx %arg6[%broadcast_in_dim3A_776, %add3A_326], %scan3A_761 : memref<32x512xf32, #tpu.memory_space<vmem>>[vector<16xi32>, vector<16xi32>], vector<16xf32>,
        %gather3A_778 = tpu.vector_load_idx %arg4[%broadcast_in_dim3A_776, %add3A_326] : memref<32x512xf32, #tpu.memory_space<vmem>>[vector<16xi32>, vector<16xi32>], vector<16xf32>,
        %add3A_779 = arith.addf %scan3A_761, %gather3A_778 : vector<16xf32>
        tpu.vector_store_idx %arg6[%broadcast_in_dim3A_776, %add3A_330], %scan3A_762 : memref<32x512xf32, #tpu.memory_space<vmem>>[vector<16xi32>, vector<16xi32>], vector<16xf32>,
        %gather3A_780 = tpu.vector_load_idx %arg4[%broadcast_in_dim3A_776, %add3A_330] : memref<32x512xf32, #tpu.memory_space<vmem>>[vector<16xi32>, vector<16xi32>], vector<16xf32>,
        %add3A_781 = arith.addf %scan3A_762, %gather3A_780 : vector<16xf32>
        tpu.vector_store_idx %arg6[%broadcast_in_dim3A_776, %add3A_334], %scan3A_763 : memref<32x512xf32, #tpu.memory_space<vmem>>[vector<16xi32>, vector<16xi32>], vector<16xf32>,
        %gather3A_782 = tpu.vector_load_idx %arg4[%broadcast_in_dim3A_776, %add3A_334] : memref<32x512xf32, #tpu.memory_space<vmem>>[vector<16xi32>, vector<16xi32>], vector<16xf32>,
        %add3A_783 = arith.addf %scan3A_763, %gather3A_782 : vector<16xf32>
        tpu.vector_store_idx %arg6[%broadcast_in_dim3A_776, %add3A_338], %scan3A_764 : memref<32x512xf32, #tpu.memory_space<vmem>>[vector<16xi32>, vector<16xi32>], vector<16xf32>,
        %gather3A_784 = tpu.vector_load_idx %arg4[%broadcast_in_dim3A_776, %add3A_338] : memref<32x512xf32, #tpu.memory_space<vmem>>[vector<16xi32>, vector<16xi32>], vector<16xf32>,
        %add3A_785 = arith.addf %scan3A_764, %gather3A_784 : vector<16xf32>
        tpu.vector_store_idx %arg6[%broadcast_in_dim3A_776, %add3A_342], %scan3A_765 : memref<32x512xf32, #tpu.memory_space<vmem>>[vector<16xi32>, vector<16xi32>], vector<16xf32>,
        %gather3A_786 = tpu.vector_load_idx %arg4[%broadcast_in_dim3A_776, %add3A_342] : memref<32x512xf32, #tpu.memory_space<vmem>>[vector<16xi32>, vector<16xi32>], vector<16xf32>,
        %add3A_787 = arith.addf %scan3A_765, %gather3A_786 : vector<16xf32>
        tpu.vector_store_idx %arg6[%broadcast_in_dim3A_776, %add3A_346], %scan3A_766 : memref<32x512xf32, #tpu.memory_space<vmem>>[vector<16xi32>, vector<16xi32>], vector<16xf32>,
        %gather3A_788 = tpu.vector_load_idx %arg4[%broadcast_in_dim3A_776, %add3A_346] : memref<32x512xf32, #tpu.memory_space<vmem>>[vector<16xi32>, vector<16xi32>], vector<16xf32>,
        %add3A_789 = arith.addf %scan3A_766, %gather3A_788 : vector<16xf32>
        tpu.vector_store_idx %arg6[%broadcast_in_dim3A_776, %add3A_350], %scan3A_767 : memref<32x512xf32, #tpu.memory_space<vmem>>[vector<16xi32>, vector<16xi32>], vector<16xf32>,
        %gather3A_790 = tpu.vector_load_idx %arg4[%broadcast_in_dim3A_776, %add3A_350] : memref<32x512xf32, #tpu.memory_space<vmem>>[vector<16xi32>, vector<16xi32>], vector<16xf32>,
        %add3A_791 = arith.addf %scan3A_767, %gather3A_790 : vector<16xf32>
        tpu.vector_store_idx %arg6[%broadcast_in_dim3A_776, %add3A_354], %scan3A_768 : memref<32x512xf32, #tpu.memory_space<vmem>>[vector<16xi32>, vector<16xi32>], vector<16xf32>,
        %gather3A_792 = tpu.vector_load_idx %arg4[%broadcast_in_dim3A_776, %add3A_354] : memref<32x512xf32, #tpu.memory_space<vmem>>[vector<16xi32>, vector<16xi32>], vector<16xf32>,
        %add3A_793 = arith.addf %scan3A_768, %gather3A_792 : vector<16xf32>
        tpu.vector_store_idx %arg6[%broadcast_in_dim3A_776, %add3A_358], %scan3A_769 : memref<32x512xf32, #tpu.memory_space<vmem>>[vector<16xi32>, vector<16xi32>], vector<16xf32>,
        %gather3A_794 = tpu.vector_load_idx %arg4[%broadcast_in_dim3A_776, %add3A_358] : memref<32x512xf32, #tpu.memory_space<vmem>>[vector<16xi32>, vector<16xi32>], vector<16xf32>,
        %add3A_795 = arith.addf %scan3A_769, %gather3A_794 : vector<16xf32>
        tpu.vector_store_idx %arg6[%broadcast_in_dim3A_776, %add3A_362], %scan3A_770 : memref<32x512xf32, #tpu.memory_space<vmem>>[vector<16xi32>, vector<16xi32>], vector<16xf32>,
        %gather3A_796 = tpu.vector_load_idx %arg4[%broadcast_in_dim3A_776, %add3A_362] : memref<32x512xf32, #tpu.memory_space<vmem>>[vector<16xi32>, vector<16xi32>], vector<16xf32>,
        %add3A_797 = arith.addf %scan3A_770, %gather3A_796 : vector<16xf32>
        tpu.vector_store_idx %arg6[%broadcast_in_dim3A_776, %add3A_366], %scan3A_771 : memref<32x512xf32, #tpu.memory_space<vmem>>[vector<16xi32>, vector<16xi32>], vector<16xf32>,
        %gather3A_798 = tpu.vector_load_idx %arg4[%broadcast_in_dim3A_776, %add3A_366] : memref<32x512xf32, #tpu.memory_space<vmem>>[vector<16xi32>, vector<16xi32>], vector<16xf32>,
        %add3A_799 = arith.addf %scan3A_771, %gather3A_798 : vector<16xf32>
        tpu.vector_store_idx %arg6[%broadcast_in_dim3A_776, %add3A_370], %scan3A_772 : memref<32x512xf32, #tpu.memory_space<vmem>>[vector<16xi32>, vector<16xi32>], vector<16xf32>,
        %gather3A_800 = tpu.vector_load_idx %arg4[%broadcast_in_dim3A_776, %add3A_370] : memref<32x512xf32, #tpu.memory_space<vmem>>[vector<16xi32>, vector<16xi32>], vector<16xf32>,
        %add3A_801 = arith.addf %scan3A_772, %gather3A_800 : vector<16xf32>
        tpu.vector_store_idx %arg6[%broadcast_in_dim3A_776, %add3A_374], %scan3A_773 : memref<32x512xf32, #tpu.memory_space<vmem>>[vector<16xi32>, vector<16xi32>], vector<16xf32>,
        %gather3A_802 = tpu.vector_load_idx %arg4[%broadcast_in_dim3A_776, %add3A_374] : memref<32x512xf32, #tpu.memory_space<vmem>>[vector<16xi32>, vector<16xi32>], vector<16xf32>,
        %add3A_803 = arith.addf %scan3A_773, %gather3A_802 : vector<16xf32>
        tpu.vector_store_idx %arg6[%broadcast_in_dim3A_776, %add3A_378], %scan3A_774 : memref<32x512xf32, #tpu.memory_space<vmem>>[vector<16xi32>, vector<16xi32>], vector<16xf32>,
        %gather3A_804 = tpu.vector_load_idx %arg4[%broadcast_in_dim3A_776, %add3A_378] : memref<32x512xf32, #tpu.memory_space<vmem>>[vector<16xi32>, vector<16xi32>], vector<16xf32>,
        %add3A_805 = arith.addf %scan3A_774, %gather3A_804 : vector<16xf32>
        tpu.vector_store_idx %arg6[%broadcast_in_dim3A_776, %add3A_382], %scan3A_775 : memref<32x512xf32, #tpu.memory_space<vmem>>[vector<16xi32>, vector<16xi32>], vector<16xf32>,
        %gather3A_806 = tpu.vector_load_idx %arg4[%broadcast_in_dim3A_776, %add3A_382] : memref<32x512xf32, #tpu.memory_space<vmem>>[vector<16xi32>, vector<16xi32>], vector<16xf32>,
        %add3A_807 = arith.addf %scan3A_775, %gather3A_806 : vector<16xf32>
        %scan3A_808 = arith.constant 1 : i32
        %scan3A_809 = arith.addi %scan3A_759, %scan3A_808 : i32
        %broadcast_in_dim3A_810 = vector.broadcast %scan3A_809 : i32 to vector<16xi32>
        tpu.vector_store_idx %arg6[%broadcast_in_dim3A_810, %add3A_322], %add3A_777 : memref<32x512xf32, #tpu.memory_space<vmem>>[vector<16xi32>, vector<16xi32>], vector<16xf32>,
        %gather3A_811 = tpu.vector_load_idx %arg4[%broadcast_in_dim3A_810, %add3A_322] : memref<32x512xf32, #tpu.memory_space<vmem>>[vector<16xi32>, vector<16xi32>], vector<16xf32>,
        %add3A_812 = arith.addf %add3A_777, %gather3A_811 : vector<16xf32>
        tpu.vector_store_idx %arg6[%broadcast_in_dim3A_810, %add3A_326], %add3A_779 : memref<32x512xf32, #tpu.memory_space<vmem>>[vector<16xi32>, vector<16xi32>], vector<16xf32>,
        %gather3A_813 = tpu.vector_load_idx %arg4[%broadcast_in_dim3A_810, %add3A_326] : memref<32x512xf32, #tpu.memory_space<vmem>>[vector<16xi32>, vector<16xi32>], vector<16xf32>,
        %add3A_814 = arith.addf %add3A_779, %gather3A_813 : vector<16xf32>
        tpu.vector_store_idx %arg6[%broadcast_in_dim3A_810, %add3A_330], %add3A_781 : memref<32x512xf32, #tpu.memory_space<vmem>>[vector<16xi32>, vector<16xi32>], vector<16xf32>,
        %gather3A_815 = tpu.vector_load_idx %arg4[%broadcast_in_dim3A_810, %add3A_330] : memref<32x512xf32, #tpu.memory_space<vmem>>[vector<16xi32>, vector<16xi32>], vector<16xf32>,
        %add3A_816 = arith.addf %add3A_781, %gather3A_815 : vector<16xf32>
        tpu.vector_store_idx %arg6[%broadcast_in_dim3A_810, %add3A_334], %add3A_783 : memref<32x512xf32, #tpu.memory_space<vmem>>[vector<16xi32>, vector<16xi32>], vector<16xf32>,
        %gather3A_817 = tpu.vector_load_idx %arg4[%broadcast_in_dim3A_810, %add3A_334] : memref<32x512xf32, #tpu.memory_space<vmem>>[vector<16xi32>, vector<16xi32>], vector<16xf32>,
        %add3A_818 = arith.addf %add3A_783, %gather3A_817 : vector<16xf32>
        tpu.vector_store_idx %arg6[%broadcast_in_dim3A_810, %add3A_338], %add3A_785 : memref<32x512xf32, #tpu.memory_space<vmem>>[vector<16xi32>, vector<16xi32>], vector<16xf32>,
        %gather3A_819 = tpu.vector_load_idx %arg4[%broadcast_in_dim3A_810, %add3A_338] : memref<32x512xf32, #tpu.memory_space<vmem>>[vector<16xi32>, vector<16xi32>], vector<16xf32>,
        %add3A_820 = arith.addf %add3A_785, %gather3A_819 : vector<16xf32>
        tpu.vector_store_idx %arg6[%broadcast_in_dim3A_810, %add3A_342], %add3A_787 : memref<32x512xf32, #tpu.memory_space<vmem>>[vector<16xi32>, vector<16xi32>], vector<16xf32>,
        %gather3A_821 = tpu.vector_load_idx %arg4[%broadcast_in_dim3A_810, %add3A_342] : memref<32x512xf32, #tpu.memory_space<vmem>>[vector<16xi32>, vector<16xi32>], vector<16xf32>,
        %add3A_822 = arith.addf %add3A_787, %gather3A_821 : vector<16xf32>
        tpu.vector_store_idx %arg6[%broadcast_in_dim3A_810, %add3A_346], %add3A_789 : memref<32x512xf32, #tpu.memory_space<vmem>>[vector<16xi32>, vector<16xi32>], vector<16xf32>,
        %gather3A_823 = tpu.vector_load_idx %arg4[%broadcast_in_dim3A_810, %add3A_346] : memref<32x512xf32, #tpu.memory_space<vmem>>[vector<16xi32>, vector<16xi32>], vector<16xf32>,
        %add3A_824 = arith.addf %add3A_789, %gather3A_823 : vector<16xf32>
        tpu.vector_store_idx %arg6[%broadcast_in_dim3A_810, %add3A_350], %add3A_791 : memref<32x512xf32, #tpu.memory_space<vmem>>[vector<16xi32>, vector<16xi32>], vector<16xf32>,
        %gather3A_825 = tpu.vector_load_idx %arg4[%broadcast_in_dim3A_810, %add3A_350] : memref<32x512xf32, #tpu.memory_space<vmem>>[vector<16xi32>, vector<16xi32>], vector<16xf32>,
        %add3A_826 = arith.addf %add3A_791, %gather3A_825 : vector<16xf32>
        tpu.vector_store_idx %arg6[%broadcast_in_dim3A_810, %add3A_354], %add3A_793 : memref<32x512xf32, #tpu.memory_space<vmem>>[vector<16xi32>, vector<16xi32>], vector<16xf32>,
        %gather3A_827 = tpu.vector_load_idx %arg4[%broadcast_in_dim3A_810, %add3A_354] : memref<32x512xf32, #tpu.memory_space<vmem>>[vector<16xi32>, vector<16xi32>], vector<16xf32>,
        %add3A_828 = arith.addf %add3A_793, %gather3A_827 : vector<16xf32>
        tpu.vector_store_idx %arg6[%broadcast_in_dim3A_810, %add3A_358], %add3A_795 : memref<32x512xf32, #tpu.memory_space<vmem>>[vector<16xi32>, vector<16xi32>], vector<16xf32>,
        %gather3A_829 = tpu.vector_load_idx %arg4[%broadcast_in_dim3A_810, %add3A_358] : memref<32x512xf32, #tpu.memory_space<vmem>>[vector<16xi32>, vector<16xi32>], vector<16xf32>,
        %add3A_830 = arith.addf %add3A_795, %gather3A_829 : vector<16xf32>
        tpu.vector_store_idx %arg6[%broadcast_in_dim3A_810, %add3A_362], %add3A_797 : memref<32x512xf32, #tpu.memory_space<vmem>>[vector<16xi32>, vector<16xi32>], vector<16xf32>,
        %gather3A_831 = tpu.vector_load_idx %arg4[%broadcast_in_dim3A_810, %add3A_362] : memref<32x512xf32, #tpu.memory_space<vmem>>[vector<16xi32>, vector<16xi32>], vector<16xf32>,
        %add3A_832 = arith.addf %add3A_797, %gather3A_831 : vector<16xf32>
        tpu.vector_store_idx %arg6[%broadcast_in_dim3A_810, %add3A_366], %add3A_799 : memref<32x512xf32, #tpu.memory_space<vmem>>[vector<16xi32>, vector<16xi32>], vector<16xf32>,
        %gather3A_833 = tpu.vector_load_idx %arg4[%broadcast_in_dim3A_810, %add3A_366] : memref<32x512xf32, #tpu.memory_space<vmem>>[vector<16xi32>, vector<16xi32>], vector<16xf32>,
        %add3A_834 = arith.addf %add3A_799, %gather3A_833 : vector<16xf32>
        tpu.vector_store_idx %arg6[%broadcast_in_dim3A_810, %add3A_370], %add3A_801 : memref<32x512xf32, #tpu.memory_space<vmem>>[vector<16xi32>, vector<16xi32>], vector<16xf32>,
        %gather3A_835 = tpu.vector_load_idx %arg4[%broadcast_in_dim3A_810, %add3A_370] : memref<32x512xf32, #tpu.memory_space<vmem>>[vector<16xi32>, vector<16xi32>], vector<16xf32>,
        %add3A_836 = arith.addf %add3A_801, %gather3A_835 : vector<16xf32>
        tpu.vector_store_idx %arg6[%broadcast_in_dim3A_810, %add3A_374], %add3A_803 : memref<32x512xf32, #tpu.memory_space<vmem>>[vector<16xi32>, vector<16xi32>], vector<16xf32>,
        %gather3A_837 = tpu.vector_load_idx %arg4[%broadcast_in_dim3A_810, %add3A_374] : memref<32x512xf32, #tpu.memory_space<vmem>>[vector<16xi32>, vector<16xi32>], vector<16xf32>,
        %add3A_838 = arith.addf %add3A_803, %gather3A_837 : vector<16xf32>
        tpu.vector_store_idx %arg6[%broadcast_in_dim3A_810, %add3A_378], %add3A_805 : memref<32x512xf32, #tpu.memory_space<vmem>>[vector<16xi32>, vector<16xi32>], vector<16xf32>,
        %gather3A_839 = tpu.vector_load_idx %arg4[%broadcast_in_dim3A_810, %add3A_378] : memref<32x512xf32, #tpu.memory_space<vmem>>[vector<16xi32>, vector<16xi32>], vector<16xf32>,
        %add3A_840 = arith.addf %add3A_805, %gather3A_839 : vector<16xf32>
        tpu.vector_store_idx %arg6[%broadcast_in_dim3A_810, %add3A_382], %add3A_807 : memref<32x512xf32, #tpu.memory_space<vmem>>[vector<16xi32>, vector<16xi32>], vector<16xf32>,
        %gather3A_841 = tpu.vector_load_idx %arg4[%broadcast_in_dim3A_810, %add3A_382] : memref<32x512xf32, #tpu.memory_space<vmem>>[vector<16xi32>, vector<16xi32>], vector<16xf32>,
        %add3A_842 = arith.addf %add3A_807, %gather3A_841 : vector<16xf32>
        scf.yield %add3A_812, %add3A_814, %add3A_816, %add3A_818, %add3A_820, %add3A_822, %add3A_824, %add3A_826, %add3A_828, %add3A_830, %add3A_832, %add3A_834, %add3A_836, %add3A_838, %add3A_840, %add3A_842 : vector<16xf32>, vector<16xf32>, vector<16xf32>, vector<16xf32>, vector<16xf32>, vector<16xf32>, vector<16xf32>, vector<16xf32>, vector<16xf32>, vector<16xf32>, vector<16xf32>, vector<16xf32>, vector<16xf32>, vector<16xf32>, vector<16xf32>, vector<16xf32>
      }
      %scan3A_420 = arith.constant 32 : i32
      %swap3A_421 = arith.constant 256 : index
      %swap3A_422 = tpu.vector_load %arg9[%swap3A_421] {strides = array<i32>} : memref<512xf32, #tpu.memory_space<vmem>>, vector<16xf32>,
      tpu.vector_store %arg9[%swap3A_421], %scan3A_419#0 {strides = array<i32>} : memref<512xf32, #tpu.memory_space<vmem>>, vector<16xf32>,
      %swap3A_423 = arith.constant 272 : index
      %swap3A_424 = tpu.vector_load %arg9[%swap3A_423] {strides = array<i32>} : memref<512xf32, #tpu.memory_space<vmem>>, vector<16xf32>,
      tpu.vector_store %arg9[%swap3A_423], %scan3A_419#1 {strides = array<i32>} : memref<512xf32, #tpu.memory_space<vmem>>, vector<16xf32>,
      %swap3A_425 = arith.constant 288 : index
      %swap3A_426 = tpu.vector_load %arg9[%swap3A_425] {strides = array<i32>} : memref<512xf32, #tpu.memory_space<vmem>>, vector<16xf32>,
      tpu.vector_store %arg9[%swap3A_425], %scan3A_419#2 {strides = array<i32>} : memref<512xf32, #tpu.memory_space<vmem>>, vector<16xf32>,
      %swap3A_427 = arith.constant 304 : index
      %swap3A_428 = tpu.vector_load %arg9[%swap3A_427] {strides = array<i32>} : memref<512xf32, #tpu.memory_space<vmem>>, vector<16xf32>,
      tpu.vector_store %arg9[%swap3A_427], %scan3A_419#3 {strides = array<i32>} : memref<512xf32, #tpu.memory_space<vmem>>, vector<16xf32>,
      %swap3A_429 = arith.constant 320 : index
      %swap3A_430 = tpu.vector_load %arg9[%swap3A_429] {strides = array<i32>} : memref<512xf32, #tpu.memory_space<vmem>>, vector<16xf32>,
      tpu.vector_store %arg9[%swap3A_429], %scan3A_419#4 {strides = array<i32>} : memref<512xf32, #tpu.memory_space<vmem>>, vector<16xf32>,
      %swap3A_431 = arith.constant 336 : index
      %swap3A_432 = tpu.vector_load %arg9[%swap3A_431] {strides = array<i32>} : memref<512xf32, #tpu.memory_space<vmem>>, vector<16xf32>,
      tpu.vector_store %arg9[%swap3A_431], %scan3A_419#5 {strides = array<i32>} : memref<512xf32, #tpu.memory_space<vmem>>, vector<16xf32>,
      %swap3A_433 = arith.constant 352 : index
      %swap3A_434 = tpu.vector_load %arg9[%swap3A_433] {strides = array<i32>} : memref<512xf32, #tpu.memory_space<vmem>>, vector<16xf32>,
      tpu.vector_store %arg9[%swap3A_433], %scan3A_419#6 {strides = array<i32>} : memref<512xf32, #tpu.memory_space<vmem>>, vector<16xf32>,
      %swap3A_435 = arith.constant 368 : index
      %swap3A_436 = tpu.vector_load %arg9[%swap3A_435] {strides = array<i32>} : memref<512xf32, #tpu.memory_space<vmem>>, vector<16xf32>,
      tpu.vector_store %arg9[%swap3A_435], %scan3A_419#7 {strides = array<i32>} : memref<512xf32, #tpu.memory_space<vmem>>, vector<16xf32>,
      %swap3A_437 = arith.constant 384 : index
      %swap3A_438 = tpu.vector_load %arg9[%swap3A_437] {strides = array<i32>} : memref<512xf32, #tpu.memory_space<vmem>>, vector<16xf32>,
      tpu.vector_store %arg9[%swap3A_437], %scan3A_419#8 {strides = array<i32>} : memref<512xf32, #tpu.memory_space<vmem>>, vector<16xf32>,
      %swap3A_439 = arith.constant 400 : index
      %swap3A_440 = tpu.vector_load %arg9[%swap3A_439] {strides = array<i32>} : memref<512xf32, #tpu.memory_space<vmem>>, vector<16xf32>,
      tpu.vector_store %arg9[%swap3A_439], %scan3A_419#9 {strides = array<i32>} : memref<512xf32, #tpu.memory_space<vmem>>, vector<16xf32>,
      %swap3A_441 = arith.constant 416 : index
      %swap3A_442 = tpu.vector_load %arg9[%swap3A_441] {strides = array<i32>} : memref<512xf32, #tpu.memory_space<vmem>>, vector<16xf32>,
      tpu.vector_store %arg9[%swap3A_441], %scan3A_419#10 {strides = array<i32>} : memref<512xf32, #tpu.memory_space<vmem>>, vector<16xf32>,
      %swap3A_443 = arith.constant 432 : index
      %swap3A_444 = tpu.vector_load %arg9[%swap3A_443] {strides = array<i32>} : memref<512xf32, #tpu.memory_space<vmem>>, vector<16xf32>,
      tpu.vector_store %arg9[%swap3A_443], %scan3A_419#11 {strides = array<i32>} : memref<512xf32, #tpu.memory_space<vmem>>, vector<16xf32>,
      %swap3A_445 = arith.constant 448 : index
      %swap3A_446 = tpu.vector_load %arg9[%swap3A_445] {strides = array<i32>} : memref<512xf32, #tpu.memory_space<vmem>>, vector<16xf32>,
      tpu.vector_store %arg9[%swap3A_445], %scan3A_419#12 {strides = array<i32>} : memref<512xf32, #tpu.memory_space<vmem>>, vector<16xf32>,
      %swap3A_447 = arith.constant 464 : index
      %swap3A_448 = tpu.vector_load %arg9[%swap3A_447] {strides = array<i32>} : memref<512xf32, #tpu.memory_space<vmem>>, vector<16xf32>,
      tpu.vector_store %arg9[%swap3A_447], %scan3A_419#13 {strides = array<i32>} : memref<512xf32, #tpu.memory_space<vmem>>, vector<16xf32>,
      %swap3A_449 = arith.constant 480 : index
      %swap3A_450 = tpu.vector_load %arg9[%swap3A_449] {strides = array<i32>} : memref<512xf32, #tpu.memory_space<vmem>>, vector<16xf32>,
      tpu.vector_store %arg9[%swap3A_449], %scan3A_419#14 {strides = array<i32>} : memref<512xf32, #tpu.memory_space<vmem>>, vector<16xf32>,
      %swap3A_451 = arith.constant 496 : index
      %swap3A_452 = tpu.vector_load %arg9[%swap3A_451] {strides = array<i32>} : memref<512xf32, #tpu.memory_space<vmem>>, vector<16xf32>,
      tpu.vector_store %arg9[%swap3A_451], %scan3A_419#15 {strides = array<i32>} : memref<512xf32, #tpu.memory_space<vmem>>, vector<16xf32>,
      %mul3A_453 = arith.constant 32 : i32
      %mul3A_454 = arith.muli %mul3A_179, %mul3A_453 : i32
      %add3A_455 = arith.addi %mul3A_0, %mul3A_454 : i32
      %dma_start3A_456 = tpu.memref_slice %arg3[%add3A_455, %mul3A_2] : memref<32768x1024xf32, #tpu.memory_space<hbm>> -> memref<32x512xf32, #tpu.memory_space<hbm>>
      %dma_start3A_457 = tpu.memref_slice %arg3[%add3A_455, %mul3A_2] : memref<32768x1024xf32, #tpu.memory_space<hbm>> -> memref<32x512xf32, #tpu.memory_space<hbm>>
      tpu.enqueue_dma source(%arg6 : memref<32x512xf32, #tpu.memory_space<vmem>>) target(%dma_start3A_457 : memref<32x512xf32, #tpu.memory_space<hbm>>) target_semaphore(%arg13 : memref<!tpu.dma_semaphore, #tpu.memory_space<semaphore_mem>>)
      %add3A_458 = arith.constant 2 : i32
      %add3A_459 = arith.addi %mul3A_179, %add3A_458 : i32
      %lt3A = arith.constant 64 : i32
      %lt3A_460 = arith.cmpi slt, %add3A_459, %lt3A : i32
      %convert_element_type3A_461 = arith.extui %lt3A_460 : i1 to i32
      %cond3A_462 = arith.constant 0 : i32
      %cond3A_463 = arith.cmpi ne, %convert_element_type3A_461, %cond3A_462 : i32
      scf.if %cond3A_463 {
        %add3A_759 = arith.constant 2 : i32
        %add3A_760 = arith.addi %mul3A_179, %add3A_759 : i32
        %mul3A_761 = arith.constant 32 : i32
        %mul3A_762 = arith.muli %add3A_760, %mul3A_761 : i32
        %add3A_763 = arith.addi %mul3A_0, %mul3A_762 : i32
        %dma_start3A_764 = tpu.memref_slice %arg2[%add3A_763, %mul3A_2] : memref<32768x1024xf32, #tpu.memory_space<hbm>> -> memref<32x512xf32, #tpu.memory_space<hbm>>
        %dma_start3A_765 = tpu.memref_slice %arg2[%add3A_763, %mul3A_2] : memref<32768x1024xf32, #tpu.memory_space<hbm>> -> memref<32x512xf32, #tpu.memory_space<hbm>>
        tpu.enqueue_dma source(%dma_start3A_765 : memref<32x512xf32, #tpu.memory_space<hbm>>) target(%arg4 : memref<32x512xf32, #tpu.memory_space<vmem>>) target_semaphore(%arg11 : memref<!tpu.dma_semaphore, #tpu.memory_space<semaphore_mem>>)
      } else {
      }
      %add3A_464 = arith.constant 1 : i32
      %add3A_465 = arith.addi %mul3A_179, %add3A_464 : i32
      %mul3A_466 = arith.constant 32 : i32
      %mul3A_467 = arith.muli %add3A_465, %mul3A_466 : i32
      %add3A_468 = arith.addi %mul3A_0, %mul3A_467 : i32
      %dma_wait3A_469 = tpu.memref_slice %arg2[%add3A_468, %mul3A_2] : memref<32768x1024xf32, #tpu.memory_space<hbm>> -> memref<32x512xf32, #tpu.memory_space<hbm>>
      %dma_wait3A_470 = tpu.memref_slice %arg2[%add3A_468, %mul3A_2] : memref<32768x1024xf32, #tpu.memory_space<hbm>> -> memref<32x512xf32, #tpu.memory_space<hbm>>
      tpu.wait_dma2 semaphore(%arg12 : memref<!tpu.dma_semaphore, #tpu.memory_space<semaphore_mem>>) src(%dma_wait3A_470 : memref<32x512xf32, #tpu.memory_space<hbm>>) dst(%arg5 : memref<32x512xf32, #tpu.memory_space<vmem>>)
      %gt3A_471 = arith.constant 0 : i32
      %gt3A_472 = arith.cmpi sgt, %scan3A_176, %gt3A_471 : i32
      %convert_element_type3A_473 = arith.extui %gt3A_472 : i1 to i32
      %cond3A_474 = arith.constant 0 : i32
      %cond3A_475 = arith.cmpi ne, %convert_element_type3A_473, %cond3A_474 : i32
      scf.if %cond3A_475 {
        %add3A_759 = arith.constant 1 : i32
        %add3A_760 = arith.addi %mul3A_179, %add3A_759 : i32
        %mul3A_761 = arith.constant 32 : i32
        %mul3A_762 = arith.muli %add3A_760, %mul3A_761 : i32
        %add3A_763 = arith.addi %mul3A_0, %mul3A_762 : i32
        %dma_wait3A_764 = tpu.memref_slice %arg3[%add3A_763, %mul3A_2] : memref<32768x1024xf32, #tpu.memory_space<hbm>> -> memref<32x512xf32, #tpu.memory_space<hbm>>
        %dma_wait3A_765 = tpu.memref_slice %arg3[%add3A_763, %mul3A_2] : memref<32768x1024xf32, #tpu.memory_space<hbm>> -> memref<32x512xf32, #tpu.memory_space<hbm>>
        tpu.wait_dma2 semaphore(%arg14 : memref<!tpu.dma_semaphore, #tpu.memory_space<semaphore_mem>>) src(%arg7 : memref<32x512xf32, #tpu.memory_space<vmem>>) dst(%dma_wait3A_765 : memref<32x512xf32, #tpu.memory_space<hbm>>)
      } else {
      }
      %iota3A_476 = tpu.iota {dimensions = array<i32: 0>} : vector<16xi32>
      %add3A_477 = arith.constant 0 : i32
      %add3A_478 = vector.broadcast %add3A_477 : i32 to vector<16xi32>
      %add3A_479 = arith.addi %iota3A_476, %add3A_478 : vector<16xi32>
      %iota3A_480 = tpu.iota {dimensions = array<i32: 0>} : vector<16xi32>
      %add3A_481 = arith.constant 16 : i32
      %add3A_482 = vector.broadcast %add3A_481 : i32 to vector<16xi32>
      %add3A_483 = arith.addi %iota3A_480, %add3A_482 : vector<16xi32>
      %iota3A_484 = tpu.iota {dimensions = array<i32: 0>} : vector<16xi32>
      %add3A_485 = arith.constant 32 : i32
      %add3A_486 = vector.broadcast %add3A_485 : i32 to vector<16xi32>
      %add3A_487 = arith.addi %iota3A_484, %add3A_486 : vector<16xi32>
      %iota3A_488 = tpu.iota {dimensions = array<i32: 0>} : vector<16xi32>
      %add3A_489 = arith.constant 48 : i32
      %add3A_490 = vector.broadcast %add3A_489 : i32 to vector<16xi32>
      %add3A_491 = arith.addi %iota3A_488, %add3A_490 : vector<16xi32>
      %iota3A_492 = tpu.iota {dimensions = array<i32: 0>} : vector<16xi32>
      %add3A_493 = arith.constant 64 : i32
      %add3A_494 = vector.broadcast %add3A_493 : i32 to vector<16xi32>
      %add3A_495 = arith.addi %iota3A_492, %add3A_494 : vector<16xi32>
      %iota3A_496 = tpu.iota {dimensions = array<i32: 0>} : vector<16xi32>
      %add3A_497 = arith.constant 80 : i32
      %add3A_498 = vector.broadcast %add3A_497 : i32 to vector<16xi32>
      %add3A_499 = arith.addi %iota3A_496, %add3A_498 : vector<16xi32>
      %iota3A_500 = tpu.iota {dimensions = array<i32: 0>} : vector<16xi32>
      %add3A_501 = arith.constant 96 : i32
      %add3A_502 = vector.broadcast %add3A_501 : i32 to vector<16xi32>
      %add3A_503 = arith.addi %iota3A_500, %add3A_502 : vector<16xi32>
      %iota3A_504 = tpu.iota {dimensions = array<i32: 0>} : vector<16xi32>
      %add3A_505 = arith.constant 112 : i32
      %add3A_506 = vector.broadcast %add3A_505 : i32 to vector<16xi32>
      %add3A_507 = arith.addi %iota3A_504, %add3A_506 : vector<16xi32>
      %iota3A_508 = tpu.iota {dimensions = array<i32: 0>} : vector<16xi32>
      %add3A_509 = arith.constant 128 : i32
      %add3A_510 = vector.broadcast %add3A_509 : i32 to vector<16xi32>
      %add3A_511 = arith.addi %iota3A_508, %add3A_510 : vector<16xi32>
      %iota3A_512 = tpu.iota {dimensions = array<i32: 0>} : vector<16xi32>
      %add3A_513 = arith.constant 144 : i32
      %add3A_514 = vector.broadcast %add3A_513 : i32 to vector<16xi32>
      %add3A_515 = arith.addi %iota3A_512, %add3A_514 : vector<16xi32>
      %iota3A_516 = tpu.iota {dimensions = array<i32: 0>} : vector<16xi32>
      %add3A_517 = arith.constant 160 : i32
      %add3A_518 = vector.broadcast %add3A_517 : i32 to vector<16xi32>
      %add3A_519 = arith.addi %iota3A_516, %add3A_518 : vector<16xi32>
      %iota3A_520 = tpu.iota {dimensions = array<i32: 0>} : vector<16xi32>
      %add3A_521 = arith.constant 176 : i32
      %add3A_522 = vector.broadcast %add3A_521 : i32 to vector<16xi32>
      %add3A_523 = arith.addi %iota3A_520, %add3A_522 : vector<16xi32>
      %iota3A_524 = tpu.iota {dimensions = array<i32: 0>} : vector<16xi32>
      %add3A_525 = arith.constant 192 : i32
      %add3A_526 = vector.broadcast %add3A_525 : i32 to vector<16xi32>
      %add3A_527 = arith.addi %iota3A_524, %add3A_526 : vector<16xi32>
      %iota3A_528 = tpu.iota {dimensions = array<i32: 0>} : vector<16xi32>
      %add3A_529 = arith.constant 208 : i32
      %add3A_530 = vector.broadcast %add3A_529 : i32 to vector<16xi32>
      %add3A_531 = arith.addi %iota3A_528, %add3A_530 : vector<16xi32>
      %iota3A_532 = tpu.iota {dimensions = array<i32: 0>} : vector<16xi32>
      %add3A_533 = arith.constant 224 : i32
      %add3A_534 = vector.broadcast %add3A_533 : i32 to vector<16xi32>
      %add3A_535 = arith.addi %iota3A_532, %add3A_534 : vector<16xi32>
      %iota3A_536 = tpu.iota {dimensions = array<i32: 0>} : vector<16xi32>
      %add3A_537 = arith.constant 240 : i32
      %add3A_538 = vector.broadcast %add3A_537 : i32 to vector<16xi32>
      %add3A_539 = arith.addi %iota3A_536, %add3A_538 : vector<16xi32>
      %get3A_540 = arith.constant 0 : index
      %get3A_541 = tpu.vector_load %arg9[%get3A_540] {strides = array<i32>} : memref<512xf32, #tpu.memory_space<vmem>>, vector<16xf32>,
      %get3A_542 = arith.constant 16 : index
      %get3A_543 = tpu.vector_load %arg9[%get3A_542] {strides = array<i32>} : memref<512xf32, #tpu.memory_space<vmem>>, vector<16xf32>,
      %get3A_544 = arith.constant 32 : index
      %get3A_545 = tpu.vector_load %arg9[%get3A_544] {strides = array<i32>} : memref<512xf32, #tpu.memory_space<vmem>>, vector<16xf32>,
      %get3A_546 = arith.constant 48 : index
      %get3A_547 = tpu.vector_load %arg9[%get3A_546] {strides = array<i32>} : memref<512xf32, #tpu.memory_space<vmem>>, vector<16xf32>,
      %get3A_548 = arith.constant 64 : index
      %get3A_549 = tpu.vector_load %arg9[%get3A_548] {strides = array<i32>} : memref<512xf32, #tpu.memory_space<vmem>>, vector<16xf32>,
      %get3A_550 = arith.constant 80 : index
      %get3A_551 = tpu.vector_load %arg9[%get3A_550] {strides = array<i32>} : memref<512xf32, #tpu.memory_space<vmem>>, vector<16xf32>,
      %get3A_552 = arith.constant 96 : index
      %get3A_553 = tpu.vector_load %arg9[%get3A_552] {strides = array<i32>} : memref<512xf32, #tpu.memory_space<vmem>>, vector<16xf32>,
      %get3A_554 = arith.constant 112 : index
      %get3A_555 = tpu.vector_load %arg9[%get3A_554] {strides = array<i32>} : memref<512xf32, #tpu.memory_space<vmem>>, vector<16xf32>,
      %get3A_556 = arith.constant 128 : index
      %get3A_557 = tpu.vector_load %arg9[%get3A_556] {strides = array<i32>} : memref<512xf32, #tpu.memory_space<vmem>>, vector<16xf32>,
      %get3A_558 = arith.constant 144 : index
      %get3A_559 = tpu.vector_load %arg9[%get3A_558] {strides = array<i32>} : memref<512xf32, #tpu.memory_space<vmem>>, vector<16xf32>,
      %get3A_560 = arith.constant 160 : index
      %get3A_561 = tpu.vector_load %arg9[%get3A_560] {strides = array<i32>} : memref<512xf32, #tpu.memory_space<vmem>>, vector<16xf32>,
      %get3A_562 = arith.constant 176 : index
      %get3A_563 = tpu.vector_load %arg9[%get3A_562] {strides = array<i32>} : memref<512xf32, #tpu.memory_space<vmem>>, vector<16xf32>,
      %get3A_564 = arith.constant 192 : index
      %get3A_565 = tpu.vector_load %arg9[%get3A_564] {strides = array<i32>} : memref<512xf32, #tpu.memory_space<vmem>>, vector<16xf32>,
      %get3A_566 = arith.constant 208 : index
      %get3A_567 = tpu.vector_load %arg9[%get3A_566] {strides = array<i32>} : memref<512xf32, #tpu.memory_space<vmem>>, vector<16xf32>,
      %get3A_568 = arith.constant 224 : index
      %get3A_569 = tpu.vector_load %arg9[%get3A_568] {strides = array<i32>} : memref<512xf32, #tpu.memory_space<vmem>>, vector<16xf32>,
      %get3A_570 = arith.constant 240 : index
      %get3A_571 = tpu.vector_load %arg9[%get3A_570] {strides = array<i32>} : memref<512xf32, #tpu.memory_space<vmem>>, vector<16xf32>,
      %scan3A_572 = arith.constant 0 : i32
      %scan3A_573 = arith.constant 32 : i32
      %scan3A_574 = arith.addi %scan3A_572, %scan3A_573 : i32
      %scan3A_575 = arith.constant 2 : i32
      %scan3A_576:16 = scf.for %scan3A_759 = %scan3A_572 to %scan3A_574 step %scan3A_575 iter_args(%scan3A_760 = %get3A_541, %scan3A_761 = %get3A_543, %scan3A_762 = %get3A_545, %scan3A_763 = %get3A_547, %scan3A_764 = %get3A_549, %scan3A_765 = %get3A_551, %scan3A_766 = %get3A_553, %scan3A_767 = %get3A_555, %scan3A_768 = %get3A_557, %scan3A_769 = %get3A_559, %scan3A_770 = %get3A_561, %scan3A_771 = %get3A_563, %scan3A_772 = %get3A_565, %scan3A_773 = %get3A_567, %scan3A_774 = %get3A_569, %scan3A_775 = %get3A_571) -> (vector<16xf32>, vector<16xf32>, vector<16xf32>, vector<16xf32>, vector<16xf32>, vector<16xf32>, vector<16xf32>, vector<16xf32>, vector<16xf32>, vector<16xf32>, vector<16xf32>, vector<16xf32>, vector<16xf32>, vector<16xf32>, vector<16xf32>, vector<16xf32>)  : i32 {
        %broadcast_in_dim3A_776 = vector.broadcast %scan3A_759 : i32 to vector<16xi32>
        tpu.vector_store_idx %arg7[%broadcast_in_dim3A_776, %add3A_479], %scan3A_760 : memref<32x512xf32, #tpu.memory_space<vmem>>[vector<16xi32>, vector<16xi32>], vector<16xf32>,
        %gather3A = tpu.vector_load_idx %arg5[%broadcast_in_dim3A_776, %add3A_479] : memref<32x512xf32, #tpu.memory_space<vmem>>[vector<16xi32>, vector<16xi32>], vector<16xf32>,
        %add3A_777 = arith.addf %scan3A_760, %gather3A : vector<16xf32>
        tpu.vector_store_idx %arg7[%broadcast_in_dim3A_776, %add3A_483], %scan3A_761 : memref<32x512xf32, #tpu.memory_space<vmem>>[vector<16xi32>, vector<16xi32>], vector<16xf32>,
        %gather3A_778 = tpu.vector_load_idx %arg5[%broadcast_in_dim3A_776, %add3A_483] : memref<32x512xf32, #tpu.memory_space<vmem>>[vector<16xi32>, vector<16xi32>], vector<16xf32>,
        %add3A_779 = arith.addf %scan3A_761, %gather3A_778 : vector<16xf32>
        tpu.vector_store_idx %arg7[%broadcast_in_dim3A_776, %add3A_487], %scan3A_762 : memref<32x512xf32, #tpu.memory_space<vmem>>[vector<16xi32>, vector<16xi32>], vector<16xf32>,
        %gather3A_780 = tpu.vector_load_idx %arg5[%broadcast_in_dim3A_776, %add3A_487] : memref<32x512xf32, #tpu.memory_space<vmem>>[vector<16xi32>, vector<16xi32>], vector<16xf32>,
        %add3A_781 = arith.addf %scan3A_762, %gather3A_780 : vector<16xf32>
        tpu.vector_store_idx %arg7[%broadcast_in_dim3A_776, %add3A_491], %scan3A_763 : memref<32x512xf32, #tpu.memory_space<vmem>>[vector<16xi32>, vector<16xi32>], vector<16xf32>,
        %gather3A_782 = tpu.vector_load_idx %arg5[%broadcast_in_dim3A_776, %add3A_491] : memref<32x512xf32, #tpu.memory_space<vmem>>[vector<16xi32>, vector<16xi32>], vector<16xf32>,
        %add3A_783 = arith.addf %scan3A_763, %gather3A_782 : vector<16xf32>
        tpu.vector_store_idx %arg7[%broadcast_in_dim3A_776, %add3A_495], %scan3A_764 : memref<32x512xf32, #tpu.memory_space<vmem>>[vector<16xi32>, vector<16xi32>], vector<16xf32>,
        %gather3A_784 = tpu.vector_load_idx %arg5[%broadcast_in_dim3A_776, %add3A_495] : memref<32x512xf32, #tpu.memory_space<vmem>>[vector<16xi32>, vector<16xi32>], vector<16xf32>,
        %add3A_785 = arith.addf %scan3A_764, %gather3A_784 : vector<16xf32>
        tpu.vector_store_idx %arg7[%broadcast_in_dim3A_776, %add3A_499], %scan3A_765 : memref<32x512xf32, #tpu.memory_space<vmem>>[vector<16xi32>, vector<16xi32>], vector<16xf32>,
        %gather3A_786 = tpu.vector_load_idx %arg5[%broadcast_in_dim3A_776, %add3A_499] : memref<32x512xf32, #tpu.memory_space<vmem>>[vector<16xi32>, vector<16xi32>], vector<16xf32>,
        %add3A_787 = arith.addf %scan3A_765, %gather3A_786 : vector<16xf32>
        tpu.vector_store_idx %arg7[%broadcast_in_dim3A_776, %add3A_503], %scan3A_766 : memref<32x512xf32, #tpu.memory_space<vmem>>[vector<16xi32>, vector<16xi32>], vector<16xf32>,
        %gather3A_788 = tpu.vector_load_idx %arg5[%broadcast_in_dim3A_776, %add3A_503] : memref<32x512xf32, #tpu.memory_space<vmem>>[vector<16xi32>, vector<16xi32>], vector<16xf32>,
        %add3A_789 = arith.addf %scan3A_766, %gather3A_788 : vector<16xf32>
        tpu.vector_store_idx %arg7[%broadcast_in_dim3A_776, %add3A_507], %scan3A_767 : memref<32x512xf32, #tpu.memory_space<vmem>>[vector<16xi32>, vector<16xi32>], vector<16xf32>,
        %gather3A_790 = tpu.vector_load_idx %arg5[%broadcast_in_dim3A_776, %add3A_507] : memref<32x512xf32, #tpu.memory_space<vmem>>[vector<16xi32>, vector<16xi32>], vector<16xf32>,
        %add3A_791 = arith.addf %scan3A_767, %gather3A_790 : vector<16xf32>
        tpu.vector_store_idx %arg7[%broadcast_in_dim3A_776, %add3A_511], %scan3A_768 : memref<32x512xf32, #tpu.memory_space<vmem>>[vector<16xi32>, vector<16xi32>], vector<16xf32>,
        %gather3A_792 = tpu.vector_load_idx %arg5[%broadcast_in_dim3A_776, %add3A_511] : memref<32x512xf32, #tpu.memory_space<vmem>>[vector<16xi32>, vector<16xi32>], vector<16xf32>,
        %add3A_793 = arith.addf %scan3A_768, %gather3A_792 : vector<16xf32>
        tpu.vector_store_idx %arg7[%broadcast_in_dim3A_776, %add3A_515], %scan3A_769 : memref<32x512xf32, #tpu.memory_space<vmem>>[vector<16xi32>, vector<16xi32>], vector<16xf32>,
        %gather3A_794 = tpu.vector_load_idx %arg5[%broadcast_in_dim3A_776, %add3A_515] : memref<32x512xf32, #tpu.memory_space<vmem>>[vector<16xi32>, vector<16xi32>], vector<16xf32>,
        %add3A_795 = arith.addf %scan3A_769, %gather3A_794 : vector<16xf32>
        tpu.vector_store_idx %arg7[%broadcast_in_dim3A_776, %add3A_519], %scan3A_770 : memref<32x512xf32, #tpu.memory_space<vmem>>[vector<16xi32>, vector<16xi32>], vector<16xf32>,
        %gather3A_796 = tpu.vector_load_idx %arg5[%broadcast_in_dim3A_776, %add3A_519] : memref<32x512xf32, #tpu.memory_space<vmem>>[vector<16xi32>, vector<16xi32>], vector<16xf32>,
        %add3A_797 = arith.addf %scan3A_770, %gather3A_796 : vector<16xf32>
        tpu.vector_store_idx %arg7[%broadcast_in_dim3A_776, %add3A_523], %scan3A_771 : memref<32x512xf32, #tpu.memory_space<vmem>>[vector<16xi32>, vector<16xi32>], vector<16xf32>,
        %gather3A_798 = tpu.vector_load_idx %arg5[%broadcast_in_dim3A_776, %add3A_523] : memref<32x512xf32, #tpu.memory_space<vmem>>[vector<16xi32>, vector<16xi32>], vector<16xf32>,
        %add3A_799 = arith.addf %scan3A_771, %gather3A_798 : vector<16xf32>
        tpu.vector_store_idx %arg7[%broadcast_in_dim3A_776, %add3A_527], %scan3A_772 : memref<32x512xf32, #tpu.memory_space<vmem>>[vector<16xi32>, vector<16xi32>], vector<16xf32>,
        %gather3A_800 = tpu.vector_load_idx %arg5[%broadcast_in_dim3A_776, %add3A_527] : memref<32x512xf32, #tpu.memory_space<vmem>>[vector<16xi32>, vector<16xi32>], vector<16xf32>,
        %add3A_801 = arith.addf %scan3A_772, %gather3A_800 : vector<16xf32>
        tpu.vector_store_idx %arg7[%broadcast_in_dim3A_776, %add3A_531], %scan3A_773 : memref<32x512xf32, #tpu.memory_space<vmem>>[vector<16xi32>, vector<16xi32>], vector<16xf32>,
        %gather3A_802 = tpu.vector_load_idx %arg5[%broadcast_in_dim3A_776, %add3A_531] : memref<32x512xf32, #tpu.memory_space<vmem>>[vector<16xi32>, vector<16xi32>], vector<16xf32>,
        %add3A_803 = arith.addf %scan3A_773, %gather3A_802 : vector<16xf32>
        tpu.vector_store_idx %arg7[%broadcast_in_dim3A_776, %add3A_535], %scan3A_774 : memref<32x512xf32, #tpu.memory_space<vmem>>[vector<16xi32>, vector<16xi32>], vector<16xf32>,
        %gather3A_804 = tpu.vector_load_idx %arg5[%broadcast_in_dim3A_776, %add3A_535] : memref<32x512xf32, #tpu.memory_space<vmem>>[vector<16xi32>, vector<16xi32>], vector<16xf32>,
        %add3A_805 = arith.addf %scan3A_774, %gather3A_804 : vector<16xf32>
        tpu.vector_store_idx %arg7[%broadcast_in_dim3A_776, %add3A_539], %scan3A_775 : memref<32x512xf32, #tpu.memory_space<vmem>>[vector<16xi32>, vector<16xi32>], vector<16xf32>,
        %gather3A_806 = tpu.vector_load_idx %arg5[%broadcast_in_dim3A_776, %add3A_539] : memref<32x512xf32, #tpu.memory_space<vmem>>[vector<16xi32>, vector<16xi32>], vector<16xf32>,
        %add3A_807 = arith.addf %scan3A_775, %gather3A_806 : vector<16xf32>
        %scan3A_808 = arith.constant 1 : i32
        %scan3A_809 = arith.addi %scan3A_759, %scan3A_808 : i32
        %broadcast_in_dim3A_810 = vector.broadcast %scan3A_809 : i32 to vector<16xi32>
        tpu.vector_store_idx %arg7[%broadcast_in_dim3A_810, %add3A_479], %add3A_777 : memref<32x512xf32, #tpu.memory_space<vmem>>[vector<16xi32>, vector<16xi32>], vector<16xf32>,
        %gather3A_811 = tpu.vector_load_idx %arg5[%broadcast_in_dim3A_810, %add3A_479] : memref<32x512xf32, #tpu.memory_space<vmem>>[vector<16xi32>, vector<16xi32>], vector<16xf32>,
        %add3A_812 = arith.addf %add3A_777, %gather3A_811 : vector<16xf32>
        tpu.vector_store_idx %arg7[%broadcast_in_dim3A_810, %add3A_483], %add3A_779 : memref<32x512xf32, #tpu.memory_space<vmem>>[vector<16xi32>, vector<16xi32>], vector<16xf32>,
        %gather3A_813 = tpu.vector_load_idx %arg5[%broadcast_in_dim3A_810, %add3A_483] : memref<32x512xf32, #tpu.memory_space<vmem>>[vector<16xi32>, vector<16xi32>], vector<16xf32>,
        %add3A_814 = arith.addf %add3A_779, %gather3A_813 : vector<16xf32>
        tpu.vector_store_idx %arg7[%broadcast_in_dim3A_810, %add3A_487], %add3A_781 : memref<32x512xf32, #tpu.memory_space<vmem>>[vector<16xi32>, vector<16xi32>], vector<16xf32>,
        %gather3A_815 = tpu.vector_load_idx %arg5[%broadcast_in_dim3A_810, %add3A_487] : memref<32x512xf32, #tpu.memory_space<vmem>>[vector<16xi32>, vector<16xi32>], vector<16xf32>,
        %add3A_816 = arith.addf %add3A_781, %gather3A_815 : vector<16xf32>
        tpu.vector_store_idx %arg7[%broadcast_in_dim3A_810, %add3A_491], %add3A_783 : memref<32x512xf32, #tpu.memory_space<vmem>>[vector<16xi32>, vector<16xi32>], vector<16xf32>,
        %gather3A_817 = tpu.vector_load_idx %arg5[%broadcast_in_dim3A_810, %add3A_491] : memref<32x512xf32, #tpu.memory_space<vmem>>[vector<16xi32>, vector<16xi32>], vector<16xf32>,
        %add3A_818 = arith.addf %add3A_783, %gather3A_817 : vector<16xf32>
        tpu.vector_store_idx %arg7[%broadcast_in_dim3A_810, %add3A_495], %add3A_785 : memref<32x512xf32, #tpu.memory_space<vmem>>[vector<16xi32>, vector<16xi32>], vector<16xf32>,
        %gather3A_819 = tpu.vector_load_idx %arg5[%broadcast_in_dim3A_810, %add3A_495] : memref<32x512xf32, #tpu.memory_space<vmem>>[vector<16xi32>, vector<16xi32>], vector<16xf32>,
        %add3A_820 = arith.addf %add3A_785, %gather3A_819 : vector<16xf32>
        tpu.vector_store_idx %arg7[%broadcast_in_dim3A_810, %add3A_499], %add3A_787 : memref<32x512xf32, #tpu.memory_space<vmem>>[vector<16xi32>, vector<16xi32>], vector<16xf32>,
        %gather3A_821 = tpu.vector_load_idx %arg5[%broadcast_in_dim3A_810, %add3A_499] : memref<32x512xf32, #tpu.memory_space<vmem>>[vector<16xi32>, vector<16xi32>], vector<16xf32>,
        %add3A_822 = arith.addf %add3A_787, %gather3A_821 : vector<16xf32>
        tpu.vector_store_idx %arg7[%broadcast_in_dim3A_810, %add3A_503], %add3A_789 : memref<32x512xf32, #tpu.memory_space<vmem>>[vector<16xi32>, vector<16xi32>], vector<16xf32>,
        %gather3A_823 = tpu.vector_load_idx %arg5[%broadcast_in_dim3A_810, %add3A_503] : memref<32x512xf32, #tpu.memory_space<vmem>>[vector<16xi32>, vector<16xi32>], vector<16xf32>,
        %add3A_824 = arith.addf %add3A_789, %gather3A_823 : vector<16xf32>
        tpu.vector_store_idx %arg7[%broadcast_in_dim3A_810, %add3A_507], %add3A_791 : memref<32x512xf32, #tpu.memory_space<vmem>>[vector<16xi32>, vector<16xi32>], vector<16xf32>,
        %gather3A_825 = tpu.vector_load_idx %arg5[%broadcast_in_dim3A_810, %add3A_507] : memref<32x512xf32, #tpu.memory_space<vmem>>[vector<16xi32>, vector<16xi32>], vector<16xf32>,
        %add3A_826 = arith.addf %add3A_791, %gather3A_825 : vector<16xf32>
        tpu.vector_store_idx %arg7[%broadcast_in_dim3A_810, %add3A_511], %add3A_793 : memref<32x512xf32, #tpu.memory_space<vmem>>[vector<16xi32>, vector<16xi32>], vector<16xf32>,
        %gather3A_827 = tpu.vector_load_idx %arg5[%broadcast_in_dim3A_810, %add3A_511] : memref<32x512xf32, #tpu.memory_space<vmem>>[vector<16xi32>, vector<16xi32>], vector<16xf32>,
        %add3A_828 = arith.addf %add3A_793, %gather3A_827 : vector<16xf32>
        tpu.vector_store_idx %arg7[%broadcast_in_dim3A_810, %add3A_515], %add3A_795 : memref<32x512xf32, #tpu.memory_space<vmem>>[vector<16xi32>, vector<16xi32>], vector<16xf32>,
        %gather3A_829 = tpu.vector_load_idx %arg5[%broadcast_in_dim3A_810, %add3A_515] : memref<32x512xf32, #tpu.memory_space<vmem>>[vector<16xi32>, vector<16xi32>], vector<16xf32>,
        %add3A_830 = arith.addf %add3A_795, %gather3A_829 : vector<16xf32>
        tpu.vector_store_idx %arg7[%broadcast_in_dim3A_810, %add3A_519], %add3A_797 : memref<32x512xf32, #tpu.memory_space<vmem>>[vector<16xi32>, vector<16xi32>], vector<16xf32>,
        %gather3A_831 = tpu.vector_load_idx %arg5[%broadcast_in_dim3A_810, %add3A_519] : memref<32x512xf32, #tpu.memory_space<vmem>>[vector<16xi32>, vector<16xi32>], vector<16xf32>,
        %add3A_832 = arith.addf %add3A_797, %gather3A_831 : vector<16xf32>
        tpu.vector_store_idx %arg7[%broadcast_in_dim3A_810, %add3A_523], %add3A_799 : memref<32x512xf32, #tpu.memory_space<vmem>>[vector<16xi32>, vector<16xi32>], vector<16xf32>,
        %gather3A_833 = tpu.vector_load_idx %arg5[%broadcast_in_dim3A_810, %add3A_523] : memref<32x512xf32, #tpu.memory_space<vmem>>[vector<16xi32>, vector<16xi32>], vector<16xf32>,
        %add3A_834 = arith.addf %add3A_799, %gather3A_833 : vector<16xf32>
        tpu.vector_store_idx %arg7[%broadcast_in_dim3A_810, %add3A_527], %add3A_801 : memref<32x512xf32, #tpu.memory_space<vmem>>[vector<16xi32>, vector<16xi32>], vector<16xf32>,
        %gather3A_835 = tpu.vector_load_idx %arg5[%broadcast_in_dim3A_810, %add3A_527] : memref<32x512xf32, #tpu.memory_space<vmem>>[vector<16xi32>, vector<16xi32>], vector<16xf32>,
        %add3A_836 = arith.addf %add3A_801, %gather3A_835 : vector<16xf32>
        tpu.vector_store_idx %arg7[%broadcast_in_dim3A_810, %add3A_531], %add3A_803 : memref<32x512xf32, #tpu.memory_space<vmem>>[vector<16xi32>, vector<16xi32>], vector<16xf32>,
        %gather3A_837 = tpu.vector_load_idx %arg5[%broadcast_in_dim3A_810, %add3A_531] : memref<32x512xf32, #tpu.memory_space<vmem>>[vector<16xi32>, vector<16xi32>], vector<16xf32>,
        %add3A_838 = arith.addf %add3A_803, %gather3A_837 : vector<16xf32>
        tpu.vector_store_idx %arg7[%broadcast_in_dim3A_810, %add3A_535], %add3A_805 : memref<32x512xf32, #tpu.memory_space<vmem>>[vector<16xi32>, vector<16xi32>], vector<16xf32>,
        %gather3A_839 = tpu.vector_load_idx %arg5[%broadcast_in_dim3A_810, %add3A_535] : memref<32x512xf32, #tpu.memory_space<vmem>>[vector<16xi32>, vector<16xi32>], vector<16xf32>,
        %add3A_840 = arith.addf %add3A_805, %gather3A_839 : vector<16xf32>
        tpu.vector_store_idx %arg7[%broadcast_in_dim3A_810, %add3A_539], %add3A_807 : memref<32x512xf32, #tpu.memory_space<vmem>>[vector<16xi32>, vector<16xi32>], vector<16xf32>,
        %gather3A_841 = tpu.vector_load_idx %arg5[%broadcast_in_dim3A_810, %add3A_539] : memref<32x512xf32, #tpu.memory_space<vmem>>[vector<16xi32>, vector<16xi32>], vector<16xf32>,
        %add3A_842 = arith.addf %add3A_807, %gather3A_841 : vector<16xf32>
        scf.yield %add3A_812, %add3A_814, %add3A_816, %add3A_818, %add3A_820, %add3A_822, %add3A_824, %add3A_826, %add3A_828, %add3A_830, %add3A_832, %add3A_834, %add3A_836, %add3A_838, %add3A_840, %add3A_842 : vector<16xf32>, vector<16xf32>, vector<16xf32>, vector<16xf32>, vector<16xf32>, vector<16xf32>, vector<16xf32>, vector<16xf32>, vector<16xf32>, vector<16xf32>, vector<16xf32>, vector<16xf32>, vector<16xf32>, vector<16xf32>, vector<16xf32>, vector<16xf32>
      }
      %scan3A_577 = arith.constant 32 : i32
      %swap3A_578 = arith.constant 0 : index
      %swap3A_579 = tpu.vector_load %arg9[%swap3A_578] {strides = array<i32>} : memref<512xf32, #tpu.memory_space<vmem>>, vector<16xf32>,
      tpu.vector_store %arg9[%swap3A_578], %scan3A_576#0 {strides = array<i32>} : memref<512xf32, #tpu.memory_space<vmem>>, vector<16xf32>,
      %swap3A_580 = arith.constant 16 : index
      %swap3A_581 = tpu.vector_load %arg9[%swap3A_580] {strides = array<i32>} : memref<512xf32, #tpu.memory_space<vmem>>, vector<16xf32>,
      tpu.vector_store %arg9[%swap3A_580], %scan3A_576#1 {strides = array<i32>} : memref<512xf32, #tpu.memory_space<vmem>>, vector<16xf32>,
      %swap3A_582 = arith.constant 32 : index
      %swap3A_583 = tpu.vector_load %arg9[%swap3A_582] {strides = array<i32>} : memref<512xf32, #tpu.memory_space<vmem>>, vector<16xf32>,
      tpu.vector_store %arg9[%swap3A_582], %scan3A_576#2 {strides = array<i32>} : memref<512xf32, #tpu.memory_space<vmem>>, vector<16xf32>,
      %swap3A_584 = arith.constant 48 : index
      %swap3A_585 = tpu.vector_load %arg9[%swap3A_584] {strides = array<i32>} : memref<512xf32, #tpu.memory_space<vmem>>, vector<16xf32>,
      tpu.vector_store %arg9[%swap3A_584], %scan3A_576#3 {strides = array<i32>} : memref<512xf32, #tpu.memory_space<vmem>>, vector<16xf32>,
      %swap3A_586 = arith.constant 64 : index
      %swap3A_587 = tpu.vector_load %arg9[%swap3A_586] {strides = array<i32>} : memref<512xf32, #tpu.memory_space<vmem>>, vector<16xf32>,
      tpu.vector_store %arg9[%swap3A_586], %scan3A_576#4 {strides = array<i32>} : memref<512xf32, #tpu.memory_space<vmem>>, vector<16xf32>,
      %swap3A_588 = arith.constant 80 : index
      %swap3A_589 = tpu.vector_load %arg9[%swap3A_588] {strides = array<i32>} : memref<512xf32, #tpu.memory_space<vmem>>, vector<16xf32>,
      tpu.vector_store %arg9[%swap3A_588], %scan3A_576#5 {strides = array<i32>} : memref<512xf32, #tpu.memory_space<vmem>>, vector<16xf32>,
      %swap3A_590 = arith.constant 96 : index
      %swap3A_591 = tpu.vector_load %arg9[%swap3A_590] {strides = array<i32>} : memref<512xf32, #tpu.memory_space<vmem>>, vector<16xf32>,
      tpu.vector_store %arg9[%swap3A_590], %scan3A_576#6 {strides = array<i32>} : memref<512xf32, #tpu.memory_space<vmem>>, vector<16xf32>,
      %swap3A_592 = arith.constant 112 : index
      %swap3A_593 = tpu.vector_load %arg9[%swap3A_592] {strides = array<i32>} : memref<512xf32, #tpu.memory_space<vmem>>, vector<16xf32>,
      tpu.vector_store %arg9[%swap3A_592], %scan3A_576#7 {strides = array<i32>} : memref<512xf32, #tpu.memory_space<vmem>>, vector<16xf32>,
      %swap3A_594 = arith.constant 128 : index
      %swap3A_595 = tpu.vector_load %arg9[%swap3A_594] {strides = array<i32>} : memref<512xf32, #tpu.memory_space<vmem>>, vector<16xf32>,
      tpu.vector_store %arg9[%swap3A_594], %scan3A_576#8 {strides = array<i32>} : memref<512xf32, #tpu.memory_space<vmem>>, vector<16xf32>,
      %swap3A_596 = arith.constant 144 : index
      %swap3A_597 = tpu.vector_load %arg9[%swap3A_596] {strides = array<i32>} : memref<512xf32, #tpu.memory_space<vmem>>, vector<16xf32>,
      tpu.vector_store %arg9[%swap3A_596], %scan3A_576#9 {strides = array<i32>} : memref<512xf32, #tpu.memory_space<vmem>>, vector<16xf32>,
      %swap3A_598 = arith.constant 160 : index
      %swap3A_599 = tpu.vector_load %arg9[%swap3A_598] {strides = array<i32>} : memref<512xf32, #tpu.memory_space<vmem>>, vector<16xf32>,
      tpu.vector_store %arg9[%swap3A_598], %scan3A_576#10 {strides = array<i32>} : memref<512xf32, #tpu.memory_space<vmem>>, vector<16xf32>,
      %swap3A_600 = arith.constant 176 : index
      %swap3A_601 = tpu.vector_load %arg9[%swap3A_600] {strides = array<i32>} : memref<512xf32, #tpu.memory_space<vmem>>, vector<16xf32>,
      tpu.vector_store %arg9[%swap3A_600], %scan3A_576#11 {strides = array<i32>} : memref<512xf32, #tpu.memory_space<vmem>>, vector<16xf32>,
      %swap3A_602 = arith.constant 192 : index
      %swap3A_603 = tpu.vector_load %arg9[%swap3A_602] {strides = array<i32>} : memref<512xf32, #tpu.memory_space<vmem>>, vector<16xf32>,
      tpu.vector_store %arg9[%swap3A_602], %scan3A_576#12 {strides = array<i32>} : memref<512xf32, #tpu.memory_space<vmem>>, vector<16xf32>,
      %swap3A_604 = arith.constant 208 : index
      %swap3A_605 = tpu.vector_load %arg9[%swap3A_604] {strides = array<i32>} : memref<512xf32, #tpu.memory_space<vmem>>, vector<16xf32>,
      tpu.vector_store %arg9[%swap3A_604], %scan3A_576#13 {strides = array<i32>} : memref<512xf32, #tpu.memory_space<vmem>>, vector<16xf32>,
      %swap3A_606 = arith.constant 224 : index
      %swap3A_607 = tpu.vector_load %arg9[%swap3A_606] {strides = array<i32>} : memref<512xf32, #tpu.memory_space<vmem>>, vector<16xf32>,
      tpu.vector_store %arg9[%swap3A_606], %scan3A_576#14 {strides = array<i32>} : memref<512xf32, #tpu.memory_space<vmem>>, vector<16xf32>,
      %swap3A_608 = arith.constant 240 : index
      %swap3A_609 = tpu.vector_load %arg9[%swap3A_608] {strides = array<i32>} : memref<512xf32, #tpu.memory_space<vmem>>, vector<16xf32>,
      tpu.vector_store %arg9[%swap3A_608], %scan3A_576#15 {strides = array<i32>} : memref<512xf32, #tpu.memory_space<vmem>>, vector<16xf32>,
      %iota3A_610 = tpu.iota {dimensions = array<i32: 0>} : vector<16xi32>
      %add3A_611 = arith.constant 256 : i32
      %add3A_612 = vector.broadcast %add3A_611 : i32 to vector<16xi32>
      %add3A_613 = arith.addi %iota3A_610, %add3A_612 : vector<16xi32>
      %iota3A_614 = tpu.iota {dimensions = array<i32: 0>} : vector<16xi32>
      %add3A_615 = arith.constant 272 : i32
      %add3A_616 = vector.broadcast %add3A_615 : i32 to vector<16xi32>
      %add3A_617 = arith.addi %iota3A_614, %add3A_616 : vector<16xi32>
      %iota3A_618 = tpu.iota {dimensions = array<i32: 0>} : vector<16xi32>
      %add3A_619 = arith.constant 288 : i32
      %add3A_620 = vector.broadcast %add3A_619 : i32 to vector<16xi32>
      %add3A_621 = arith.addi %iota3A_618, %add3A_620 : vector<16xi32>
      %iota3A_622 = tpu.iota {dimensions = array<i32: 0>} : vector<16xi32>
      %add3A_623 = arith.constant 304 : i32
      %add3A_624 = vector.broadcast %add3A_623 : i32 to vector<16xi32>
      %add3A_625 = arith.addi %iota3A_622, %add3A_624 : vector<16xi32>
      %iota3A_626 = tpu.iota {dimensions = array<i32: 0>} : vector<16xi32>
      %add3A_627 = arith.constant 320 : i32
      %add3A_628 = vector.broadcast %add3A_627 : i32 to vector<16xi32>
      %add3A_629 = arith.addi %iota3A_626, %add3A_628 : vector<16xi32>
      %iota3A_630 = tpu.iota {dimensions = array<i32: 0>} : vector<16xi32>
      %add3A_631 = arith.constant 336 : i32
      %add3A_632 = vector.broadcast %add3A_631 : i32 to vector<16xi32>
      %add3A_633 = arith.addi %iota3A_630, %add3A_632 : vector<16xi32>
      %iota3A_634 = tpu.iota {dimensions = array<i32: 0>} : vector<16xi32>
      %add3A_635 = arith.constant 352 : i32
      %add3A_636 = vector.broadcast %add3A_635 : i32 to vector<16xi32>
      %add3A_637 = arith.addi %iota3A_634, %add3A_636 : vector<16xi32>
      %iota3A_638 = tpu.iota {dimensions = array<i32: 0>} : vector<16xi32>
      %add3A_639 = arith.constant 368 : i32
      %add3A_640 = vector.broadcast %add3A_639 : i32 to vector<16xi32>
      %add3A_641 = arith.addi %iota3A_638, %add3A_640 : vector<16xi32>
      %iota3A_642 = tpu.iota {dimensions = array<i32: 0>} : vector<16xi32>
      %add3A_643 = arith.constant 384 : i32
      %add3A_644 = vector.broadcast %add3A_643 : i32 to vector<16xi32>
      %add3A_645 = arith.addi %iota3A_642, %add3A_644 : vector<16xi32>
      %iota3A_646 = tpu.iota {dimensions = array<i32: 0>} : vector<16xi32>
      %add3A_647 = arith.constant 400 : i32
      %add3A_648 = vector.broadcast %add3A_647 : i32 to vector<16xi32>
      %add3A_649 = arith.addi %iota3A_646, %add3A_648 : vector<16xi32>
      %iota3A_650 = tpu.iota {dimensions = array<i32: 0>} : vector<16xi32>
      %add3A_651 = arith.constant 416 : i32
      %add3A_652 = vector.broadcast %add3A_651 : i32 to vector<16xi32>
      %add3A_653 = arith.addi %iota3A_650, %add3A_652 : vector<16xi32>
      %iota3A_654 = tpu.iota {dimensions = array<i32: 0>} : vector<16xi32>
      %add3A_655 = arith.constant 432 : i32
      %add3A_656 = vector.broadcast %add3A_655 : i32 to vector<16xi32>
      %add3A_657 = arith.addi %iota3A_654, %add3A_656 : vector<16xi32>
      %iota3A_658 = tpu.iota {dimensions = array<i32: 0>} : vector<16xi32>
      %add3A_659 = arith.constant 448 : i32
      %add3A_660 = vector.broadcast %add3A_659 : i32 to vector<16xi32>
      %add3A_661 = arith.addi %iota3A_658, %add3A_660 : vector<16xi32>
      %iota3A_662 = tpu.iota {dimensions = array<i32: 0>} : vector<16xi32>
      %add3A_663 = arith.constant 464 : i32
      %add3A_664 = vector.broadcast %add3A_663 : i32 to vector<16xi32>
      %add3A_665 = arith.addi %iota3A_662, %add3A_664 : vector<16xi32>
      %iota3A_666 = tpu.iota {dimensions = array<i32: 0>} : vector<16xi32>
      %add3A_667 = arith.constant 480 : i32
      %add3A_668 = vector.broadcast %add3A_667 : i32 to vector<16xi32>
      %add3A_669 = arith.addi %iota3A_666, %add3A_668 : vector<16xi32>
      %iota3A_670 = tpu.iota {dimensions = array<i32: 0>} : vector<16xi32>
      %add3A_671 = arith.constant 496 : i32
      %add3A_672 = vector.broadcast %add3A_671 : i32 to vector<16xi32>
      %add3A_673 = arith.addi %iota3A_670, %add3A_672 : vector<16xi32>
      %get3A_674 = arith.constant 256 : index
      %get3A_675 = tpu.vector_load %arg9[%get3A_674] {strides = array<i32>} : memref<512xf32, #tpu.memory_space<vmem>>, vector<16xf32>,
      %get3A_676 = arith.constant 272 : index
      %get3A_677 = tpu.vector_load %arg9[%get3A_676] {strides = array<i32>} : memref<512xf32, #tpu.memory_space<vmem>>, vector<16xf32>,
      %get3A_678 = arith.constant 288 : index
      %get3A_679 = tpu.vector_load %arg9[%get3A_678] {strides = array<i32>} : memref<512xf32, #tpu.memory_space<vmem>>, vector<16xf32>,
      %get3A_680 = arith.constant 304 : index
      %get3A_681 = tpu.vector_load %arg9[%get3A_680] {strides = array<i32>} : memref<512xf32, #tpu.memory_space<vmem>>, vector<16xf32>,
      %get3A_682 = arith.constant 320 : index
      %get3A_683 = tpu.vector_load %arg9[%get3A_682] {strides = array<i32>} : memref<512xf32, #tpu.memory_space<vmem>>, vector<16xf32>,
      %get3A_684 = arith.constant 336 : index
      %get3A_685 = tpu.vector_load %arg9[%get3A_684] {strides = array<i32>} : memref<512xf32, #tpu.memory_space<vmem>>, vector<16xf32>,
      %get3A_686 = arith.constant 352 : index
      %get3A_687 = tpu.vector_load %arg9[%get3A_686] {strides = array<i32>} : memref<512xf32, #tpu.memory_space<vmem>>, vector<16xf32>,
      %get3A_688 = arith.constant 368 : index
      %get3A_689 = tpu.vector_load %arg9[%get3A_688] {strides = array<i32>} : memref<512xf32, #tpu.memory_space<vmem>>, vector<16xf32>,
      %get3A_690 = arith.constant 384 : index
      %get3A_691 = tpu.vector_load %arg9[%get3A_690] {strides = array<i32>} : memref<512xf32, #tpu.memory_space<vmem>>, vector<16xf32>,
      %get3A_692 = arith.constant 400 : index
      %get3A_693 = tpu.vector_load %arg9[%get3A_692] {strides = array<i32>} : memref<512xf32, #tpu.memory_space<vmem>>, vector<16xf32>,
      %get3A_694 = arith.constant 416 : index
      %get3A_695 = tpu.vector_load %arg9[%get3A_694] {strides = array<i32>} : memref<512xf32, #tpu.memory_space<vmem>>, vector<16xf32>,
      %get3A_696 = arith.constant 432 : index
      %get3A_697 = tpu.vector_load %arg9[%get3A_696] {strides = array<i32>} : memref<512xf32, #tpu.memory_space<vmem>>, vector<16xf32>,
      %get3A_698 = arith.constant 448 : index
      %get3A_699 = tpu.vector_load %arg9[%get3A_698] {strides = array<i32>} : memref<512xf32, #tpu.memory_space<vmem>>, vector<16xf32>,
      %get3A_700 = arith.constant 464 : index
      %get3A_701 = tpu.vector_load %arg9[%get3A_700] {strides = array<i32>} : memref<512xf32, #tpu.memory_space<vmem>>, vector<16xf32>,
      %get3A_702 = arith.constant 480 : index
      %get3A_703 = tpu.vector_load %arg9[%get3A_702] {strides = array<i32>} : memref<512xf32, #tpu.memory_space<vmem>>, vector<16xf32>,
      %get3A_704 = arith.constant 496 : index
      %get3A_705 = tpu.vector_load %arg9[%get3A_704] {strides = array<i32>} : memref<512xf32, #tpu.memory_space<vmem>>, vector<16xf32>,
      %scan3A_706 = arith.constant 0 : i32
      %scan3A_707 = arith.constant 32 : i32
      %scan3A_708 = arith.addi %scan3A_706, %scan3A_707 : i32
      %scan3A_709 = arith.constant 2 : i32
      %scan3A_710:16 = scf.for %scan3A_759 = %scan3A_706 to %scan3A_708 step %scan3A_709 iter_args(%scan3A_760 = %get3A_675, %scan3A_761 = %get3A_677, %scan3A_762 = %get3A_679, %scan3A_763 = %get3A_681, %scan3A_764 = %get3A_683, %scan3A_765 = %get3A_685, %scan3A_766 = %get3A_687, %scan3A_767 = %get3A_689, %scan3A_768 = %get3A_691, %scan3A_769 = %get3A_693, %scan3A_770 = %get3A_695, %scan3A_771 = %get3A_697, %scan3A_772 = %get3A_699, %scan3A_773 = %get3A_701, %scan3A_774 = %get3A_703, %scan3A_775 = %get3A_705) -> (vector<16xf32>, vector<16xf32>, vector<16xf32>, vector<16xf32>, vector<16xf32>, vector<16xf32>, vector<16xf32>, vector<16xf32>, vector<16xf32>, vector<16xf32>, vector<16xf32>, vector<16xf32>, vector<16xf32>, vector<16xf32>, vector<16xf32>, vector<16xf32>)  : i32 {
        %broadcast_in_dim3A_776 = vector.broadcast %scan3A_759 : i32 to vector<16xi32>
        tpu.vector_store_idx %arg7[%broadcast_in_dim3A_776, %add3A_613], %scan3A_760 : memref<32x512xf32, #tpu.memory_space<vmem>>[vector<16xi32>, vector<16xi32>], vector<16xf32>,
        %gather3A = tpu.vector_load_idx %arg5[%broadcast_in_dim3A_776, %add3A_613] : memref<32x512xf32, #tpu.memory_space<vmem>>[vector<16xi32>, vector<16xi32>], vector<16xf32>,
        %add3A_777 = arith.addf %scan3A_760, %gather3A : vector<16xf32>
        tpu.vector_store_idx %arg7[%broadcast_in_dim3A_776, %add3A_617], %scan3A_761 : memref<32x512xf32, #tpu.memory_space<vmem>>[vector<16xi32>, vector<16xi32>], vector<16xf32>,
        %gather3A_778 = tpu.vector_load_idx %arg5[%broadcast_in_dim3A_776, %add3A_617] : memref<32x512xf32, #tpu.memory_space<vmem>>[vector<16xi32>, vector<16xi32>], vector<16xf32>,
        %add3A_779 = arith.addf %scan3A_761, %gather3A_778 : vector<16xf32>
        tpu.vector_store_idx %arg7[%broadcast_in_dim3A_776, %add3A_621], %scan3A_762 : memref<32x512xf32, #tpu.memory_space<vmem>>[vector<16xi32>, vector<16xi32>], vector<16xf32>,
        %gather3A_780 = tpu.vector_load_idx %arg5[%broadcast_in_dim3A_776, %add3A_621] : memref<32x512xf32, #tpu.memory_space<vmem>>[vector<16xi32>, vector<16xi32>], vector<16xf32>,
        %add3A_781 = arith.addf %scan3A_762, %gather3A_780 : vector<16xf32>
        tpu.vector_store_idx %arg7[%broadcast_in_dim3A_776, %add3A_625], %scan3A_763 : memref<32x512xf32, #tpu.memory_space<vmem>>[vector<16xi32>, vector<16xi32>], vector<16xf32>,
        %gather3A_782 = tpu.vector_load_idx %arg5[%broadcast_in_dim3A_776, %add3A_625] : memref<32x512xf32, #tpu.memory_space<vmem>>[vector<16xi32>, vector<16xi32>], vector<16xf32>,
        %add3A_783 = arith.addf %scan3A_763, %gather3A_782 : vector<16xf32>
        tpu.vector_store_idx %arg7[%broadcast_in_dim3A_776, %add3A_629], %scan3A_764 : memref<32x512xf32, #tpu.memory_space<vmem>>[vector<16xi32>, vector<16xi32>], vector<16xf32>,
        %gather3A_784 = tpu.vector_load_idx %arg5[%broadcast_in_dim3A_776, %add3A_629] : memref<32x512xf32, #tpu.memory_space<vmem>>[vector<16xi32>, vector<16xi32>], vector<16xf32>,
        %add3A_785 = arith.addf %scan3A_764, %gather3A_784 : vector<16xf32>
        tpu.vector_store_idx %arg7[%broadcast_in_dim3A_776, %add3A_633], %scan3A_765 : memref<32x512xf32, #tpu.memory_space<vmem>>[vector<16xi32>, vector<16xi32>], vector<16xf32>,
        %gather3A_786 = tpu.vector_load_idx %arg5[%broadcast_in_dim3A_776, %add3A_633] : memref<32x512xf32, #tpu.memory_space<vmem>>[vector<16xi32>, vector<16xi32>], vector<16xf32>,
        %add3A_787 = arith.addf %scan3A_765, %gather3A_786 : vector<16xf32>
        tpu.vector_store_idx %arg7[%broadcast_in_dim3A_776, %add3A_637], %scan3A_766 : memref<32x512xf32, #tpu.memory_space<vmem>>[vector<16xi32>, vector<16xi32>], vector<16xf32>,
        %gather3A_788 = tpu.vector_load_idx %arg5[%broadcast_in_dim3A_776, %add3A_637] : memref<32x512xf32, #tpu.memory_space<vmem>>[vector<16xi32>, vector<16xi32>], vector<16xf32>,
        %add3A_789 = arith.addf %scan3A_766, %gather3A_788 : vector<16xf32>
        tpu.vector_store_idx %arg7[%broadcast_in_dim3A_776, %add3A_641], %scan3A_767 : memref<32x512xf32, #tpu.memory_space<vmem>>[vector<16xi32>, vector<16xi32>], vector<16xf32>,
        %gather3A_790 = tpu.vector_load_idx %arg5[%broadcast_in_dim3A_776, %add3A_641] : memref<32x512xf32, #tpu.memory_space<vmem>>[vector<16xi32>, vector<16xi32>], vector<16xf32>,
        %add3A_791 = arith.addf %scan3A_767, %gather3A_790 : vector<16xf32>
        tpu.vector_store_idx %arg7[%broadcast_in_dim3A_776, %add3A_645], %scan3A_768 : memref<32x512xf32, #tpu.memory_space<vmem>>[vector<16xi32>, vector<16xi32>], vector<16xf32>,
        %gather3A_792 = tpu.vector_load_idx %arg5[%broadcast_in_dim3A_776, %add3A_645] : memref<32x512xf32, #tpu.memory_space<vmem>>[vector<16xi32>, vector<16xi32>], vector<16xf32>,
        %add3A_793 = arith.addf %scan3A_768, %gather3A_792 : vector<16xf32>
        tpu.vector_store_idx %arg7[%broadcast_in_dim3A_776, %add3A_649], %scan3A_769 : memref<32x512xf32, #tpu.memory_space<vmem>>[vector<16xi32>, vector<16xi32>], vector<16xf32>,
        %gather3A_794 = tpu.vector_load_idx %arg5[%broadcast_in_dim3A_776, %add3A_649] : memref<32x512xf32, #tpu.memory_space<vmem>>[vector<16xi32>, vector<16xi32>], vector<16xf32>,
        %add3A_795 = arith.addf %scan3A_769, %gather3A_794 : vector<16xf32>
        tpu.vector_store_idx %arg7[%broadcast_in_dim3A_776, %add3A_653], %scan3A_770 : memref<32x512xf32, #tpu.memory_space<vmem>>[vector<16xi32>, vector<16xi32>], vector<16xf32>,
        %gather3A_796 = tpu.vector_load_idx %arg5[%broadcast_in_dim3A_776, %add3A_653] : memref<32x512xf32, #tpu.memory_space<vmem>>[vector<16xi32>, vector<16xi32>], vector<16xf32>,
        %add3A_797 = arith.addf %scan3A_770, %gather3A_796 : vector<16xf32>
        tpu.vector_store_idx %arg7[%broadcast_in_dim3A_776, %add3A_657], %scan3A_771 : memref<32x512xf32, #tpu.memory_space<vmem>>[vector<16xi32>, vector<16xi32>], vector<16xf32>,
        %gather3A_798 = tpu.vector_load_idx %arg5[%broadcast_in_dim3A_776, %add3A_657] : memref<32x512xf32, #tpu.memory_space<vmem>>[vector<16xi32>, vector<16xi32>], vector<16xf32>,
        %add3A_799 = arith.addf %scan3A_771, %gather3A_798 : vector<16xf32>
        tpu.vector_store_idx %arg7[%broadcast_in_dim3A_776, %add3A_661], %scan3A_772 : memref<32x512xf32, #tpu.memory_space<vmem>>[vector<16xi32>, vector<16xi32>], vector<16xf32>,
        %gather3A_800 = tpu.vector_load_idx %arg5[%broadcast_in_dim3A_776, %add3A_661] : memref<32x512xf32, #tpu.memory_space<vmem>>[vector<16xi32>, vector<16xi32>], vector<16xf32>,
        %add3A_801 = arith.addf %scan3A_772, %gather3A_800 : vector<16xf32>
        tpu.vector_store_idx %arg7[%broadcast_in_dim3A_776, %add3A_665], %scan3A_773 : memref<32x512xf32, #tpu.memory_space<vmem>>[vector<16xi32>, vector<16xi32>], vector<16xf32>,
        %gather3A_802 = tpu.vector_load_idx %arg5[%broadcast_in_dim3A_776, %add3A_665] : memref<32x512xf32, #tpu.memory_space<vmem>>[vector<16xi32>, vector<16xi32>], vector<16xf32>,
        %add3A_803 = arith.addf %scan3A_773, %gather3A_802 : vector<16xf32>
        tpu.vector_store_idx %arg7[%broadcast_in_dim3A_776, %add3A_669], %scan3A_774 : memref<32x512xf32, #tpu.memory_space<vmem>>[vector<16xi32>, vector<16xi32>], vector<16xf32>,
        %gather3A_804 = tpu.vector_load_idx %arg5[%broadcast_in_dim3A_776, %add3A_669] : memref<32x512xf32, #tpu.memory_space<vmem>>[vector<16xi32>, vector<16xi32>], vector<16xf32>,
        %add3A_805 = arith.addf %scan3A_774, %gather3A_804 : vector<16xf32>
        tpu.vector_store_idx %arg7[%broadcast_in_dim3A_776, %add3A_673], %scan3A_775 : memref<32x512xf32, #tpu.memory_space<vmem>>[vector<16xi32>, vector<16xi32>], vector<16xf32>,
        %gather3A_806 = tpu.vector_load_idx %arg5[%broadcast_in_dim3A_776, %add3A_673] : memref<32x512xf32, #tpu.memory_space<vmem>>[vector<16xi32>, vector<16xi32>], vector<16xf32>,
        %add3A_807 = arith.addf %scan3A_775, %gather3A_806 : vector<16xf32>
        %scan3A_808 = arith.constant 1 : i32
        %scan3A_809 = arith.addi %scan3A_759, %scan3A_808 : i32
        %broadcast_in_dim3A_810 = vector.broadcast %scan3A_809 : i32 to vector<16xi32>
        tpu.vector_store_idx %arg7[%broadcast_in_dim3A_810, %add3A_613], %add3A_777 : memref<32x512xf32, #tpu.memory_space<vmem>>[vector<16xi32>, vector<16xi32>], vector<16xf32>,
        %gather3A_811 = tpu.vector_load_idx %arg5[%broadcast_in_dim3A_810, %add3A_613] : memref<32x512xf32, #tpu.memory_space<vmem>>[vector<16xi32>, vector<16xi32>], vector<16xf32>,
        %add3A_812 = arith.addf %add3A_777, %gather3A_811 : vector<16xf32>
        tpu.vector_store_idx %arg7[%broadcast_in_dim3A_810, %add3A_617], %add3A_779 : memref<32x512xf32, #tpu.memory_space<vmem>>[vector<16xi32>, vector<16xi32>], vector<16xf32>,
        %gather3A_813 = tpu.vector_load_idx %arg5[%broadcast_in_dim3A_810, %add3A_617] : memref<32x512xf32, #tpu.memory_space<vmem>>[vector<16xi32>, vector<16xi32>], vector<16xf32>,
        %add3A_814 = arith.addf %add3A_779, %gather3A_813 : vector<16xf32>
        tpu.vector_store_idx %arg7[%broadcast_in_dim3A_810, %add3A_621], %add3A_781 : memref<32x512xf32, #tpu.memory_space<vmem>>[vector<16xi32>, vector<16xi32>], vector<16xf32>,
        %gather3A_815 = tpu.vector_load_idx %arg5[%broadcast_in_dim3A_810, %add3A_621] : memref<32x512xf32, #tpu.memory_space<vmem>>[vector<16xi32>, vector<16xi32>], vector<16xf32>,
        %add3A_816 = arith.addf %add3A_781, %gather3A_815 : vector<16xf32>
        tpu.vector_store_idx %arg7[%broadcast_in_dim3A_810, %add3A_625], %add3A_783 : memref<32x512xf32, #tpu.memory_space<vmem>>[vector<16xi32>, vector<16xi32>], vector<16xf32>,
        %gather3A_817 = tpu.vector_load_idx %arg5[%broadcast_in_dim3A_810, %add3A_625] : memref<32x512xf32, #tpu.memory_space<vmem>>[vector<16xi32>, vector<16xi32>], vector<16xf32>,
        %add3A_818 = arith.addf %add3A_783, %gather3A_817 : vector<16xf32>
        tpu.vector_store_idx %arg7[%broadcast_in_dim3A_810, %add3A_629], %add3A_785 : memref<32x512xf32, #tpu.memory_space<vmem>>[vector<16xi32>, vector<16xi32>], vector<16xf32>,
        %gather3A_819 = tpu.vector_load_idx %arg5[%broadcast_in_dim3A_810, %add3A_629] : memref<32x512xf32, #tpu.memory_space<vmem>>[vector<16xi32>, vector<16xi32>], vector<16xf32>,
        %add3A_820 = arith.addf %add3A_785, %gather3A_819 : vector<16xf32>
        tpu.vector_store_idx %arg7[%broadcast_in_dim3A_810, %add3A_633], %add3A_787 : memref<32x512xf32, #tpu.memory_space<vmem>>[vector<16xi32>, vector<16xi32>], vector<16xf32>,
        %gather3A_821 = tpu.vector_load_idx %arg5[%broadcast_in_dim3A_810, %add3A_633] : memref<32x512xf32, #tpu.memory_space<vmem>>[vector<16xi32>, vector<16xi32>], vector<16xf32>,
        %add3A_822 = arith.addf %add3A_787, %gather3A_821 : vector<16xf32>
        tpu.vector_store_idx %arg7[%broadcast_in_dim3A_810, %add3A_637], %add3A_789 : memref<32x512xf32, #tpu.memory_space<vmem>>[vector<16xi32>, vector<16xi32>], vector<16xf32>,
        %gather3A_823 = tpu.vector_load_idx %arg5[%broadcast_in_dim3A_810, %add3A_637] : memref<32x512xf32, #tpu.memory_space<vmem>>[vector<16xi32>, vector<16xi32>], vector<16xf32>,
        %add3A_824 = arith.addf %add3A_789, %gather3A_823 : vector<16xf32>
        tpu.vector_store_idx %arg7[%broadcast_in_dim3A_810, %add3A_641], %add3A_791 : memref<32x512xf32, #tpu.memory_space<vmem>>[vector<16xi32>, vector<16xi32>], vector<16xf32>,
        %gather3A_825 = tpu.vector_load_idx %arg5[%broadcast_in_dim3A_810, %add3A_641] : memref<32x512xf32, #tpu.memory_space<vmem>>[vector<16xi32>, vector<16xi32>], vector<16xf32>,
        %add3A_826 = arith.addf %add3A_791, %gather3A_825 : vector<16xf32>
        tpu.vector_store_idx %arg7[%broadcast_in_dim3A_810, %add3A_645], %add3A_793 : memref<32x512xf32, #tpu.memory_space<vmem>>[vector<16xi32>, vector<16xi32>], vector<16xf32>,
        %gather3A_827 = tpu.vector_load_idx %arg5[%broadcast_in_dim3A_810, %add3A_645] : memref<32x512xf32, #tpu.memory_space<vmem>>[vector<16xi32>, vector<16xi32>], vector<16xf32>,
        %add3A_828 = arith.addf %add3A_793, %gather3A_827 : vector<16xf32>
        tpu.vector_store_idx %arg7[%broadcast_in_dim3A_810, %add3A_649], %add3A_795 : memref<32x512xf32, #tpu.memory_space<vmem>>[vector<16xi32>, vector<16xi32>], vector<16xf32>,
        %gather3A_829 = tpu.vector_load_idx %arg5[%broadcast_in_dim3A_810, %add3A_649] : memref<32x512xf32, #tpu.memory_space<vmem>>[vector<16xi32>, vector<16xi32>], vector<16xf32>,
        %add3A_830 = arith.addf %add3A_795, %gather3A_829 : vector<16xf32>
        tpu.vector_store_idx %arg7[%broadcast_in_dim3A_810, %add3A_653], %add3A_797 : memref<32x512xf32, #tpu.memory_space<vmem>>[vector<16xi32>, vector<16xi32>], vector<16xf32>,
        %gather3A_831 = tpu.vector_load_idx %arg5[%broadcast_in_dim3A_810, %add3A_653] : memref<32x512xf32, #tpu.memory_space<vmem>>[vector<16xi32>, vector<16xi32>], vector<16xf32>,
        %add3A_832 = arith.addf %add3A_797, %gather3A_831 : vector<16xf32>
        tpu.vector_store_idx %arg7[%broadcast_in_dim3A_810, %add3A_657], %add3A_799 : memref<32x512xf32, #tpu.memory_space<vmem>>[vector<16xi32>, vector<16xi32>], vector<16xf32>,
        %gather3A_833 = tpu.vector_load_idx %arg5[%broadcast_in_dim3A_810, %add3A_657] : memref<32x512xf32, #tpu.memory_space<vmem>>[vector<16xi32>, vector<16xi32>], vector<16xf32>,
        %add3A_834 = arith.addf %add3A_799, %gather3A_833 : vector<16xf32>
        tpu.vector_store_idx %arg7[%broadcast_in_dim3A_810, %add3A_661], %add3A_801 : memref<32x512xf32, #tpu.memory_space<vmem>>[vector<16xi32>, vector<16xi32>], vector<16xf32>,
        %gather3A_835 = tpu.vector_load_idx %arg5[%broadcast_in_dim3A_810, %add3A_661] : memref<32x512xf32, #tpu.memory_space<vmem>>[vector<16xi32>, vector<16xi32>], vector<16xf32>,
        %add3A_836 = arith.addf %add3A_801, %gather3A_835 : vector<16xf32>
        tpu.vector_store_idx %arg7[%broadcast_in_dim3A_810, %add3A_665], %add3A_803 : memref<32x512xf32, #tpu.memory_space<vmem>>[vector<16xi32>, vector<16xi32>], vector<16xf32>,
        %gather3A_837 = tpu.vector_load_idx %arg5[%broadcast_in_dim3A_810, %add3A_665] : memref<32x512xf32, #tpu.memory_space<vmem>>[vector<16xi32>, vector<16xi32>], vector<16xf32>,
        %add3A_838 = arith.addf %add3A_803, %gather3A_837 : vector<16xf32>
        tpu.vector_store_idx %arg7[%broadcast_in_dim3A_810, %add3A_669], %add3A_805 : memref<32x512xf32, #tpu.memory_space<vmem>>[vector<16xi32>, vector<16xi32>], vector<16xf32>,
        %gather3A_839 = tpu.vector_load_idx %arg5[%broadcast_in_dim3A_810, %add3A_669] : memref<32x512xf32, #tpu.memory_space<vmem>>[vector<16xi32>, vector<16xi32>], vector<16xf32>,
        %add3A_840 = arith.addf %add3A_805, %gather3A_839 : vector<16xf32>
        tpu.vector_store_idx %arg7[%broadcast_in_dim3A_810, %add3A_673], %add3A_807 : memref<32x512xf32, #tpu.memory_space<vmem>>[vector<16xi32>, vector<16xi32>], vector<16xf32>,
        %gather3A_841 = tpu.vector_load_idx %arg5[%broadcast_in_dim3A_810, %add3A_673] : memref<32x512xf32, #tpu.memory_space<vmem>>[vector<16xi32>, vector<16xi32>], vector<16xf32>,
        %add3A_842 = arith.addf %add3A_807, %gather3A_841 : vector<16xf32>
        scf.yield %add3A_812, %add3A_814, %add3A_816, %add3A_818, %add3A_820, %add3A_822, %add3A_824, %add3A_826, %add3A_828, %add3A_830, %add3A_832, %add3A_834, %add3A_836, %add3A_838, %add3A_840, %add3A_842 : vector<16xf32>, vector<16xf32>, vector<16xf32>, vector<16xf32>, vector<16xf32>, vector<16xf32>, vector<16xf32>, vector<16xf32>, vector<16xf32>, vector<16xf32>, vector<16xf32>, vector<16xf32>, vector<16xf32>, vector<16xf32>, vector<16xf32>, vector<16xf32>
      }
      %scan3A_711 = arith.constant 32 : i32
      %swap3A_712 = arith.constant 256 : index
      %swap3A_713 = tpu.vector_load %arg9[%swap3A_712] {strides = array<i32>} : memref<512xf32, #tpu.memory_space<vmem>>, vector<16xf32>,
      tpu.vector_store %arg9[%swap3A_712], %scan3A_710#0 {strides = array<i32>} : memref<512xf32, #tpu.memory_space<vmem>>, vector<16xf32>,
      %swap3A_714 = arith.constant 272 : index
      %swap3A_715 = tpu.vector_load %arg9[%swap3A_714] {strides = array<i32>} : memref<512xf32, #tpu.memory_space<vmem>>, vector<16xf32>,
      tpu.vector_store %arg9[%swap3A_714], %scan3A_710#1 {strides = array<i32>} : memref<512xf32, #tpu.memory_space<vmem>>, vector<16xf32>,
      %swap3A_716 = arith.constant 288 : index
      %swap3A_717 = tpu.vector_load %arg9[%swap3A_716] {strides = array<i32>} : memref<512xf32, #tpu.memory_space<vmem>>, vector<16xf32>,
      tpu.vector_store %arg9[%swap3A_716], %scan3A_710#2 {strides = array<i32>} : memref<512xf32, #tpu.memory_space<vmem>>, vector<16xf32>,
      %swap3A_718 = arith.constant 304 : index
      %swap3A_719 = tpu.vector_load %arg9[%swap3A_718] {strides = array<i32>} : memref<512xf32, #tpu.memory_space<vmem>>, vector<16xf32>,
      tpu.vector_store %arg9[%swap3A_718], %scan3A_710#3 {strides = array<i32>} : memref<512xf32, #tpu.memory_space<vmem>>, vector<16xf32>,
      %swap3A_720 = arith.constant 320 : index
      %swap3A_721 = tpu.vector_load %arg9[%swap3A_720] {strides = array<i32>} : memref<512xf32, #tpu.memory_space<vmem>>, vector<16xf32>,
      tpu.vector_store %arg9[%swap3A_720], %scan3A_710#4 {strides = array<i32>} : memref<512xf32, #tpu.memory_space<vmem>>, vector<16xf32>,
      %swap3A_722 = arith.constant 336 : index
      %swap3A_723 = tpu.vector_load %arg9[%swap3A_722] {strides = array<i32>} : memref<512xf32, #tpu.memory_space<vmem>>, vector<16xf32>,
      tpu.vector_store %arg9[%swap3A_722], %scan3A_710#5 {strides = array<i32>} : memref<512xf32, #tpu.memory_space<vmem>>, vector<16xf32>,
      %swap3A_724 = arith.constant 352 : index
      %swap3A_725 = tpu.vector_load %arg9[%swap3A_724] {strides = array<i32>} : memref<512xf32, #tpu.memory_space<vmem>>, vector<16xf32>,
      tpu.vector_store %arg9[%swap3A_724], %scan3A_710#6 {strides = array<i32>} : memref<512xf32, #tpu.memory_space<vmem>>, vector<16xf32>,
      %swap3A_726 = arith.constant 368 : index
      %swap3A_727 = tpu.vector_load %arg9[%swap3A_726] {strides = array<i32>} : memref<512xf32, #tpu.memory_space<vmem>>, vector<16xf32>,
      tpu.vector_store %arg9[%swap3A_726], %scan3A_710#7 {strides = array<i32>} : memref<512xf32, #tpu.memory_space<vmem>>, vector<16xf32>,
      %swap3A_728 = arith.constant 384 : index
      %swap3A_729 = tpu.vector_load %arg9[%swap3A_728] {strides = array<i32>} : memref<512xf32, #tpu.memory_space<vmem>>, vector<16xf32>,
      tpu.vector_store %arg9[%swap3A_728], %scan3A_710#8 {strides = array<i32>} : memref<512xf32, #tpu.memory_space<vmem>>, vector<16xf32>,
      %swap3A_730 = arith.constant 400 : index
      %swap3A_731 = tpu.vector_load %arg9[%swap3A_730] {strides = array<i32>} : memref<512xf32, #tpu.memory_space<vmem>>, vector<16xf32>,
      tpu.vector_store %arg9[%swap3A_730], %scan3A_710#9 {strides = array<i32>} : memref<512xf32, #tpu.memory_space<vmem>>, vector<16xf32>,
      %swap3A_732 = arith.constant 416 : index
      %swap3A_733 = tpu.vector_load %arg9[%swap3A_732] {strides = array<i32>} : memref<512xf32, #tpu.memory_space<vmem>>, vector<16xf32>,
      tpu.vector_store %arg9[%swap3A_732], %scan3A_710#10 {strides = array<i32>} : memref<512xf32, #tpu.memory_space<vmem>>, vector<16xf32>,
      %swap3A_734 = arith.constant 432 : index
      %swap3A_735 = tpu.vector_load %arg9[%swap3A_734] {strides = array<i32>} : memref<512xf32, #tpu.memory_space<vmem>>, vector<16xf32>,
      tpu.vector_store %arg9[%swap3A_734], %scan3A_710#11 {strides = array<i32>} : memref<512xf32, #tpu.memory_space<vmem>>, vector<16xf32>,
      %swap3A_736 = arith.constant 448 : index
      %swap3A_737 = tpu.vector_load %arg9[%swap3A_736] {strides = array<i32>} : memref<512xf32, #tpu.memory_space<vmem>>, vector<16xf32>,
      tpu.vector_store %arg9[%swap3A_736], %scan3A_710#12 {strides = array<i32>} : memref<512xf32, #tpu.memory_space<vmem>>, vector<16xf32>,
      %swap3A_738 = arith.constant 464 : index
      %swap3A_739 = tpu.vector_load %arg9[%swap3A_738] {strides = array<i32>} : memref<512xf32, #tpu.memory_space<vmem>>, vector<16xf32>,
      tpu.vector_store %arg9[%swap3A_738], %scan3A_710#13 {strides = array<i32>} : memref<512xf32, #tpu.memory_space<vmem>>, vector<16xf32>,
      %swap3A_740 = arith.constant 480 : index
      %swap3A_741 = tpu.vector_load %arg9[%swap3A_740] {strides = array<i32>} : memref<512xf32, #tpu.memory_space<vmem>>, vector<16xf32>,
      tpu.vector_store %arg9[%swap3A_740], %scan3A_710#14 {strides = array<i32>} : memref<512xf32, #tpu.memory_space<vmem>>, vector<16xf32>,
      %swap3A_742 = arith.constant 496 : index
      %swap3A_743 = tpu.vector_load %arg9[%swap3A_742] {strides = array<i32>} : memref<512xf32, #tpu.memory_space<vmem>>, vector<16xf32>,
      tpu.vector_store %arg9[%swap3A_742], %scan3A_710#15 {strides = array<i32>} : memref<512xf32, #tpu.memory_space<vmem>>, vector<16xf32>,
      %add3A_744 = arith.constant 1 : i32
      %add3A_745 = arith.addi %mul3A_179, %add3A_744 : i32
      %mul3A_746 = arith.constant 32 : i32
      %mul3A_747 = arith.muli %add3A_745, %mul3A_746 : i32
      %add3A_748 = arith.addi %mul3A_0, %mul3A_747 : i32
      %dma_start3A_749 = tpu.memref_slice %arg3[%add3A_748, %mul3A_2] : memref<32768x1024xf32, #tpu.memory_space<hbm>> -> memref<32x512xf32, #tpu.memory_space<hbm>>
      %dma_start3A_750 = tpu.memref_slice %arg3[%add3A_748, %mul3A_2] : memref<32768x1024xf32, #tpu.memory_space<hbm>> -> memref<32x512xf32, #tpu.memory_space<hbm>>
      tpu.enqueue_dma source(%arg7 : memref<32x512xf32, #tpu.memory_space<vmem>>) target(%dma_start3A_750 : memref<32x512xf32, #tpu.memory_space<hbm>>) target_semaphore(%arg14 : memref<!tpu.dma_semaphore, #tpu.memory_space<semaphore_mem>>)
      %add3A_751 = arith.constant 3 : i32
      %add3A_752 = arith.addi %mul3A_179, %add3A_751 : i32
      %lt3A_753 = arith.constant 64 : i32
      %lt3A_754 = arith.cmpi slt, %add3A_752, %lt3A_753 : i32
      %convert_element_type3A_755 = arith.extui %lt3A_754 : i1 to i32
      %cond3A_756 = arith.constant 0 : i32
      %cond3A_757 = arith.cmpi ne, %convert_element_type3A_755, %cond3A_756 : i32
      scf.if %cond3A_757 {
        %add3A_759 = arith.constant 3 : i32
        %add3A_760 = arith.addi %mul3A_179, %add3A_759 : i32
        %mul3A_761 = arith.constant 32 : i32
        %mul3A_762 = arith.muli %add3A_760, %mul3A_761 : i32
        %add3A_763 = arith.addi %mul3A_0, %mul3A_762 : i32
        %dma_start3A_764 = tpu.memref_slice %arg2[%add3A_763, %mul3A_2] : memref<32768x1024xf32, #tpu.memory_space<hbm>> -> memref<32x512xf32, #tpu.memory_space<hbm>>
        %dma_start3A_765 = tpu.memref_slice %arg2[%add3A_763, %mul3A_2] : memref<32768x1024xf32, #tpu.memory_space<hbm>> -> memref<32x512xf32, #tpu.memory_space<hbm>>
        tpu.enqueue_dma source(%dma_start3A_765 : memref<32x512xf32, #tpu.memory_space<hbm>>) target(%arg5 : memref<32x512xf32, #tpu.memory_space<vmem>>) target_semaphore(%arg12 : memref<!tpu.dma_semaphore, #tpu.memory_space<semaphore_mem>>)
      } else {
      }
      %scan3A_758 = arith.constant 0 : i32
      scf.yield %scan3A_758 : i32
    }
    %scan3A_168 = arith.constant 32 : i32
    %add3A_169 = arith.constant 0 : i32
    %add3A_170 = arith.addi %mul3A_0, %add3A_169 : i32
    %dma_wait3A = tpu.memref_slice %arg3[%add3A_170, %mul3A_2] : memref<32768x1024xf32, #tpu.memory_space<hbm>> -> memref<32x512xf32, #tpu.memory_space<hbm>>
    %dma_wait3A_171 = tpu.memref_slice %arg3[%add3A_170, %mul3A_2] : memref<32768x1024xf32, #tpu.memory_space<hbm>> -> memref<32x512xf32, #tpu.memory_space<hbm>>
    tpu.wait_dma2 semaphore(%arg13 : memref<!tpu.dma_semaphore, #tpu.memory_space<semaphore_mem>>) src(%arg6 : memref<32x512xf32, #tpu.memory_space<vmem>>) dst(%dma_wait3A_171 : memref<32x512xf32, #tpu.memory_space<hbm>>)
    %add3A_172 = arith.constant 32 : i32
    %add3A_173 = arith.addi %mul3A_0, %add3A_172 : i32
    %dma_wait3A_174 = tpu.memref_slice %arg3[%add3A_173, %mul3A_2] : memref<32768x1024xf32, #tpu.memory_space<hbm>> -> memref<32x512xf32, #tpu.memory_space<hbm>>
    %dma_wait3A_175 = tpu.memref_slice %arg3[%add3A_173, %mul3A_2] : memref<32768x1024xf32, #tpu.memory_space<hbm>> -> memref<32x512xf32, #tpu.memory_space<hbm>>
    tpu.wait_dma2 semaphore(%arg14 : memref<!tpu.dma_semaphore, #tpu.memory_space<semaphore_mem>>) src(%arg7 : memref<32x512xf32, #tpu.memory_space<vmem>>) dst(%dma_wait3A_175 : memref<32x512xf32, #tpu.memory_space<hbm>>)
    return
  }
}

</mosaic_0001>

<sc_bundles>
// kernel: kernel.3.cloned.1.call-start
scs
__scs_entry_jumppad:
0x0: {  	(pc) =	sbr.rel $0x88, $3  }
0x1: {  	(tag) =	ssettag $0x0;
	lr =	simm.s32 $0x1  }
0x2: {  	[smem:$0x3FA0] =	sst lr;
	_ =	strace $0xD0000000  }
0x3: {  	_ = 	snop  }
0x4: {  	_ = 	snop  }
0x5: {  	_ = 	snop  }
0x6: {  	_ = 	snop  }
0x7: {  	_ = 	snop  }
__scs_overlays_trampoline_lowered:
0x8: {  	[smem:$0x3FAF] =	sst s0  }
0x9: {  	[smem:$0x3FB0] =	sst s1  }
0xa: {  	[smem:$0x3FB1] =	sst s2  }
0xb: {  	[smem:$0x3FB2] =	sst s3  }
0xc: {  	[smem:$0x3FB3] =	sst s4  }
0xd: {  	[smem:$0x3FB4] =	sst s5  }
0xe: {  	[smem:$0x3FB5] =	sst s6  }
0xf: {  	[smem:$0x3FB6] =	sst s7  }
0x10: {  	[smem:$0x3FB7] =	sst s8  }
0x11: {  	[smem:$0x3FB8] =	sst s9;
	s0 =	simm.s32 @!p0 $0x0  }
0x12: {  	s1 =	sld [smem:$0x3F9E];
	s0 =	simm.s32 @p0 $0x1  }
0x13: {  	[smem:$0x3FB9] =	sst s0;
	s0 =	simm.s32 @!p1 $0x0  }
0x14: {  	s2 =	sld [smem:$0x3F9D];
	s0 =	simm.s32 @p1 $0x1  }
0x15: {  	[smem:$0x3FBA] =	sst s0;
	s0 =	simm.s32 @!p2 $0x0  }
0x16: {  	s3 =	sld [smem:$0x3FDB];
	s0 =	simm.s32 @p2 $0x1  }
0x17: {  	s4 =	simm.s32 $0x1BF5;
	[smem:$0x3FBC] =	sst s0  }
0x18: {  	s0 =	sld [smem:$0x3F9F];
	_ =	swait.ge [sflag:s4], $0x0  }
0x19: {  	s7 =	sld [smem:$0x3FA0]  }
0x1a: {  	s8 =	sadd.s32 $0xFFFFE003, lr  }
0x1b: {  	s9 =	sadd.s32 $0xFFFFFEF7, lr;
	s5 =	simm.s32 $0xFFFFFFFF;
	p2 =	slt.u32 s8, $0xFFFFF086  }
0x1c: {  	p1 =	slt.u32 s9, $0xF7A;
	s5 =	simm.s32 @!p2 $0x0  }
0x1d: {  	s5 =	simm.s32 @p1 $0x1;
	p0 =	seq.s32 s7, s2  }
0x1e: {  	s7 =	smul.u32 @!p0 $0xF7A, s2;
	p2 =	seq.s32 @!p0 s5, $0x0  }
0x1f: {  	s9 =	smul.u32 $0xF7A, s1;
	s8 =	simm.s32 @!p0 $0x1BF5;
	p2 =	por !p2, p0  }
0x20: {  	[sflag:s8] =	ssyncset.s32 @!p0 $0xFFFFF086;
	s6 =	sadd.s32 @!p0 s3, s7;
	s7 =	simm.s32 @!p0 $0x108  }
0x21: {  	s3 =	sadd.s32 s3, s9;
	s6 =	sadd.s32 @!p0 $0x88, s6;
	s7 =	simm.s32 @p2 $0x1082  }
0x22: {  	[simem:s7], [sflag:s8] =	dma.local @!p0 [hbm:s6], $0xF7A  }
0x23: {  	s9 =	sor.u32 $0xD0000000, s2;
	s6 =	simm.s32 $0x108;
	_ =	swait.ge @!p0 [sflag:s8], $0x0  }
0x24: {  	s3 =	sadd.s32 $0x88, s3;
	s6 =	simm.s32 @!p1 $0x1082;
	[sflag:s4] =	ssyncset.s32 $0xFFFFF086  }
0x25: {  	[simem:s6], [sflag:s4] =	dma.local [hbm:s3], $0xF7A  }
0x26: {  	[smem:$0x3FA0] =	sst s1;
	(tag) =	ssettag s2;
	_ =	strace s9  }
0x27: {  	s1 =	sld [smem:$0x3FB0]  }
0x28: {  	s2 =	sld [smem:$0x3FB1]  }
0x29: {  	s4 =	sld [smem:$0x3FB3]  }
0x2a: {  	p0 =	seq.s32 s5, $0x0;
	s5 =	sld [smem:$0x3FB4]  }
0x2b: {  	s6 =	sld [smem:$0x3FB5]  }
0x2c: {  	s7 =	sld [smem:$0x3FB6]  }
0x2d: {  	s3 =	simm.s32 $0x108;
	s8 =	sld [smem:$0x3FB7]  }
0x2e: {  	s3 =	simm.s32 @!p0 $0x1082;
	s9 =	sld [smem:$0x3FB8]  }
0x2f: {  	lr =	sadd.s32 s0, s3;
	s0 =	sld [smem:$0x3FAF]  }
0x30: {  	s3 =	sld [smem:$0x3FB2]  }
0x31: {  	[smem:$0x3FBB] =	sst s10  }
0x32: {  	s10 =	sld [smem:$0x3FB9];
	_ =	sdelay $0x3  }
0x33: {  	p0 =	seq.s32 s10, $0x1;
	s10 =	sld [smem:$0x3FBB];
	_ =	sdelay $0x3  }
0x34: {  	[smem:$0x3FBB] =	sst s10  }
0x35: {  	s10 =	sld [smem:$0x3FBA];
	_ =	sdelay $0x3  }
0x36: {  	p1 =	seq.s32 s10, $0x1;
	s10 =	sld [smem:$0x3FBB];
	_ =	sdelay $0x3  }
0x37: {  	[smem:$0x3FBB] =	sst s10  }
0x38: {  	s10 =	sld [smem:$0x3FBC]  }
0x39: {  	_ = 	snop;
	(pc) =	sbr.ind lr, $3  }
0x3a: {  	_ = 	snop  }
0x3b: {  	_ = 	snop  }
0x3c: {  	p2 =	seq.s32 s10, $0x1;
	s10 =	sld [smem:$0x3FBB]  }
0x3d: {  	_ =	shalt  }
0x3e: {  	_ =	shalt  }
0x3f: {  	_ =	shalt  }
0x40: {  	_ =	shalt  }
0x41: {  	_ =	shalt  }
0x42: {  	_ =	shalt  }
0x43: {  	_ =	shalt  }
0x44: {  	_ =	shalt  }
0x45: {  	_ =	shalt  }
0x46: {  	_ =	shalt  }
0x47: {  	_ =	shalt  }
0x48: {  	_ =	shalt  }
0x49: {  	_ =	shalt  }
0x4a: {  	_ =	shalt  }
0x4b: {  	_ =	shalt  }
0x4c: {  	_ =	shalt  }
0x4d: {  	_ =	shalt  }
0x4e: {  	_ =	shalt  }
0x4f: {  	_ =	shalt  }
0x50: {  	_ =	shalt  }
0x51: {  	_ =	shalt  }
0x52: {  	_ =	shalt  }
0x53: {  	_ =	shalt  }
0x54: {  	_ =	shalt  }
0x55: {  	_ =	shalt  }
0x56: {  	_ =	shalt  }
0x57: {  	_ =	shalt  }
0x58: {  	_ =	shalt  }
0x59: {  	_ =	shalt  }
0x5a: {  	_ =	shalt  }
0x5b: {  	_ =	shalt  }
0x5c: {  	_ =	shalt  }
0x5d: {  	_ =	shalt  }
0x5e: {  	_ =	shalt  }
0x5f: {  	_ =	shalt  }
0x60: {  	_ =	shalt  }
0x61: {  	_ =	shalt  }
0x62: {  	_ =	shalt  }
0x63: {  	_ =	shalt  }
0x64: {  	_ =	shalt  }
0x65: {  	_ =	shalt  }
0x66: {  	_ =	shalt  }
0x67: {  	_ =	shalt  }
0x68: {  	_ =	shalt  }
0x69: {  	_ =	shalt  }
0x6a: {  	_ =	shalt  }
0x6b: {  	_ =	shalt  }
0x6c: {  	_ =	shalt  }
0x6d: {  	_ =	shalt  }
0x6e: {  	_ =	shalt  }
0x6f: {  	_ =	shalt  }
0x70: {  	_ =	shalt  }
0x71: {  	_ =	shalt  }
0x72: {  	_ =	shalt  }
0x73: {  	_ =	shalt  }
0x74: {  	_ =	shalt  }
0x75: {  	_ =	shalt  }
0x76: {  	_ =	shalt  }
0x77: {  	_ =	shalt  }
0x78: {  	_ =	shalt  }
0x79: {  	_ =	shalt  }
0x7a: {  	_ =	shalt  }
0x7b: {  	_ =	shalt  }
0x7c: {  	_ =	shalt  }
0x7d: {  	_ =	shalt  }
0x7e: {  	_ =	shalt  }
0x7f: {  	_ =	shalt  }
0x80: {  	_ =	shalt  }
0x81: {  	_ =	shalt  }
0x82: {  	_ =	shalt  }
0x83: {  	_ =	shalt  }
0x84: {  	_ =	shalt  }
0x85: {  	_ =	shalt  }
0x86: {  	_ =	shalt  }
0x87: {  	_ =	shalt  }
.Lfunc_end0:
.L_simem_size_0:
called_computation_lowered:
.L_overlay_start_0:
0x88: {  	s2 =	sld [smem:$0x3FD9]  }
0x89: {  	s3 =	sld [smem:$0x3FFE];
	_ =	sdelay $0x1  }
0x8a: {  	s1 =	srdreg.scid  }
0x8b: {  	s0 =	sand.u32 $0x1, s1  }
0x8c: {  	s18 =	sshll.u32 s0, $0xA;
	s2 =	sadd.s32 s3, s2  }
0x8d: {  	s2 =	sadd.s32 s2, s18  }
0x8e: {  	[smem:$0x3FC7] =	sst s2  }
0x8f: {  	_ = 	snop  }
0x90: {  	s2 =	sld [smem:$0x3FC9]  }
0x91: {  	s19 =	sld [smem:$0x3FD0];
	(tm) =	ssettm $0x1  }
0x92: {  	s4 =	sld [smem:$0x3FFB];
	_ =	sdelay $0x3  }
0x93: {  	_ =	strace s4  }
0x94: {  	s4 =	sld [smem:$0x3FFC];
	_ =	sdelay $0x3  }
0x95: {  	_ =	strace s4  }
0x96: {  	s4 =	sld [smem:$0x3FFD];
	_ =	sdelay $0x3  }
0x97: {  	_ =	strace s4  }
0x98: {  	_ =	strace $0x8FFFFFFF  }
0x99: {  	s20 =	sld [smem:$0x3FDB];
	_ =	sdelay $0x1  }
0x9a: {  	s5 =	simm.s32 $_scs_section_size  }
0x9b: {  	s6 =	simm.s32 $_size__tile_overlayer_lowered;
	s7 =	simm.s32 $_tile_overlayer_lowered  }
0x9c: {  	s23 =	simm.s32 $0x1BFF;
	s22 =	sshll.u32 s7, $0x1;
	s4 =	sadd.s32 s5, s20  }
0x9d: {  	s8 =	simm.s32 $0x0;
	s21 =	sshll.u32 s6, $0x1;
	s6 =	sadd.s32 s22, s4  }
0x9e: {  	[timem:s8], [sflag:s23] =	dma.local [hbm:s6], s21  }
0x9f: {  	_ =	swait.ge [sflag:s23], s21  }
0xa0: {  	s5 =	ssub.s32 $0x0, s21;
	[sflag:s23] =	ssyncset.done $0x0  }
0xa1: {  	[sflag:s23] =	ssyncadd.s32 s5;
	_ =	sdelay $0x1  }
0xa2: {  	s24 =	simm.s32 $0x1B8B  }
0xa3: {  	_ =	swait.ge [sflag:s24], $0x1  }
0xa4: {  	[sflag:s24] =	ssyncset.done $0x0  }
0xa5: {  	s25 =	simm.s32 $0x1B8E;
	[sflag:s24] =	ssyncadd.s32 $0xFFFFFFFF  }
0xa6: {  	s26 =	simm.s32 $execute0_lowered;
	[smem:$0x3FD2] =	sst s25  }
0xa7: {  	s5 =	sshll.u32 s26, $0x1;
	_ =	strace $0x80000046;
	[dreg:$0x1] =	wrdreg $0xFFFFFFFF  }
0xa8: {  	s28 =	simm.s32 $_size_execute0_lowered;
	s4 =	sadd.s32 s4, s5;
	[dreg:$0x0] =	wrdreg $0x0  }
0xa9: {  	s5 =	sshll.u32 s28, $0x1;
	[dreg:$0x2] =	wrdreg s4  }
0xaa: {  	[dreg:$0x3] =	wrdreg s5  }
0xab: {  	[dreg:$0x4] =	wrdreg $0xC0  }
0xac: {  	_ =	task [dreg:s8], $0x5FFFF  }
0xad: {  	[dreg:$0x1] =	wrdreg $0xFFFFFFFF  }
0xae: {  	[dreg:$0x0] =	wrdreg $0x60  }
0xaf: {  	[dreg:$0x2] =	wrdreg s2  }
0xb0: {  	[dreg:$0x3] =	wrdreg s19  }
0xb1: {  	[dreg:$0x4] =	wrdreg $0x122000  }
0xb2: {  	[dreg:$0x5] =	wrdreg $0x9  }
0xb3: {  	_ =	task.clear_ibuf [dreg:s8], $0x6FFFF;
	_ =	strace $0x90000046  }
0xb4: {  	s29 =	simm.s32 $0x9;
	_ =	strace $0x80000048  }
0xb5: {  	_ =	swait.ge [sflag:s29], $0x1  }
0xb6: {  	[sflag:s29] =	ssyncadd.s32 $0xFFFFFFFF  }
0xb7: {  	_ =	strace $0x90000048  }
0xb8: {  	_ =	sfence  }
0xb9: {  	s30 =	sld [smem:$0x0];
	_ =	sdelay $0x2  }
0xba: {  	s31 =	sshll.u32 s1, $0xD;
	s1 =	sshrl.u32 s1, $0x2  }
0xbb: {  	s3 =	sand.u32 $0x4000, s31;
	s1 =	sadd.s32 s1, s30  }
0xbc: {  	s0 =	sor.u32 s3, s0;
	s1 =	sshll.u32 s1, $0x11  }
0xbd: {  	s0 =	sor.u32 s1, s0  }
0xbe: {  	s0 =	sadd.s32 $0x8F2B, s0  }
0xbf: {  	[sflag:s0] =	ssyncadd.remote.s32 $0x1  }
0xc0: {  	_ =	sfence.sel $0xFFFF  }
0xc1: {  	[dreg:$0x0] =	wrdreg $0xFFFFFFFF;
	(pc) =	sbr.abs _section_cstart, $3  }
0xc2: {  	[dreg:$0x1] =	wrdreg $0xFFFFFFFF  }
0xc3: {  	_ =	task.clear_ibuf [dreg:s8], $0x2FFFF;
	_ =	strace $0x9FFFFFFF  }
0xc4: {  	(tm) =	ssettm $0x7FFFFFFF  }
0xc5: {  	_ =	shalt  }
tec
execute0_lowered:
.L_overlay_start_1:
0x0: {  	(tag) =	ssettag $0x1  }
0x1: {  	s1 =	rddreg [dreg:$0x0]  }
0x2: {  	s3 =	rddreg [dreg:$0x1];
	s5 =	simm.s32 $0x0;
	v62 =	vlaneseq.u32  }
0x3: {  	[smem:$0x7FF] =	sst s5;
	v14 =	vor.u32 $0x400, v62  }
0x4: {  	s4 =	rddreg [dreg:$0x2];
	v7 =	vor.u32 $0x410, v62;
	_ =	strace $0x80000047;
	[tilespmem:$0x1FF10] =	vst v14  }
0x5: {  	v15 =	vor.u32 $0x420, v62;
	[tilespmem:$0x1FF20] =	vst v7  }
0x6: {  	v13 =	vor.u32 $0x430, v62;
	[tilespmem:$0x1FF30] =	vst v15  }
0x7: {  	v56 =	vor.u32 $0x440, v62;
	[tilespmem:$0x1FF40] =	vst v13  }
0x8: {  	s2 =	srdreg.scid;
	s0 =	stileid.u32;
	v57 =	vor.u32 $0x450, v62;
	[tilespmem:$0x1FF50] =	vst v56  }
0x9: {  	s13 =	simm.s32 $0x1000;
	s14 =	simm.s32 $0x2000;
	s15 =	simm.s32 $0x4000;
	v58 =	vor.u32 $0x460, v62;
	[tilespmem:$0x1FF60] =	vst v57  }
0xa: {  	s16 =	simm.s32 $0x1;
	s17 =	simm.s32 $0x2;
	s18 =	simm.s32 $0x12000;
	v0 =	vor.u32 $0x470, v62;
	[tilespmem:$0x1FF70] =	vst v58  }
0xb: {  	s19 =	simm.s32 $0x5;
	s20 =	simm.s32 $0x10000;
	s21 =	simm.s32 $0x8000;
	v6 =	vor.u32 $0x60, v62;
	[tilespmem:$0x1FF80] =	vst v0  }
0xc: {  	s22 =	simm.s32 $0x4;
	s23 =	simm.s32 $0xC000;
	s24 =	simm.s32 $0x3;
	v1 =	vor.u32 $0x10, v62;
	[tilespmem:$0x1FF90] =	vst v6  }
0xd: {  	s25 =	simm.s32 $0x0;
	s7 =	sand.u32 $0x1, s2;
	s6 =	sshll.u32 s0, $0x15;
	v2 =	vor.u32 $0x40, v62;
	[tilespmem:$0x1FFA0] =	vst v1  }
.Ltmp0:
0xe: {  	s11 =	sshll.u32 s0, $0x9;
	v3 =	vor.u32 $0x30, v62;
	s8 =	sshll.u32 s7, $0xC;
	[tilespmem:$0x1FFB0] =	vst v2;
	(pc) =	sbr.rel .LBB2_1-.Ltmp0, $4  }
0xf: {  	v4 =	vor.u32 $0x20, v62;
	p0 =	seq.s32 s0, $0x0;
	s30 =	ssub.s32 $0x2, s7;
	[tilespmem:$0x1FFC0] =	vst v3;
	s6 =	sor.u32 s8, s6  }
0x10: {  	v5 =	vor.u32 $0x50, v62;
	s11 =	sadd.s32 s11, s4;
	[tilespmem:$0x1FFD0] =	vst v4;
	s9 =	sshrl.u32 s30, $0x1;
	s31 =	sshrl.u32 s6, $0x3  }
0x11: {  	v63 =	vor.u32 $0x70, v62;
	[tilespmem:$0x1FFE0] =	vst v5;
	s12 =	ssub.s32 s30, s9;
	s9 =	sor.u32 $0x10000, s6;
	s7 =	sadd.s32 s1, s31  }
0x12: {  	[tilespmem:$0x1FFF0] =	vst v63;
	s10 =	sor.u32 $0x18000, s6;
	s12 =	smax.u32 s12, $0x1;
	s8 =	sadd.s32 $0x1000, s7  }
.LBB2_31:
0x13: {  	_ =	swait.ge [sflag:s24], $0x4000  }
0x14: {  	s25 =	sadd.s32 $0x1, s25;
	[sflag:s24] =	ssyncset.done $0x0  }
0x15: {  	p1 =	sne.s32 s25, s12;
	[sflag:s24] =	ssyncadd.s32 $0xFFFFC000  }
.Ltmp1:
0x16: {  	_ =	swait.ge [sflag:s22], $0x4000;
	(pc) =	sbr.rel @!p1 .LBB2_32-.Ltmp1, $4  }
0x17: {  	v7 =	vld [tilespmem:$0x1FF20]  }
0x18: {  	v13 =	vld [tilespmem:$0x1FF40]  }
0x19: {  	[sflag:s22] =	ssyncset.done $0x0;
	v14 =	vld [tilespmem:$0x1FF10]  }
0x1a: {  	v15 =	vld [tilespmem:$0x1FF30];
	[sflag:s22] =	ssyncadd.s32 $0xFFFFC000  }
.LBB2_1:
0x1b: {  	[tilespmem:s5], [sflag:$0x1] =	stream.strided.gather [hbm4b:s7+s13], $0x4000, s14, s13, $0x38;
	[tilespmem:$0x12400] =	vst v63  }
0x1c: {  	s26 =	simm.s32 $0x0  }
0x1d: {  	[tilespmem:s15], [sflag:$0x2] =	stream.strided.gather [hbm4b:s8+s13], $0x4000, s14, s13, $0x38;
	[tilespmem:$0x12400] =	vst v63  }
.LBB2_2:
0x1e: {  	_ =	swait.ge [sflag:s16], $0x4000  }
0x1f: {  	[sflag:s16] =	ssyncset.done $0x0  }
0x20: {  	v12 =	vld [tilespmem:$0x1FF80];
	[sflag:s16] =	ssyncadd.s32 $0xFFFFC000  }
0x21: {  	v0 =	vld [tilespmem:$0x12000]  }
0x22: {  	v8 =	vld [tilespmem:$0x12010]  }
0x23: {  	v9 =	vld [tilespmem:$0x12020]  }
0x24: {  	v10 =	vld [tilespmem:$0x12030]  }
0x25: {  	v11 =	vld [tilespmem:$0x12040]  }
0x26: {  	v17 =	vld [tilespmem:$0x12050]  }
0x27: {  	s28 =	simm.s32 $0x0;
	v18 =	vld [tilespmem:$0x12060]  }
0x28: {  	v16 =	vmov s28;
	v19 =	vld [tilespmem:$0x12070]  }
0x29: {  	v21 =	vshll.u32 v16, $0x9;
	v16 =	vshll.u32 v16, $0x7;
	v20 =	vld [tilespmem:$0x12080]  }
0x2a: {  	v22 =	vld [tilespmem:$0x12090];
	v21 =	vand.u32 $0x3000, v21;
	v16 =	vand.u32 $0x300, v16  }
0x2b: {  	v23 =	vld [tilespmem:$0x120A0];
	v24 =	vor.u32 v16, v21  }
0x2c: {  	v25 =	vld [tilespmem:$0x120B0];
	v16 =	vor.u32 v62, v24  }
0x2d: {  	v26 =	vld [tilespmem:$0x120C0];
	v21 =	vor.u32 v56, v24  }
0x2e: {  	v27 =	vld [tilespmem:$0x120D0];
	v28 =	vor.u32 v13, v24  }
0x2f: {  	v29 =	vld [tilespmem:$0x120E0];
	v30 =	vor.u32 v57, v24  }
0x30: {  	v32 =	vld [tilespmem:$0x120F0];
	v31 =	vor.u32 v7, v24  }
0x31: {  	v33 =	vor.u32 v4, v24;
	v34 =	vld.idx.msk [tilespmem:v16+s5+$0x0], $0xffff  }
0x32: {  	v35 =	vor.u32 v3, v24;
	v36 =	vld.idx.msk [tilespmem:v21+s5+$0x0], $0xffff  }
0x33: {  	s28 =	simm.s32 $0x1;
	v37 =	vor.u32 v58, v24;
	v38 =	vld.idx.msk [tilespmem:v28+s5+$0x0], $0xffff  }
0x34: {  	p1 =	seq.s32 s26, $0x0;
	v55 =	vor.u32 v2, v24;
	v48 =	vor.u32 v63, v24;
	v16 =	vmov s28;
	v39 =	vld.idx.msk [tilespmem:v30+s5+$0x0], $0xffff  }
0x35: {  	v45 =	vpsel p1, $0x0, v18;
	v40 =	vld.idx.msk [tilespmem:v31+s5+$0x0], $0xffff;
	v21 =	vshll.u32 v16, $0x9;
	v16 =	vshll.u32 v16, $0x7  }
0x36: {  	v18 =	vor.u32 v5, v24;
	v41 =	vld.idx.msk [tilespmem:v33+s5+$0x0], $0xffff;
	v21 =	vand.u32 $0x3000, v21;
	v16 =	vand.u32 $0x380, v16  }
0x37: {  	v0 =	vpsel p1, $0x0, v0;
	v28 =	vor.u32 v14, v24;
	v42 =	vld.idx.msk [tilespmem:v35+s5+$0x0], $0xffff;
	v21 =	vor.u32 v16, v21  }
0x38: {  	v9 =	vpsel p1, $0x0, v9;
	v10 =	vpsel p1, $0x0, v10;
	v37 =	vld.idx.msk [tilespmem:v37+s5+$0x0], $0xffff;
	v54 =	vor.u32 v4, v21  }
0x39: {  	v11 =	vpsel p1, $0x0, v11;
	v44 =	vpsel p1, $0x0, v17;
	v30 =	vor.u32 v12, v24;
	v50 =	vld.idx.msk [tilespmem:v55+s5+$0x0], $0xffff  }
0x3a: {  	v46 =	vpsel p1, $0x0, v19;
	v48 =	vld.idx.msk [tilespmem:v48+s5+$0x0], $0xffff;
	v16 =	vpsel p1, $0x0, v8;
	v8 =	vor.u32 v15, v24  }
0x3b: {  	v20 =	vpsel p1, $0x0, v20;
	v22 =	vpsel p1, $0x0, v22;
	v52 =	vld.idx.msk [tilespmem:v18+s5+$0x0], $0xffff;
	v17 =	vor.u32 v3, v21  }
0x3c: {  	v23 =	vpsel p1, $0x0, v23;
	v49 =	vpsel p1, $0x0, v27;
	v27 =	vor.u32 v2, v21;
	v43 =	vld.idx.msk [tilespmem:v28+s5+$0x0], $0xffff  }
0x3d: {  	v25 =	vpsel p1, $0x0, v25;
	v26 =	vpsel p1, $0x0, v26;
	v28 =	vor.u32 v6, v24;
	v47 =	vld.idx.msk [tilespmem:v54+s5+$0x0], $0xffff  }
0x3e: {  	v51 =	vpsel p1, $0x0, v29;
	v32 =	vpsel p1, $0x0, v32;
	v60 =	vor.u32 v6, v21;
	v31 =	vld.idx.msk [tilespmem:v30+s5+$0x0], $0xffff  }
0x3f: {  	v19 =	vor.u32 v62, v21;
	v59 =	vor.u32 v5, v21;
	v24 =	vor.u32 v1, v24;
	v8 =	vld.idx.msk [tilespmem:v8+s5+$0x0], $0xffff  }
0x40: {  	v61 =	vor.u32 v1, v21;
	v9 =	vadd.f32 v41, v9;
	v18 =	vadd.f32 v34, v0;
	v33 =	vld.idx.msk [tilespmem:v17+s5+$0x0], $0xffff  }
0x41: {  	v30 =	vor.u32 v57, v21;
	v29 =	vadd.f32 v50, v11;
	v41 =	vor.u32 v7, v21;
	v27 =	vld.idx.msk [tilespmem:v27+s5+$0x0], $0xffff  }
0x42: {  	v0 =	vld.idx.msk [tilespmem:v28+s5+$0x0], $0xffff;
	v28 =	vadd.f32 v40, v22;
	v17 =	vadd.f32 v47, v9;
	v9 =	vor.u32 v63, v21  }
0x43: {  	v34 =	vld.idx.msk [tilespmem:v60+s5+$0x0], $0xffff;
	v22 =	vadd.f32 v38, v25;
	v25 =	vadd.f32 v36, v26;
	v40 =	vor.u32 v14, v21  }
0x44: {  	v11 =	vor.u32 v56, v21;
	v35 =	vld.idx.msk [tilespmem:v24+s5+$0x0], $0xffff;
	v20 =	vadd.f32 v43, v20;
	v26 =	vadd.f32 v39, v49  }
0x45: {  	v24 =	vadd.f32 v37, v51;
	v43 =	vor.u32 v15, v21;
	v23 =	vadd.f32 v8, v23;
	v8 =	vld.idx.msk [tilespmem:v59+s5+$0x0], $0xffff  }
0x46: {  	v39 =	vadd.f32 v42, v10;
	v10 =	vor.u32 v13, v21;
	v42 =	vadd.f32 v52, v44;
	v38 =	vld.idx.msk [tilespmem:v61+s5+$0x0], $0xffff  }
0x47: {  	s28 =	simm.s32 $0x2;
	v36 =	vor.u32 v12, v21;
	v0 =	vadd.f32 v0, v45;
	v37 =	vld.idx.msk [tilespmem:v9+s5+$0x0], $0xffff;
	v9 =	vadd.f32 v48, v46  }
.LBB2_3:
0x48: {  	v44 =	vmov s28;
	s29 =	sadd.s32 $0x1, s28;
	p2 =	slt.u32 s28, $0x1E;
	s28 =	sadd.s32 $0x2, s28;
	v31 =	vadd.f32 v31, v32;
	v40 =	vld.idx.msk [tilespmem:v40+s5+$0x0], $0xffff;
	v21 =	vor.u32 v58, v21  }
0x49: {  	v39 =	vadd.f32 v33, v39;
	v32 =	vshll.u32 v44, $0x9;
	v44 =	vshll.u32 v44, $0x7;
	v33 =	vld.idx.msk [tilespmem:v41+s5+$0x0], $0xffff  }
0x4a: {  	v42 =	vadd.f32 v8, v42;
	v32 =	vand.u32 $0x3000, v32;
	v41 =	vand.u32 $0x300, v44;
	v8 =	vld.idx.msk [tilespmem:v43+s5+$0x0], $0xffff  }
0x4b: {  	v16 =	vadd.f32 v35, v16;
	v32 =	vor.u32 v41, v32;
	v41 =	vmov s29;
	v10 =	vld.idx.msk [tilespmem:v10+s5+$0x0], $0xffff  }
0x4c: {  	v9 =	vadd.f32 v37, v9;
	v35 =	vor.u32 v62, v32;
	v43 =	vor.u32 v56, v32;
	v11 =	vld.idx.msk [tilespmem:v11+s5+$0x0], $0xffff  }
0x4d: {  	v37 =	vor.u32 v7, v32;
	v44 =	vor.u32 v13, v32;
	v16 =	vadd.f32 v38, v16;
	v30 =	vld.idx.msk [tilespmem:v30+s5+$0x0], $0xffff  }
0x4e: {  	v0 =	vadd.f32 v34, v0;
	v38 =	vor.u32 v4, v32;
	v45 =	vshll.u32 v41, $0x9;
	v34 =	vld.idx.msk [tilespmem:v21+s5+$0x0], $0xffff  }
0x4f: {  	v46 =	vor.u32 v3, v32;
	v45 =	vand.u32 $0x3000, v45;
	v21 =	vor.u32 v57, v32;
	v36 =	vld.idx.msk [tilespmem:v36+s5+$0x0], $0xffff  }
0x50: {  	v47 =	vor.u32 v2, v32;
	v48 =	vor.u32 v15, v32;
	v28 =	vadd.f32 v33, v28;
	v49 =	vld.idx.msk [tilespmem:v19+s5+$0x0], $0xffff  }
0x51: {  	v50 =	vor.u32 v58, v32;
	v19 =	vshll.u32 v41, $0x7;
	v33 =	vld.idx.msk [tilespmem:v35+s5+$0x0], $0xffff;
	v35 =	vor.u32 v5, v32  }
0x52: {  	v51 =	vor.u32 v6, v32;
	v52 =	vor.u32 v12, v32;
	v41 =	vor.u32 v1, v32;
	v43 =	vld.idx.msk [tilespmem:v43+s5+$0x0], $0xffff  }
0x53: {  	v53 =	vor.u32 v63, v32;
	v54 =	vor.u32 v14, v32;
	v19 =	vand.u32 $0x380, v19;
	v44 =	vld.idx.msk [tilespmem:v44+s5+$0x0], $0xffff  }
0x54: {  	v29 =	vadd.f32 v27, v29;
	v8 =	vadd.f32 v8, v23;
	v55 =	vld.idx.msk [tilespmem:v21+s5+$0x0], $0xffff;
	v21 =	vor.u32 v19, v45  }
0x55: {  	v10 =	vadd.f32 v10, v22;
	v11 =	vadd.f32 v11, v25;
	v23 =	vld.idx.msk [tilespmem:v37+s5+$0x0], $0xffff;
	v19 =	vor.u32 v62, v21  }
0x56: {  	v26 =	vadd.f32 v30, v26;
	v32 =	vadd.f32 v36, v31;
	v25 =	vor.u32 v4, v21;
	v22 =	vld.idx.msk [tilespmem:v38+s5+$0x0], $0xffff  }
0x57: {  	v24 =	vadd.f32 v34, v24;
	v30 =	vor.u32 v57, v21;
	v18 =	vadd.f32 v49, v18;
	v37 =	vld.idx.msk [tilespmem:v46+s5+$0x0], $0xffff  }
0x58: {  	v20 =	vadd.f32 v40, v20;
	v34 =	vld.idx.msk [tilespmem:v50+s5+$0x0], $0xffff  }
0x59: {  	v27 =	vor.u32 v3, v21;
	v36 =	vld.idx.msk [tilespmem:v54+s5+$0x0], $0xffff  }
0x5a: {  	v31 =	vld.idx.msk [tilespmem:v52+s5+$0x0], $0xffff  }
0x5b: {  	v25 =	vld.idx.msk [tilespmem:v25+s5+$0x0], $0xffff  }
0x5c: {  	v18 =	vadd.f32 v33, v18;
	v38 =	vld.idx.msk [tilespmem:v48+s5+$0x0], $0xffff  }
0x5d: {  	v45 =	vor.u32 v2, v21;
	v40 =	vld.idx.msk [tilespmem:v47+s5+$0x0], $0xffff  }
0x5e: {  	v33 =	vld.idx.msk [tilespmem:v27+s5+$0x0], $0xffff  }
0x5f: {  	v17 =	vadd.f32 v22, v17;
	v47 =	vor.u32 v5, v21;
	v46 =	vld.idx.msk [tilespmem:v35+s5+$0x0], $0xffff  }
0x60: {  	v49 =	vor.u32 v6, v21;
	v28 =	vadd.f32 v23, v28;
	v48 =	vld.idx.msk [tilespmem:v51+s5+$0x0], $0xffff  }
0x61: {  	v17 =	vadd.f32 v25, v17;
	v51 =	vor.u32 v63, v21;
	v50 =	vld.idx.msk [tilespmem:v53+s5+$0x0], $0xffff  }
0x62: {  	v22 =	vadd.f32 v44, v10;
	v23 =	vadd.f32 v38, v8;
	v38 =	vor.u32 v1, v21;
	v27 =	vld.idx.msk [tilespmem:v45+s5+$0x0], $0xffff  }
.Ltmp2:
0x63: {  	v25 =	vadd.f32 v43, v11;
	v29 =	vadd.f32 v40, v29;
	v40 =	vor.u32 v14, v21;
	v35 =	vld.idx.msk [tilespmem:v41+s5+$0x0], $0xffff;
	(pc) =	sbr.rel @p2 .LBB2_3-.Ltmp2, $4  }
0x64: {  	v26 =	vadd.f32 v55, v26;
	v20 =	vadd.f32 v36, v20;
	v41 =	vor.u32 v7, v21;
	v8 =	vld.idx.msk [tilespmem:v47+s5+$0x0], $0xffff  }
0x65: {  	v24 =	vadd.f32 v34, v24;
	v36 =	vor.u32 v12, v21;
	v43 =	vor.u32 v15, v21;
	v34 =	vld.idx.msk [tilespmem:v49+s5+$0x0], $0xffff  }
0x66: {  	v10 =	vor.u32 v13, v21;
	v39 =	vadd.f32 v37, v39;
	v0 =	vadd.f32 v48, v0;
	v37 =	vld.idx.msk [tilespmem:v51+s5+$0x0], $0xffff  }
0x67: {  	v11 =	vor.u32 v56, v21;
	v42 =	vadd.f32 v46, v42;
	v9 =	vadd.f32 v50, v9;
	v38 =	vld.idx.msk [tilespmem:v38+s5+$0x0], $0xffff  }
0x68: {  	_ =	sdelay $0x3  }
0x69: {  	v40 =	vld.idx.msk [tilespmem:v40+s5+$0x0], $0xffff  }
0x6a: {  	v41 =	vld.idx.msk [tilespmem:v41+s5+$0x0], $0xffff  }
0x6b: {  	v43 =	vld.idx.msk [tilespmem:v43+s5+$0x0], $0xffff  }
0x6c: {  	v10 =	vld.idx.msk [tilespmem:v10+s5+$0x0], $0xffff  }
0x6d: {  	v11 =	vld.idx.msk [tilespmem:v11+s5+$0x0], $0xffff  }
0x6e: {  	v30 =	vld.idx.msk [tilespmem:v30+s5+$0x0], $0xffff  }
0x6f: {  	v36 =	vld.idx.msk [tilespmem:v36+s5+$0x0], $0xffff  }
0x70: {  	v19 =	vld.idx.msk [tilespmem:v19+s5+$0x0], $0xffff  }
0x71: {  	v44 =	vld [tilespmem:$0x12100]  }
0x72: {  	v46 =	vld [tilespmem:$0x12120]  }
0x73: {  	v21 =	vor.u32 v58, v21;
	v47 =	vld [tilespmem:$0x12130]  }
0x74: {  	v48 =	vld [tilespmem:$0x12140]  }
0x75: {  	v31 =	vadd.f32 v31, v32;
	v59 =	vld [tilespmem:$0x12150];
	v33 =	vadd.f32 v33, v39  }
0x76: {  	v16 =	vadd.f32 v35, v16;
	v60 =	vld [tilespmem:$0x12160];
	v27 =	vadd.f32 v27, v29  }
0x77: {  	v61 =	vld [tilespmem:$0x12170];
	v13 =	vmovc v2;
	v14 =	vmovc v4;
	v2 =	vor.u32 $0xC30, v62;
	v8 =	vadd.f32 v8, v42;
	v0 =	vadd.f32 v34, v0  }
0x78: {  	v4 =	vor.u32 $0x810, v62;
	v9 =	vadd.f32 v37, v9;
	v16 =	vadd.f32 v38, v16;
	v21 =	vld.idx.msk [tilespmem:v21+s5+$0x0], $0xffff;
	[tilespmem:$0x12020] =	vst v17  }
0x79: {  	v49 =	vld [tilespmem:$0x12180];
	v15 =	vmovc v5;
	v5 =	vor.u32 $0xC60, v62;
	v28 =	vadd.f32 v41, v28;
	v18 =	vadd.f32 v19, v18;
	[tilespmem:$0x12030] =	vst v33  }
0x7a: {  	v29 =	vld [tilespmem:$0x121A0];
	v12 =	vmovc v6;
	v6 =	vor.u32 $0xC20, v62;
	v23 =	vadd.f32 v43, v23;
	v10 =	vadd.f32 v10, v22;
	[tilespmem:$0x12040] =	vst v27  }
0x7b: {  	v7 =	vor.u32 $0xC40, v62;
	v11 =	vadd.f32 v11, v25;
	v22 =	vadd.f32 v30, v26;
	[tilespmem:$0x12050] =	vst v8  }
0x7c: {  	v25 =	vadd.f32 v36, v31;
	v20 =	vadd.f32 v40, v20;
	v38 =	vpsel p1, $0x0, v44;
	[tilespmem:$0x12060] =	vst v0  }
0x7d: {  	v45 =	vld [tilespmem:$0x12110];
	v36 =	vpsel p1, $0x0, v46;
	v37 =	vpsel p1, $0x0, v47;
	v44 =	vpsel p1, $0x0, v48;
	[tilespmem:$0x12070] =	vst v9  }
0x7e: {  	s28 =	simm.s32 $0x1;
	v19 =	vld [tilespmem:$0x12190];
	v35 =	vpsel p1, $0x0, v59;
	v47 =	vpsel p1, $0x0, v60;
	v34 =	vpsel p1, $0x0, v61;
	[tilespmem:$0x12010] =	vst v16  }
0x7f: {  	v17 =	vld [tilespmem:$0x121D0];
	v57 =	vpsel p1, $0x0, v49;
	v32 =	vpsel p1, $0x0, v29;
	v0 =	vmov s28;
	[tilespmem:$0x12000] =	vst v18  }
0x80: {  	v26 =	vld [tilespmem:$0x121E0];
	v29 =	vor.u32 $0xC00, v62;
	v8 =	vshll.u32 v0, $0x9;
	v0 =	vshll.u32 v0, $0x7;
	[tilespmem:$0x12080] =	vst v20  }
0x81: {  	v9 =	vld [tilespmem:$0x121F0];
	s28 =	simm.s32 $0x0;
	v30 =	vor.u32 $0xC70, v62;
	v8 =	vand.u32 $0x3000, v8;
	v0 =	vand.u32 $0x380, v0;
	[tilespmem:$0x120B0] =	vst v10  }
0x82: {  	v18 =	vld [tilespmem:$0x121B0];
	[tilespmem:$0x120C0] =	vst v11;
	v42 =	vor.u32 v8, v0;
	v0 =	vor.u32 $0x870, v62;
	v8 =	vmov s28  }
0x83: {  	[tilespmem:$0x1FEC0] =	vst v0;
	v0 =	vor.u32 v0, v42;
	v10 =	vor.u32 v2, v42;
	v11 =	vshll.u32 v8, $0x9  }
0x84: {  	[tilespmem:$0x120F0] =	vst v25;
	v8 =	vshll.u32 v8, $0x7;
	v25 =	vor.u32 v5, v42;
	v21 =	vadd.f32 v21, v24  }
0x85: {  	v16 =	vld [tilespmem:$0x121C0];
	[tilespmem:$0x12090] =	vst v28;
	v24 =	vpsel p1, $0x0, v45;
	v39 =	vpsel p1, $0x0, v19;
	v40 =	vpsel p1, $0x0, v17  }
0x86: {  	[tilespmem:$0x120A0] =	vst v23;
	v41 =	vpsel p1, $0x0, v26;
	v20 =	vand.u32 $0x3000, v11;
	v8 =	vand.u32 $0x300, v8  }
0x87: {  	[tilespmem:$0x120D0] =	vst v22;
	v46 =	vpsel p1, $0x0, v9;
	v33 =	vpsel p1, $0x0, v18;
	v18 =	vor.u32 v30, v42  }
0x88: {  	v20 =	vor.u32 v8, v20;
	v53 =	vor.u32 v8, v11;
	[tilespmem:$0x120E0] =	vst v21;
	v21 =	vor.u32 v29, v42  }
0x89: {  	v17 =	vor.u32 $0x840, v62;
	v8 =	vor.u32 $0x800, v20;
	v9 =	vor.u32 v29, v53;
	v49 =	vld.idx.msk [tilespmem:v0+s5+$0x0], $0xffff  }
0x8a: {  	v19 =	vor.u32 $0x860, v62;
	v48 =	vpsel p1, $0x0, v16;
	v11 =	vor.u32 v1, v8;
	v50 =	vld.idx.msk [tilespmem:v10+s5+$0x0], $0xffff  }
0x8b: {  	v16 =	vor.u32 $0x830, v62;
	v58 =	vor.u32 v7, v53;
	v0 =	vor.u32 v3, v8;
	v45 =	vld.idx.msk [tilespmem:v25+s5+$0x0], $0xffff  }
0x8c: {  	v55 =	vor.u32 v6, v53;
	v59 =	vor.u32 v5, v53;
	v10 =	vor.u32 v4, v42;
	v43 =	vld.idx.msk [tilespmem:v18+s5+$0x0], $0xffff  }
0x8d: {  	v20 =	vor.u32 v30, v53;
	v1 =	vor.u32 $0x800, v62;
	v52 =	vor.u32 v62, v8;
	v23 =	vld.idx.msk [tilespmem:v21+s5+$0x0], $0xffff  }
0x8e: {  	[tilespmem:$0x1FED0] =	vst v4;
	v60 =	vor.u32 v14, v8;
	v3 =	vor.u32 $0x820, v62;
	v18 =	vor.u32 v1, v42;
	v51 =	vld.idx.msk [tilespmem:v9+s5+$0x0], $0xffff  }
0x8f: {  	[tilespmem:$0x1FF00] =	vst v16;
	v4 =	vor.u32 $0xC10, v62;
	v21 =	vor.u32 v12, v8;
	v12 =	vor.u32 v6, v42;
	v56 =	vld.idx.msk [tilespmem:v11+s5+$0x0], $0xffff  }
0x90: {  	[tilespmem:$0x1FEE0] =	vst v1;
	v1 =	vor.u32 $0x850, v62;
	v62 =	vor.u32 v13, v8;
	v13 =	vor.u32 v3, v42;
	v54 =	vld.idx.msk [tilespmem:v0+s5+$0x0], $0xffff  }
0x91: {  	v31 =	vmov v17;
	v61 =	vor.u32 v15, v8;
	[tilespmem:$0x1FEF0] =	vst v3;
	v9 =	vor.u32 v2, v53;
	v26 =	vld.idx.msk [tilespmem:v10+s5+$0x0], $0xffff  }
0x92: {  	v11 =	vor.u32 v16, v42;
	v0 =	vor.u32 v63, v8;
	v10 =	vor.u32 v1, v42;
	v8 =	vld.idx.msk [tilespmem:v52+s5+$0x0], $0xffff  }
0x93: {  	v3 =	vmovc v1;
	v63 =	vor.u32 v19, v42;
	v1 =	vmov v19;
	v22 =	vld.idx.msk [tilespmem:v18+s5+$0x0], $0xffff;
	v25 =	vadd.f32 v51, v57  }
0x94: {  	v18 =	vor.u32 v4, v53;
	v57 =	vor.u32 v4, v42;
	v52 =	vld.idx.msk [tilespmem:v12+s5+$0x0], $0xffff;
	v56 =	vadd.f32 v56, v24  }
0x95: {  	s28 =	simm.s32 $0x2;
	v24 =	vor.u32 v17, v42;
	v51 =	vadd.f32 v23, v25;
	v23 =	vor.u32 v7, v42;
	v25 =	vld.idx.msk [tilespmem:v13+s5+$0x0], $0xffff  }
.LBB2_5:
0x96: {  	_ =	sdelay $0x2  }
0x97: {  	v11 =	vld.idx.msk [tilespmem:v11+s5+$0x0], $0xffff  }
0x98: {  	v10 =	vld.idx.msk [tilespmem:v10+s5+$0x0], $0xffff  }
0x99: {  	v9 =	vld.idx.msk [tilespmem:v9+s5+$0x0], $0xffff  }
0x9a: {  	v0 =	vld.idx.msk [tilespmem:v0+s5+$0x0], $0xffff  }
0x9b: {  	v21 =	vld.idx.msk [tilespmem:v21+s5+$0x0], $0xffff  }
0x9c: {  	v16 =	vld [tilespmem:$0x1FEE0]  }
0x9d: {  	v58 =	vld.idx.msk [tilespmem:v58+s5+$0x0], $0xffff  }
0x9e: {  	v17 =	vld [tilespmem:$0x1FEC0]  }
0x9f: {  	v20 =	vld.idx.msk [tilespmem:v20+s5+$0x0], $0xffff  }
0xa0: {  	v18 =	vld.idx.msk [tilespmem:v18+s5+$0x0], $0xffff  }
0xa1: {  	s29 =	sadd.s32 $0x1, s28;
	v27 =	vlaneseq.u32;
	v24 =	vld.idx.msk [tilespmem:v24+s5+$0x0], $0xffff  }
0xa2: {  	v23 =	vld.idx.msk [tilespmem:v23+s5+$0x0], $0xffff;
	v28 =	vor.u32 $0xC50, v27;
	v12 =	vmov s29;
	v56 =	vadd.f32 v26, v56  }
0xa3: {  	v13 =	vshll.u32 v12, $0x9;
	v12 =	vshll.u32 v12, $0x7;
	v26 =	vor.u32 v28, v53;
	v53 =	vld.idx.msk [tilespmem:v61+s5+$0x0], $0xffff  }
0xa4: {  	v13 =	vand.u32 $0x3000, v13;
	v12 =	vand.u32 $0x380, v12;
	v8 =	vadd.f32 v8, v38;
	v38 =	vld [tilespmem:$0x1FED0]  }
0xa5: {  	v61 =	vor.u32 v28, v42;
	v12 =	vor.u32 v13, v12;
	v13 =	vld.idx.msk [tilespmem:v60+s5+$0x0], $0xffff  }
0xa6: {  	v60 =	vld.idx.msk [tilespmem:v62+s5+$0x0], $0xffff;
	v14 =	vor.u32 v29, v12;
	v15 =	vor.u32 v30, v12;
	v0 =	vadd.f32 v0, v34  }
0xa7: {  	v16 =	vor.u32 v16, v12;
	v42 =	vmovc v12;
	v9 =	vadd.f32 v9, v33;
	v46 =	vadd.f32 v20, v46;
	v20 =	vld [tilespmem:$0x1FFA0]  }
0xa8: {  	v62 =	vor.u32 v17, v42;
	v17 =	vor.u32 v2, v42;
	v34 =	vadd.f32 v49, v0;
	v0 =	vld.idx.msk [tilespmem:v55+s5+$0x0], $0xffff  }
0xa9: {  	v12 =	vor.u32 v38, v42;
	v38 =	vadd.f32 v22, v8;
	v8 =	vadd.f32 v21, v47;
	v21 =	vld.idx.msk [tilespmem:v59+s5+$0x0], $0xffff  }
0xaa: {  	v33 =	vadd.f32 v50, v9;
	v9 =	vadd.f32 v54, v37;
	v22 =	vld.idx.msk [tilespmem:v26+s5+$0x0], $0xffff  }
0xab: {  	s30 =	smov.u32 s28;
	v13 =	vadd.f32 v13, v36;
	v15 =	vld.idx.msk [tilespmem:v15+s5+$0x0], $0xffff  }
0xac: {  	v59 =	vmov s30;
	v37 =	vadd.f32 v11, v9;
	v14 =	vld.idx.msk [tilespmem:v14+s5+$0x0], $0xffff  }
0xad: {  	v11 =	vshll.u32 v59, $0x7;
	v36 =	vadd.f32 v25, v13;
	v13 =	vadd.f32 v58, v48;
	v48 =	vld.idx.msk [tilespmem:v61+s5+$0x0], $0xffff  }
0xae: {  	v9 =	vshll.u32 v59, $0x9;
	v25 =	vadd.f32 v53, v35;
	v11 =	vand.u32 $0x300, v11;
	v50 =	vld.idx.msk [tilespmem:v17+s5+$0x0], $0xffff  }
0xaf: {  	v26 =	vand.u32 $0x3000, v9;
	v53 =	vor.u32 v11, v9;
	v9 =	vld.idx.msk [tilespmem:v57+s5+$0x0], $0xffff  }
0xb0: {  	v35 =	vadd.f32 v10, v25;
	v10 =	vld.idx.msk [tilespmem:v63+s5+$0x0], $0xffff  }
0xb1: {  	v25 =	vor.u32 v11, v26;
	v26 =	vadd.f32 v18, v39;
	v18 =	vld [tilespmem:$0x1FFD0]  }
0xb2: {  	v17 =	vadd.f32 v21, v41;
	v21 =	vld [tilespmem:$0x1FFE0]  }
0xb3: {  	v40 =	vadd.f32 v22, v40;
	v22 =	vld [tilespmem:$0x1FFB0]  }
0xb4: {  	v49 =	vld.idx.msk [tilespmem:v62+s5+$0x0], $0xffff  }
0xb5: {  	v11 =	vor.u32 $0x800, v25;
	v25 =	vor.u32 v29, v53;
	v39 =	vadd.f32 v9, v26;
	v26 =	vld.idx.msk [tilespmem:v12+s5+$0x0], $0xffff  }
0xb6: {  	v44 =	vadd.f32 v60, v44;
	v20 =	vor.u32 v20, v11;
	v60 =	vor.u32 v18, v11;
	v18 =	vld [tilespmem:$0x1FFC0]  }
0xb7: {  	v19 =	vor.u32 v5, v42;
	v47 =	vadd.f32 v10, v8;
	v8 =	vld [tilespmem:$0x1FEF0]  }
0xb8: {  	v61 =	vor.u32 v21, v11;
	v21 =	vld [tilespmem:$0x1FF90];
	v62 =	vor.u32 v22, v11;
	v22 =	vadd.f32 v0, v32  }
0xb9: {  	v46 =	vadd.f32 v43, v46;
	v0 =	vld [tilespmem:$0x1FFF0]  }
0xba: {  	v44 =	vadd.f32 v24, v44;
	v25 =	vld.idx.msk [tilespmem:v25+s5+$0x0], $0xffff;
	v32 =	vadd.f32 v52, v22;
	v52 =	vor.u32 v6, v42  }
0xbb: {  	v24 =	vor.u32 v31, v42;
	v63 =	vor.u32 v27, v11;
	v27 =	vld.idx.msk [tilespmem:v20+s5+$0x0], $0xffff;
	v18 =	vor.u32 v18, v11  }
0xbc: {  	v57 =	vor.u32 v4, v42;
	v58 =	vor.u32 v7, v53;
	v12 =	vor.u32 v8, v42;
	v8 =	vld [tilespmem:$0x1FF00]  }
0xbd: {  	p1 =	slt.u32 s28, $0x1E;
	v55 =	vor.u32 v6, v53;
	v59 =	vor.u32 v5, v53;
	v41 =	vadd.f32 v45, v17;
	v45 =	vld.idx.msk [tilespmem:v19+s5+$0x0], $0xffff  }
.Ltmp3:
0xbe: {  	v43 =	vmov v15;
	v40 =	vadd.f32 v48, v40;
	v48 =	vadd.f32 v23, v13;
	v22 =	vld.idx.msk [tilespmem:v16+s5+$0x0], $0xffff;
	(pc) =	sbr.rel @p1 .LBB2_5-.Ltmp3, $4  }
0xbf: {  	v23 =	vor.u32 v7, v42;
	v9 =	vor.u32 v2, v53;
	v10 =	vor.u32 v3, v42;
	v52 =	vld.idx.msk [tilespmem:v52+s5+$0x0], $0xffff  }
0xc0: {  	v20 =	vor.u32 v30, v53;
	v21 =	vor.u32 v21, v11;
	v16 =	vadd.f32 v25, v51;
	v54 =	vld.idx.msk [tilespmem:v18+s5+$0x0], $0xffff  }
0xc1: {  	v0 =	vor.u32 v0, v11;
	v56 =	vadd.f32 v27, v56;
	v11 =	vor.u32 v8, v42;
	v8 =	vld.idx.msk [tilespmem:v63+s5+$0x0], $0xffff  }
0xc2: {  	s28 =	sadd.s32 $0x2, s28;
	v51 =	vadd.f32 v14, v16;
	v18 =	vor.u32 v4, v53;
	v63 =	vor.u32 v1, v42;
	v25 =	vld.idx.msk [tilespmem:v12+s5+$0x0], $0xffff  }
0xc3: {  	_ =	sdelay $0x3  }
0xc4: {  	v11 =	vld.idx.msk [tilespmem:v11+s5+$0x0], $0xffff  }
0xc5: {  	v10 =	vld.idx.msk [tilespmem:v10+s5+$0x0], $0xffff  }
0xc6: {  	v9 =	vld.idx.msk [tilespmem:v9+s5+$0x0], $0xffff  }
0xc7: {  	v0 =	vld.idx.msk [tilespmem:v0+s5+$0x0], $0xffff  }
0xc8: {  	v12 =	vld.idx.msk [tilespmem:v21+s5+$0x0], $0xffff  }
0xc9: {  	v13 =	vld.idx.msk [tilespmem:v60+s5+$0x0], $0xffff  }
0xca: {  	v14 =	vld.idx.msk [tilespmem:v61+s5+$0x0], $0xffff  }
0xcb: {  	v16 =	vld.idx.msk [tilespmem:v62+s5+$0x0], $0xffff  }
0xcc: {  	[tilespmem:$0x1FE20] =	vst v6;
	v17 =	vld.idx.msk [tilespmem:v58+s5+$0x0], $0xffff  }
0xcd: {  	[tilespmem:$0x1FE30] =	vst v4;
	v19 =	vld.idx.msk [tilespmem:v20+s5+$0x0], $0xffff  }
0xce: {  	[tilespmem:$0x1FE40] =	vst v7;
	v18 =	vld.idx.msk [tilespmem:v18+s5+$0x0], $0xffff  }
0xcf: {  	[tilespmem:$0x1FE50] =	vst v5;
	v15 =	vor.u32 v28, v53;
	v20 =	vld.idx.msk [tilespmem:v59+s5+$0x0], $0xffff  }
0xd0: {  	[tilespmem:$0x1FE60] =	vst v3;
	v27 =	vld.idx.msk [tilespmem:v55+s5+$0x0], $0xffff  }
0xd1: {  	[tilespmem:$0x1FE70] =	vst v1;
	v21 =	vor.u32 v28, v42;
	v24 =	vld.idx.msk [tilespmem:v24+s5+$0x0], $0xffff  }
0xd2: {  	[tilespmem:$0x1FE80] =	vst v31;
	v23 =	vld.idx.msk [tilespmem:v23+s5+$0x0], $0xffff  }
0xd3: {  	[tilespmem:$0x1FE90] =	vst v2;
	v63 =	vld.idx.msk [tilespmem:v63+s5+$0x0], $0xffff;
	v8 =	vadd.f32 v8, v38  }
0xd4: {  	[tilespmem:$0x1FEA0] =	vst v30;
	v26 =	vadd.f32 v26, v56;
	v15 =	vld.idx.msk [tilespmem:v15+s5+$0x0], $0xffff  }
0xd5: {  	[tilespmem:$0x1FEB0] =	vst v29;
	v42 =	vadd.f32 v54, v37;
	v8 =	vadd.f32 v22, v8;
	v22 =	vld.idx.msk [tilespmem:v57+s5+$0x0], $0xffff  }
0xd6: {  	v13 =	vadd.f32 v13, v36;
	v21 =	vld.idx.msk [tilespmem:v21+s5+$0x0], $0xffff;
	v16 =	vadd.f32 v16, v44;
	[tilespmem:$0x12110] =	vst v26  }
0xd7: {  	v11 =	vadd.f32 v11, v42;
	v12 =	vadd.f32 v12, v47;
	[tilespmem:$0x12180] =	vst v51  }
0xd8: {  	v0 =	vadd.f32 v0, v34;
	v13 =	vadd.f32 v25, v13;
	[tilespmem:$0x12100] =	vst v8  }
0xd9: {  	v8 =	vadd.f32 v14, v35;
	v47 =	vadd.f32 v24, v16;
	[tilespmem:$0x12130] =	vst v11  }
0xda: {  	v0 =	vadd.f32 v49, v0;
	[tilespmem:$0x12120] =	vst v13  }
0xdb: {  	v9 =	vadd.f32 v9, v33;
	v8 =	vadd.f32 v10, v8;
	[tilespmem:$0x12140] =	vst v47  }
0xdc: {  	v11 =	vadd.f32 v18, v39;
	v10 =	vadd.f32 v63, v12;
	[tilespmem:$0x12170] =	vst v0  }
0xdd: {  	v9 =	vadd.f32 v50, v9;
	[tilespmem:$0x12150] =	vst v8;
	v8 =	vadd.f32 v27, v32  }
0xde: {  	v0 =	vadd.f32 v17, v48;
	[tilespmem:$0x12160] =	vst v10;
	v10 =	vadd.f32 v22, v11  }
0xdf: {  	[tilespmem:$0x121B0] =	vst v9;
	v11 =	vadd.f32 v15, v40;
	v8 =	vadd.f32 v52, v8  }
0xe0: {  	v0 =	vadd.f32 v23, v0;
	[tilespmem:$0x12190] =	vst v10;
	v10 =	vadd.f32 v20, v41  }
0xe1: {  	v11 =	vadd.f32 v21, v11;
	[tilespmem:$0x121A0] =	vst v8;
	v8 =	vadd.f32 v19, v46  }
0xe2: {  	s28 =	sshll.u32 s26, $0x10;
	p1 =	seq.s32 s26, $0x1F;
	[tilespmem:$0x121C0] =	vst v0;
	v9 =	vadd.f32 v45, v10  }
0xe3: {  	s29 =	sadd.s32 @!p1 s28, s9;
	[tilespmem:$0x121D0] =	vst v11;
	v0 =	vadd.f32 v43, v8  }
0xe4: {  	s30 =	simm.s32 @!p1 $0x1000;
	s29 =	sshrl.u32 @!p1 s29, $0x3;
	[tilespmem:$0x121E0] =	vst v9  }
0xe5: {  	s31 =	simm.s32 @!p1 $0x2000;
	s2 =	simm.s32 @!p1 $0x0;
	s29 =	sadd.s32 @!p1 s1, s29;
	[tilespmem:$0x121F0] =	vst v0  }
0xe6: {  	[tilespmem:s2], [sflag:$0x1] =	stream.strided.gather @!p1 [hbm4b:s29+s30], $0x4000, s31, s30, $0x38;
	[tilespmem:$0x12400] =	vst v63  }
0xe7: {  	_ =	swait.ge [sflag:s17], $0x4000  }
0xe8: {  	v57 =	vld [tilespmem:$0x1FF50]  }
0xe9: {  	v31 =	vld [tilespmem:$0x1FF40]  }
0xea: {  	v58 =	vld [tilespmem:$0x1FF60]  }
0xeb: {  	v30 =	vld [tilespmem:$0x1FF20]  }
0xec: {  	v3 =	vld [tilespmem:$0x1FFD0]  }
0xed: {  	v6 =	vld [tilespmem:$0x1FFC0]  }
0xee: {  	v29 =	vld [tilespmem:$0x1FF70]  }
0xef: {  	v59 =	vld [tilespmem:$0x1FF10]  }
0xf0: {  	v43 =	vld [tilespmem:$0x1FF80]  }
0xf1: {  	v60 =	vld [tilespmem:$0x1FF30]  }
0xf2: {  	v7 =	vld [tilespmem:$0x1FFB0]  }
0xf3: {  	v1 =	vld [tilespmem:$0x1FF90]  }
0xf4: {  	[sflag:s17] =	ssyncset.done $0x0;
	v61 =	vld [tilespmem:$0x1FFF0]  }
0xf5: {  	v2 =	vld [tilespmem:$0x1FFA0];
	[sflag:s17] =	ssyncadd.s32 $0xFFFFC000  }
0xf6: {  	v0 =	vld [tilespmem:$0x12000]  }
0xf7: {  	v32 =	vld [tilespmem:$0x12010]  }
0xf8: {  	v8 =	vld [tilespmem:$0x12020]  }
0xf9: {  	v9 =	vld [tilespmem:$0x12030]  }
0xfa: {  	v10 =	vld [tilespmem:$0x12040]  }
0xfb: {  	v12 =	vld [tilespmem:$0x12050]  }
0xfc: {  	s30 =	simm.s32 $0x0;
	v11 =	vld [tilespmem:$0x12060]  }
0xfd: {  	v52 =	vmov s30;
	v13 =	vld [tilespmem:$0x12070]  }
0xfe: {  	v16 =	vshll.u32 v52, $0x9;
	v14 =	vshll.u32 v52, $0x7;
	v15 =	vld [tilespmem:$0x12080]  }
0xff: {  	v16 =	vand.u32 $0x3000, v16;
	v14 =	vand.u32 $0x300, v14;
	v17 =	vld [tilespmem:$0x12090]  }
0x100: {  	v4 =	vlaneseq.u32;
	v18 =	vld [tilespmem:$0x120A0];
	v14 =	vor.u32 v14, v16  }
0x101: {  	v16 =	vld [tilespmem:$0x120B0];
	v19 =	vor.u32 v4, v14  }
0x102: {  	v20 =	vld [tilespmem:$0x120C0];
	v21 =	vor.u32 v57, v14  }
0x103: {  	v22 =	vld [tilespmem:$0x120D0];
	v23 =	vor.u32 v31, v14  }
0x104: {  	v25 =	vld [tilespmem:$0x120E0];
	v24 =	vor.u32 v58, v14  }
0x105: {  	v34 =	vld [tilespmem:$0x120F0];
	v54 =	vor.u32 v6, v14  }
0x106: {  	v55 =	vor.u32 v29, v14;
	v19 =	vld.idx.msk [tilespmem:v19+s15+$0x0], $0xffff  }
0x107: {  	v36 =	vld.idx.msk [tilespmem:v21+s15+$0x0], $0xffff  }
0x108: {  	v26 =	vor.u32 v30, v14;
	v23 =	vld.idx.msk [tilespmem:v23+s15+$0x0], $0xffff  }
0x109: {  	s31 =	simm.s32 $0x1;
	v27 =	vor.u32 v3, v14;
	v50 =	vld.idx.msk [tilespmem:v24+s15+$0x0], $0xffff  }
0x10a: {  	v53 =	vmov s31;
	v56 =	vor.u32 v59, v14;
	v51 =	vld.idx.msk [tilespmem:v54+s15+$0x0], $0xffff  }
0x10b: {  	v33 =	vshll.u32 v53, $0x7;
	v49 =	vor.u32 v7, v14;
	v21 =	vshll.u32 v53, $0x9;
	v52 =	vld.idx.msk [tilespmem:v55+s15+$0x0], $0xffff  }
0x10c: {  	v33 =	vand.u32 $0x380, v33;
	v24 =	vor.u32 v43, v14;
	v54 =	vld [tilespmem:$0x1FFE0];
	v21 =	vand.u32 $0x3000, v21  }
0x10d: {  	v44 =	vor.u32 v33, v21;
	v21 =	vld.idx.msk [tilespmem:v26+s15+$0x0], $0xffff;
	v33 =	vor.u32 v60, v14  }
0x10e: {  	v26 =	vld.idx.msk [tilespmem:v27+s15+$0x0], $0xffff;
	v27 =	vor.u32 v3, v44  }
0x10f: {  	v40 =	vor.u32 v61, v14;
	v38 =	vld.idx.msk [tilespmem:v56+s15+$0x0], $0xffff  }
0x110: {  	v56 =	vld.idx.msk [tilespmem:v49+s15+$0x0], $0xffff;
	v37 =	vor.u32 v6, v44  }
0x111: {  	v62 =	vor.u32 v7, v44;
	v45 =	vld.idx.msk [tilespmem:v24+s15+$0x0], $0xffff  }
0x112: {  	v55 =	vor.u32 v54, v14;
	v42 =	vld.idx.msk [tilespmem:v33+s15+$0x0], $0xffff  }
0x113: {  	v41 =	vor.u32 v4, v44;
	v24 =	vor.u32 v1, v14;
	v27 =	vld.idx.msk [tilespmem:v27+s15+$0x0], $0xffff  }
0x114: {  	v4 =	vmov v43;
	v14 =	vor.u32 v2, v14;
	v43 =	vadd.f32 v21, v17;
	v17 =	vld.idx.msk [tilespmem:v40+s15+$0x0], $0xffff  }
0x115: {  	v46 =	vor.u32 v58, v44;
	v35 =	vadd.f32 v19, v0;
	v19 =	vor.u32 v1, v44;
	v49 =	vld.idx.msk [tilespmem:v37+s15+$0x0], $0xffff  }
0x116: {  	v48 =	vadd.f32 v56, v10;
	v8 =	vadd.f32 v26, v8;
	v26 =	vor.u32 v54, v44;
	v47 =	vld.idx.msk [tilespmem:v62+s15+$0x0], $0xffff  }
0x117: {  	v39 =	vadd.f32 v36, v20;
	v37 =	vadd.f32 v23, v16;
	v16 =	vor.u32 v2, v44;
	v63 =	vld.idx.msk [tilespmem:v55+s15+$0x0], $0xffff  }
0x118: {  	v10 =	vor.u32 v30, v44;
	v0 =	vld.idx.msk [tilespmem:v24+s15+$0x0], $0xffff;
	v33 =	vadd.f32 v27, v8;
	v27 =	vor.u32 v61, v44  }
0x119: {  	v36 =	vadd.f32 v52, v25;
	v20 =	vor.u32 v4, v44;
	v1 =	vmov v2;
	v21 =	vld.idx.msk [tilespmem:v14+s15+$0x0], $0xffff  }
0x11a: {  	v5 =	vlaneseq.u32;
	v2 =	vmovc v6;
	v6 =	vmovc v54;
	v24 =	vor.u32 v59, v44;
	v40 =	vadd.f32 v42, v18;
	v18 =	vld.idx.msk [tilespmem:v19+s15+$0x0], $0xffff  }
0x11b: {  	v42 =	vadd.f32 v38, v15;
	v38 =	vadd.f32 v50, v22;
	v50 =	vor.u32 v60, v44;
	v8 =	vld.idx.msk [tilespmem:v26+s15+$0x0], $0xffff  }
0x11c: {  	v23 =	vadd.f32 v17, v13;
	v26 =	vadd.f32 v51, v9;
	v9 =	vld.idx.msk [tilespmem:v16+s15+$0x0], $0xffff;
	v51 =	vor.u32 v57, v44  }
0x11d: {  	s29 =	simm.s32 $0x2;
	v0 =	vadd.f32 v0, v11;
	v11 =	vor.u32 v31, v44;
	v25 =	vadd.f32 v63, v12;
	v22 =	vld.idx.msk [tilespmem:v27+s15+$0x0], $0xffff  }
.LBB2_7:
0x11e: {  	_ =	sdelay $0x2  }
0x11f: {  	v14 =	vld.idx.msk [tilespmem:v24+s15+$0x0], $0xffff  }
0x120: {  	v12 =	vmov s29;
	v10 =	vld.idx.msk [tilespmem:v10+s15+$0x0], $0xffff  }
0x121: {  	v11 =	vld.idx.msk [tilespmem:v11+s15+$0x0], $0xffff;
	v16 =	vshll.u32 v12, $0x9;
	v12 =	vshll.u32 v12, $0x7  }
0x122: {  	v15 =	vor.u32 v29, v44;
	v20 =	vld.idx.msk [tilespmem:v20+s15+$0x0], $0xffff;
	v16 =	vand.u32 $0x3000, v16;
	v12 =	vand.u32 $0x300, v12  }
0x123: {  	v62 =	vld [tilespmem:$0x1FF90];
	v12 =	vor.u32 v12, v16  }
0x124: {  	v19 =	vadd.f32 v8, v25;
	v8 =	vld.idx.msk [tilespmem:v50+s15+$0x0], $0xffff;
	v24 =	vor.u32 v5, v12  }
0x125: {  	v25 =	vor.u32 v57, v12;
	v23 =	vadd.f32 v22, v23;
	v22 =	vld.idx.msk [tilespmem:v51+s15+$0x0], $0xffff  }
0x126: {  	v13 =	vadd.f32 v45, v34;
	v21 =	vadd.f32 v21, v32;
	v27 =	vor.u32 v31, v12;
	v45 =	vld.idx.msk [tilespmem:v41+s15+$0x0], $0xffff  }
0x127: {  	v44 =	vor.u32 v58, v12;
	v15 =	vld.idx.msk [tilespmem:v15+s15+$0x0], $0xffff  }
0x128: {  	s2 =	sadd.s32 $0x1, s29;
	v17 =	vadd.f32 v49, v26;
	v26 =	vor.u32 v30, v12;
	v32 =	vadd.f32 v9, v21;
	v9 =	vld.idx.msk [tilespmem:v46+s15+$0x0], $0xffff  }
0x129: {  	v16 =	vmov s2;
	v0 =	vadd.f32 v18, v0;
	v18 =	vor.u32 v2, v12;
	v24 =	vld.idx.msk [tilespmem:v24+s15+$0x0], $0xffff  }
0x12a: {  	v63 =	vshll.u32 v16, $0x9;
	v51 =	vor.u32 v29, v12;
	v25 =	vld.idx.msk [tilespmem:v25+s15+$0x0], $0xffff  }
0x12b: {  	v49 =	vor.u32 v7, v12;
	v50 =	vor.u32 v60, v12;
	v54 =	vor.u32 v4, v12;
	v27 =	vld.idx.msk [tilespmem:v27+s15+$0x0], $0xffff  }
0x12c: {  	v16 =	vshll.u32 v16, $0x7;
	v10 =	vadd.f32 v10, v43;
	v43 =	vor.u32 v6, v12;
	v56 =	vld.idx.msk [tilespmem:v44+s15+$0x0], $0xffff  }
0x12d: {  	v34 =	vand.u32 $0x3000, v63;
	v53 =	vor.u32 v62, v12;
	v16 =	vand.u32 $0x380, v16;
	v26 =	vld.idx.msk [tilespmem:v26+s15+$0x0], $0xffff  }
0x12e: {  	v21 =	vor.u32 v3, v12;
	v44 =	vor.u32 v16, v34;
	v34 =	vadd.f32 v20, v13;
	v13 =	vld.idx.msk [tilespmem:v18+s15+$0x0], $0xffff  }
0x12f: {  	v52 =	vor.u32 v1, v12;
	v55 =	vor.u32 v61, v12;
	v12 =	vor.u32 v59, v12;
	v20 =	vld.idx.msk [tilespmem:v51+s15+$0x0], $0xffff  }
0x130: {  	v8 =	vadd.f32 v8, v40;
	v18 =	vadd.f32 v45, v35;
	v45 =	vld.idx.msk [tilespmem:v54+s15+$0x0], $0xffff;
	v40 =	vor.u32 v3, v44  }
0x131: {  	v51 =	vld.idx.msk [tilespmem:v43+s15+$0x0], $0xffff  }
0x132: {  	v53 =	vld.idx.msk [tilespmem:v53+s15+$0x0], $0xffff  }
0x133: {  	v21 =	vld.idx.msk [tilespmem:v21+s15+$0x0], $0xffff  }
0x134: {  	v14 =	vadd.f32 v14, v42;
	v42 =	vor.u32 v2, v44;
	v12 =	vld.idx.msk [tilespmem:v12+s15+$0x0], $0xffff  }
0x135: {  	v11 =	vadd.f32 v11, v37;
	v16 =	vadd.f32 v47, v48;
	v47 =	vor.u32 v7, v44;
	v37 =	vld.idx.msk [tilespmem:v40+s15+$0x0], $0xffff  }
0x136: {  	v22 =	vadd.f32 v22, v39;
	v63 =	vor.u32 v61, v44;
	v35 =	vadd.f32 v24, v18;
	v18 =	vld.idx.msk [tilespmem:v50+s15+$0x0], $0xffff  }
0x137: {  	v41 =	vor.u32 v5, v44;
	v15 =	vadd.f32 v15, v36;
	v36 =	vor.u32 v6, v44;
	v24 =	vld.idx.msk [tilespmem:v49+s15+$0x0], $0xffff  }
0x138: {  	v43 =	vadd.f32 v26, v10;
	v26 =	vor.u32 v62, v44;
	v62 =	vld.idx.msk [tilespmem:v55+s15+$0x0], $0xffff;
	v21 =	vadd.f32 v21, v33  }
0x139: {  	v46 =	vor.u32 v58, v44;
	v9 =	vadd.f32 v9, v38;
	v39 =	vadd.f32 v25, v22;
	v49 =	vld.idx.msk [tilespmem:v42+s15+$0x0], $0xffff  }
0x13a: {  	p2 =	slt.u32 s29, $0x1E;
	v47 =	vld.idx.msk [tilespmem:v47+s15+$0x0], $0xffff;
	v33 =	vadd.f32 v37, v21;
	v37 =	vadd.f32 v27, v11;
	v27 =	vor.u32 v1, v44  }
.Ltmp4:
0x13b: {  	v38 =	vadd.f32 v56, v9;
	v10 =	vor.u32 v30, v44;
	v0 =	vadd.f32 v53, v0;
	v22 =	vld.idx.msk [tilespmem:v63+s15+$0x0], $0xffff;
	(pc) =	sbr.rel @p2 .LBB2_7-.Ltmp4, $4  }
0x13c: {  	v50 =	vor.u32 v60, v44;
	v25 =	vadd.f32 v51, v19;
	v40 =	vadd.f32 v18, v8;
	v8 =	vld.idx.msk [tilespmem:v36+s15+$0x0], $0xffff  }
0x13d: {  	v51 =	vor.u32 v57, v44;
	v42 =	vadd.f32 v12, v14;
	v48 =	vadd.f32 v24, v16;
	v18 =	vld.idx.msk [tilespmem:v26+s15+$0x0], $0xffff  }
0x13e: {  	v24 =	vor.u32 v59, v44;
	v36 =	vadd.f32 v20, v15;
	v20 =	vor.u32 v4, v44;
	v21 =	vld.idx.msk [tilespmem:v52+s15+$0x0], $0xffff  }
0x13f: {  	s29 =	sadd.s32 $0x2, s29;
	v26 =	vadd.f32 v13, v17;
	v23 =	vadd.f32 v62, v23;
	v11 =	vor.u32 v31, v44;
	v9 =	vld.idx.msk [tilespmem:v27+s15+$0x0], $0xffff  }
0x140: {  	_ =	sdelay $0x3  }
0x141: {  	v12 =	vld.idx.msk [tilespmem:v24+s15+$0x0], $0xffff  }
0x142: {  	v10 =	vld.idx.msk [tilespmem:v10+s15+$0x0], $0xffff  }
0x143: {  	v14 =	vld.idx.msk [tilespmem:v41+s15+$0x0], $0xffff  }
0x144: {  	v15 =	vld.idx.msk [tilespmem:v50+s15+$0x0], $0xffff  }
0x145: {  	v11 =	vld.idx.msk [tilespmem:v11+s15+$0x0], $0xffff  }
0x146: {  	v16 =	vld.idx.msk [tilespmem:v51+s15+$0x0], $0xffff  }
0x147: {  	v19 =	vld.idx.msk [tilespmem:v46+s15+$0x0], $0xffff  }
0x148: {  	v24 =	vld [tilespmem:$0x12120]  }
0x149: {  	v27 =	vld [tilespmem:$0x12130]  }
0x14a: {  	v13 =	vor.u32 v29, v44;
	v29 =	vld [tilespmem:$0x1FE90]  }
0x14b: {  	v62 =	vld [tilespmem:$0x1FEB0]  }
0x14c: {  	v60 =	vld [tilespmem:$0x1FE30]  }
0x14d: {  	v31 =	vld [tilespmem:$0x1FE20]  }
0x14e: {  	v4 =	vld [tilespmem:$0x1FF90]  }
0x14f: {  	v30 =	vld [tilespmem:$0x1FEA0]  }
0x150: {  	v0 =	vadd.f32 v18, v0;
	v18 =	vadd.f32 v22, v23;
	v22 =	vld [tilespmem:$0x12150]  }
0x151: {  	v17 =	vadd.f32 v21, v32;
	v32 =	vld [tilespmem:$0x12140]  }
0x152: {  	v8 =	vadd.f32 v8, v25;
	v13 =	vld.idx.msk [tilespmem:v13+s15+$0x0], $0xffff  }
0x153: {  	v21 =	vadd.f32 v47, v48;
	v9 =	vadd.f32 v9, v17;
	v17 =	vld.idx.msk [tilespmem:v20+s15+$0x0], $0xffff;
	[tilespmem:$0x12020] =	vst v33  }
0x154: {  	[tilespmem:$0x12050] =	vst v8;
	v8 =	vadd.f32 v12, v42;
	v12 =	vld [tilespmem:$0x12160]  }
0x155: {  	[tilespmem:$0x12040] =	vst v21;
	v33 =	vld [tilespmem:$0x12170]  }
0x156: {  	s31 =	simm.s32 $0x1;
	v14 =	vadd.f32 v14, v35;
	[tilespmem:$0x12070] =	vst v18;
	v18 =	vadd.f32 v45, v34;
	v34 =	vld [tilespmem:$0x121E0]  }
0x157: {  	v59 =	vmov s31;
	[tilespmem:$0x12060] =	vst v0;
	v19 =	vadd.f32 v19, v38;
	v38 =	vld [tilespmem:$0x121F0]  }
0x158: {  	v44 =	vshll.u32 v59, $0x7;
	v20 =	vadd.f32 v49, v26;
	v35 =	vshll.u32 v59, $0x9;
	v59 =	vld [tilespmem:$0x1FE50];
	[tilespmem:$0x12000] =	vst v14  }
0x159: {  	v14 =	vld [tilespmem:$0x12100];
	[tilespmem:$0x12010] =	vst v9  }
0x15a: {  	s2 =	simm.s32 $0x0;
	v0 =	vadd.f32 v10, v43;
	v9 =	vld [tilespmem:$0x12110];
	[tilespmem:$0x12030] =	vst v20  }
0x15b: {  	v10 =	vmov s2;
	v15 =	vadd.f32 v15, v40;
	[tilespmem:$0x12080] =	vst v8;
	v8 =	vld [tilespmem:$0x12180]  }
0x15c: {  	v11 =	vadd.f32 v11, v37;
	v20 =	vshll.u32 v10, $0x7;
	[tilespmem:$0x12090] =	vst v0;
	v0 =	vld [tilespmem:$0x12190]  }
0x15d: {  	v16 =	vadd.f32 v16, v39;
	v10 =	vshll.u32 v10, $0x9;
	[tilespmem:$0x120A0] =	vst v15;
	v15 =	vld [tilespmem:$0x121A0];
	v20 =	vand.u32 $0x300, v20  }
0x15e: {  	v39 =	vand.u32 $0x380, v44;
	[tilespmem:$0x120B0] =	vst v11;
	v11 =	vld [tilespmem:$0x121B0];
	v21 =	vand.u32 $0x3000, v10;
	v10 =	vor.u32 v20, v10  }
0x15f: {  	[tilespmem:$0x120C0] =	vst v16;
	v16 =	vld [tilespmem:$0x121C0];
	v20 =	vor.u32 v20, v21;
	v21 =	vor.u32 v29, v10;
	v13 =	vadd.f32 v13, v36  }
0x160: {  	v20 =	vor.u32 $0x800, v20;
	v23 =	vor.u32 v62, v10;
	v17 =	vadd.f32 v17, v18;
	v18 =	vld [tilespmem:$0x121D0]  }
0x161: {  	v35 =	vand.u32 $0x3000, v35;
	[tilespmem:$0x120D0] =	vst v19;
	v25 =	vor.u32 v31, v10;
	v47 =	vor.u32 v5, v20;
	v5 =	vld [tilespmem:$0x1FE40]  }
0x162: {  	v54 =	vor.u32 v35, v39;
	v26 =	vor.u32 v28, v10;
	v63 =	vor.u32 v4, v20;
	v4 =	vld [tilespmem:$0x1FED0];
	[tilespmem:$0x120E0] =	vst v13  }
0x163: {  	v35 =	vor.u32 v59, v54;
	v57 =	vor.u32 v6, v20;
	v6 =	vld [tilespmem:$0x1FF00];
	[tilespmem:$0x120F0] =	vst v17  }
0x164: {  	v19 =	vor.u32 v1, v20;
	v21 =	vld.idx.msk [tilespmem:v21+s15+$0x0], $0xffff  }
0x165: {  	v58 =	vor.u32 v61, v20;
	v23 =	vld.idx.msk [tilespmem:v23+s15+$0x0], $0xffff  }
0x166: {  	v25 =	vld.idx.msk [tilespmem:v25+s15+$0x0], $0xffff  }
0x167: {  	v45 =	vor.u32 v7, v20;
	v26 =	vld.idx.msk [tilespmem:v26+s15+$0x0], $0xffff  }
0x168: {  	v46 =	vor.u32 v3, v20;
	v35 =	vld.idx.msk [tilespmem:v35+s15+$0x0], $0xffff  }
0x169: {  	v19 =	vld.idx.msk [tilespmem:v19+s15+$0x0], $0xffff  }
0x16a: {  	v37 =	vld.idx.msk [tilespmem:v58+s15+$0x0], $0xffff  }
0x16b: {  	v53 =	vld.idx.msk [tilespmem:v63+s15+$0x0], $0xffff  }
0x16c: {  	v20 =	vor.u32 v2, v20;
	v48 =	vld.idx.msk [tilespmem:v45+s15+$0x0], $0xffff  }
0x16d: {  	v17 =	vor.u32 v60, v10;
	v13 =	vld.idx.msk [tilespmem:v46+s15+$0x0], $0xffff  }
0x16e: {  	v52 =	vor.u32 v6, v54;
	v6 =	vld [tilespmem:$0x1FE80]  }
0x16f: {  	v63 =	vor.u32 v30, v10;
	v55 =	vld.idx.msk [tilespmem:v57+s15+$0x0], $0xffff  }
0x170: {  	v41 =	vor.u32 v4, v54;
	v4 =	vmov v31;
	v31 =	vld [tilespmem:$0x1FEF0]  }
0x171: {  	v57 =	vld.idx.msk [tilespmem:v20+s15+$0x0], $0xffff  }
0x172: {  	v58 =	vor.u32 v5, v10;
	v17 =	vld.idx.msk [tilespmem:v17+s15+$0x0], $0xffff  }
0x173: {  	v39 =	vadd.f32 v21, v11;
	v11 =	vor.u32 v6, v54;
	v6 =	vld [tilespmem:$0x1FEE0]  }
0x174: {  	v20 =	vld.idx.msk [tilespmem:v63+s15+$0x0], $0xffff  }
0x175: {  	v63 =	vld [tilespmem:$0x1FE60]  }
0x176: {  	v56 =	vor.u32 v59, v10;
	v43 =	vld.idx.msk [tilespmem:v47+s15+$0x0], $0xffff  }
0x177: {  	v51 =	vld.idx.msk [tilespmem:v58+s15+$0x0], $0xffff  }
0x178: {  	v40 =	vadd.f32 v25, v15;
	v49 =	vor.u32 v31, v54;
	v21 =	vld.idx.msk [tilespmem:v41+s15+$0x0], $0xffff  }
0x179: {  	v42 =	vor.u32 v28, v54;
	v36 =	vadd.f32 v26, v18;
	v46 =	vadd.f32 v23, v8;
	v31 =	vld [tilespmem:$0x1FE70]  }
0x17a: {  	v41 =	vadd.f32 v17, v0;
	v47 =	vor.u32 v6, v54;
	v17 =	vor.u32 v63, v54;
	v6 =	vmovc v1;
	v1 =	vld [tilespmem:$0x1FEC0]  }
0x17b: {  	v8 =	vor.u32 v5, v54;
	v18 =	vld.idx.msk [tilespmem:v56+s15+$0x0], $0xffff;
	v45 =	vadd.f32 v43, v14;
	v50 =	vadd.f32 v13, v24  }
0x17c: {  	v43 =	vor.u32 v30, v54;
	v25 =	vld.idx.msk [tilespmem:v52+s15+$0x0], $0xffff;
	v9 =	vadd.f32 v19, v9;
	v24 =	vadd.f32 v53, v12  }
0x17d: {  	v53 =	vor.u32 v60, v54;
	v0 =	vadd.f32 v55, v22;
	v23 =	vld.idx.msk [tilespmem:v49+s15+$0x0], $0xffff;
	v49 =	vor.u32 v29, v54  }
0x17e: {  	v44 =	vadd.f32 v51, v16;
	v10 =	vor.u32 v31, v54;
	v26 =	vld.idx.msk [tilespmem:v11+s15+$0x0], $0xffff;
	v51 =	vadd.f32 v57, v27  }
0x17f: {  	s29 =	simm.s32 $0x2;
	v11 =	vor.u32 v62, v54;
	v52 =	vor.u32 v1, v54;
	v22 =	vld.idx.msk [tilespmem:v17+s15+$0x0], $0xffff;
	v54 =	vor.u32 v4, v54  }
.LBB2_9:
0x180: {  	v12 =	vmov s29  }
0x181: {  	v15 =	vshll.u32 v12, $0x9;
	v12 =	vshll.u32 v12, $0x7  }
0x182: {  	v19 =	vand.u32 $0x3000, v15;
	v12 =	vand.u32 $0x300, v12  }
0x183: {  	v19 =	vor.u32 v12, v19;
	v12 =	vor.u32 v12, v15  }
0x184: {  	v10 =	vld.idx.msk [tilespmem:v10+s15+$0x0], $0xffff;
	v9 =	vadd.f32 v21, v9;
	v21 =	vor.u32 v29, v12  }
0x185: {  	v17 =	vld.idx.msk [tilespmem:v52+s15+$0x0], $0xffff  }
0x186: {  	v11 =	vld.idx.msk [tilespmem:v11+s15+$0x0], $0xffff  }
0x187: {  	v58 =	vld [tilespmem:$0x1FFE0]  }
0x188: {  	v13 =	vadd.f32 v48, v32;
	v15 =	vld.idx.msk [tilespmem:v54+s15+$0x0], $0xffff  }
0x189: {  	v16 =	vadd.f32 v23, v50;
	v54 =	vld.idx.msk [tilespmem:v21+s15+$0x0], $0xffff  }
0x18a: {  	v27 =	vadd.f32 v25, v51;
	v32 =	vadd.f32 v26, v13;
	v19 =	vor.u32 $0x800, v19;
	v21 =	vld [tilespmem:$0x1FF90]  }
0x18b: {  	v8 =	vld.idx.msk [tilespmem:v8+s15+$0x0], $0xffff;
	v25 =	vadd.f32 v37, v33;
	v57 =	vor.u32 v62, v12;
	v0 =	vadd.f32 v22, v0  }
0x18c: {  	v48 =	vld.idx.msk [tilespmem:v42+s15+$0x0], $0xffff;
	v18 =	vadd.f32 v18, v34;
	v33 =	vor.u32 v6, v19;
	v24 =	vadd.f32 v10, v24  }
0x18d: {  	v52 =	vld.idx.msk [tilespmem:v47+s15+$0x0], $0xffff;
	v10 =	vlaneseq.u32;
	v50 =	vor.u32 v3, v19;
	v51 =	vor.u32 v2, v19  }
0x18e: {  	v13 =	vld.idx.msk [tilespmem:v53+s15+$0x0], $0xffff;
	v42 =	vor.u32 v61, v19;
	v22 =	vor.u32 v7, v19;
	v53 =	vor.u32 v58, v19  }
0x18f: {  	v34 =	vld.idx.msk [tilespmem:v43+s15+$0x0], $0xffff;
	v10 =	vor.u32 v10, v19;
	v19 =	vor.u32 v21, v19;
	v21 =	vor.u32 v28, v12  }
0x190: {  	v26 =	vld.idx.msk [tilespmem:v49+s15+$0x0], $0xffff  }
0x191: {  	s2 =	sadd.s32 $0x1, s29;
	v47 =	vor.u32 v60, v12;
	v55 =	vld.idx.msk [tilespmem:v57+s15+$0x0], $0xffff  }
0x192: {  	v14 =	vadd.f32 v20, v38;
	v20 =	vmov s2;
	v49 =	vor.u32 v4, v12;
	v56 =	vld.idx.msk [tilespmem:v33+s15+$0x0], $0xffff  }
0x193: {  	v38 =	vshll.u32 v20, $0x7;
	v20 =	vshll.u32 v20, $0x9;
	v33 =	vadd.f32 v17, v25;
	v37 =	vld.idx.msk [tilespmem:v42+s15+$0x0], $0xffff  }
0x194: {  	v17 =	vand.u32 $0x3000, v20;
	v20 =	vand.u32 $0x380, v38;
	v38 =	vadd.f32 v34, v14;
	v14 =	vld.idx.msk [tilespmem:v21+s15+$0x0], $0xffff  }
0x195: {  	v21 =	vld [tilespmem:$0x1FEE0]  }
0x196: {  	v25 =	vld.idx.msk [tilespmem:v47+s15+$0x0], $0xffff  }
0x197: {  	v36 =	vadd.f32 v48, v36;
	v48 =	vld.idx.msk [tilespmem:v22+s15+$0x0], $0xffff  }
0x198: {  	v17 =	vor.u32 v17, v20;
	v20 =	vadd.f32 v26, v39;
	v26 =	vadd.f32 v8, v44;
	v8 =	vld.idx.msk [tilespmem:v49+s15+$0x0], $0xffff  }
0x199: {  	v44 =	vld.idx.msk [tilespmem:v10+s15+$0x0], $0xffff  }
0x19a: {  	v47 =	vor.u32 v21, v17;
	v21 =	vld [tilespmem:$0x1FEF0]  }
0x19b: {  	v23 =	vor.u32 v30, v12;
	v15 =	vadd.f32 v15, v40;
	v10 =	vld [tilespmem:$0x1FED0]  }
0x19c: {  	v22 =	vld.idx.msk [tilespmem:v50+s15+$0x0], $0xffff;
	v58 =	vor.u32 v59, v17  }
0x19d: {  	v57 =	vor.u32 v59, v12;
	v12 =	vor.u32 v5, v12;
	v40 =	vadd.f32 v8, v15;
	v8 =	vld [tilespmem:$0x1FE80]  }
0x19e: {  	v51 =	vld.idx.msk [tilespmem:v51+s15+$0x0], $0xffff  }
0x19f: {  	v34 =	vadd.f32 v35, v18;
	v18 =	vadd.f32 v52, v45;
	v45 =	vor.u32 v21, v17;
	v21 =	vld [tilespmem:$0x1FF00]  }
0x1a0: {  	v39 =	vadd.f32 v54, v20;
	v20 =	vld.idx.msk [tilespmem:v23+s15+$0x0], $0xffff;
	v10 =	vor.u32 v10, v17  }
0x1a1: {  	v35 =	vld.idx.msk [tilespmem:v58+s15+$0x0], $0xffff  }
0x1a2: {  	v12 =	vld.idx.msk [tilespmem:v12+s15+$0x0], $0xffff;
	v15 =	vor.u32 v8, v17  }
0x1a3: {  	v11 =	vadd.f32 v11, v46;
	v13 =	vadd.f32 v13, v41;
	v58 =	vld.idx.msk [tilespmem:v53+s15+$0x0], $0xffff  }
0x1a4: {  	v42 =	vor.u32 v28, v17;
	v43 =	vor.u32 v30, v17;
	v19 =	vld.idx.msk [tilespmem:v19+s15+$0x0], $0xffff;
	v50 =	vor.u32 v21, v17  }
0x1a5: {  	p2 =	slt.u32 s29, $0x1E;
	v49 =	vor.u32 v29, v17;
	v36 =	vadd.f32 v14, v36;
	v14 =	vor.u32 v63, v17;
	v21 =	vld.idx.msk [tilespmem:v10+s15+$0x0], $0xffff  }
.Ltmp5:
0x1a6: {  	v52 =	vor.u32 v1, v17;
	v46 =	vadd.f32 v55, v11;
	v41 =	vadd.f32 v25, v13;
	v23 =	vld.idx.msk [tilespmem:v45+s15+$0x0], $0xffff;
	(pc) =	sbr.rel @p2 .LBB2_9-.Ltmp5, $4  }
0x1a7: {  	v11 =	vor.u32 v62, v17;
	v45 =	vadd.f32 v44, v18;
	v44 =	vadd.f32 v12, v26;
	v26 =	vld.idx.msk [tilespmem:v15+s15+$0x0], $0xffff  }
0x1a8: {  	v54 =	vor.u32 v4, v17;
	v9 =	vadd.f32 v56, v9;
	v51 =	vadd.f32 v51, v27;
	v18 =	vld.idx.msk [tilespmem:v57+s15+$0x0], $0xffff  }
0x1a9: {  	v53 =	vor.u32 v60, v17;
	v8 =	vor.u32 v5, v17;
	v0 =	vadd.f32 v58, v0;
	v25 =	vld.idx.msk [tilespmem:v50+s15+$0x0], $0xffff  }
0x1aa: {  	s29 =	sadd.s32 $0x2, s29;
	v24 =	vadd.f32 v19, v24;
	v10 =	vor.u32 v31, v17;
	v50 =	vadd.f32 v22, v16;
	v22 =	vld.idx.msk [tilespmem:v14+s15+$0x0], $0xffff  }
0x1ab: {  	_ =	sdelay $0x3  }
0x1ac: {  	v10 =	vld.idx.msk [tilespmem:v10+s15+$0x0], $0xffff  }
0x1ad: {  	v12 =	vld.idx.msk [tilespmem:v52+s15+$0x0], $0xffff  }
0x1ae: {  	v11 =	vld.idx.msk [tilespmem:v11+s15+$0x0], $0xffff  }
0x1af: {  	v13 =	vld.idx.msk [tilespmem:v47+s15+$0x0], $0xffff  }
0x1b0: {  	v14 =	vld.idx.msk [tilespmem:v53+s15+$0x0], $0xffff  }
0x1b1: {  	v15 =	vld.idx.msk [tilespmem:v54+s15+$0x0], $0xffff  }
0x1b2: {  	v16 =	vld.idx.msk [tilespmem:v49+s15+$0x0], $0xffff  }
0x1b3: {  	v8 =	vld.idx.msk [tilespmem:v8+s15+$0x0], $0xffff;
	v9 =	vadd.f32 v21, v9;
	v53 =	vadd.f32 v48, v32  }
0x1b4: {  	v17 =	vld.idx.msk [tilespmem:v42+s15+$0x0], $0xffff;
	v23 =	vadd.f32 v23, v50  }
0x1b5: {  	v19 =	vld.idx.msk [tilespmem:v43+s15+$0x0], $0xffff;
	[tilespmem:$0x12110] =	vst v9;
	v55 =	vadd.f32 v26, v53  }
0x1b6: {  	v54 =	vadd.f32 v25, v51;
	[tilespmem:$0x12120] =	vst v23  }
0x1b7: {  	v0 =	vadd.f32 v22, v0;
	[tilespmem:$0x12140] =	vst v55  }
0x1b8: {  	v56 =	vadd.f32 v37, v33;
	v13 =	vadd.f32 v13, v45;
	[tilespmem:$0x12130] =	vst v54  }
0x1b9: {  	v10 =	vadd.f32 v10, v24;
	[tilespmem:$0x12150] =	vst v0  }
0x1ba: {  	v57 =	vadd.f32 v12, v56;
	[tilespmem:$0x12100] =	vst v13  }
0x1bb: {  	v58 =	vadd.f32 v14, v41;
	[tilespmem:$0x12160] =	vst v10  }
0x1bc: {  	v59 =	vadd.f32 v15, v40;
	[tilespmem:$0x12170] =	vst v57  }
0x1bd: {  	v8 =	vadd.f32 v8, v44;
	[tilespmem:$0x12190] =	vst v58  }
0x1be: {  	v0 =	vadd.f32 v11, v46;
	[tilespmem:$0x121A0] =	vst v59  }
0x1bf: {  	v62 =	vadd.f32 v20, v38;
	v63 =	vadd.f32 v17, v36;
	[tilespmem:$0x121C0] =	vst v8  }
.Ltmp6:
0x1c0: {  	v60 =	vadd.f32 v18, v34;
	[tilespmem:$0x12180] =	vst v0;
	v0 =	vadd.f32 v16, v39;
	(pc) =	sbr.rel @p1 .LBB2_12-.Ltmp6, $4  }
0x1c1: {  	v8 =	vadd.f32 v19, v62;
	[tilespmem:$0x121D0] =	vst v63  }
0x1c2: {  	[tilespmem:$0x121B0] =	vst v0;
	v0 =	vadd.f32 v35, v60  }
0x1c3: {  	v4 =	vld [tilespmem:$0x1FF90];
	[tilespmem:$0x121F0] =	vst v8  }
0x1c4: {  	v5 =	vld [tilespmem:$0x1FFE0];
	v1 =	vmov v6;
	[tilespmem:$0x121E0] =	vst v0  }
0x1c5: {  	v56 =	vld [tilespmem:$0x1FF50]  }
0x1c6: {  	v57 =	vld [tilespmem:$0x1FF60]  }
.Ltmp7:
0x1c7: {  	v58 =	vld [tilespmem:$0x1FF70];
	(pc) =	sbr.rel .LBB2_2-.Ltmp7, $4  }
0x1c8: {  	s2 =	sadd.s32 s28, s10;
	v13 =	vld [tilespmem:$0x1FF40]  }
0x1c9: {  	v14 =	vld [tilespmem:$0x1FF10];
	s2 =	sshrl.u32 s2, $0x3  }
0x1ca: {  	s26 =	sadd.s32 $0x1, s26;
	v63 =	vmov v61;
	v15 =	vld [tilespmem:$0x1FF30];
	s2 =	sadd.s32 s1, s2  }
0x1cb: {  	v62 =	vlaneseq.u32;
	[tilespmem:s15], [sflag:$0x2] =	stream.strided.gather [hbm4b:s2+s13], $0x4000, s14, s13, $0x38;
	v6 =	vmovc v4;
	v4 =	vmovc v3;
	v3 =	vmov v2;
	v2 =	vmov v7;
	v7 =	vld [tilespmem:$0x1FF20]  }
.LBB2_12:
0x1cc: {  	[tilespmem:s5], [sflag:$0x1] =	stream.strided.gather [hbm4b:s7+s13], $0x4000, s14, s13, $0x38;
	[tilespmem:$0x12400] =	vst v63  }
0x1cd: {  	_ = 	snop  }
0x1ce: {  	[tilespmem:s15], [sflag:$0x2] =	stream.strided.gather [hbm4b:s8+s13], $0x4000, s14, s13, $0x38;
	[tilespmem:$0x12400] =	vst v63  }
0x1cf: {  	_ = 	snop  }
0x1d0: {  	[spmem:s11] =	stream.linear.scatter [tilespmem:s18], [sflag:$0x5], $0x200, $0x38;
	[tilespmem:$0x12400] =	vst v63  }
0x1d1: {  	_ =	swait.ge [sflag:s19], $0x200  }
0x1d2: {  	[sflag:s19] =	ssyncset.done $0x0  }
0x1d3: {  	[sflag:s19] =	ssyncadd.s32 $0xFFFFFE00  }
0x1d4: {  	[bflag:$0x0] =	sbarrier.arrive $0xFFFF  }
0x1d5: {  	[tilespmem:s20], [sflag:$0x5] =	stream.linear.gather [spmem:s4], $0x2000, $0x38;
	[tilespmem:$0x12400] =	vst v63  }
0x1d6: {  	_ =	swait.ge [sflag:s19], $0x2000  }
0x1d7: {  	[sflag:s19] =	ssyncset.done $0x0  }
0x1d8: {  	v45 =	vimm.f32 $0.0e+00;
	[sflag:s19] =	ssyncadd.s32 $0xFFFFE000  }
0x1d9: {  	[tilespmem:$0x12000] =	vst v45  }
0x1da: {  	[tilespmem:$0x12010] =	vst v45  }
0x1db: {  	[tilespmem:$0x12020] =	vst v45  }
0x1dc: {  	[tilespmem:$0x12030] =	vst v45  }
0x1dd: {  	[tilespmem:$0x12040] =	vst v45  }
0x1de: {  	[tilespmem:$0x12050] =	vst v45  }
0x1df: {  	[tilespmem:$0x12060] =	vst v45  }
0x1e0: {  	[tilespmem:$0x12070] =	vst v45  }
0x1e1: {  	[tilespmem:$0x12080] =	vst v45  }
0x1e2: {  	[tilespmem:$0x12090] =	vst v45  }
0x1e3: {  	[tilespmem:$0x120A0] =	vst v45  }
0x1e4: {  	[tilespmem:$0x120B0] =	vst v45  }
0x1e5: {  	[tilespmem:$0x120C0] =	vst v45  }
0x1e6: {  	[tilespmem:$0x120D0] =	vst v45  }
0x1e7: {  	[tilespmem:$0x120E0] =	vst v45  }
0x1e8: {  	[tilespmem:$0x120F0] =	vst v45  }
0x1e9: {  	[tilespmem:$0x12100] =	vst v45  }
0x1ea: {  	[tilespmem:$0x12110] =	vst v45  }
0x1eb: {  	[tilespmem:$0x12120] =	vst v45  }
0x1ec: {  	[tilespmem:$0x12130] =	vst v45  }
0x1ed: {  	[tilespmem:$0x12140] =	vst v45  }
0x1ee: {  	[tilespmem:$0x12150] =	vst v45  }
0x1ef: {  	[tilespmem:$0x12160] =	vst v45  }
0x1f0: {  	[tilespmem:$0x12170] =	vst v45  }
0x1f1: {  	[tilespmem:$0x12180] =	vst v45  }
0x1f2: {  	[tilespmem:$0x12190] =	vst v45  }
0x1f3: {  	[tilespmem:$0x121A0] =	vst v45  }
.Ltmp8:
0x1f4: {  	[tilespmem:$0x121B0] =	vst v45;
	(pc) =	sbr.rel @p0 .LBB2_16-.Ltmp8, $4  }
0x1f5: {  	[tilespmem:$0x121C0] =	vst v45  }
0x1f6: {  	[tilespmem:$0x121D0] =	vst v45  }
0x1f7: {  	v63 =	vmov v61;
	[tilespmem:$0x121E0] =	vst v45  }
0x1f8: {  	s26 =	simm.s32 $0x10100;
	v62 =	vlaneseq.u32;
	v6 =	vmovc v4;
	v4 =	vmovc v3;
	v3 =	vmov v2;
	v2 =	vmov v7;
	[tilespmem:$0x121F0] =	vst v45  }
0x1f9: {  	v8 =	vmov v63;
	v63 =	vimm.f32 $0.0e+00  }
0x1fa: {  	v62 =	vimm.f32 $0.0e+00;
	v61 =	vimm.f32 $0.0e+00;
	v60 =	vimm.f32 $0.0e+00  }
0x1fb: {  	v59 =	vimm.f32 $0.0e+00;
	v58 =	vimm.f32 $0.0e+00;
	v57 =	vimm.f32 $0.0e+00  }
0x1fc: {  	v56 =	vimm.f32 $0.0e+00;
	v55 =	vimm.f32 $0.0e+00;
	v54 =	vimm.f32 $0.0e+00  }
0x1fd: {  	v53 =	vimm.f32 $0.0e+00;
	v52 =	vimm.f32 $0.0e+00;
	v51 =	vimm.f32 $0.0e+00  }
0x1fe: {  	v50 =	vimm.f32 $0.0e+00;
	v49 =	vimm.f32 $0.0e+00;
	v48 =	vimm.f32 $0.0e+00;
	p1 =	sne.s32 s0, $0x1  }
.Ltmp9:
0x1ff: {  	v47 =	vimm.f32 $0.0e+00;
	v46 =	vimm.f32 $0.0e+00;
	v44 =	vimm.f32 $0.0e+00;
	(pc) =	sbr.rel @!p1 .LBB2_15-.Ltmp9, $4  }
0x200: {  	v43 =	vimm.f32 $0.0e+00;
	v42 =	vimm.f32 $0.0e+00;
	v41 =	vimm.f32 $0.0e+00  }
0x201: {  	v40 =	vimm.f32 $0.0e+00;
	v39 =	vimm.f32 $0.0e+00;
	v38 =	vimm.f32 $0.0e+00  }
0x202: {  	v37 =	vimm.f32 $0.0e+00;
	v36 =	vimm.f32 $0.0e+00;
	v34 =	vimm.f32 $0.0e+00  }
0x203: {  	v0 =	vld [tilespmem:s26+$0xFFFFFF00];
	s28 =	sadd.s32 $0xFFFFFFFF, s0;
	v35 =	vimm.f32 $0.0e+00;
	v33 =	vimm.f32 $0.0e+00;
	v32 =	vimm.f32 $0.0e+00  }
.LBB2_14:
0x204: {  	p1 =	sne.s32 s28, $0x1;
	_ =	sdelay $0x3  }
0x205: {  	v45 =	vadd.f32 v0, v45;
	_ =	sdelay $0x1  }
0x206: {  	[tilespmem:$0x12000] =	vst v45  }
0x207: {  	v0 =	vld [tilespmem:s26+$0xFFFFFF10];
	_ =	sdelay $0x4  }
0x208: {  	v63 =	vadd.f32 v0, v63;
	_ =	sdelay $0x1  }
0x209: {  	[tilespmem:$0x12010] =	vst v63  }
0x20a: {  	v0 =	vld [tilespmem:s26+$0xFFFFFF20];
	_ =	sdelay $0x4  }
0x20b: {  	v62 =	vadd.f32 v0, v62;
	_ =	sdelay $0x1  }
0x20c: {  	[tilespmem:$0x12020] =	vst v62  }
0x20d: {  	v0 =	vld [tilespmem:s26+$0xFFFFFF30];
	_ =	sdelay $0x4  }
0x20e: {  	v61 =	vadd.f32 v0, v61;
	_ =	sdelay $0x1  }
0x20f: {  	[tilespmem:$0x12030] =	vst v61  }
0x210: {  	v0 =	vld [tilespmem:s26+$0xFFFFFF40];
	_ =	sdelay $0x4  }
0x211: {  	v60 =	vadd.f32 v0, v60;
	_ =	sdelay $0x1  }
0x212: {  	[tilespmem:$0x12040] =	vst v60  }
0x213: {  	v0 =	vld [tilespmem:s26+$0xFFFFFF50];
	_ =	sdelay $0x4  }
0x214: {  	v59 =	vadd.f32 v0, v59;
	_ =	sdelay $0x1  }
0x215: {  	[tilespmem:$0x12050] =	vst v59  }
0x216: {  	v0 =	vld [tilespmem:s26+$0xFFFFFF60];
	_ =	sdelay $0x4  }
0x217: {  	v58 =	vadd.f32 v0, v58;
	_ =	sdelay $0x1  }
0x218: {  	[tilespmem:$0x12060] =	vst v58  }
0x219: {  	v0 =	vld [tilespmem:s26+$0xFFFFFF70];
	_ =	sdelay $0x4  }
0x21a: {  	v57 =	vadd.f32 v0, v57;
	_ =	sdelay $0x1  }
0x21b: {  	[tilespmem:$0x12070] =	vst v57  }
0x21c: {  	v0 =	vld [tilespmem:s26+$0xFFFFFF80];
	_ =	sdelay $0x4  }
0x21d: {  	v56 =	vadd.f32 v0, v56;
	_ =	sdelay $0x1  }
0x21e: {  	[tilespmem:$0x12080] =	vst v56  }
0x21f: {  	v0 =	vld [tilespmem:s26+$0xFFFFFF90];
	_ =	sdelay $0x4  }
0x220: {  	v55 =	vadd.f32 v0, v55;
	_ =	sdelay $0x1  }
0x221: {  	[tilespmem:$0x12090] =	vst v55  }
0x222: {  	v0 =	vld [tilespmem:s26+$0xFFFFFFA0];
	_ =	sdelay $0x4  }
0x223: {  	v54 =	vadd.f32 v0, v54;
	_ =	sdelay $0x1  }
0x224: {  	[tilespmem:$0x120A0] =	vst v54  }
0x225: {  	v0 =	vld [tilespmem:s26+$0xFFFFFFB0];
	_ =	sdelay $0x4  }
0x226: {  	v53 =	vadd.f32 v0, v53;
	_ =	sdelay $0x1  }
0x227: {  	[tilespmem:$0x120B0] =	vst v53  }
0x228: {  	v0 =	vld [tilespmem:s26+$0xFFFFFFC0];
	_ =	sdelay $0x4  }
0x229: {  	v52 =	vadd.f32 v0, v52;
	_ =	sdelay $0x1  }
0x22a: {  	[tilespmem:$0x120C0] =	vst v52  }
0x22b: {  	v0 =	vld [tilespmem:s26+$0xFFFFFFD0];
	_ =	sdelay $0x4  }
0x22c: {  	v51 =	vadd.f32 v0, v51;
	_ =	sdelay $0x1  }
0x22d: {  	[tilespmem:$0x120D0] =	vst v51  }
0x22e: {  	v0 =	vld [tilespmem:s26+$0xFFFFFFE0];
	_ =	sdelay $0x4  }
0x22f: {  	v50 =	vadd.f32 v0, v50;
	_ =	sdelay $0x1  }
0x230: {  	[tilespmem:$0x120E0] =	vst v50  }
0x231: {  	v0 =	vld [tilespmem:s26+$0xFFFFFFF0];
	_ =	sdelay $0x4  }
0x232: {  	v49 =	vadd.f32 v0, v49;
	_ =	sdelay $0x1  }
0x233: {  	[tilespmem:$0x120F0] =	vst v49  }
0x234: {  	v0 =	vld [tilespmem:s26+$0x0];
	_ =	sdelay $0x4  }
0x235: {  	v48 =	vadd.f32 v0, v48;
	_ =	sdelay $0x1  }
0x236: {  	[tilespmem:$0x12100] =	vst v48  }
0x237: {  	v0 =	vld [tilespmem:s26+$0x10];
	_ =	sdelay $0x4  }
0x238: {  	v47 =	vadd.f32 v0, v47;
	_ =	sdelay $0x1  }
0x239: {  	[tilespmem:$0x12110] =	vst v47  }
0x23a: {  	v0 =	vld [tilespmem:s26+$0x20];
	_ =	sdelay $0x4  }
0x23b: {  	v46 =	vadd.f32 v0, v46;
	_ =	sdelay $0x1  }
0x23c: {  	[tilespmem:$0x12120] =	vst v46  }
0x23d: {  	v0 =	vld [tilespmem:s26+$0x30];
	_ =	sdelay $0x4  }
0x23e: {  	v44 =	vadd.f32 v0, v44;
	_ =	sdelay $0x1  }
0x23f: {  	[tilespmem:$0x12130] =	vst v44  }
0x240: {  	v0 =	vld [tilespmem:s26+$0x40];
	_ =	sdelay $0x4  }
0x241: {  	v43 =	vadd.f32 v0, v43;
	_ =	sdelay $0x1  }
0x242: {  	[tilespmem:$0x12140] =	vst v43  }
0x243: {  	v0 =	vld [tilespmem:s26+$0x50];
	_ =	sdelay $0x4  }
0x244: {  	v42 =	vadd.f32 v0, v42;
	_ =	sdelay $0x1  }
0x245: {  	[tilespmem:$0x12150] =	vst v42  }
0x246: {  	v0 =	vld [tilespmem:s26+$0x60];
	_ =	sdelay $0x4  }
0x247: {  	v41 =	vadd.f32 v0, v41;
	_ =	sdelay $0x1  }
0x248: {  	[tilespmem:$0x12160] =	vst v41  }
0x249: {  	v0 =	vld [tilespmem:s26+$0x70];
	_ =	sdelay $0x4  }
0x24a: {  	v40 =	vadd.f32 v0, v40;
	_ =	sdelay $0x1  }
0x24b: {  	[tilespmem:$0x12170] =	vst v40  }
0x24c: {  	v0 =	vld [tilespmem:s26+$0x80];
	_ =	sdelay $0x4  }
0x24d: {  	v39 =	vadd.f32 v0, v39;
	_ =	sdelay $0x1  }
0x24e: {  	[tilespmem:$0x12180] =	vst v39  }
0x24f: {  	v0 =	vld [tilespmem:s26+$0x90];
	_ =	sdelay $0x4  }
0x250: {  	v38 =	vadd.f32 v0, v38;
	_ =	sdelay $0x1  }
0x251: {  	[tilespmem:$0x12190] =	vst v38  }
0x252: {  	v0 =	vld [tilespmem:s26+$0xA0];
	_ =	sdelay $0x4  }
0x253: {  	v37 =	vadd.f32 v0, v37;
	_ =	sdelay $0x1  }
0x254: {  	[tilespmem:$0x121A0] =	vst v37  }
0x255: {  	v0 =	vld [tilespmem:s26+$0xB0];
	_ =	sdelay $0x4  }
0x256: {  	v36 =	vadd.f32 v0, v36;
	_ =	sdelay $0x1  }
0x257: {  	[tilespmem:$0x121B0] =	vst v36  }
0x258: {  	v0 =	vld [tilespmem:s26+$0xC0];
	_ =	sdelay $0x4  }
0x259: {  	v34 =	vadd.f32 v0, v34;
	_ =	sdelay $0x1  }
0x25a: {  	[tilespmem:$0x121C0] =	vst v34  }
0x25b: {  	v0 =	vld [tilespmem:s26+$0xD0];
	_ =	sdelay $0x4  }
0x25c: {  	v35 =	vadd.f32 v0, v35;
	_ =	sdelay $0x1  }
0x25d: {  	[tilespmem:$0x121D0] =	vst v35  }
0x25e: {  	v0 =	vld [tilespmem:s26+$0xE0];
	_ =	sdelay $0x4  }
0x25f: {  	v33 =	vadd.f32 v0, v33;
	_ =	sdelay $0x1  }
0x260: {  	[tilespmem:$0x121E0] =	vst v33  }
0x261: {  	v0 =	vld [tilespmem:s26+$0xF0];
	_ =	sdelay $0x3  }
.Ltmp10:
0x262: {  	(pc) =	sbr.rel @p1 .LBB2_14-.Ltmp10, $3  }
0x263: {  	v32 =	vadd.f32 v0, v32;
	_ =	sdelay $0x1  }
0x264: {  	s26 =	sadd.s32 $0x200, s26;
	[tilespmem:$0x121F0] =	vst v32  }
0x265: {  	s28 =	sadd.s32 $0xFFFFFFFF, s28;
	v0 =	vld [tilespmem:s26+$0xFFFFFF00]  }
.LBB2_15:
0x266: {  	_ =	sdelay $0x3  }
0x267: {  	v0 =	vadd.f32 v0, v45;
	_ =	sdelay $0x1  }
0x268: {  	[tilespmem:$0x12000] =	vst v0  }
0x269: {  	v0 =	vld [tilespmem:s26+$0xFFFFFF10];
	_ =	sdelay $0x4  }
0x26a: {  	v0 =	vadd.f32 v0, v63;
	_ =	sdelay $0x1  }
0x26b: {  	[tilespmem:$0x12010] =	vst v0  }
0x26c: {  	v0 =	vld [tilespmem:s26+$0xFFFFFF20];
	_ =	sdelay $0x4  }
0x26d: {  	v0 =	vadd.f32 v0, v62;
	_ =	sdelay $0x1  }
0x26e: {  	[tilespmem:$0x12020] =	vst v0  }
0x26f: {  	v0 =	vld [tilespmem:s26+$0xFFFFFF30];
	_ =	sdelay $0x4  }
0x270: {  	v0 =	vadd.f32 v0, v61;
	_ =	sdelay $0x1  }
0x271: {  	[tilespmem:$0x12030] =	vst v0  }
0x272: {  	v0 =	vld [tilespmem:s26+$0xFFFFFF40];
	_ =	sdelay $0x4  }
0x273: {  	v0 =	vadd.f32 v0, v60;
	_ =	sdelay $0x1  }
0x274: {  	[tilespmem:$0x12040] =	vst v0  }
0x275: {  	v0 =	vld [tilespmem:s26+$0xFFFFFF50];
	_ =	sdelay $0x4  }
0x276: {  	v0 =	vadd.f32 v0, v59;
	_ =	sdelay $0x1  }
0x277: {  	[tilespmem:$0x12050] =	vst v0  }
0x278: {  	v0 =	vld [tilespmem:s26+$0xFFFFFF60];
	_ =	sdelay $0x4  }
0x279: {  	v0 =	vadd.f32 v0, v58;
	_ =	sdelay $0x1  }
0x27a: {  	[tilespmem:$0x12060] =	vst v0  }
0x27b: {  	v0 =	vld [tilespmem:s26+$0xFFFFFF70];
	_ =	sdelay $0x4  }
0x27c: {  	v0 =	vadd.f32 v0, v57;
	_ =	sdelay $0x1  }
0x27d: {  	[tilespmem:$0x12070] =	vst v0  }
0x27e: {  	v0 =	vld [tilespmem:s26+$0xFFFFFF80];
	_ =	sdelay $0x4  }
0x27f: {  	v0 =	vadd.f32 v0, v56;
	_ =	sdelay $0x1  }
0x280: {  	[tilespmem:$0x12080] =	vst v0  }
0x281: {  	v0 =	vld [tilespmem:s26+$0xFFFFFF90];
	_ =	sdelay $0x4  }
0x282: {  	v0 =	vadd.f32 v0, v55;
	_ =	sdelay $0x1  }
0x283: {  	[tilespmem:$0x12090] =	vst v0  }
0x284: {  	v0 =	vld [tilespmem:s26+$0xFFFFFFA0];
	_ =	sdelay $0x4  }
0x285: {  	v0 =	vadd.f32 v0, v54;
	_ =	sdelay $0x1  }
0x286: {  	[tilespmem:$0x120A0] =	vst v0  }
0x287: {  	v0 =	vld [tilespmem:s26+$0xFFFFFFB0];
	_ =	sdelay $0x4  }
0x288: {  	v0 =	vadd.f32 v0, v53;
	_ =	sdelay $0x1  }
0x289: {  	[tilespmem:$0x120B0] =	vst v0  }
0x28a: {  	v0 =	vld [tilespmem:s26+$0xFFFFFFC0];
	_ =	sdelay $0x4  }
0x28b: {  	v0 =	vadd.f32 v0, v52;
	_ =	sdelay $0x1  }
0x28c: {  	[tilespmem:$0x120C0] =	vst v0  }
0x28d: {  	v0 =	vld [tilespmem:s26+$0xFFFFFFD0];
	_ =	sdelay $0x4  }
0x28e: {  	v0 =	vadd.f32 v0, v51;
	_ =	sdelay $0x1  }
0x28f: {  	[tilespmem:$0x120D0] =	vst v0  }
0x290: {  	v0 =	vld [tilespmem:s26+$0xFFFFFFE0];
	_ =	sdelay $0x4  }
0x291: {  	v0 =	vadd.f32 v0, v50;
	_ =	sdelay $0x1  }
0x292: {  	[tilespmem:$0x120E0] =	vst v0  }
0x293: {  	v0 =	vld [tilespmem:s26+$0xFFFFFFF0];
	_ =	sdelay $0x4  }
0x294: {  	v0 =	vadd.f32 v0, v49;
	_ =	sdelay $0x1  }
0x295: {  	[tilespmem:$0x120F0] =	vst v0  }
0x296: {  	v0 =	vld [tilespmem:s26+$0x0];
	_ =	sdelay $0x4  }
0x297: {  	v0 =	vadd.f32 v0, v48;
	_ =	sdelay $0x1  }
0x298: {  	[tilespmem:$0x12100] =	vst v0  }
0x299: {  	v0 =	vld [tilespmem:s26+$0x10];
	_ =	sdelay $0x4  }
0x29a: {  	v0 =	vadd.f32 v0, v47;
	_ =	sdelay $0x1  }
0x29b: {  	[tilespmem:$0x12110] =	vst v0  }
0x29c: {  	v0 =	vld [tilespmem:s26+$0x20];
	_ =	sdelay $0x4  }
0x29d: {  	v0 =	vadd.f32 v0, v46;
	_ =	sdelay $0x1  }
0x29e: {  	[tilespmem:$0x12120] =	vst v0  }
0x29f: {  	v0 =	vld [tilespmem:s26+$0x30];
	_ =	sdelay $0x4  }
0x2a0: {  	v0 =	vadd.f32 v0, v44;
	_ =	sdelay $0x1  }
0x2a1: {  	[tilespmem:$0x12130] =	vst v0  }
0x2a2: {  	v0 =	vld [tilespmem:s26+$0x40];
	_ =	sdelay $0x4  }
0x2a3: {  	v0 =	vadd.f32 v0, v43;
	_ =	sdelay $0x1  }
0x2a4: {  	[tilespmem:$0x12140] =	vst v0  }
0x2a5: {  	v0 =	vld [tilespmem:s26+$0x50];
	_ =	sdelay $0x4  }
0x2a6: {  	v0 =	vadd.f32 v0, v42;
	_ =	sdelay $0x1  }
0x2a7: {  	[tilespmem:$0x12150] =	vst v0  }
0x2a8: {  	v0 =	vld [tilespmem:s26+$0x60];
	_ =	sdelay $0x4  }
0x2a9: {  	v0 =	vadd.f32 v0, v41;
	_ =	sdelay $0x1  }
0x2aa: {  	[tilespmem:$0x12160] =	vst v0  }
0x2ab: {  	v0 =	vld [tilespmem:s26+$0x70];
	_ =	sdelay $0x4  }
0x2ac: {  	v0 =	vadd.f32 v0, v40;
	_ =	sdelay $0x1  }
0x2ad: {  	[tilespmem:$0x12170] =	vst v0  }
0x2ae: {  	v0 =	vld [tilespmem:s26+$0x80];
	_ =	sdelay $0x4  }
0x2af: {  	v0 =	vadd.f32 v0, v39;
	_ =	sdelay $0x1  }
0x2b0: {  	[tilespmem:$0x12180] =	vst v0  }
0x2b1: {  	v0 =	vld [tilespmem:s26+$0x90];
	_ =	sdelay $0x4  }
0x2b2: {  	v0 =	vadd.f32 v0, v38;
	_ =	sdelay $0x1  }
0x2b3: {  	[tilespmem:$0x12190] =	vst v0  }
0x2b4: {  	v0 =	vld [tilespmem:s26+$0xA0];
	_ =	sdelay $0x4  }
0x2b5: {  	v0 =	vadd.f32 v0, v37;
	_ =	sdelay $0x1  }
0x2b6: {  	[tilespmem:$0x121A0] =	vst v0  }
0x2b7: {  	v0 =	vld [tilespmem:s26+$0xB0];
	_ =	sdelay $0x4  }
0x2b8: {  	v0 =	vadd.f32 v0, v36;
	_ =	sdelay $0x1  }
0x2b9: {  	[tilespmem:$0x121B0] =	vst v0  }
0x2ba: {  	v0 =	vld [tilespmem:s26+$0xC0];
	_ =	sdelay $0x4  }
0x2bb: {  	v0 =	vadd.f32 v0, v34;
	_ =	sdelay $0x1  }
0x2bc: {  	[tilespmem:$0x121C0] =	vst v0  }
0x2bd: {  	v0 =	vld [tilespmem:s26+$0xD0];
	_ =	sdelay $0x4  }
0x2be: {  	v0 =	vadd.f32 v0, v35;
	_ =	sdelay $0x1  }
0x2bf: {  	[tilespmem:$0x121D0] =	vst v0  }
0x2c0: {  	v0 =	vld [tilespmem:s26+$0xE0];
	_ =	sdelay $0x4  }
0x2c1: {  	v0 =	vadd.f32 v0, v33;
	_ =	sdelay $0x1  }
0x2c2: {  	[tilespmem:$0x121E0] =	vst v0  }
0x2c3: {  	v0 =	vld [tilespmem:s26+$0xF0];
	_ =	sdelay $0x4  }
0x2c4: {  	v0 =	vadd.f32 v0, v32;
	_ =	sdelay $0x1  }
0x2c5: {  	v63 =	vmov v8;
	v62 =	vlaneseq.u32;
	[tilespmem:$0x121F0] =	vst v0  }
.LBB2_16:
0x2c6: {  	v56 =	vld [tilespmem:$0x1FF50]  }
0x2c7: {  	v57 =	vld [tilespmem:$0x1FF60]  }
0x2c8: {  	v58 =	vld [tilespmem:$0x1FF70]  }
0x2c9: {  	v48 =	vld [tilespmem:$0x1FEA0]  }
0x2ca: {  	v53 =	vld [tilespmem:$0x1FE50]  }
0x2cb: {  	v55 =	vld [tilespmem:$0x1FE40]  }
0x2cc: {  	v59 =	vld [tilespmem:$0x1FE30]  }
0x2cd: {  	s26 =	simm.s32 $0x0;
	v60 =	vmov v28;
	v7 =	vld [tilespmem:$0x1FF80]  }
.LBB2_17:
0x2ce: {  	_ =	swait.ge [sflag:s16], $0x4000  }
0x2cf: {  	p1 =	seq.s32 s26, $0x0;
	[sflag:s16] =	ssyncset.done $0x0  }
0x2d0: {  	s2 =	simm.s32 @!p1 $0x3;
	[sflag:s16] =	ssyncadd.s32 $0xFFFFC000  }
0x2d1: {  	_ =	swait.ge @!p1 [sflag:s2], $0x4000  }
0x2d2: {  	v47 =	vld [tilespmem:$0x1FF20]  }
0x2d3: {  	v54 =	vld [tilespmem:$0x1FF40]  }
0x2d4: {  	[sflag:s2] =	ssyncset.done @!p1 $0x0;
	v30 =	vld [tilespmem:$0x1FF10]  }
0x2d5: {  	v29 =	vld [tilespmem:$0x1FF30];
	[sflag:s2] =	ssyncadd.s32 @!p1 $0xFFFFC000  }
0x2d6: {  	v20 =	vld [tilespmem:$0x12000]  }
0x2d7: {  	v18 =	vld [tilespmem:$0x12010]  }
0x2d8: {  	v45 =	vld [tilespmem:$0x12020]  }
0x2d9: {  	v44 =	vld [tilespmem:$0x12030]  }
0x2da: {  	v43 =	vld [tilespmem:$0x12040]  }
0x2db: {  	v42 =	vld [tilespmem:$0x12050]  }
0x2dc: {  	v41 =	vld [tilespmem:$0x12060]  }
0x2dd: {  	v40 =	vld [tilespmem:$0x12070]  }
0x2de: {  	v39 =	vld [tilespmem:$0x12080]  }
0x2df: {  	v38 =	vld [tilespmem:$0x12090]  }
0x2e0: {  	v37 =	vld [tilespmem:$0x120A0]  }
0x2e1: {  	v36 =	vld [tilespmem:$0x120B0]  }
0x2e2: {  	v35 =	vld [tilespmem:$0x120C0]  }
0x2e3: {  	v34 =	vld [tilespmem:$0x120D0]  }
0x2e4: {  	v33 =	vld [tilespmem:$0x120E0]  }
0x2e5: {  	s28 =	sshll.u32 s26, $0x10;
	s29 =	simm.s32 $0x0;
	v32 =	vld [tilespmem:$0x120F0]  }
.LBB2_18:
0x2e6: {  	v0 =	vmov s29  }
0x2e7: {  	v8 =	vshll.u32 v0, $0x9;
	v0 =	vshll.u32 v0, $0x7  }
0x2e8: {  	v8 =	vand.u32 $0x3000, v8;
	v0 =	vand.u32 $0x300, v0  }
0x2e9: {  	v0 =	vor.u32 v0, v8  }
0x2ea: {  	v8 =	vor.u32 v62, v0  }
0x2eb: {  	v9 =	vor.u32 v1, v0  }
0x2ec: {  	v10 =	vor.u32 v4, v0  }
0x2ed: {  	v11 =	vor.u32 v3, v0  }
0x2ee: {  	v12 =	vor.u32 v2, v0  }
0x2ef: {  	v13 =	vor.u32 v5, v0;
	[tilespmem:v8+s21+$0x0] =	vst.idx.msk $0xffff, v20  }
0x2f0: {  	v14 =	vor.u32 v6, v0;
	v8 =	vld.idx.msk [tilespmem:v8+s5+$0x0], $0xffff;
	[tilespmem:v9+s21+$0x0] =	vst.idx.msk $0xffff, v18  }
0x2f1: {  	v15 =	vor.u32 v63, v0;
	v9 =	vld.idx.msk [tilespmem:v9+s5+$0x0], $0xffff;
	[tilespmem:v10+s21+$0x0] =	vst.idx.msk $0xffff, v45  }
0x2f2: {  	v16 =	vor.u32 v30, v0;
	v10 =	vld.idx.msk [tilespmem:v10+s5+$0x0], $0xffff;
	[tilespmem:v11+s21+$0x0] =	vst.idx.msk $0xffff, v44  }
0x2f3: {  	v17 =	vor.u32 v47, v0;
	v11 =	vld.idx.msk [tilespmem:v11+s5+$0x0], $0xffff;
	[tilespmem:v12+s21+$0x0] =	vst.idx.msk $0xffff, v43  }
0x2f4: {  	v19 =	vor.u32 v29, v0;
	v12 =	vld.idx.msk [tilespmem:v12+s5+$0x0], $0xffff;
	[tilespmem:v13+s21+$0x0] =	vst.idx.msk $0xffff, v42  }
0x2f5: {  	s2 =	sadd.s32 $0x1, s29;
	v21 =	vor.u32 v54, v0;
	v13 =	vld.idx.msk [tilespmem:v13+s5+$0x0], $0xffff;
	[tilespmem:v14+s21+$0x0] =	vst.idx.msk $0xffff, v41  }
0x2f6: {  	v25 =	vmov s2;
	v22 =	vor.u32 v56, v0;
	v14 =	vld.idx.msk [tilespmem:v14+s5+$0x0], $0xffff;
	[tilespmem:v15+s21+$0x0] =	vst.idx.msk $0xffff, v40  }
0x2f7: {  	v26 =	vshll.u32 v25, $0x9;
	v25 =	vshll.u32 v25, $0x7;
	v23 =	vor.u32 v57, v0;
	v15 =	vld.idx.msk [tilespmem:v15+s5+$0x0], $0xffff;
	[tilespmem:v16+s21+$0x0] =	vst.idx.msk $0xffff, v39  }
0x2f8: {  	v26 =	vand.u32 $0x3000, v26;
	v25 =	vand.u32 $0x380, v25;
	v24 =	vor.u32 v58, v0;
	v16 =	vld.idx.msk [tilespmem:v16+s5+$0x0], $0xffff;
	[tilespmem:v17+s21+$0x0] =	vst.idx.msk $0xffff, v38  }
0x2f9: {  	v0 =	vor.u32 v7, v0;
	v25 =	vor.u32 v25, v26;
	v17 =	vld.idx.msk [tilespmem:v17+s5+$0x0], $0xffff;
	[tilespmem:v19+s21+$0x0] =	vst.idx.msk $0xffff, v37  }
0x2fa: {  	v26 =	vor.u32 v62, v25;
	v19 =	vld.idx.msk [tilespmem:v19+s5+$0x0], $0xffff;
	[tilespmem:v21+s21+$0x0] =	vst.idx.msk $0xffff, v36  }
0x2fb: {  	v27 =	vor.u32 v1, v25;
	v21 =	vld.idx.msk [tilespmem:v21+s5+$0x0], $0xffff;
	[tilespmem:v22+s21+$0x0] =	vst.idx.msk $0xffff, v35  }
0x2fc: {  	v8 =	vadd.f32 v8, v20;
	v20 =	vor.u32 v4, v25;
	v22 =	vld.idx.msk [tilespmem:v22+s5+$0x0], $0xffff;
	[tilespmem:v23+s21+$0x0] =	vst.idx.msk $0xffff, v34  }
0x2fd: {  	v23 =	vld.idx.msk [tilespmem:v23+s5+$0x0], $0xffff;
	[tilespmem:v24+s21+$0x0] =	vst.idx.msk $0xffff, v33  }
0x2fe: {  	v9 =	vadd.f32 v9, v18;
	v24 =	vld.idx.msk [tilespmem:v24+s5+$0x0], $0xffff;
	[tilespmem:v0+s21+$0x0] =	vst.idx.msk $0xffff, v32  }
0x2ff: {  	v10 =	vadd.f32 v10, v45;
	v0 =	vld.idx.msk [tilespmem:v0+s5+$0x0], $0xffff;
	[tilespmem:v26+s21+$0x0] =	vst.idx.msk $0xffff, v8  }
0x300: {  	v52 =	vor.u32 v3, v25;
	v18 =	vld.idx.msk [tilespmem:v26+s5+$0x0], $0xffff;
	[tilespmem:v27+s21+$0x0] =	vst.idx.msk $0xffff, v9  }
0x301: {  	v61 =	vor.u32 v2, v25;
	v27 =	vld.idx.msk [tilespmem:v27+s5+$0x0], $0xffff;
	[tilespmem:v20+s21+$0x0] =	vst.idx.msk $0xffff, v10  }
0x302: {  	v11 =	vadd.f32 v11, v44;
	v44 =	vld.idx.msk [tilespmem:v20+s5+$0x0], $0xffff;
	v20 =	vor.u32 v5, v25;
	_ =	sdelay $0x1  }
0x303: {  	v12 =	vadd.f32 v12, v43  }
0x304: {  	v13 =	vadd.f32 v13, v42;
	[tilespmem:v52+s21+$0x0] =	vst.idx.msk $0xffff, v11  }
0x305: {  	v49 =	vor.u32 v6, v25;
	v26 =	vld.idx.msk [tilespmem:v52+s5+$0x0], $0xffff;
	[tilespmem:v61+s21+$0x0] =	vst.idx.msk $0xffff, v12  }
0x306: {  	v50 =	vor.u32 v63, v25;
	v42 =	vld.idx.msk [tilespmem:v61+s5+$0x0], $0xffff;
	[tilespmem:v20+s21+$0x0] =	vst.idx.msk $0xffff, v13  }
0x307: {  	v14 =	vadd.f32 v14, v41;
	v41 =	vld.idx.msk [tilespmem:v20+s5+$0x0], $0xffff;
	v20 =	vor.u32 v30, v25;
	_ =	sdelay $0x1  }
0x308: {  	v15 =	vadd.f32 v15, v40  }
0x309: {  	v16 =	vadd.f32 v16, v39;
	[tilespmem:v49+s21+$0x0] =	vst.idx.msk $0xffff, v14  }
0x30a: {  	v51 =	vor.u32 v47, v25;
	v40 =	vld.idx.msk [tilespmem:v49+s5+$0x0], $0xffff;
	[tilespmem:v50+s21+$0x0] =	vst.idx.msk $0xffff, v15  }
0x30b: {  	v52 =	vor.u32 v29, v25;
	v39 =	vld.idx.msk [tilespmem:v50+s5+$0x0], $0xffff;
	[tilespmem:v20+s21+$0x0] =	vst.idx.msk $0xffff, v16  }
0x30c: {  	v17 =	vadd.f32 v17, v38;
	v38 =	vld.idx.msk [tilespmem:v20+s5+$0x0], $0xffff;
	v20 =	vor.u32 v54, v25  }
0x30d: {  	v61 =	vor.u32 v56, v25  }
0x30e: {  	v19 =	vadd.f32 v19, v37;
	v49 =	vor.u32 v57, v25  }
0x30f: {  	v46 =	vor.u32 v58, v25;
	v21 =	vadd.f32 v21, v36;
	[tilespmem:v51+s21+$0x0] =	vst.idx.msk $0xffff, v17  }
0x310: {  	v22 =	vadd.f32 v22, v35;
	v25 =	vor.u32 v7, v25;
	v37 =	vld.idx.msk [tilespmem:v51+s5+$0x0], $0xffff;
	[tilespmem:v52+s21+$0x0] =	vst.idx.msk $0xffff, v19  }
0x311: {  	v23 =	vadd.f32 v23, v34;
	v36 =	vld.idx.msk [tilespmem:v52+s5+$0x0], $0xffff;
	[tilespmem:v20+s21+$0x0] =	vst.idx.msk $0xffff, v21  }
0x312: {  	v24 =	vadd.f32 v24, v33;
	v50 =	vld.idx.msk [tilespmem:v20+s5+$0x0], $0xffff;
	[tilespmem:v61+s21+$0x0] =	vst.idx.msk $0xffff, v22  }
0x313: {  	v0 =	vadd.f32 v0, v32;
	v51 =	vld.idx.msk [tilespmem:v61+s5+$0x0], $0xffff;
	[tilespmem:v49+s21+$0x0] =	vst.idx.msk $0xffff, v23  }
0x314: {  	v45 =	vadd.f32 v44, v10;
	v44 =	vadd.f32 v26, v11;
	v52 =	vld.idx.msk [tilespmem:v49+s5+$0x0], $0xffff;
	[tilespmem:v46+s21+$0x0] =	vst.idx.msk $0xffff, v24  }
0x315: {  	v43 =	vadd.f32 v42, v12;
	v20 =	vadd.f32 v18, v8;
	v8 =	vld.idx.msk [tilespmem:v46+s5+$0x0], $0xffff;
	[tilespmem:v25+s21+$0x0] =	vst.idx.msk $0xffff, v0  }
0x316: {  	p2 =	slt.u32 s29, $0x1E;
	v42 =	vadd.f32 v41, v13;
	v41 =	vadd.f32 v40, v14;
	v61 =	vld.idx.msk [tilespmem:v25+s5+$0x0], $0xffff  }
.Ltmp11:
0x317: {  	v40 =	vadd.f32 v39, v15;
	v39 =	vadd.f32 v38, v16;
	(pc) =	sbr.rel @p2 .LBB2_18-.Ltmp11, $4  }
0x318: {  	v18 =	vadd.f32 v27, v9;
	v38 =	vadd.f32 v37, v17  }
0x319: {  	v37 =	vadd.f32 v36, v19;
	v36 =	vadd.f32 v50, v21  }
0x31a: {  	v35 =	vadd.f32 v51, v22;
	v34 =	vadd.f32 v52, v23  }
0x31b: {  	s29 =	sadd.s32 $0x2, s29;
	v33 =	vadd.f32 v8, v24;
	v32 =	vadd.f32 v61, v0  }
0x31c: {  	v47 =	vld [tilespmem:$0x12100]  }
0x31d: {  	v46 =	vld [tilespmem:$0x12110]  }
0x31e: {  	[tilespmem:$0x12020] =	vst v45;
	v45 =	vld [tilespmem:$0x12120]  }
0x31f: {  	[tilespmem:$0x12030] =	vst v44;
	v44 =	vld [tilespmem:$0x12130]  }
0x320: {  	[tilespmem:$0x12040] =	vst v43;
	v43 =	vld [tilespmem:$0x12140]  }
0x321: {  	[tilespmem:$0x12050] =	vst v42;
	v42 =	vld [tilespmem:$0x12150]  }
0x322: {  	[tilespmem:$0x12060] =	vst v41;
	v41 =	vld [tilespmem:$0x12160]  }
0x323: {  	[tilespmem:$0x12070] =	vst v40;
	v40 =	vld [tilespmem:$0x12170]  }
0x324: {  	[tilespmem:$0x12080] =	vst v39;
	v39 =	vld [tilespmem:$0x12180]  }
0x325: {  	[tilespmem:$0x12090] =	vst v38;
	v38 =	vld [tilespmem:$0x12190]  }
0x326: {  	[tilespmem:$0x120A0] =	vst v37;
	v37 =	vld [tilespmem:$0x121A0]  }
0x327: {  	[tilespmem:$0x120B0] =	vst v36;
	v36 =	vld [tilespmem:$0x121B0]  }
0x328: {  	[tilespmem:$0x120C0] =	vst v35;
	v35 =	vld [tilespmem:$0x121C0]  }
0x329: {  	[tilespmem:$0x120D0] =	vst v34;
	v34 =	vld [tilespmem:$0x121D0]  }
0x32a: {  	v54 =	vld [tilespmem:$0x1FE20]  }
0x32b: {  	v29 =	vld [tilespmem:$0x1FEB0]  }
0x32c: {  	v30 =	vld [tilespmem:$0x1FEC0]  }
0x32d: {  	v7 =	vld [tilespmem:$0x1FF00]  }
0x32e: {  	v31 =	vld [tilespmem:$0x1FE80]  }
0x32f: {  	v49 =	vld [tilespmem:$0x1FE60]  }
0x330: {  	v50 =	vld [tilespmem:$0x1FED0]  }
0x331: {  	v51 =	vld [tilespmem:$0x1FEE0]  }
0x332: {  	v52 =	vld [tilespmem:$0x1FEF0]  }
0x333: {  	[tilespmem:$0x12000] =	vst v20;
	v28 =	vld [tilespmem:$0x1FE70]  }
0x334: {  	[tilespmem:$0x12010] =	vst v18;
	v61 =	vld [tilespmem:$0x1FE90]  }
0x335: {  	[tilespmem:$0x120E0] =	vst v33;
	v33 =	vld [tilespmem:$0x121E0]  }
0x336: {  	s29 =	simm.s32 $0x0;
	[tilespmem:$0x120F0] =	vst v32;
	v32 =	vld [tilespmem:$0x121F0]  }
.LBB2_20:
0x337: {  	v0 =	vmov s29  }
0x338: {  	v8 =	vshll.u32 v0, $0x9;
	v0 =	vshll.u32 v0, $0x7  }
0x339: {  	v9 =	vand.u32 $0x3000, v8;
	v0 =	vand.u32 $0x300, v0  }
0x33a: {  	v9 =	vor.u32 v0, v9  }
0x33b: {  	v9 =	vor.u32 $0x800, v9  }
0x33c: {  	v10 =	vor.u32 v62, v9  }
0x33d: {  	v11 =	vor.u32 v1, v9  }
0x33e: {  	v12 =	vor.u32 v4, v9  }
0x33f: {  	v13 =	vor.u32 v3, v9  }
0x340: {  	v14 =	vor.u32 v2, v9  }
0x341: {  	v15 =	vor.u32 v5, v9;
	[tilespmem:v10+s21+$0x0] =	vst.idx.msk $0xffff, v47  }
0x342: {  	v16 =	vor.u32 v6, v9;
	v10 =	vld.idx.msk [tilespmem:v10+s5+$0x0], $0xffff;
	[tilespmem:v11+s21+$0x0] =	vst.idx.msk $0xffff, v46  }
0x343: {  	v0 =	vor.u32 v0, v8;
	v9 =	vor.u32 v63, v9;
	v11 =	vld.idx.msk [tilespmem:v11+s5+$0x0], $0xffff;
	[tilespmem:v12+s21+$0x0] =	vst.idx.msk $0xffff, v45  }
0x344: {  	v24 =	vor.u32 v29, v0;
	v12 =	vld.idx.msk [tilespmem:v12+s5+$0x0], $0xffff;
	[tilespmem:v13+s21+$0x0] =	vst.idx.msk $0xffff, v44  }
0x345: {  	v13 =	vld.idx.msk [tilespmem:v13+s5+$0x0], $0xffff;
	[tilespmem:v14+s21+$0x0] =	vst.idx.msk $0xffff, v43  }
0x346: {  	v17 =	vor.u32 v59, v0;
	v14 =	vld.idx.msk [tilespmem:v14+s5+$0x0], $0xffff;
	[tilespmem:v15+s21+$0x0] =	vst.idx.msk $0xffff, v42  }
0x347: {  	v18 =	vor.u32 v54, v0;
	v8 =	vld.idx.msk [tilespmem:v15+s5+$0x0], $0xffff;
	[tilespmem:v16+s21+$0x0] =	vst.idx.msk $0xffff, v41  }
0x348: {  	s2 =	sadd.s32 $0x1, s29;
	v19 =	vor.u32 v61, v0;
	v16 =	vld.idx.msk [tilespmem:v16+s5+$0x0], $0xffff;
	[tilespmem:v9+s21+$0x0] =	vst.idx.msk $0xffff, v40  }
0x349: {  	v23 =	vmov s2;
	v20 =	vor.u32 v55, v0;
	v9 =	vld.idx.msk [tilespmem:v9+s5+$0x0], $0xffff;
	[tilespmem:v24+s21+$0x0] =	vst.idx.msk $0xffff, v39  }
0x34a: {  	v21 =	vor.u32 v60, v0;
	v15 =	vld.idx.msk [tilespmem:v24+s5+$0x0], $0xffff;
	v24 =	vshll.u32 v23, $0x9;
	v23 =	vshll.u32 v23, $0x7  }
0x34b: {  	v22 =	vor.u32 v53, v0;
	[tilespmem:v17+s21+$0x0] =	vst.idx.msk $0xffff, v38;
	v24 =	vand.u32 $0x3000, v24;
	v23 =	vand.u32 $0x380, v23  }
0x34c: {  	v0 =	vor.u32 v48, v0;
	v17 =	vld.idx.msk [tilespmem:v17+s5+$0x0], $0xffff;
	[tilespmem:v18+s21+$0x0] =	vst.idx.msk $0xffff, v37;
	v23 =	vor.u32 v24, v23  }
0x34d: {  	v18 =	vld.idx.msk [tilespmem:v18+s5+$0x0], $0xffff;
	[tilespmem:v19+s21+$0x0] =	vst.idx.msk $0xffff, v36;
	v24 =	vor.u32 v51, v23  }
0x34e: {  	v19 =	vld.idx.msk [tilespmem:v19+s5+$0x0], $0xffff;
	[tilespmem:v20+s21+$0x0] =	vst.idx.msk $0xffff, v35;
	v25 =	vor.u32 v50, v23  }
0x34f: {  	v10 =	vadd.f32 v10, v47;
	v26 =	vor.u32 v52, v23;
	v20 =	vld.idx.msk [tilespmem:v20+s5+$0x0], $0xffff;
	[tilespmem:v21+s21+$0x0] =	vst.idx.msk $0xffff, v34  }
0x350: {  	v11 =	vadd.f32 v11, v46;
	v27 =	vor.u32 v7, v23;
	v21 =	vld.idx.msk [tilespmem:v21+s5+$0x0], $0xffff;
	[tilespmem:v22+s21+$0x0] =	vst.idx.msk $0xffff, v33  }
0x351: {  	v12 =	vadd.f32 v12, v45;
	v45 =	vor.u32 v31, v23;
	v22 =	vld.idx.msk [tilespmem:v22+s5+$0x0], $0xffff;
	[tilespmem:v0+s21+$0x0] =	vst.idx.msk $0xffff, v32  }
0x352: {  	v13 =	vadd.f32 v13, v44;
	v44 =	vor.u32 v49, v23;
	v0 =	vld.idx.msk [tilespmem:v0+s5+$0x0], $0xffff;
	[tilespmem:v24+s21+$0x0] =	vst.idx.msk $0xffff, v10  }
0x353: {  	v24 =	vld.idx.msk [tilespmem:v24+s5+$0x0], $0xffff;
	[tilespmem:v25+s21+$0x0] =	vst.idx.msk $0xffff, v11  }
0x354: {  	v14 =	vadd.f32 v14, v43;
	v25 =	vld.idx.msk [tilespmem:v25+s5+$0x0], $0xffff;
	[tilespmem:v26+s21+$0x0] =	vst.idx.msk $0xffff, v12  }
0x355: {  	v8 =	vadd.f32 v8, v42;
	v26 =	vld.idx.msk [tilespmem:v26+s5+$0x0], $0xffff;
	[tilespmem:v27+s21+$0x0] =	vst.idx.msk $0xffff, v13  }
0x356: {  	v43 =	vor.u32 v28, v23;
	v27 =	vld.idx.msk [tilespmem:v27+s5+$0x0], $0xffff;
	[tilespmem:v45+s21+$0x0] =	vst.idx.msk $0xffff, v14  }
0x357: {  	v42 =	vld.idx.msk [tilespmem:v45+s5+$0x0], $0xffff;
	v45 =	vor.u32 v30, v23;
	[tilespmem:v44+s21+$0x0] =	vst.idx.msk $0xffff, v8  }
0x358: {  	v16 =	vadd.f32 v16, v41;
	v41 =	vld.idx.msk [tilespmem:v44+s5+$0x0], $0xffff;
	v44 =	vor.u32 v29, v23;
	_ =	sdelay $0x1  }
0x359: {  	v9 =	vadd.f32 v9, v40  }
0x35a: {  	v15 =	vadd.f32 v15, v39;
	[tilespmem:v43+s21+$0x0] =	vst.idx.msk $0xffff, v16  }
0x35b: {  	v40 =	vld.idx.msk [tilespmem:v43+s5+$0x0], $0xffff;
	v43 =	vor.u32 v59, v23;
	[tilespmem:v45+s21+$0x0] =	vst.idx.msk $0xffff, v9  }
0x35c: {  	v39 =	vld.idx.msk [tilespmem:v45+s5+$0x0], $0xffff;
	v45 =	vor.u32 v54, v23;
	[tilespmem:v44+s21+$0x0] =	vst.idx.msk $0xffff, v15  }
0x35d: {  	v17 =	vadd.f32 v17, v38;
	v38 =	vld.idx.msk [tilespmem:v44+s5+$0x0], $0xffff;
	v44 =	vor.u32 v61, v23;
	_ =	sdelay $0x1  }
0x35e: {  	v18 =	vadd.f32 v18, v37  }
0x35f: {  	v19 =	vadd.f32 v19, v36;
	[tilespmem:v43+s21+$0x0] =	vst.idx.msk $0xffff, v17  }
0x360: {  	v37 =	vld.idx.msk [tilespmem:v43+s5+$0x0], $0xffff;
	v43 =	vor.u32 v55, v23;
	[tilespmem:v45+s21+$0x0] =	vst.idx.msk $0xffff, v18  }
0x361: {  	v36 =	vld.idx.msk [tilespmem:v45+s5+$0x0], $0xffff;
	v45 =	vor.u32 v60, v23;
	[tilespmem:v44+s21+$0x0] =	vst.idx.msk $0xffff, v19  }
0x362: {  	v20 =	vadd.f32 v20, v35;
	v35 =	vld.idx.msk [tilespmem:v44+s5+$0x0], $0xffff;
	v44 =	vor.u32 v53, v23  }
0x363: {  	v23 =	vor.u32 v48, v23  }
0x364: {  	v21 =	vadd.f32 v21, v34  }
0x365: {  	v22 =	vadd.f32 v22, v33;
	[tilespmem:v43+s21+$0x0] =	vst.idx.msk $0xffff, v20  }
0x366: {  	v0 =	vadd.f32 v0, v32;
	v34 =	vld.idx.msk [tilespmem:v43+s5+$0x0], $0xffff;
	[tilespmem:v45+s21+$0x0] =	vst.idx.msk $0xffff, v21  }
0x367: {  	v47 =	vadd.f32 v24, v10;
	v46 =	vadd.f32 v25, v11;
	v33 =	vld.idx.msk [tilespmem:v45+s5+$0x0], $0xffff;
	[tilespmem:v44+s21+$0x0] =	vst.idx.msk $0xffff, v22  }
0x368: {  	v43 =	vadd.f32 v42, v14;
	v42 =	vadd.f32 v41, v8;
	v25 =	vld.idx.msk [tilespmem:v44+s5+$0x0], $0xffff;
	[tilespmem:v23+s21+$0x0] =	vst.idx.msk $0xffff, v0  }
0x369: {  	p2 =	slt.u32 s29, $0x1E;
	v41 =	vadd.f32 v40, v16;
	v40 =	vadd.f32 v39, v9;
	v8 =	vld.idx.msk [tilespmem:v23+s5+$0x0], $0xffff  }
.Ltmp12:
0x36a: {  	v39 =	vadd.f32 v38, v15;
	v38 =	vadd.f32 v37, v17;
	(pc) =	sbr.rel @p2 .LBB2_20-.Ltmp12, $4  }
0x36b: {  	v37 =	vadd.f32 v36, v18;
	v45 =	vadd.f32 v26, v12  }
0x36c: {  	v36 =	vadd.f32 v35, v19;
	v44 =	vadd.f32 v27, v13  }
0x36d: {  	v35 =	vadd.f32 v34, v20;
	v34 =	vadd.f32 v33, v21  }
0x36e: {  	s29 =	sadd.s32 $0x2, s29;
	v33 =	vadd.f32 v25, v22;
	v32 =	vadd.f32 v8, v0  }
0x36f: {  	[tilespmem:$0x12100] =	vst v47  }
0x370: {  	[tilespmem:$0x12110] =	vst v46  }
0x371: {  	[tilespmem:$0x12120] =	vst v45  }
0x372: {  	[tilespmem:$0x12130] =	vst v44  }
0x373: {  	[tilespmem:$0x12140] =	vst v43  }
0x374: {  	[tilespmem:$0x12150] =	vst v42  }
0x375: {  	[tilespmem:$0x12160] =	vst v41  }
0x376: {  	[tilespmem:$0x12170] =	vst v40  }
0x377: {  	[tilespmem:$0x12180] =	vst v39  }
0x378: {  	[tilespmem:$0x12190] =	vst v38  }
0x379: {  	[tilespmem:$0x121A0] =	vst v37  }
0x37a: {  	[tilespmem:$0x121B0] =	vst v36;
	p2 =	sne.s32 s26, $0x1F  }
.Ltmp13:
0x37b: {  	[tilespmem:$0x121C0] =	vst v35;
	(pc) =	sbr.rel @p2 .LBB2_23-.Ltmp13, $4  }
0x37c: {  	[tilespmem:$0x121D0] =	vst v34;
	s2 =	sor.u32 s28, s6  }
0x37d: {  	[tilespmem:$0x121E0] =	vst v33;
	s29 =	sshrl.u32 s2, $0x3  }
0x37e: {  	[tilespmem:$0x121F0] =	vst v32;
	s2 =	sadd.s32 s3, s29  }
0x37f: {  	[hbm4b:s2+s13] =	stream.strided.scatter [tilespmem:s21], [sflag:$0x3], $0x4000, s14, s13, $0x38;
	[tilespmem:$0x12400] =	vst v63  }
.Ltmp14:
0x380: {  	(pc) =	sbr.rel .LBB2_24-.Ltmp14, $4  }
0x381: {  	_ = 	snop  }
0x382: {  	_ =	swait.ge [sflag:s17], $0x4000  }
0x383: {  	[sflag:s17] =	ssyncset.done $0x0  }
0x384: {  	v7 =	vld [tilespmem:$0x1FF80];
	[sflag:s17] =	ssyncadd.s32 $0xFFFFC000  }
.LBB2_23:
0x385: {  	s2 =	sadd.s32 s28, s9  }
0x386: {  	s2 =	sshrl.u32 s2, $0x3  }
.Ltmp15:
0x387: {  	s2 =	sadd.s32 s1, s2;
	(pc) =	sbr.rel @p1 .LBB2_25-.Ltmp15, $4  }
0x388: {  	[tilespmem:s5], [sflag:$0x1] =	stream.strided.gather [hbm4b:s2+s13], $0x4000, s14, s13, $0x38;
	[tilespmem:$0x12400] =	vst v63  }
0x389: {  	_ =	swait.ge [sflag:s17], $0x4000  }
0x38a: {  	[sflag:s17] =	ssyncset.done $0x0  }
0x38b: {  	v7 =	vld [tilespmem:$0x1FF80];
	[sflag:s17] =	ssyncadd.s32 $0xFFFFC000  }
.LBB2_24:
0x38c: {  	_ =	swait.ge [sflag:s22], $0x4000  }
0x38d: {  	[sflag:s22] =	ssyncset.done $0x0  }
0x38e: {  	[sflag:s22] =	ssyncadd.s32 $0xFFFFC000  }
.LBB2_25:
0x38f: {  	v21 =	vld [tilespmem:$0x12000]  }
0x390: {  	v20 =	vld [tilespmem:$0x12010]  }
0x391: {  	v18 =	vld [tilespmem:$0x12020]  }
0x392: {  	v44 =	vld [tilespmem:$0x12030]  }
0x393: {  	v43 =	vld [tilespmem:$0x12040]  }
0x394: {  	v42 =	vld [tilespmem:$0x12050]  }
0x395: {  	v41 =	vld [tilespmem:$0x12060]  }
0x396: {  	v40 =	vld [tilespmem:$0x12070]  }
0x397: {  	v39 =	vld [tilespmem:$0x12080]  }
0x398: {  	v38 =	vld [tilespmem:$0x12090]  }
0x399: {  	v37 =	vld [tilespmem:$0x120A0]  }
0x39a: {  	v36 =	vld [tilespmem:$0x120B0]  }
0x39b: {  	v35 =	vld [tilespmem:$0x120C0]  }
0x39c: {  	v34 =	vld [tilespmem:$0x120D0]  }
0x39d: {  	v33 =	vld [tilespmem:$0x120E0]  }
0x39e: {  	v32 =	vld [tilespmem:$0x120F0]  }
0x39f: {  	v47 =	vld [tilespmem:$0x1FF20]  }
0x3a0: {  	v54 =	vld [tilespmem:$0x1FF40]  }
0x3a1: {  	v30 =	vld [tilespmem:$0x1FF10]  }
0x3a2: {  	s30 =	simm.s32 $0x0;
	v29 =	vld [tilespmem:$0x1FF30]  }
.LBB2_26:
0x3a3: {  	v0 =	vmov s30  }
0x3a4: {  	v8 =	vshll.u32 v0, $0x9;
	v0 =	vshll.u32 v0, $0x7  }
0x3a5: {  	v8 =	vand.u32 $0x3000, v8;
	v0 =	vand.u32 $0x300, v0  }
0x3a6: {  	v0 =	vor.u32 v0, v8  }
0x3a7: {  	v8 =	vor.u32 v62, v0  }
0x3a8: {  	v9 =	vor.u32 v1, v0  }
0x3a9: {  	v10 =	vor.u32 v4, v0  }
0x3aa: {  	v11 =	vor.u32 v3, v0  }
0x3ab: {  	v12 =	vor.u32 v2, v0  }
0x3ac: {  	v13 =	vor.u32 v5, v0;
	[tilespmem:v8+s23+$0x0] =	vst.idx.msk $0xffff, v21  }
0x3ad: {  	v14 =	vor.u32 v6, v0;
	v8 =	vld.idx.msk [tilespmem:v8+s15+$0x0], $0xffff;
	[tilespmem:v9+s23+$0x0] =	vst.idx.msk $0xffff, v20  }
0x3ae: {  	v15 =	vor.u32 v63, v0;
	v9 =	vld.idx.msk [tilespmem:v9+s15+$0x0], $0xffff;
	[tilespmem:v10+s23+$0x0] =	vst.idx.msk $0xffff, v18  }
0x3af: {  	v16 =	vor.u32 v30, v0;
	v10 =	vld.idx.msk [tilespmem:v10+s15+$0x0], $0xffff;
	[tilespmem:v11+s23+$0x0] =	vst.idx.msk $0xffff, v44  }
0x3b0: {  	v17 =	vor.u32 v47, v0;
	v11 =	vld.idx.msk [tilespmem:v11+s15+$0x0], $0xffff;
	[tilespmem:v12+s23+$0x0] =	vst.idx.msk $0xffff, v43  }
0x3b1: {  	v19 =	vor.u32 v29, v0;
	v12 =	vld.idx.msk [tilespmem:v12+s15+$0x0], $0xffff;
	[tilespmem:v13+s23+$0x0] =	vst.idx.msk $0xffff, v42  }
0x3b2: {  	s2 =	sadd.s32 $0x1, s30;
	v22 =	vor.u32 v54, v0;
	v13 =	vld.idx.msk [tilespmem:v13+s15+$0x0], $0xffff;
	[tilespmem:v14+s23+$0x0] =	vst.idx.msk $0xffff, v41  }
0x3b3: {  	v26 =	vmov s2;
	v23 =	vor.u32 v56, v0;
	v14 =	vld.idx.msk [tilespmem:v14+s15+$0x0], $0xffff;
	[tilespmem:v15+s23+$0x0] =	vst.idx.msk $0xffff, v40  }
0x3b4: {  	v27 =	vshll.u32 v26, $0x9;
	v26 =	vshll.u32 v26, $0x7;
	v24 =	vor.u32 v57, v0;
	v15 =	vld.idx.msk [tilespmem:v15+s15+$0x0], $0xffff;
	[tilespmem:v16+s23+$0x0] =	vst.idx.msk $0xffff, v39  }
0x3b5: {  	v27 =	vand.u32 $0x3000, v27;
	v26 =	vand.u32 $0x380, v26;
	v25 =	vor.u32 v58, v0;
	v16 =	vld.idx.msk [tilespmem:v16+s15+$0x0], $0xffff;
	[tilespmem:v17+s23+$0x0] =	vst.idx.msk $0xffff, v38  }
0x3b6: {  	v0 =	vor.u32 v7, v0;
	v26 =	vor.u32 v26, v27;
	v17 =	vld.idx.msk [tilespmem:v17+s15+$0x0], $0xffff;
	[tilespmem:v19+s23+$0x0] =	vst.idx.msk $0xffff, v37  }
0x3b7: {  	v27 =	vor.u32 v62, v26;
	v19 =	vld.idx.msk [tilespmem:v19+s15+$0x0], $0xffff;
	[tilespmem:v22+s23+$0x0] =	vst.idx.msk $0xffff, v36  }
0x3b8: {  	v45 =	vor.u32 v1, v26;
	v22 =	vld.idx.msk [tilespmem:v22+s15+$0x0], $0xffff;
	[tilespmem:v23+s23+$0x0] =	vst.idx.msk $0xffff, v35  }
0x3b9: {  	v8 =	vadd.f32 v8, v21;
	v21 =	vor.u32 v4, v26;
	v23 =	vld.idx.msk [tilespmem:v23+s15+$0x0], $0xffff;
	[tilespmem:v24+s23+$0x0] =	vst.idx.msk $0xffff, v34  }
0x3ba: {  	v24 =	vld.idx.msk [tilespmem:v24+s15+$0x0], $0xffff;
	[tilespmem:v25+s23+$0x0] =	vst.idx.msk $0xffff, v33  }
0x3bb: {  	v9 =	vadd.f32 v9, v20;
	v25 =	vld.idx.msk [tilespmem:v25+s15+$0x0], $0xffff;
	[tilespmem:v0+s23+$0x0] =	vst.idx.msk $0xffff, v32  }
0x3bc: {  	v10 =	vadd.f32 v10, v18;
	v0 =	vld.idx.msk [tilespmem:v0+s15+$0x0], $0xffff;
	[tilespmem:v27+s23+$0x0] =	vst.idx.msk $0xffff, v8  }
0x3bd: {  	v20 =	vld.idx.msk [tilespmem:v27+s15+$0x0], $0xffff;
	v27 =	vor.u32 v3, v26;
	[tilespmem:v45+s23+$0x0] =	vst.idx.msk $0xffff, v9  }
0x3be: {  	v61 =	vor.u32 v2, v26;
	v18 =	vld.idx.msk [tilespmem:v45+s15+$0x0], $0xffff;
	[tilespmem:v21+s23+$0x0] =	vst.idx.msk $0xffff, v10  }
0x3bf: {  	v11 =	vadd.f32 v11, v44;
	v44 =	vld.idx.msk [tilespmem:v21+s15+$0x0], $0xffff;
	v21 =	vor.u32 v5, v26;
	_ =	sdelay $0x1  }
0x3c0: {  	v12 =	vadd.f32 v12, v43  }
0x3c1: {  	v13 =	vadd.f32 v13, v42;
	[tilespmem:v27+s23+$0x0] =	vst.idx.msk $0xffff, v11  }
0x3c2: {  	v49 =	vor.u32 v6, v26;
	v27 =	vld.idx.msk [tilespmem:v27+s15+$0x0], $0xffff;
	[tilespmem:v61+s23+$0x0] =	vst.idx.msk $0xffff, v12  }
0x3c3: {  	v50 =	vor.u32 v63, v26;
	v42 =	vld.idx.msk [tilespmem:v61+s15+$0x0], $0xffff;
	[tilespmem:v21+s23+$0x0] =	vst.idx.msk $0xffff, v13  }
0x3c4: {  	v14 =	vadd.f32 v14, v41;
	v41 =	vld.idx.msk [tilespmem:v21+s15+$0x0], $0xffff;
	v21 =	vor.u32 v30, v26;
	_ =	sdelay $0x1  }
0x3c5: {  	v15 =	vadd.f32 v15, v40  }
0x3c6: {  	v16 =	vadd.f32 v16, v39;
	[tilespmem:v49+s23+$0x0] =	vst.idx.msk $0xffff, v14  }
0x3c7: {  	v51 =	vor.u32 v47, v26;
	v40 =	vld.idx.msk [tilespmem:v49+s15+$0x0], $0xffff;
	[tilespmem:v50+s23+$0x0] =	vst.idx.msk $0xffff, v15  }
0x3c8: {  	v52 =	vor.u32 v29, v26;
	v39 =	vld.idx.msk [tilespmem:v50+s15+$0x0], $0xffff;
	[tilespmem:v21+s23+$0x0] =	vst.idx.msk $0xffff, v16  }
0x3c9: {  	v17 =	vadd.f32 v17, v38;
	v38 =	vld.idx.msk [tilespmem:v21+s15+$0x0], $0xffff;
	v21 =	vor.u32 v54, v26  }
0x3ca: {  	v61 =	vor.u32 v56, v26  }
0x3cb: {  	v19 =	vadd.f32 v19, v37;
	v49 =	vor.u32 v57, v26  }
0x3cc: {  	v46 =	vor.u32 v58, v26;
	v22 =	vadd.f32 v22, v36;
	[tilespmem:v51+s23+$0x0] =	vst.idx.msk $0xffff, v17  }
0x3cd: {  	v23 =	vadd.f32 v23, v35;
	v26 =	vor.u32 v7, v26;
	v37 =	vld.idx.msk [tilespmem:v51+s15+$0x0], $0xffff;
	[tilespmem:v52+s23+$0x0] =	vst.idx.msk $0xffff, v19  }
0x3ce: {  	v24 =	vadd.f32 v24, v34;
	v36 =	vld.idx.msk [tilespmem:v52+s15+$0x0], $0xffff;
	[tilespmem:v21+s23+$0x0] =	vst.idx.msk $0xffff, v22  }
0x3cf: {  	v25 =	vadd.f32 v25, v33;
	v50 =	vld.idx.msk [tilespmem:v21+s15+$0x0], $0xffff;
	[tilespmem:v61+s23+$0x0] =	vst.idx.msk $0xffff, v23  }
0x3d0: {  	v0 =	vadd.f32 v0, v32;
	v51 =	vld.idx.msk [tilespmem:v61+s15+$0x0], $0xffff;
	[tilespmem:v49+s23+$0x0] =	vst.idx.msk $0xffff, v24  }
0x3d1: {  	v43 =	vadd.f32 v42, v12;
	v42 =	vadd.f32 v41, v13;
	v52 =	vld.idx.msk [tilespmem:v49+s15+$0x0], $0xffff;
	[tilespmem:v46+s23+$0x0] =	vst.idx.msk $0xffff, v25  }
0x3d2: {  	v41 =	vadd.f32 v40, v14;
	v21 =	vadd.f32 v20, v8;
	v8 =	vld.idx.msk [tilespmem:v46+s15+$0x0], $0xffff;
	[tilespmem:v26+s23+$0x0] =	vst.idx.msk $0xffff, v0  }
0x3d3: {  	p1 =	slt.u32 s30, $0x1E;
	v40 =	vadd.f32 v39, v15;
	v39 =	vadd.f32 v38, v16;
	v61 =	vld.idx.msk [tilespmem:v26+s15+$0x0], $0xffff  }
.Ltmp16:
0x3d4: {  	v20 =	vadd.f32 v18, v9;
	v18 =	vadd.f32 v44, v10;
	(pc) =	sbr.rel @p1 .LBB2_26-.Ltmp16, $4  }
0x3d5: {  	v44 =	vadd.f32 v27, v11;
	v38 =	vadd.f32 v37, v17  }
0x3d6: {  	v37 =	vadd.f32 v36, v19;
	v36 =	vadd.f32 v50, v22  }
0x3d7: {  	v35 =	vadd.f32 v51, v23;
	v34 =	vadd.f32 v52, v24  }
0x3d8: {  	s30 =	sadd.s32 $0x2, s30;
	v33 =	vadd.f32 v8, v25;
	v32 =	vadd.f32 v61, v0  }
0x3d9: {  	v47 =	vld [tilespmem:$0x12100]  }
0x3da: {  	v46 =	vld [tilespmem:$0x12110]  }
0x3db: {  	v45 =	vld [tilespmem:$0x12120]  }
0x3dc: {  	[tilespmem:$0x12030] =	vst v44;
	v44 =	vld [tilespmem:$0x12130]  }
0x3dd: {  	[tilespmem:$0x12040] =	vst v43;
	v43 =	vld [tilespmem:$0x12140]  }
0x3de: {  	[tilespmem:$0x12050] =	vst v42;
	v42 =	vld [tilespmem:$0x12150]  }
0x3df: {  	[tilespmem:$0x12060] =	vst v41;
	v41 =	vld [tilespmem:$0x12160]  }
0x3e0: {  	[tilespmem:$0x12070] =	vst v40;
	v40 =	vld [tilespmem:$0x12170]  }
0x3e1: {  	[tilespmem:$0x12080] =	vst v39;
	v39 =	vld [tilespmem:$0x12180]  }
0x3e2: {  	[tilespmem:$0x12090] =	vst v38;
	v38 =	vld [tilespmem:$0x12190]  }
0x3e3: {  	[tilespmem:$0x120A0] =	vst v37;
	v37 =	vld [tilespmem:$0x121A0]  }
0x3e4: {  	[tilespmem:$0x120B0] =	vst v36;
	v36 =	vld [tilespmem:$0x121B0]  }
0x3e5: {  	[tilespmem:$0x120C0] =	vst v35;
	v35 =	vld [tilespmem:$0x121C0]  }
0x3e6: {  	[tilespmem:$0x120D0] =	vst v34;
	v34 =	vld [tilespmem:$0x121D0]  }
0x3e7: {  	v54 =	vld [tilespmem:$0x1FE20]  }
0x3e8: {  	v29 =	vld [tilespmem:$0x1FEB0]  }
0x3e9: {  	v30 =	vld [tilespmem:$0x1FEC0]  }
0x3ea: {  	v7 =	vld [tilespmem:$0x1FF00]  }
0x3eb: {  	v31 =	vld [tilespmem:$0x1FE80]  }
0x3ec: {  	v49 =	vld [tilespmem:$0x1FE60]  }
0x3ed: {  	v50 =	vld [tilespmem:$0x1FED0]  }
0x3ee: {  	v51 =	vld [tilespmem:$0x1FEE0]  }
0x3ef: {  	[tilespmem:$0x12000] =	vst v21;
	v52 =	vld [tilespmem:$0x1FEF0]  }
0x3f0: {  	[tilespmem:$0x12010] =	vst v20;
	v28 =	vld [tilespmem:$0x1FE70]  }
0x3f1: {  	[tilespmem:$0x12020] =	vst v18;
	v61 =	vld [tilespmem:$0x1FE90]  }
0x3f2: {  	[tilespmem:$0x120E0] =	vst v33;
	v33 =	vld [tilespmem:$0x121E0]  }
0x3f3: {  	s30 =	simm.s32 $0x0;
	[tilespmem:$0x120F0] =	vst v32;
	v32 =	vld [tilespmem:$0x121F0]  }
.LBB2_28:
0x3f4: {  	v0 =	vmov s30  }
0x3f5: {  	v8 =	vshll.u32 v0, $0x9;
	v0 =	vshll.u32 v0, $0x7  }
0x3f6: {  	v9 =	vand.u32 $0x3000, v8;
	v0 =	vand.u32 $0x300, v0  }
0x3f7: {  	v9 =	vor.u32 v0, v9  }
0x3f8: {  	v9 =	vor.u32 $0x800, v9  }
0x3f9: {  	v10 =	vor.u32 v62, v9  }
0x3fa: {  	v11 =	vor.u32 v1, v9  }
0x3fb: {  	v12 =	vor.u32 v4, v9  }
0x3fc: {  	v13 =	vor.u32 v3, v9  }
0x3fd: {  	v14 =	vor.u32 v2, v9  }
0x3fe: {  	v15 =	vor.u32 v5, v9;
	[tilespmem:v10+s23+$0x0] =	vst.idx.msk $0xffff, v47  }
0x3ff: {  	v16 =	vor.u32 v6, v9;
	v10 =	vld.idx.msk [tilespmem:v10+s15+$0x0], $0xffff;
	[tilespmem:v11+s23+$0x0] =	vst.idx.msk $0xffff, v46  }
0x400: {  	v0 =	vor.u32 v0, v8;
	v9 =	vor.u32 v63, v9;
	v11 =	vld.idx.msk [tilespmem:v11+s15+$0x0], $0xffff;
	[tilespmem:v12+s23+$0x0] =	vst.idx.msk $0xffff, v45  }
0x401: {  	v24 =	vor.u32 v29, v0;
	v12 =	vld.idx.msk [tilespmem:v12+s15+$0x0], $0xffff;
	[tilespmem:v13+s23+$0x0] =	vst.idx.msk $0xffff, v44  }
0x402: {  	v13 =	vld.idx.msk [tilespmem:v13+s15+$0x0], $0xffff;
	[tilespmem:v14+s23+$0x0] =	vst.idx.msk $0xffff, v43  }
0x403: {  	v17 =	vor.u32 v59, v0;
	v14 =	vld.idx.msk [tilespmem:v14+s15+$0x0], $0xffff;
	[tilespmem:v15+s23+$0x0] =	vst.idx.msk $0xffff, v42  }
0x404: {  	v18 =	vor.u32 v54, v0;
	v8 =	vld.idx.msk [tilespmem:v15+s15+$0x0], $0xffff;
	[tilespmem:v16+s23+$0x0] =	vst.idx.msk $0xffff, v41  }
0x405: {  	s2 =	sadd.s32 $0x1, s30;
	v19 =	vor.u32 v61, v0;
	v16 =	vld.idx.msk [tilespmem:v16+s15+$0x0], $0xffff;
	[tilespmem:v9+s23+$0x0] =	vst.idx.msk $0xffff, v40  }
0x406: {  	v23 =	vmov s2;
	v20 =	vor.u32 v55, v0;
	v9 =	vld.idx.msk [tilespmem:v9+s15+$0x0], $0xffff;
	[tilespmem:v24+s23+$0x0] =	vst.idx.msk $0xffff, v39  }
0x407: {  	v21 =	vor.u32 v60, v0;
	v15 =	vld.idx.msk [tilespmem:v24+s15+$0x0], $0xffff;
	v24 =	vshll.u32 v23, $0x9;
	v23 =	vshll.u32 v23, $0x7  }
0x408: {  	v22 =	vor.u32 v53, v0;
	[tilespmem:v17+s23+$0x0] =	vst.idx.msk $0xffff, v38;
	v24 =	vand.u32 $0x3000, v24;
	v23 =	vand.u32 $0x380, v23  }
0x409: {  	v0 =	vor.u32 v48, v0;
	v17 =	vld.idx.msk [tilespmem:v17+s15+$0x0], $0xffff;
	[tilespmem:v18+s23+$0x0] =	vst.idx.msk $0xffff, v37;
	v23 =	vor.u32 v24, v23  }
0x40a: {  	v18 =	vld.idx.msk [tilespmem:v18+s15+$0x0], $0xffff;
	[tilespmem:v19+s23+$0x0] =	vst.idx.msk $0xffff, v36;
	v24 =	vor.u32 v51, v23  }
0x40b: {  	v19 =	vld.idx.msk [tilespmem:v19+s15+$0x0], $0xffff;
	[tilespmem:v20+s23+$0x0] =	vst.idx.msk $0xffff, v35;
	v25 =	vor.u32 v50, v23  }
0x40c: {  	v10 =	vadd.f32 v10, v47;
	v26 =	vor.u32 v52, v23;
	v20 =	vld.idx.msk [tilespmem:v20+s15+$0x0], $0xffff;
	[tilespmem:v21+s23+$0x0] =	vst.idx.msk $0xffff, v34  }
0x40d: {  	v11 =	vadd.f32 v11, v46;
	v27 =	vor.u32 v7, v23;
	v21 =	vld.idx.msk [tilespmem:v21+s15+$0x0], $0xffff;
	[tilespmem:v22+s23+$0x0] =	vst.idx.msk $0xffff, v33  }
0x40e: {  	v12 =	vadd.f32 v12, v45;
	v45 =	vor.u32 v31, v23;
	v22 =	vld.idx.msk [tilespmem:v22+s15+$0x0], $0xffff;
	[tilespmem:v0+s23+$0x0] =	vst.idx.msk $0xffff, v32  }
0x40f: {  	v13 =	vadd.f32 v13, v44;
	v44 =	vor.u32 v49, v23;
	v0 =	vld.idx.msk [tilespmem:v0+s15+$0x0], $0xffff;
	[tilespmem:v24+s23+$0x0] =	vst.idx.msk $0xffff, v10  }
0x410: {  	v24 =	vld.idx.msk [tilespmem:v24+s15+$0x0], $0xffff;
	[tilespmem:v25+s23+$0x0] =	vst.idx.msk $0xffff, v11  }
0x411: {  	v14 =	vadd.f32 v14, v43;
	v25 =	vld.idx.msk [tilespmem:v25+s15+$0x0], $0xffff;
	[tilespmem:v26+s23+$0x0] =	vst.idx.msk $0xffff, v12  }
0x412: {  	v8 =	vadd.f32 v8, v42;
	v26 =	vld.idx.msk [tilespmem:v26+s15+$0x0], $0xffff;
	[tilespmem:v27+s23+$0x0] =	vst.idx.msk $0xffff, v13  }
0x413: {  	v43 =	vor.u32 v28, v23;
	v27 =	vld.idx.msk [tilespmem:v27+s15+$0x0], $0xffff;
	[tilespmem:v45+s23+$0x0] =	vst.idx.msk $0xffff, v14  }
0x414: {  	v42 =	vld.idx.msk [tilespmem:v45+s15+$0x0], $0xffff;
	v45 =	vor.u32 v30, v23;
	[tilespmem:v44+s23+$0x0] =	vst.idx.msk $0xffff, v8  }
0x415: {  	v16 =	vadd.f32 v16, v41;
	v41 =	vld.idx.msk [tilespmem:v44+s15+$0x0], $0xffff;
	v44 =	vor.u32 v29, v23;
	_ =	sdelay $0x1  }
0x416: {  	v9 =	vadd.f32 v9, v40  }
0x417: {  	v15 =	vadd.f32 v15, v39;
	[tilespmem:v43+s23+$0x0] =	vst.idx.msk $0xffff, v16  }
0x418: {  	v40 =	vld.idx.msk [tilespmem:v43+s15+$0x0], $0xffff;
	v43 =	vor.u32 v59, v23;
	[tilespmem:v45+s23+$0x0] =	vst.idx.msk $0xffff, v9  }
0x419: {  	v39 =	vld.idx.msk [tilespmem:v45+s15+$0x0], $0xffff;
	v45 =	vor.u32 v54, v23;
	[tilespmem:v44+s23+$0x0] =	vst.idx.msk $0xffff, v15  }
0x41a: {  	v17 =	vadd.f32 v17, v38;
	v38 =	vld.idx.msk [tilespmem:v44+s15+$0x0], $0xffff;
	v44 =	vor.u32 v61, v23;
	_ =	sdelay $0x1  }
0x41b: {  	v18 =	vadd.f32 v18, v37  }
0x41c: {  	v19 =	vadd.f32 v19, v36;
	[tilespmem:v43+s23+$0x0] =	vst.idx.msk $0xffff, v17  }
0x41d: {  	v37 =	vld.idx.msk [tilespmem:v43+s15+$0x0], $0xffff;
	v43 =	vor.u32 v55, v23;
	[tilespmem:v45+s23+$0x0] =	vst.idx.msk $0xffff, v18  }
0x41e: {  	v36 =	vld.idx.msk [tilespmem:v45+s15+$0x0], $0xffff;
	v45 =	vor.u32 v60, v23;
	[tilespmem:v44+s23+$0x0] =	vst.idx.msk $0xffff, v19  }
0x41f: {  	v20 =	vadd.f32 v20, v35;
	v35 =	vld.idx.msk [tilespmem:v44+s15+$0x0], $0xffff;
	v44 =	vor.u32 v53, v23  }
0x420: {  	v23 =	vor.u32 v48, v23  }
0x421: {  	v21 =	vadd.f32 v21, v34  }
0x422: {  	v22 =	vadd.f32 v22, v33;
	[tilespmem:v43+s23+$0x0] =	vst.idx.msk $0xffff, v20  }
0x423: {  	v0 =	vadd.f32 v0, v32;
	v34 =	vld.idx.msk [tilespmem:v43+s15+$0x0], $0xffff;
	[tilespmem:v45+s23+$0x0] =	vst.idx.msk $0xffff, v21  }
0x424: {  	v47 =	vadd.f32 v24, v10;
	v46 =	vadd.f32 v25, v11;
	v33 =	vld.idx.msk [tilespmem:v45+s15+$0x0], $0xffff;
	[tilespmem:v44+s23+$0x0] =	vst.idx.msk $0xffff, v22  }
0x425: {  	v43 =	vadd.f32 v42, v14;
	v42 =	vadd.f32 v41, v8;
	v25 =	vld.idx.msk [tilespmem:v44+s15+$0x0], $0xffff;
	[tilespmem:v23+s23+$0x0] =	vst.idx.msk $0xffff, v0  }
0x426: {  	p1 =	slt.u32 s30, $0x1E;
	v41 =	vadd.f32 v40, v16;
	v40 =	vadd.f32 v39, v9;
	v8 =	vld.idx.msk [tilespmem:v23+s15+$0x0], $0xffff  }
.Ltmp17:
0x427: {  	v39 =	vadd.f32 v38, v15;
	v38 =	vadd.f32 v37, v17;
	(pc) =	sbr.rel @p1 .LBB2_28-.Ltmp17, $4  }
0x428: {  	v37 =	vadd.f32 v36, v18;
	v45 =	vadd.f32 v26, v12  }
0x429: {  	v36 =	vadd.f32 v35, v19;
	v44 =	vadd.f32 v27, v13  }
0x42a: {  	v35 =	vadd.f32 v34, v20;
	v34 =	vadd.f32 v33, v21  }
0x42b: {  	s30 =	sadd.s32 $0x2, s30;
	v33 =	vadd.f32 v25, v22;
	v32 =	vadd.f32 v8, v0  }
0x42c: {  	[tilespmem:$0x12100] =	vst v47  }
0x42d: {  	[tilespmem:$0x12110] =	vst v46  }
0x42e: {  	[tilespmem:$0x12120] =	vst v45  }
0x42f: {  	[tilespmem:$0x12130] =	vst v44  }
0x430: {  	[tilespmem:$0x12140] =	vst v43  }
0x431: {  	[tilespmem:$0x12150] =	vst v42  }
0x432: {  	[tilespmem:$0x12160] =	vst v41  }
0x433: {  	[tilespmem:$0x12170] =	vst v40  }
0x434: {  	[tilespmem:$0x12180] =	vst v39  }
0x435: {  	[tilespmem:$0x12190] =	vst v38  }
0x436: {  	[tilespmem:$0x121A0] =	vst v37  }
0x437: {  	[tilespmem:$0x121B0] =	vst v36;
	p1 =	seq.s32 s26, $0x1F  }
.Ltmp18:
0x438: {  	[tilespmem:$0x121C0] =	vst v35;
	(pc) =	sbr.rel @p1 .LBB2_31-.Ltmp18, $4  }
0x439: {  	[tilespmem:$0x121D0] =	vst v34  }
0x43a: {  	s2 =	sadd.s32 s29, s3;
	[tilespmem:$0x121E0] =	vst v33  }
0x43b: {  	[tilespmem:$0x121F0] =	vst v32;
	s2 =	sadd.s32 $0x1000, s2  }
0x43c: {  	[hbm4b:s2+s13] =	stream.strided.scatter [tilespmem:s23], [sflag:$0x4], $0x4000, s14, s13, $0x38;
	[tilespmem:$0x12400] =	vst v63  }
.Ltmp19:
0x43d: {  	(pc) =	sbr.rel .LBB2_17-.Ltmp19, $4  }
0x43e: {  	s2 =	sadd.s32 s28, s10  }
0x43f: {  	s2 =	sshrl.u32 s2, $0x3  }
0x440: {  	s26 =	sadd.s32 $0x1, s26;
	s2 =	sadd.s32 s1, s2  }
0x441: {  	v7 =	vld [tilespmem:$0x1FF80];
	[tilespmem:s15], [sflag:$0x2] =	stream.strided.gather [hbm4b:s2+s13], $0x4000, s14, s13, $0x38  }
.LBB2_32:
0x442: {  	_ =	sfence.sel $0x180000  }
0x443: {  	[bflag:$0x0] =	sbarrier.arrive $0xFFFF  }
0x444: {  	_ =	strace $0x90000047  }
0x445: {  	[bflag:$0x2] =	sbarrier.arrive $0xFFFF  }
0x446: {  	p0 =	sne.s32 s0, $0x0;
	s0 =	rddreg [dreg:$0x3]  }
0x447: {  	s0 =	sadd.s32 @!p0 $0x100000, s0  }
0x448: {  	[sflag:s0] =	ssyncadd.tile.s32 @!p0 $0x1;
	_ =	shalt  }
.Lfunc_end2:
_tile_overlayer_lowered:
.L_overlay_start_2:
0x449: {  	(tag) =	ssettag $0x2  }
0x44a: {  	s0 =	rddreg [dreg:$0x0];
	s2 =	stileid.u32  }
0x44b: {  	s1 =	rddreg [dreg:$0x1];
	p0 =	sne.s32 s2, $0x0  }
0x44c: {  	s3 =	rddreg [dreg:$0x2];
	[bflag:$0x3] =	sbarrier.arrive $0xFFFF;
	s2 =	simm.s32 @!p0 $0x1C05  }
0x44d: {  	[timem:s3], [sflag:s2] =	dma.local @!p0 [hbm:s0], s1  }
0x44e: {  	s0 =	simm.s32 @!p0 $0x5  }
0x44f: {  	_ =	swait.ge @!p0 [sflag:s0], s1  }
0x450: {  	s1 =	ssub.s32 @!p0 $0x0, s1;
	[sflag:s0] =	ssyncset.done @!p0 $0x0  }
0x451: {  	[sflag:s0] =	ssyncadd.s32 @!p0 s1  }
0x452: {  	[bflag:$0x3] =	sbarrier.arrive $0xFFFF  }
0x453: {  	_ =	shalt  }

</sc_bundles>
